<compile_context>
chip_gen: v7x
topology: tpu7x:2x2x1
jax: 0.10.2.dev20260603
libtpu: 0.0.44.dev20260713+nightly
codegen_flags: <defaults>
</compile_context>

<pallas_src>
import jax
import jax.numpy as jnp
from jax import lax
from jax.experimental import pallas as pl
from jax.experimental.pallas import tpu as pltpu
from jax.experimental.pallas import tpu_sc as plsc

B, S, M, D = 1024, 200, 4, 64
N = B * S
NC, NS = 2, 16
NW = NC * NS
PER_W = N // NW
C = 128
NCH = PER_W // C


def _body(opd_ids_hbm, opc_ids_hbm, opd_tab_hbm, opc_tab_hbm, out_hbm,
          idv, icv, rows, oprows, outb, sem):
    wid = lax.axis_index("s") * NC + lax.axis_index("c")
    base = wid * PER_W

    def chunk(g, carry):
        cb = base + g * C
        for m in range(4):
            pltpu.sync_copy(opd_ids_hbm.at[pl.ds(m * N + cb, C)],
                            idv.at[pl.ds(m * C, C)])
        pltpu.sync_copy(opc_ids_hbm.at[pl.ds(cb, C)], icv)
        cps = [pltpu.async_copy(opd_tab_hbm.at[idv.at[pl.ds(m * C, C)]],
                                rows.at[pl.ds(m * C, C)], sem)
               for m in range(4)]
        cps.append(pltpu.async_copy(opc_tab_hbm.at[icv], oprows, sem))
        for cp in cps:
            cp.wait()

        def group(g2, c2):
            i0 = 16 * g2
            mvecs = [jnp.minimum(idv[pl.ds(m * C + i0, 16)], 1)
                     .astype(jnp.float32) for m in range(4)]
            cntv = mvecs[0] + mvecs[1] + mvecs[2] + mvecs[3]
            invv = 1.0 / (cntv + 1e-10)
            wvecs = [mk * invv for mk in mvecs]
            for k in range(16):
                i = i0 + k
                bidx = jnp.full((16,), k, jnp.int32)
                ws = [wvecs[m].at[bidx].get(mode="promise_in_bounds")
                      for m in range(4)]
                for j in range(4):
                    sl = pl.ds(16 * j, 16)
                    acc = oprows[i, sl]
                    for m in range(4):
                        acc = acc + rows[m * C + i, sl] * ws[m]
                    outb[i, sl] = acc
            return c2

        lax.fori_loop(0, C // 16, group, 0)
        pltpu.sync_copy(outb, out_hbm.at[pl.ds(cb, C)])
        return carry

    lax.fori_loop(0, NCH, chunk, 0)


def kernel(opcode_ids, operand_ids, opcode_table, operand_table):
    opc = opcode_ids.reshape(N).astype(jnp.int32)
    opd = operand_ids.reshape(N, M).T.reshape(M * N).astype(jnp.int32)
    mesh = plsc.VectorSubcoreMesh(core_axis_name="c", subcore_axis_name="s",
                                  num_cores=NC, num_subcores=NS)
    f = pl.kernel(
        _body,
        out_type=jax.ShapeDtypeStruct((N, D), jnp.float32),
        mesh=mesh,
        compiler_params=pltpu.CompilerParams(use_tc_tiling_on_sc=False),
        scratch_types=[
            pltpu.VMEM((4 * C,), jnp.int32),
            pltpu.VMEM((C,), jnp.int32),
            pltpu.VMEM((4 * C, D), jnp.float32),
            pltpu.VMEM((C, D), jnp.float32),
            pltpu.VMEM((C, D), jnp.float32),
            pltpu.SemaphoreType.DMA,
        ],
    )
    out = f(opd, opc, operand_table, opcode_table)
    return out.reshape(B, S, D)

# --- scband reference (transcript-rebuilt; emitter-appended) ---
"""Pipeline reference for scband-instruction-embedding-31911607009897 (READ-ONLY COPY).

The authoritative reference and input builder live on the scoring server;
editing this copy changes nothing except your own understanding.
"""

import jax, jax.numpy as jnp
import numpy as np

OPCODE_VOCAB = 1000
OPERAND_VOCAB = 1000000
EMBED_DIM = 64
B, S, M = 1024, 200, 4

def setup_inputs(seed: int = 0) -> dict:
    key = jax.random.key(seed)
    k1, k2, k3, k4 = jax.random.split(key, 4)
    opcode_ids = jax.random.randint(k1, (B, S), 0, OPCODE_VOCAB, dtype=jnp.int64 if jax.config.jax_enable_x64 else jnp.int32)
    operand_ids = jax.random.randint(k2, (B, S, M), 0, OPERAND_VOCAB, dtype=jnp.int64 if jax.config.jax_enable_x64 else jnp.int32)
    opcode_table = jax.random.normal(k3, (OPCODE_VOCAB, EMBED_DIM), dtype=jnp.float32)
    operand_table = jax.random.normal(k4, (OPERAND_VOCAB, EMBED_DIM), dtype=jnp.float32)
    return {"opcode_ids": opcode_ids, "operand_ids": operand_ids, "opcode_table": opcode_table, "operand_table": operand_table}

def reference(opcode_ids, operand_ids, opcode_table, operand_table):
    # opcode embedding lookup: [B, S, D]
    opcode_embeddings = jnp.take(opcode_table, opcode_ids, axis=0)
    # operand embedding lookup: [B, S, M, D]
    operand_embeddings = jnp.take(operand_table, operand_ids, axis=0)
    # mask out padding id 0
    operand_mask = (operand_ids != 0).astype(jnp.float32)[..., None]
    operand_sum = jnp.sum(operand_embeddings * operand_mask, axis=2)
    operand_count = jnp.sum(operand_mask, axis=2) + 1e-10
    operand_avg = operand_sum / operand_count
    instruction_embeddings = opcode_embeddings + operand_avg
    # dropout is identity in inference mode
    return instruction_embeddings

if __name__ == "__main__":
    import jax
    _d = setup_inputs()
    print(jax.jit(kernel)(*tuple(_d.values())))

</pallas_src>

<mosaic_0001>
#map = affine_map<(d0, d1) -> (0)>
#map1 = affine_map<(d0, d1) -> (0, 0)>
module attributes {stable_mosaic.version = 14 : i64} {
  func.func @_body(%arg0: i32, %arg1: i32, %arg2: memref<819200xi32, #tpu.memory_space<hbm>>, %arg3: memref<204800xi32, #tpu.memory_space<hbm>>, %arg4: memref<1000000x64xf32, #tpu.memory_space<hbm>>, %arg5: memref<1000x64xf32, #tpu.memory_space<hbm>>, %arg6: memref<204800x64xf32, #tpu.memory_space<hbm>>, %arg7: memref<512xi32, #tpu.memory_space<vmem>>, %arg8: memref<128xi32, #tpu.memory_space<vmem>>, %arg9: memref<512x64xf32, #tpu.memory_space<vmem>>, %arg10: memref<128x64xf32, #tpu.memory_space<vmem>>, %arg11: memref<128x64xf32, #tpu.memory_space<vmem>>, %arg12: memref<!tpu.dma_semaphore, #tpu.memory_space<semaphore_mem>>) attributes {dimension_semantics = [#tpu.dimension_semantics<core_parallel>, #tpu.dimension_semantics<subcore_parallel>], iteration_bounds = array<i64: 2, 16>, scalar_prefetch = 0 : i64, scratch_operands = 6 : i64, tpu.core_type = #tpu.core_type<sc_vector_subcore>, window_params = [{transform_indices = #map}, {transform_indices = #map}, {transform_indices = #map1}, {transform_indices = #map1}, {transform_indices = #map1}]} {
    %mul3A = arith.constant 2 : i32
    %mul3A_0 = arith.muli %arg1, %mul3A : i32
    %add3A = arith.addi %mul3A_0, %arg0 : i32
    %mul3A_1 = arith.constant 6400 : i32
    %mul3A_2 = arith.muli %add3A, %mul3A_1 : i32
    %scan3A = arith.constant 0 : i32
    %scan3A_3 = arith.constant 0 : i32
    %scan3A_4 = arith.constant 50 : i32
    %scan3A_5 = arith.addi %scan3A_3, %scan3A_4 : i32
    %scan3A_6 = arith.constant 1 : i32
    scf.for %scan3A_8 = %scan3A_3 to %scan3A_5 step %scan3A_6  : i32 {
      %mul3A_9 = arith.constant 128 : i32
      %mul3A_10 = arith.muli %scan3A_8, %mul3A_9 : i32
      %add3A_11 = arith.addi %mul3A_2, %mul3A_10 : i32
      %add3A_12 = arith.constant 0 : i32
      %add3A_13 = arith.addi %add3A_12, %add3A_11 : i32
      "tpu.region"() ({
        %run_scoped3A = tpu.sem_alloc : memref<!tpu.dma_semaphore, #tpu.memory_space<semaphore_mem>>
        %dma_start3A_94 = arith.constant 0 : i32
        %dma_start3A_95 = tpu.memref_slice %arg7[%dma_start3A_94] : memref<512xi32, #tpu.memory_space<vmem>> -> memref<128xi32, #tpu.memory_space<vmem>>
        %dma_start3A_96 = tpu.memref_slice %arg2[%add3A_13] : memref<819200xi32, #tpu.memory_space<hbm>> -> memref<128xi32, #tpu.memory_space<hbm>>
        %dma_start3A_97 = arith.constant 0 : i32
        %dma_start3A_98 = tpu.memref_slice %arg7[%dma_start3A_97] : memref<512xi32, #tpu.memory_space<vmem>> -> memref<128xi32, #tpu.memory_space<vmem>>
        %dma_start3A_99 = tpu.memref_slice %arg2[%add3A_13] : memref<819200xi32, #tpu.memory_space<hbm>> -> memref<128xi32, #tpu.memory_space<hbm>>
        tpu.enqueue_dma source(%dma_start3A_99 : memref<128xi32, #tpu.memory_space<hbm>>) target(%dma_start3A_98 : memref<128xi32, #tpu.memory_space<vmem>>) target_semaphore(%run_scoped3A : memref<!tpu.dma_semaphore, #tpu.memory_space<semaphore_mem>>)
        %dma_wait3A_100 = arith.constant 0 : i32
        %dma_wait3A_101 = tpu.memref_slice %arg7[%dma_wait3A_100] : memref<512xi32, #tpu.memory_space<vmem>> -> memref<128xi32, #tpu.memory_space<vmem>>
        %dma_wait3A_102 = tpu.memref_slice %arg2[%add3A_13] : memref<819200xi32, #tpu.memory_space<hbm>> -> memref<128xi32, #tpu.memory_space<hbm>>
        %dma_wait3A_103 = arith.constant 0 : i32
        %dma_wait3A_104 = tpu.memref_slice %arg7[%dma_wait3A_103] : memref<512xi32, #tpu.memory_space<vmem>> -> memref<128xi32, #tpu.memory_space<vmem>>
        %dma_wait3A_105 = tpu.memref_slice %arg2[%add3A_13] : memref<819200xi32, #tpu.memory_space<hbm>> -> memref<128xi32, #tpu.memory_space<hbm>>
        tpu.wait_dma2 semaphore(%run_scoped3A : memref<!tpu.dma_semaphore, #tpu.memory_space<semaphore_mem>>) src(%dma_wait3A_105 : memref<128xi32, #tpu.memory_space<hbm>>) dst(%dma_wait3A_104 : memref<128xi32, #tpu.memory_space<vmem>>)
        tpu.yield
      }) : () -> ()
      %add3A_14 = arith.constant 204800 : i32
      %add3A_15 = arith.addi %add3A_14, %add3A_11 : i32
      "tpu.region"() ({
        %run_scoped3A = tpu.sem_alloc : memref<!tpu.dma_semaphore, #tpu.memory_space<semaphore_mem>>
        %dma_start3A_94 = arith.constant 128 : i32
        %dma_start3A_95 = tpu.memref_slice %arg7[%dma_start3A_94] : memref<512xi32, #tpu.memory_space<vmem>> -> memref<128xi32, #tpu.memory_space<vmem>>
        %dma_start3A_96 = tpu.memref_slice %arg2[%add3A_15] : memref<819200xi32, #tpu.memory_space<hbm>> -> memref<128xi32, #tpu.memory_space<hbm>>
        %dma_start3A_97 = arith.constant 128 : i32
        %dma_start3A_98 = tpu.memref_slice %arg7[%dma_start3A_97] : memref<512xi32, #tpu.memory_space<vmem>> -> memref<128xi32, #tpu.memory_space<vmem>>
        %dma_start3A_99 = tpu.memref_slice %arg2[%add3A_15] : memref<819200xi32, #tpu.memory_space<hbm>> -> memref<128xi32, #tpu.memory_space<hbm>>
        tpu.enqueue_dma source(%dma_start3A_99 : memref<128xi32, #tpu.memory_space<hbm>>) target(%dma_start3A_98 : memref<128xi32, #tpu.memory_space<vmem>>) target_semaphore(%run_scoped3A : memref<!tpu.dma_semaphore, #tpu.memory_space<semaphore_mem>>)
        %dma_wait3A_100 = arith.constant 128 : i32
        %dma_wait3A_101 = tpu.memref_slice %arg7[%dma_wait3A_100] : memref<512xi32, #tpu.memory_space<vmem>> -> memref<128xi32, #tpu.memory_space<vmem>>
        %dma_wait3A_102 = tpu.memref_slice %arg2[%add3A_15] : memref<819200xi32, #tpu.memory_space<hbm>> -> memref<128xi32, #tpu.memory_space<hbm>>
        %dma_wait3A_103 = arith.constant 128 : i32
        %dma_wait3A_104 = tpu.memref_slice %arg7[%dma_wait3A_103] : memref<512xi32, #tpu.memory_space<vmem>> -> memref<128xi32, #tpu.memory_space<vmem>>
        %dma_wait3A_105 = tpu.memref_slice %arg2[%add3A_15] : memref<819200xi32, #tpu.memory_space<hbm>> -> memref<128xi32, #tpu.memory_space<hbm>>
        tpu.wait_dma2 semaphore(%run_scoped3A : memref<!tpu.dma_semaphore, #tpu.memory_space<semaphore_mem>>) src(%dma_wait3A_105 : memref<128xi32, #tpu.memory_space<hbm>>) dst(%dma_wait3A_104 : memref<128xi32, #tpu.memory_space<vmem>>)
        tpu.yield
      }) : () -> ()
      %add3A_16 = arith.constant 409600 : i32
      %add3A_17 = arith.addi %add3A_16, %add3A_11 : i32
      "tpu.region"() ({
        %run_scoped3A = tpu.sem_alloc : memref<!tpu.dma_semaphore, #tpu.memory_space<semaphore_mem>>
        %dma_start3A_94 = arith.constant 256 : i32
        %dma_start3A_95 = tpu.memref_slice %arg7[%dma_start3A_94] : memref<512xi32, #tpu.memory_space<vmem>> -> memref<128xi32, #tpu.memory_space<vmem>>
        %dma_start3A_96 = tpu.memref_slice %arg2[%add3A_17] : memref<819200xi32, #tpu.memory_space<hbm>> -> memref<128xi32, #tpu.memory_space<hbm>>
        %dma_start3A_97 = arith.constant 256 : i32
        %dma_start3A_98 = tpu.memref_slice %arg7[%dma_start3A_97] : memref<512xi32, #tpu.memory_space<vmem>> -> memref<128xi32, #tpu.memory_space<vmem>>
        %dma_start3A_99 = tpu.memref_slice %arg2[%add3A_17] : memref<819200xi32, #tpu.memory_space<hbm>> -> memref<128xi32, #tpu.memory_space<hbm>>
        tpu.enqueue_dma source(%dma_start3A_99 : memref<128xi32, #tpu.memory_space<hbm>>) target(%dma_start3A_98 : memref<128xi32, #tpu.memory_space<vmem>>) target_semaphore(%run_scoped3A : memref<!tpu.dma_semaphore, #tpu.memory_space<semaphore_mem>>)
        %dma_wait3A_100 = arith.constant 256 : i32
        %dma_wait3A_101 = tpu.memref_slice %arg7[%dma_wait3A_100] : memref<512xi32, #tpu.memory_space<vmem>> -> memref<128xi32, #tpu.memory_space<vmem>>
        %dma_wait3A_102 = tpu.memref_slice %arg2[%add3A_17] : memref<819200xi32, #tpu.memory_space<hbm>> -> memref<128xi32, #tpu.memory_space<hbm>>
        %dma_wait3A_103 = arith.constant 256 : i32
        %dma_wait3A_104 = tpu.memref_slice %arg7[%dma_wait3A_103] : memref<512xi32, #tpu.memory_space<vmem>> -> memref<128xi32, #tpu.memory_space<vmem>>
        %dma_wait3A_105 = tpu.memref_slice %arg2[%add3A_17] : memref<819200xi32, #tpu.memory_space<hbm>> -> memref<128xi32, #tpu.memory_space<hbm>>
        tpu.wait_dma2 semaphore(%run_scoped3A : memref<!tpu.dma_semaphore, #tpu.memory_space<semaphore_mem>>) src(%dma_wait3A_105 : memref<128xi32, #tpu.memory_space<hbm>>) dst(%dma_wait3A_104 : memref<128xi32, #tpu.memory_space<vmem>>)
        tpu.yield
      }) : () -> ()
      %add3A_18 = arith.constant 614400 : i32
      %add3A_19 = arith.addi %add3A_18, %add3A_11 : i32
      "tpu.region"() ({
        %run_scoped3A = tpu.sem_alloc : memref<!tpu.dma_semaphore, #tpu.memory_space<semaphore_mem>>
        %dma_start3A_94 = arith.constant 384 : i32
        %dma_start3A_95 = tpu.memref_slice %arg7[%dma_start3A_94] : memref<512xi32, #tpu.memory_space<vmem>> -> memref<128xi32, #tpu.memory_space<vmem>>
        %dma_start3A_96 = tpu.memref_slice %arg2[%add3A_19] : memref<819200xi32, #tpu.memory_space<hbm>> -> memref<128xi32, #tpu.memory_space<hbm>>
        %dma_start3A_97 = arith.constant 384 : i32
        %dma_start3A_98 = tpu.memref_slice %arg7[%dma_start3A_97] : memref<512xi32, #tpu.memory_space<vmem>> -> memref<128xi32, #tpu.memory_space<vmem>>
        %dma_start3A_99 = tpu.memref_slice %arg2[%add3A_19] : memref<819200xi32, #tpu.memory_space<hbm>> -> memref<128xi32, #tpu.memory_space<hbm>>
        tpu.enqueue_dma source(%dma_start3A_99 : memref<128xi32, #tpu.memory_space<hbm>>) target(%dma_start3A_98 : memref<128xi32, #tpu.memory_space<vmem>>) target_semaphore(%run_scoped3A : memref<!tpu.dma_semaphore, #tpu.memory_space<semaphore_mem>>)
        %dma_wait3A_100 = arith.constant 384 : i32
        %dma_wait3A_101 = tpu.memref_slice %arg7[%dma_wait3A_100] : memref<512xi32, #tpu.memory_space<vmem>> -> memref<128xi32, #tpu.memory_space<vmem>>
        %dma_wait3A_102 = tpu.memref_slice %arg2[%add3A_19] : memref<819200xi32, #tpu.memory_space<hbm>> -> memref<128xi32, #tpu.memory_space<hbm>>
        %dma_wait3A_103 = arith.constant 384 : i32
        %dma_wait3A_104 = tpu.memref_slice %arg7[%dma_wait3A_103] : memref<512xi32, #tpu.memory_space<vmem>> -> memref<128xi32, #tpu.memory_space<vmem>>
        %dma_wait3A_105 = tpu.memref_slice %arg2[%add3A_19] : memref<819200xi32, #tpu.memory_space<hbm>> -> memref<128xi32, #tpu.memory_space<hbm>>
        tpu.wait_dma2 semaphore(%run_scoped3A : memref<!tpu.dma_semaphore, #tpu.memory_space<semaphore_mem>>) src(%dma_wait3A_105 : memref<128xi32, #tpu.memory_space<hbm>>) dst(%dma_wait3A_104 : memref<128xi32, #tpu.memory_space<vmem>>)
        tpu.yield
      }) : () -> ()
      "tpu.region"() ({
        %run_scoped3A = tpu.sem_alloc : memref<!tpu.dma_semaphore, #tpu.memory_space<semaphore_mem>>
        %dma_start3A_94 = tpu.memref_slice %arg3[%add3A_11] : memref<204800xi32, #tpu.memory_space<hbm>> -> memref<128xi32, #tpu.memory_space<hbm>>
        %dma_start3A_95 = tpu.memref_slice %arg3[%add3A_11] : memref<204800xi32, #tpu.memory_space<hbm>> -> memref<128xi32, #tpu.memory_space<hbm>>
        tpu.enqueue_dma source(%dma_start3A_95 : memref<128xi32, #tpu.memory_space<hbm>>) target(%arg8 : memref<128xi32, #tpu.memory_space<vmem>>) target_semaphore(%run_scoped3A : memref<!tpu.dma_semaphore, #tpu.memory_space<semaphore_mem>>)
        %dma_wait3A_96 = tpu.memref_slice %arg3[%add3A_11] : memref<204800xi32, #tpu.memory_space<hbm>> -> memref<128xi32, #tpu.memory_space<hbm>>
        %dma_wait3A_97 = tpu.memref_slice %arg3[%add3A_11] : memref<204800xi32, #tpu.memory_space<hbm>> -> memref<128xi32, #tpu.memory_space<hbm>>
        tpu.wait_dma2 semaphore(%run_scoped3A : memref<!tpu.dma_semaphore, #tpu.memory_space<semaphore_mem>>) src(%dma_wait3A_97 : memref<128xi32, #tpu.memory_space<hbm>>) dst(%arg8 : memref<128xi32, #tpu.memory_space<vmem>>)
        tpu.yield
      }) : () -> ()
      %dma_start3A = arith.constant 0 : i32
      %dma_start3A_20 = arith.constant 0 : i32
      %dma_start3A_21 = tpu.memref_slice %arg9[%dma_start3A, %dma_start3A_20] : memref<512x64xf32, #tpu.memory_space<vmem>> -> memref<128x64xf32, #tpu.memory_space<vmem>>
      %dma_start3A_22 = arith.constant 0 : i32
      %dma_start3A_23 = tpu.memref_slice %arg7[%dma_start3A_22] : memref<512xi32, #tpu.memory_space<vmem>> -> memref<128xi32, #tpu.memory_space<vmem>>
      %dma_start3A_24 = arith.constant 0 : i32
      %dma_start3A_25 = arith.constant 0 : i32
      %dma_start3A_26 = tpu.memref_slice %arg4[%dma_start3A_24, %dma_start3A_25] : memref<1000000x64xf32, #tpu.memory_space<hbm>> -> memref<1000000x64xf32, #tpu.memory_space<hbm>>
      tpu.enqueue_indirect_dma source(%dma_start3A_26 : memref<1000000x64xf32, #tpu.memory_space<hbm>>) target(%dma_start3A_21 : memref<128x64xf32, #tpu.memory_space<vmem>>) offsets(%dma_start3A_23 : memref<128xi32, #tpu.memory_space<vmem>>) semaphore(%arg12 : memref<!tpu.dma_semaphore, #tpu.memory_space<semaphore_mem>>)
      %dma_start3A_27 = arith.constant 128 : i32
      %dma_start3A_28 = arith.constant 0 : i32
      %dma_start3A_29 = tpu.memref_slice %arg9[%dma_start3A_27, %dma_start3A_28] : memref<512x64xf32, #tpu.memory_space<vmem>> -> memref<128x64xf32, #tpu.memory_space<vmem>>
      %dma_start3A_30 = arith.constant 128 : i32
      %dma_start3A_31 = tpu.memref_slice %arg7[%dma_start3A_30] : memref<512xi32, #tpu.memory_space<vmem>> -> memref<128xi32, #tpu.memory_space<vmem>>
      %dma_start3A_32 = arith.constant 0 : i32
      %dma_start3A_33 = arith.constant 0 : i32
      %dma_start3A_34 = tpu.memref_slice %arg4[%dma_start3A_32, %dma_start3A_33] : memref<1000000x64xf32, #tpu.memory_space<hbm>> -> memref<1000000x64xf32, #tpu.memory_space<hbm>>
      tpu.enqueue_indirect_dma source(%dma_start3A_34 : memref<1000000x64xf32, #tpu.memory_space<hbm>>) target(%dma_start3A_29 : memref<128x64xf32, #tpu.memory_space<vmem>>) offsets(%dma_start3A_31 : memref<128xi32, #tpu.memory_space<vmem>>) semaphore(%arg12 : memref<!tpu.dma_semaphore, #tpu.memory_space<semaphore_mem>>)
      %dma_start3A_35 = arith.constant 256 : i32
      %dma_start3A_36 = arith.constant 0 : i32
      %dma_start3A_37 = tpu.memref_slice %arg9[%dma_start3A_35, %dma_start3A_36] : memref<512x64xf32, #tpu.memory_space<vmem>> -> memref<128x64xf32, #tpu.memory_space<vmem>>
      %dma_start3A_38 = arith.constant 256 : i32
      %dma_start3A_39 = tpu.memref_slice %arg7[%dma_start3A_38] : memref<512xi32, #tpu.memory_space<vmem>> -> memref<128xi32, #tpu.memory_space<vmem>>
      %dma_start3A_40 = arith.constant 0 : i32
      %dma_start3A_41 = arith.constant 0 : i32
      %dma_start3A_42 = tpu.memref_slice %arg4[%dma_start3A_40, %dma_start3A_41] : memref<1000000x64xf32, #tpu.memory_space<hbm>> -> memref<1000000x64xf32, #tpu.memory_space<hbm>>
      tpu.enqueue_indirect_dma source(%dma_start3A_42 : memref<1000000x64xf32, #tpu.memory_space<hbm>>) target(%dma_start3A_37 : memref<128x64xf32, #tpu.memory_space<vmem>>) offsets(%dma_start3A_39 : memref<128xi32, #tpu.memory_space<vmem>>) semaphore(%arg12 : memref<!tpu.dma_semaphore, #tpu.memory_space<semaphore_mem>>)
      %dma_start3A_43 = arith.constant 384 : i32
      %dma_start3A_44 = arith.constant 0 : i32
      %dma_start3A_45 = tpu.memref_slice %arg9[%dma_start3A_43, %dma_start3A_44] : memref<512x64xf32, #tpu.memory_space<vmem>> -> memref<128x64xf32, #tpu.memory_space<vmem>>
      %dma_start3A_46 = arith.constant 384 : i32
      %dma_start3A_47 = tpu.memref_slice %arg7[%dma_start3A_46] : memref<512xi32, #tpu.memory_space<vmem>> -> memref<128xi32, #tpu.memory_space<vmem>>
      %dma_start3A_48 = arith.constant 0 : i32
      %dma_start3A_49 = arith.constant 0 : i32
      %dma_start3A_50 = tpu.memref_slice %arg4[%dma_start3A_48, %dma_start3A_49] : memref<1000000x64xf32, #tpu.memory_space<hbm>> -> memref<1000000x64xf32, #tpu.memory_space<hbm>>
      tpu.enqueue_indirect_dma source(%dma_start3A_50 : memref<1000000x64xf32, #tpu.memory_space<hbm>>) target(%dma_start3A_45 : memref<128x64xf32, #tpu.memory_space<vmem>>) offsets(%dma_start3A_47 : memref<128xi32, #tpu.memory_space<vmem>>) semaphore(%arg12 : memref<!tpu.dma_semaphore, #tpu.memory_space<semaphore_mem>>)
      %dma_start3A_51 = arith.constant 0 : i32
      %dma_start3A_52 = arith.constant 0 : i32
      %dma_start3A_53 = tpu.memref_slice %arg5[%dma_start3A_51, %dma_start3A_52] : memref<1000x64xf32, #tpu.memory_space<hbm>> -> memref<1000x64xf32, #tpu.memory_space<hbm>>
      tpu.enqueue_indirect_dma source(%dma_start3A_53 : memref<1000x64xf32, #tpu.memory_space<hbm>>) target(%arg10 : memref<128x64xf32, #tpu.memory_space<vmem>>) offsets(%arg8 : memref<128xi32, #tpu.memory_space<vmem>>) semaphore(%arg12 : memref<!tpu.dma_semaphore, #tpu.memory_space<semaphore_mem>>)
      %dma_wait3A = arith.constant 0 : i32
      %dma_wait3A_54 = arith.constant 0 : i32
      %dma_wait3A_55 = tpu.memref_slice %arg9[%dma_wait3A, %dma_wait3A_54] : memref<512x64xf32, #tpu.memory_space<vmem>> -> memref<128x64xf32, #tpu.memory_space<vmem>>
      %dma_wait3A_56 = arith.constant 0 : i32
      %dma_wait3A_57 = tpu.memref_slice %arg7[%dma_wait3A_56] : memref<512xi32, #tpu.memory_space<vmem>> -> memref<128xi32, #tpu.memory_space<vmem>>
      %dma_wait3A_58 = arith.constant 0 : i32
      %dma_wait3A_59 = arith.constant 0 : i32
      %dma_wait3A_60 = tpu.memref_slice %arg4[%dma_wait3A_58, %dma_wait3A_59] : memref<1000000x64xf32, #tpu.memory_space<hbm>> -> memref<1000000x64xf32, #tpu.memory_space<hbm>>
      tpu.wait_indirect_dma semaphore(%arg12 : memref<!tpu.dma_semaphore, #tpu.memory_space<semaphore_mem>>) src(%dma_wait3A_60 : memref<1000000x64xf32, #tpu.memory_space<hbm>>) dst(%dma_wait3A_55 : memref<128x64xf32, #tpu.memory_space<vmem>>)
      %dma_wait3A_61 = arith.constant 128 : i32
      %dma_wait3A_62 = arith.constant 0 : i32
      %dma_wait3A_63 = tpu.memref_slice %arg9[%dma_wait3A_61, %dma_wait3A_62] : memref<512x64xf32, #tpu.memory_space<vmem>> -> memref<128x64xf32, #tpu.memory_space<vmem>>
      %dma_wait3A_64 = arith.constant 128 : i32
      %dma_wait3A_65 = tpu.memref_slice %arg7[%dma_wait3A_64] : memref<512xi32, #tpu.memory_space<vmem>> -> memref<128xi32, #tpu.memory_space<vmem>>
      %dma_wait3A_66 = arith.constant 0 : i32
      %dma_wait3A_67 = arith.constant 0 : i32
      %dma_wait3A_68 = tpu.memref_slice %arg4[%dma_wait3A_66, %dma_wait3A_67] : memref<1000000x64xf32, #tpu.memory_space<hbm>> -> memref<1000000x64xf32, #tpu.memory_space<hbm>>
      tpu.wait_indirect_dma semaphore(%arg12 : memref<!tpu.dma_semaphore, #tpu.memory_space<semaphore_mem>>) src(%dma_wait3A_68 : memref<1000000x64xf32, #tpu.memory_space<hbm>>) dst(%dma_wait3A_63 : memref<128x64xf32, #tpu.memory_space<vmem>>)
      %dma_wait3A_69 = arith.constant 256 : i32
      %dma_wait3A_70 = arith.constant 0 : i32
      %dma_wait3A_71 = tpu.memref_slice %arg9[%dma_wait3A_69, %dma_wait3A_70] : memref<512x64xf32, #tpu.memory_space<vmem>> -> memref<128x64xf32, #tpu.memory_space<vmem>>
      %dma_wait3A_72 = arith.constant 256 : i32
      %dma_wait3A_73 = tpu.memref_slice %arg7[%dma_wait3A_72] : memref<512xi32, #tpu.memory_space<vmem>> -> memref<128xi32, #tpu.memory_space<vmem>>
      %dma_wait3A_74 = arith.constant 0 : i32
      %dma_wait3A_75 = arith.constant 0 : i32
      %dma_wait3A_76 = tpu.memref_slice %arg4[%dma_wait3A_74, %dma_wait3A_75] : memref<1000000x64xf32, #tpu.memory_space<hbm>> -> memref<1000000x64xf32, #tpu.memory_space<hbm>>
      tpu.wait_indirect_dma semaphore(%arg12 : memref<!tpu.dma_semaphore, #tpu.memory_space<semaphore_mem>>) src(%dma_wait3A_76 : memref<1000000x64xf32, #tpu.memory_space<hbm>>) dst(%dma_wait3A_71 : memref<128x64xf32, #tpu.memory_space<vmem>>)
      %dma_wait3A_77 = arith.constant 384 : i32
      %dma_wait3A_78 = arith.constant 0 : i32
      %dma_wait3A_79 = tpu.memref_slice %arg9[%dma_wait3A_77, %dma_wait3A_78] : memref<512x64xf32, #tpu.memory_space<vmem>> -> memref<128x64xf32, #tpu.memory_space<vmem>>
      %dma_wait3A_80 = arith.constant 384 : i32
      %dma_wait3A_81 = tpu.memref_slice %arg7[%dma_wait3A_80] : memref<512xi32, #tpu.memory_space<vmem>> -> memref<128xi32, #tpu.memory_space<vmem>>
      %dma_wait3A_82 = arith.constant 0 : i32
      %dma_wait3A_83 = arith.constant 0 : i32
      %dma_wait3A_84 = tpu.memref_slice %arg4[%dma_wait3A_82, %dma_wait3A_83] : memref<1000000x64xf32, #tpu.memory_space<hbm>> -> memref<1000000x64xf32, #tpu.memory_space<hbm>>
      tpu.wait_indirect_dma semaphore(%arg12 : memref<!tpu.dma_semaphore, #tpu.memory_space<semaphore_mem>>) src(%dma_wait3A_84 : memref<1000000x64xf32, #tpu.memory_space<hbm>>) dst(%dma_wait3A_79 : memref<128x64xf32, #tpu.memory_space<vmem>>)
      %dma_wait3A_85 = arith.constant 0 : i32
      %dma_wait3A_86 = arith.constant 0 : i32
      %dma_wait3A_87 = tpu.memref_slice %arg5[%dma_wait3A_85, %dma_wait3A_86] : memref<1000x64xf32, #tpu.memory_space<hbm>> -> memref<1000x64xf32, #tpu.memory_space<hbm>>
      tpu.wait_indirect_dma semaphore(%arg12 : memref<!tpu.dma_semaphore, #tpu.memory_space<semaphore_mem>>) src(%dma_wait3A_87 : memref<1000x64xf32, #tpu.memory_space<hbm>>) dst(%arg10 : memref<128x64xf32, #tpu.memory_space<vmem>>)
      %scan3A_88 = arith.constant 0 : i32
      %scan3A_89 = arith.constant 0 : i32
      %scan3A_90 = arith.constant 8 : i32
      %scan3A_91 = arith.addi %scan3A_89, %scan3A_90 : i32
      %scan3A_92 = arith.constant 1 : i32
      scf.for %scan3A_94 = %scan3A_89 to %scan3A_91 step %scan3A_92  : i32 {
        %mul3A_95 = arith.constant 16 : i32
        %mul3A_96 = arith.muli %mul3A_95, %scan3A_94 : i32
        %add3A_97 = arith.constant 0 : i32
        %add3A_98 = arith.addi %add3A_97, %mul3A_96 : i32
        %get3A = arith.index_cast %add3A_98 : i32 to index
        %get3A_99 = tpu.vector_load %arg7[%get3A] {strides = array<i32>} : memref<512xi32, #tpu.memory_space<vmem>>, vector<16xi32>,
        %get3A_100 = vector.shape_cast %get3A_99 : vector<16xi32> to vector<16xi32>
        %min3A = arith.constant 1 : i32
        %min3A_101 = vector.broadcast %min3A : i32 to vector<16xi32>
        %min3A_102 = arith.minsi %get3A_100, %min3A_101 : vector<16xi32>
        %convert_element_type3A = arith.sitofp %min3A_102 : vector<16xi32> to vector<16xf32>
        %add3A_103 = arith.constant 128 : i32
        %add3A_104 = arith.addi %add3A_103, %mul3A_96 : i32
        %get3A_105 = arith.index_cast %add3A_104 : i32 to index
        %get3A_106 = tpu.vector_load %arg7[%get3A_105] {strides = array<i32>} : memref<512xi32, #tpu.memory_space<vmem>>, vector<16xi32>,
        %get3A_107 = vector.shape_cast %get3A_106 : vector<16xi32> to vector<16xi32>
        %min3A_108 = arith.constant 1 : i32
        %min3A_109 = vector.broadcast %min3A_108 : i32 to vector<16xi32>
        %min3A_110 = arith.minsi %get3A_107, %min3A_109 : vector<16xi32>
        %convert_element_type3A_111 = arith.sitofp %min3A_110 : vector<16xi32> to vector<16xf32>
        %add3A_112 = arith.constant 256 : i32
        %add3A_113 = arith.addi %add3A_112, %mul3A_96 : i32
        %get3A_114 = arith.index_cast %add3A_113 : i32 to index
        %get3A_115 = tpu.vector_load %arg7[%get3A_114] {strides = array<i32>} : memref<512xi32, #tpu.memory_space<vmem>>, vector<16xi32>,
        %get3A_116 = vector.shape_cast %get3A_115 : vector<16xi32> to vector<16xi32>
        %min3A_117 = arith.constant 1 : i32
        %min3A_118 = vector.broadcast %min3A_117 : i32 to vector<16xi32>
        %min3A_119 = arith.minsi %get3A_116, %min3A_118 : vector<16xi32>
        %convert_element_type3A_120 = arith.sitofp %min3A_119 : vector<16xi32> to vector<16xf32>
        %add3A_121 = arith.constant 384 : i32
        %add3A_122 = arith.addi %add3A_121, %mul3A_96 : i32
        %get3A_123 = arith.index_cast %add3A_122 : i32 to index
        %get3A_124 = tpu.vector_load %arg7[%get3A_123] {strides = array<i32>} : memref<512xi32, #tpu.memory_space<vmem>>, vector<16xi32>,
        %get3A_125 = vector.shape_cast %get3A_124 : vector<16xi32> to vector<16xi32>
        %min3A_126 = arith.constant 1 : i32
        %min3A_127 = vector.broadcast %min3A_126 : i32 to vector<16xi32>
        %min3A_128 = arith.minsi %get3A_125, %min3A_127 : vector<16xi32>
        %convert_element_type3A_129 = arith.sitofp %min3A_128 : vector<16xi32> to vector<16xf32>
        %add3A_130 = arith.addf %convert_element_type3A, %convert_element_type3A_111 : vector<16xf32>
        %add3A_131 = arith.addf %add3A_130, %convert_element_type3A_120 : vector<16xf32>
        %add3A_132 = arith.addf %add3A_131, %convert_element_type3A_129 : vector<16xf32>
        %add3A_133 = arith.constant 1.000000e-10 : f32
        %add3A_134 = vector.broadcast %add3A_133 : f32 to vector<16xf32>
        %add3A_135 = arith.addf %add3A_132, %add3A_134 : vector<16xf32>
        %div3A = arith.constant 1.000000e+00 : f32
        %div3A_136 = vector.broadcast %div3A : f32 to vector<16xf32>
        %div3A_137 = arith.divf %div3A_136, %add3A_135 : vector<16xf32>
        %mul3A_138 = arith.mulf %convert_element_type3A, %div3A_137 : vector<16xf32>
        %mul3A_139 = arith.mulf %convert_element_type3A_111, %div3A_137 : vector<16xf32>
        %mul3A_140 = arith.mulf %convert_element_type3A_120, %div3A_137 : vector<16xf32>
        %mul3A_141 = arith.mulf %convert_element_type3A_129, %div3A_137 : vector<16xf32>
        %add3A_142 = arith.constant 0 : i32
        %add3A_143 = arith.addi %mul3A_96, %add3A_142 : i32
        %broadcast_in_dim3A = arith.constant 0 : i32
        %broadcast_in_dim3A_144 = vector.broadcast %broadcast_in_dim3A : i32 to vector<16xi32>
        %lt3A = arith.constant 0 : i32
        %lt3A_145 = vector.broadcast %lt3A : i32 to vector<16xi32>
        %lt3A_146 = arith.cmpi slt, %broadcast_in_dim3A_144, %lt3A_145 : vector<16xi32>
        %add3A_147 = arith.constant 16 : i32
        %add3A_148 = vector.broadcast %add3A_147 : i32 to vector<16xi32>
        %add3A_149 = arith.addi %broadcast_in_dim3A_144, %add3A_148 : vector<16xi32>
        %select_n3A = arith.select %lt3A_146, %add3A_149, %broadcast_in_dim3A_144 : vector<16xi1>, vector<16xi32>
        %broadcast_in_dim3A_150 = vector.shape_cast %select_n3A : vector<16xi32> to vector<16x1xi32>
        %gather3A = vector.shape_cast %broadcast_in_dim3A_150 : vector<16x1xi32> to vector<16xi32>
        %gather3A_151 = tpu.dynamic_gather %mul3A_138[%gather3A] in [0] : vector<16xf32>, vector<16xi32> -> vector<16xf32>
        %lt3A_152 = arith.constant 0 : i32
        %lt3A_153 = vector.broadcast %lt3A_152 : i32 to vector<16xi32>
        %lt3A_154 = arith.cmpi slt, %broadcast_in_dim3A_144, %lt3A_153 : vector<16xi32>
        %add3A_155 = arith.constant 16 : i32
        %add3A_156 = vector.broadcast %add3A_155 : i32 to vector<16xi32>
        %add3A_157 = arith.addi %broadcast_in_dim3A_144, %add3A_156 : vector<16xi32>
        %select_n3A_158 = arith.select %lt3A_154, %add3A_157, %broadcast_in_dim3A_144 : vector<16xi1>, vector<16xi32>
        %broadcast_in_dim3A_159 = vector.shape_cast %select_n3A_158 : vector<16xi32> to vector<16x1xi32>
        %gather3A_160 = vector.shape_cast %broadcast_in_dim3A_159 : vector<16x1xi32> to vector<16xi32>
        %gather3A_161 = tpu.dynamic_gather %mul3A_139[%gather3A_160] in [0] : vector<16xf32>, vector<16xi32> -> vector<16xf32>
        %lt3A_162 = arith.constant 0 : i32
        %lt3A_163 = vector.broadcast %lt3A_162 : i32 to vector<16xi32>
        %lt3A_164 = arith.cmpi slt, %broadcast_in_dim3A_144, %lt3A_163 : vector<16xi32>
        %add3A_165 = arith.constant 16 : i32
        %add3A_166 = vector.broadcast %add3A_165 : i32 to vector<16xi32>
        %add3A_167 = arith.addi %broadcast_in_dim3A_144, %add3A_166 : vector<16xi32>
        %select_n3A_168 = arith.select %lt3A_164, %add3A_167, %broadcast_in_dim3A_144 : vector<16xi1>, vector<16xi32>
        %broadcast_in_dim3A_169 = vector.shape_cast %select_n3A_168 : vector<16xi32> to vector<16x1xi32>
        %gather3A_170 = vector.shape_cast %broadcast_in_dim3A_169 : vector<16x1xi32> to vector<16xi32>
        %gather3A_171 = tpu.dynamic_gather %mul3A_140[%gather3A_170] in [0] : vector<16xf32>, vector<16xi32> -> vector<16xf32>
        %lt3A_172 = arith.constant 0 : i32
        %lt3A_173 = vector.broadcast %lt3A_172 : i32 to vector<16xi32>
        %lt3A_174 = arith.cmpi slt, %broadcast_in_dim3A_144, %lt3A_173 : vector<16xi32>
        %add3A_175 = arith.constant 16 : i32
        %add3A_176 = vector.broadcast %add3A_175 : i32 to vector<16xi32>
        %add3A_177 = arith.addi %broadcast_in_dim3A_144, %add3A_176 : vector<16xi32>
        %select_n3A_178 = arith.select %lt3A_174, %add3A_177, %broadcast_in_dim3A_144 : vector<16xi1>, vector<16xi32>
        %broadcast_in_dim3A_179 = vector.shape_cast %select_n3A_178 : vector<16xi32> to vector<16x1xi32>
        %gather3A_180 = vector.shape_cast %broadcast_in_dim3A_179 : vector<16x1xi32> to vector<16xi32>
        %gather3A_181 = tpu.dynamic_gather %mul3A_141[%gather3A_180] in [0] : vector<16xf32>, vector<16xi32> -> vector<16xf32>
        %get3A_182 = arith.index_cast %add3A_143 : i32 to index
        %get3A_183 = arith.constant 0 : index
        %get3A_184 = tpu.vector_load %arg10[%get3A_182, %get3A_183] {strides = array<i32>} : memref<128x64xf32, #tpu.memory_space<vmem>>, vector<1x16xf32>,
        %get3A_185 = vector.shape_cast %get3A_184 : vector<1x16xf32> to vector<16xf32>
        %add3A_186 = arith.constant 0 : i32
        %add3A_187 = arith.addi %add3A_186, %add3A_143 : i32
        %get3A_188 = arith.index_cast %add3A_187 : i32 to index
        %get3A_189 = arith.constant 0 : index
        %get3A_190 = tpu.vector_load %arg9[%get3A_188, %get3A_189] {strides = array<i32>} : memref<512x64xf32, #tpu.memory_space<vmem>>, vector<1x16xf32>,
        %get3A_191 = vector.shape_cast %get3A_190 : vector<1x16xf32> to vector<16xf32>
        %mul3A_192 = arith.mulf %get3A_191, %gather3A_151 : vector<16xf32>
        %add3A_193 = arith.addf %get3A_185, %mul3A_192 : vector<16xf32>
        %add3A_194 = arith.constant 128 : i32
        %add3A_195 = arith.addi %add3A_194, %add3A_143 : i32
        %get3A_196 = arith.index_cast %add3A_195 : i32 to index
        %get3A_197 = arith.constant 0 : index
        %get3A_198 = tpu.vector_load %arg9[%get3A_196, %get3A_197] {strides = array<i32>} : memref<512x64xf32, #tpu.memory_space<vmem>>, vector<1x16xf32>,
        %get3A_199 = vector.shape_cast %get3A_198 : vector<1x16xf32> to vector<16xf32>
        %mul3A_200 = arith.mulf %get3A_199, %gather3A_161 : vector<16xf32>
        %add3A_201 = arith.addf %add3A_193, %mul3A_200 : vector<16xf32>
        %add3A_202 = arith.constant 256 : i32
        %add3A_203 = arith.addi %add3A_202, %add3A_143 : i32
        %get3A_204 = arith.index_cast %add3A_203 : i32 to index
        %get3A_205 = arith.constant 0 : index
        %get3A_206 = tpu.vector_load %arg9[%get3A_204, %get3A_205] {strides = array<i32>} : memref<512x64xf32, #tpu.memory_space<vmem>>, vector<1x16xf32>,
        %get3A_207 = vector.shape_cast %get3A_206 : vector<1x16xf32> to vector<16xf32>
        %mul3A_208 = arith.mulf %get3A_207, %gather3A_171 : vector<16xf32>
        %add3A_209 = arith.addf %add3A_201, %mul3A_208 : vector<16xf32>
        %add3A_210 = arith.constant 384 : i32
        %add3A_211 = arith.addi %add3A_210, %add3A_143 : i32
        %get3A_212 = arith.index_cast %add3A_211 : i32 to index
        %get3A_213 = arith.constant 0 : index
        %get3A_214 = tpu.vector_load %arg9[%get3A_212, %get3A_213] {strides = array<i32>} : memref<512x64xf32, #tpu.memory_space<vmem>>, vector<1x16xf32>,
        %get3A_215 = vector.shape_cast %get3A_214 : vector<1x16xf32> to vector<16xf32>
        %mul3A_216 = arith.mulf %get3A_215, %gather3A_181 : vector<16xf32>
        %add3A_217 = arith.addf %add3A_209, %mul3A_216 : vector<16xf32>
        %swap3A = arith.index_cast %add3A_143 : i32 to index
        %swap3A_218 = arith.constant 0 : index
        %swap3A_219 = tpu.vector_load %arg11[%swap3A, %swap3A_218] {strides = array<i32>} : memref<128x64xf32, #tpu.memory_space<vmem>>, vector<1x16xf32>,
        %swap3A_220 = vector.shape_cast %swap3A_219 : vector<1x16xf32> to vector<16xf32>
        %swap3A_221 = vector.shape_cast %add3A_217 : vector<16xf32> to vector<1x16xf32>
        tpu.vector_store %arg11[%swap3A, %swap3A_218], %swap3A_221 {strides = array<i32>} : memref<128x64xf32, #tpu.memory_space<vmem>>, vector<1x16xf32>,
        %get3A_222 = arith.index_cast %add3A_143 : i32 to index
        %get3A_223 = arith.constant 16 : index
        %get3A_224 = tpu.vector_load %arg10[%get3A_222, %get3A_223] {strides = array<i32>} : memref<128x64xf32, #tpu.memory_space<vmem>>, vector<1x16xf32>,
        %get3A_225 = vector.shape_cast %get3A_224 : vector<1x16xf32> to vector<16xf32>
        %add3A_226 = arith.constant 0 : i32
        %add3A_227 = arith.addi %add3A_226, %add3A_143 : i32
        %get3A_228 = arith.index_cast %add3A_227 : i32 to index
        %get3A_229 = arith.constant 16 : index
        %get3A_230 = tpu.vector_load %arg9[%get3A_228, %get3A_229] {strides = array<i32>} : memref<512x64xf32, #tpu.memory_space<vmem>>, vector<1x16xf32>,
        %get3A_231 = vector.shape_cast %get3A_230 : vector<1x16xf32> to vector<16xf32>
        %mul3A_232 = arith.mulf %get3A_231, %gather3A_151 : vector<16xf32>
        %add3A_233 = arith.addf %get3A_225, %mul3A_232 : vector<16xf32>
        %add3A_234 = arith.constant 128 : i32
        %add3A_235 = arith.addi %add3A_234, %add3A_143 : i32
        %get3A_236 = arith.index_cast %add3A_235 : i32 to index
        %get3A_237 = arith.constant 16 : index
        %get3A_238 = tpu.vector_load %arg9[%get3A_236, %get3A_237] {strides = array<i32>} : memref<512x64xf32, #tpu.memory_space<vmem>>, vector<1x16xf32>,
        %get3A_239 = vector.shape_cast %get3A_238 : vector<1x16xf32> to vector<16xf32>
        %mul3A_240 = arith.mulf %get3A_239, %gather3A_161 : vector<16xf32>
        %add3A_241 = arith.addf %add3A_233, %mul3A_240 : vector<16xf32>
        %add3A_242 = arith.constant 256 : i32
        %add3A_243 = arith.addi %add3A_242, %add3A_143 : i32
        %get3A_244 = arith.index_cast %add3A_243 : i32 to index
        %get3A_245 = arith.constant 16 : index
        %get3A_246 = tpu.vector_load %arg9[%get3A_244, %get3A_245] {strides = array<i32>} : memref<512x64xf32, #tpu.memory_space<vmem>>, vector<1x16xf32>,
        %get3A_247 = vector.shape_cast %get3A_246 : vector<1x16xf32> to vector<16xf32>
        %mul3A_248 = arith.mulf %get3A_247, %gather3A_171 : vector<16xf32>
        %add3A_249 = arith.addf %add3A_241, %mul3A_248 : vector<16xf32>
        %add3A_250 = arith.constant 384 : i32
        %add3A_251 = arith.addi %add3A_250, %add3A_143 : i32
        %get3A_252 = arith.index_cast %add3A_251 : i32 to index
        %get3A_253 = arith.constant 16 : index
        %get3A_254 = tpu.vector_load %arg9[%get3A_252, %get3A_253] {strides = array<i32>} : memref<512x64xf32, #tpu.memory_space<vmem>>, vector<1x16xf32>,
        %get3A_255 = vector.shape_cast %get3A_254 : vector<1x16xf32> to vector<16xf32>
        %mul3A_256 = arith.mulf %get3A_255, %gather3A_181 : vector<16xf32>
        %add3A_257 = arith.addf %add3A_249, %mul3A_256 : vector<16xf32>
        %swap3A_258 = arith.index_cast %add3A_143 : i32 to index
        %swap3A_259 = arith.constant 16 : index
        %swap3A_260 = tpu.vector_load %arg11[%swap3A_258, %swap3A_259] {strides = array<i32>} : memref<128x64xf32, #tpu.memory_space<vmem>>, vector<1x16xf32>,
        %swap3A_261 = vector.shape_cast %swap3A_260 : vector<1x16xf32> to vector<16xf32>
        %swap3A_262 = vector.shape_cast %add3A_257 : vector<16xf32> to vector<1x16xf32>
        tpu.vector_store %arg11[%swap3A_258, %swap3A_259], %swap3A_262 {strides = array<i32>} : memref<128x64xf32, #tpu.memory_space<vmem>>, vector<1x16xf32>,
        %get3A_263 = arith.index_cast %add3A_143 : i32 to index
        %get3A_264 = arith.constant 32 : index
        %get3A_265 = tpu.vector_load %arg10[%get3A_263, %get3A_264] {strides = array<i32>} : memref<128x64xf32, #tpu.memory_space<vmem>>, vector<1x16xf32>,
        %get3A_266 = vector.shape_cast %get3A_265 : vector<1x16xf32> to vector<16xf32>
        %add3A_267 = arith.constant 0 : i32
        %add3A_268 = arith.addi %add3A_267, %add3A_143 : i32
        %get3A_269 = arith.index_cast %add3A_268 : i32 to index
        %get3A_270 = arith.constant 32 : index
        %get3A_271 = tpu.vector_load %arg9[%get3A_269, %get3A_270] {strides = array<i32>} : memref<512x64xf32, #tpu.memory_space<vmem>>, vector<1x16xf32>,
        %get3A_272 = vector.shape_cast %get3A_271 : vector<1x16xf32> to vector<16xf32>
        %mul3A_273 = arith.mulf %get3A_272, %gather3A_151 : vector<16xf32>
        %add3A_274 = arith.addf %get3A_266, %mul3A_273 : vector<16xf32>
        %add3A_275 = arith.constant 128 : i32
        %add3A_276 = arith.addi %add3A_275, %add3A_143 : i32
        %get3A_277 = arith.index_cast %add3A_276 : i32 to index
        %get3A_278 = arith.constant 32 : index
        %get3A_279 = tpu.vector_load %arg9[%get3A_277, %get3A_278] {strides = array<i32>} : memref<512x64xf32, #tpu.memory_space<vmem>>, vector<1x16xf32>,
        %get3A_280 = vector.shape_cast %get3A_279 : vector<1x16xf32> to vector<16xf32>
        %mul3A_281 = arith.mulf %get3A_280, %gather3A_161 : vector<16xf32>
        %add3A_282 = arith.addf %add3A_274, %mul3A_281 : vector<16xf32>
        %add3A_283 = arith.constant 256 : i32
        %add3A_284 = arith.addi %add3A_283, %add3A_143 : i32
        %get3A_285 = arith.index_cast %add3A_284 : i32 to index
        %get3A_286 = arith.constant 32 : index
        %get3A_287 = tpu.vector_load %arg9[%get3A_285, %get3A_286] {strides = array<i32>} : memref<512x64xf32, #tpu.memory_space<vmem>>, vector<1x16xf32>,
        %get3A_288 = vector.shape_cast %get3A_287 : vector<1x16xf32> to vector<16xf32>
        %mul3A_289 = arith.mulf %get3A_288, %gather3A_171 : vector<16xf32>
        %add3A_290 = arith.addf %add3A_282, %mul3A_289 : vector<16xf32>
        %add3A_291 = arith.constant 384 : i32
        %add3A_292 = arith.addi %add3A_291, %add3A_143 : i32
        %get3A_293 = arith.index_cast %add3A_292 : i32 to index
        %get3A_294 = arith.constant 32 : index
        %get3A_295 = tpu.vector_load %arg9[%get3A_293, %get3A_294] {strides = array<i32>} : memref<512x64xf32, #tpu.memory_space<vmem>>, vector<1x16xf32>,
        %get3A_296 = vector.shape_cast %get3A_295 : vector<1x16xf32> to vector<16xf32>
        %mul3A_297 = arith.mulf %get3A_296, %gather3A_181 : vector<16xf32>
        %add3A_298 = arith.addf %add3A_290, %mul3A_297 : vector<16xf32>
        %swap3A_299 = arith.index_cast %add3A_143 : i32 to index
        %swap3A_300 = arith.constant 32 : index
        %swap3A_301 = tpu.vector_load %arg11[%swap3A_299, %swap3A_300] {strides = array<i32>} : memref<128x64xf32, #tpu.memory_space<vmem>>, vector<1x16xf32>,
        %swap3A_302 = vector.shape_cast %swap3A_301 : vector<1x16xf32> to vector<16xf32>
        %swap3A_303 = vector.shape_cast %add3A_298 : vector<16xf32> to vector<1x16xf32>
        tpu.vector_store %arg11[%swap3A_299, %swap3A_300], %swap3A_303 {strides = array<i32>} : memref<128x64xf32, #tpu.memory_space<vmem>>, vector<1x16xf32>,
        %get3A_304 = arith.index_cast %add3A_143 : i32 to index
        %get3A_305 = arith.constant 48 : index
        %get3A_306 = tpu.vector_load %arg10[%get3A_304, %get3A_305] {strides = array<i32>} : memref<128x64xf32, #tpu.memory_space<vmem>>, vector<1x16xf32>,
        %get3A_307 = vector.shape_cast %get3A_306 : vector<1x16xf32> to vector<16xf32>
        %add3A_308 = arith.constant 0 : i32
        %add3A_309 = arith.addi %add3A_308, %add3A_143 : i32
        %get3A_310 = arith.index_cast %add3A_309 : i32 to index
        %get3A_311 = arith.constant 48 : index
        %get3A_312 = tpu.vector_load %arg9[%get3A_310, %get3A_311] {strides = array<i32>} : memref<512x64xf32, #tpu.memory_space<vmem>>, vector<1x16xf32>,
        %get3A_313 = vector.shape_cast %get3A_312 : vector<1x16xf32> to vector<16xf32>
        %mul3A_314 = arith.mulf %get3A_313, %gather3A_151 : vector<16xf32>
        %add3A_315 = arith.addf %get3A_307, %mul3A_314 : vector<16xf32>
        %add3A_316 = arith.constant 128 : i32
        %add3A_317 = arith.addi %add3A_316, %add3A_143 : i32
        %get3A_318 = arith.index_cast %add3A_317 : i32 to index
        %get3A_319 = arith.constant 48 : index
        %get3A_320 = tpu.vector_load %arg9[%get3A_318, %get3A_319] {strides = array<i32>} : memref<512x64xf32, #tpu.memory_space<vmem>>, vector<1x16xf32>,
        %get3A_321 = vector.shape_cast %get3A_320 : vector<1x16xf32> to vector<16xf32>
        %mul3A_322 = arith.mulf %get3A_321, %gather3A_161 : vector<16xf32>
        %add3A_323 = arith.addf %add3A_315, %mul3A_322 : vector<16xf32>
        %add3A_324 = arith.constant 256 : i32
        %add3A_325 = arith.addi %add3A_324, %add3A_143 : i32
        %get3A_326 = arith.index_cast %add3A_325 : i32 to index
        %get3A_327 = arith.constant 48 : index
        %get3A_328 = tpu.vector_load %arg9[%get3A_326, %get3A_327] {strides = array<i32>} : memref<512x64xf32, #tpu.memory_space<vmem>>, vector<1x16xf32>,
        %get3A_329 = vector.shape_cast %get3A_328 : vector<1x16xf32> to vector<16xf32>
        %mul3A_330 = arith.mulf %get3A_329, %gather3A_171 : vector<16xf32>
        %add3A_331 = arith.addf %add3A_323, %mul3A_330 : vector<16xf32>
        %add3A_332 = arith.constant 384 : i32
        %add3A_333 = arith.addi %add3A_332, %add3A_143 : i32
        %get3A_334 = arith.index_cast %add3A_333 : i32 to index
        %get3A_335 = arith.constant 48 : index
        %get3A_336 = tpu.vector_load %arg9[%get3A_334, %get3A_335] {strides = array<i32>} : memref<512x64xf32, #tpu.memory_space<vmem>>, vector<1x16xf32>,
        %get3A_337 = vector.shape_cast %get3A_336 : vector<1x16xf32> to vector<16xf32>
        %mul3A_338 = arith.mulf %get3A_337, %gather3A_181 : vector<16xf32>
        %add3A_339 = arith.addf %add3A_331, %mul3A_338 : vector<16xf32>
        %swap3A_340 = arith.index_cast %add3A_143 : i32 to index
        %swap3A_341 = arith.constant 48 : index
        %swap3A_342 = tpu.vector_load %arg11[%swap3A_340, %swap3A_341] {strides = array<i32>} : memref<128x64xf32, #tpu.memory_space<vmem>>, vector<1x16xf32>,
        %swap3A_343 = vector.shape_cast %swap3A_342 : vector<1x16xf32> to vector<16xf32>
        %swap3A_344 = vector.shape_cast %add3A_339 : vector<16xf32> to vector<1x16xf32>
        tpu.vector_store %arg11[%swap3A_340, %swap3A_341], %swap3A_344 {strides = array<i32>} : memref<128x64xf32, #tpu.memory_space<vmem>>, vector<1x16xf32>,
        %add3A_345 = arith.constant 1 : i32
        %add3A_346 = arith.addi %mul3A_96, %add3A_345 : i32
        %broadcast_in_dim3A_347 = arith.constant 1 : i32
        %broadcast_in_dim3A_348 = vector.broadcast %broadcast_in_dim3A_347 : i32 to vector<16xi32>
        %lt3A_349 = arith.constant 0 : i32
        %lt3A_350 = vector.broadcast %lt3A_349 : i32 to vector<16xi32>
        %lt3A_351 = arith.cmpi slt, %broadcast_in_dim3A_348, %lt3A_350 : vector<16xi32>
        %add3A_352 = arith.constant 16 : i32
        %add3A_353 = vector.broadcast %add3A_352 : i32 to vector<16xi32>
        %add3A_354 = arith.addi %broadcast_in_dim3A_348, %add3A_353 : vector<16xi32>
        %select_n3A_355 = arith.select %lt3A_351, %add3A_354, %broadcast_in_dim3A_348 : vector<16xi1>, vector<16xi32>
        %broadcast_in_dim3A_356 = vector.shape_cast %select_n3A_355 : vector<16xi32> to vector<16x1xi32>
        %gather3A_357 = vector.shape_cast %broadcast_in_dim3A_356 : vector<16x1xi32> to vector<16xi32>
        %gather3A_358 = tpu.dynamic_gather %mul3A_138[%gather3A_357] in [0] : vector<16xf32>, vector<16xi32> -> vector<16xf32>
        %lt3A_359 = arith.constant 0 : i32
        %lt3A_360 = vector.broadcast %lt3A_359 : i32 to vector<16xi32>
        %lt3A_361 = arith.cmpi slt, %broadcast_in_dim3A_348, %lt3A_360 : vector<16xi32>
        %add3A_362 = arith.constant 16 : i32
        %add3A_363 = vector.broadcast %add3A_362 : i32 to vector<16xi32>
        %add3A_364 = arith.addi %broadcast_in_dim3A_348, %add3A_363 : vector<16xi32>
        %select_n3A_365 = arith.select %lt3A_361, %add3A_364, %broadcast_in_dim3A_348 : vector<16xi1>, vector<16xi32>
        %broadcast_in_dim3A_366 = vector.shape_cast %select_n3A_365 : vector<16xi32> to vector<16x1xi32>
        %gather3A_367 = vector.shape_cast %broadcast_in_dim3A_366 : vector<16x1xi32> to vector<16xi32>
        %gather3A_368 = tpu.dynamic_gather %mul3A_139[%gather3A_367] in [0] : vector<16xf32>, vector<16xi32> -> vector<16xf32>
        %lt3A_369 = arith.constant 0 : i32
        %lt3A_370 = vector.broadcast %lt3A_369 : i32 to vector<16xi32>
        %lt3A_371 = arith.cmpi slt, %broadcast_in_dim3A_348, %lt3A_370 : vector<16xi32>
        %add3A_372 = arith.constant 16 : i32
        %add3A_373 = vector.broadcast %add3A_372 : i32 to vector<16xi32>
        %add3A_374 = arith.addi %broadcast_in_dim3A_348, %add3A_373 : vector<16xi32>
        %select_n3A_375 = arith.select %lt3A_371, %add3A_374, %broadcast_in_dim3A_348 : vector<16xi1>, vector<16xi32>
        %broadcast_in_dim3A_376 = vector.shape_cast %select_n3A_375 : vector<16xi32> to vector<16x1xi32>
        %gather3A_377 = vector.shape_cast %broadcast_in_dim3A_376 : vector<16x1xi32> to vector<16xi32>
        %gather3A_378 = tpu.dynamic_gather %mul3A_140[%gather3A_377] in [0] : vector<16xf32>, vector<16xi32> -> vector<16xf32>
        %lt3A_379 = arith.constant 0 : i32
        %lt3A_380 = vector.broadcast %lt3A_379 : i32 to vector<16xi32>
        %lt3A_381 = arith.cmpi slt, %broadcast_in_dim3A_348, %lt3A_380 : vector<16xi32>
        %add3A_382 = arith.constant 16 : i32
        %add3A_383 = vector.broadcast %add3A_382 : i32 to vector<16xi32>
        %add3A_384 = arith.addi %broadcast_in_dim3A_348, %add3A_383 : vector<16xi32>
        %select_n3A_385 = arith.select %lt3A_381, %add3A_384, %broadcast_in_dim3A_348 : vector<16xi1>, vector<16xi32>
        %broadcast_in_dim3A_386 = vector.shape_cast %select_n3A_385 : vector<16xi32> to vector<16x1xi32>
        %gather3A_387 = vector.shape_cast %broadcast_in_dim3A_386 : vector<16x1xi32> to vector<16xi32>
        %gather3A_388 = tpu.dynamic_gather %mul3A_141[%gather3A_387] in [0] : vector<16xf32>, vector<16xi32> -> vector<16xf32>
        %get3A_389 = arith.index_cast %add3A_346 : i32 to index
        %get3A_390 = arith.constant 0 : index
        %get3A_391 = tpu.vector_load %arg10[%get3A_389, %get3A_390] {strides = array<i32>} : memref<128x64xf32, #tpu.memory_space<vmem>>, vector<1x16xf32>,
        %get3A_392 = vector.shape_cast %get3A_391 : vector<1x16xf32> to vector<16xf32>
        %add3A_393 = arith.constant 0 : i32
        %add3A_394 = arith.addi %add3A_393, %add3A_346 : i32
        %get3A_395 = arith.index_cast %add3A_394 : i32 to index
        %get3A_396 = arith.constant 0 : index
        %get3A_397 = tpu.vector_load %arg9[%get3A_395, %get3A_396] {strides = array<i32>} : memref<512x64xf32, #tpu.memory_space<vmem>>, vector<1x16xf32>,
        %get3A_398 = vector.shape_cast %get3A_397 : vector<1x16xf32> to vector<16xf32>
        %mul3A_399 = arith.mulf %get3A_398, %gather3A_358 : vector<16xf32>
        %add3A_400 = arith.addf %get3A_392, %mul3A_399 : vector<16xf32>
        %add3A_401 = arith.constant 128 : i32
        %add3A_402 = arith.addi %add3A_401, %add3A_346 : i32
        %get3A_403 = arith.index_cast %add3A_402 : i32 to index
        %get3A_404 = arith.constant 0 : index
        %get3A_405 = tpu.vector_load %arg9[%get3A_403, %get3A_404] {strides = array<i32>} : memref<512x64xf32, #tpu.memory_space<vmem>>, vector<1x16xf32>,
        %get3A_406 = vector.shape_cast %get3A_405 : vector<1x16xf32> to vector<16xf32>
        %mul3A_407 = arith.mulf %get3A_406, %gather3A_368 : vector<16xf32>
        %add3A_408 = arith.addf %add3A_400, %mul3A_407 : vector<16xf32>
        %add3A_409 = arith.constant 256 : i32
        %add3A_410 = arith.addi %add3A_409, %add3A_346 : i32
        %get3A_411 = arith.index_cast %add3A_410 : i32 to index
        %get3A_412 = arith.constant 0 : index
        %get3A_413 = tpu.vector_load %arg9[%get3A_411, %get3A_412] {strides = array<i32>} : memref<512x64xf32, #tpu.memory_space<vmem>>, vector<1x16xf32>,
        %get3A_414 = vector.shape_cast %get3A_413 : vector<1x16xf32> to vector<16xf32>
        %mul3A_415 = arith.mulf %get3A_414, %gather3A_378 : vector<16xf32>
        %add3A_416 = arith.addf %add3A_408, %mul3A_415 : vector<16xf32>
        %add3A_417 = arith.constant 384 : i32
        %add3A_418 = arith.addi %add3A_417, %add3A_346 : i32
        %get3A_419 = arith.index_cast %add3A_418 : i32 to index
        %get3A_420 = arith.constant 0 : index
        %get3A_421 = tpu.vector_load %arg9[%get3A_419, %get3A_420] {strides = array<i32>} : memref<512x64xf32, #tpu.memory_space<vmem>>, vector<1x16xf32>,
        %get3A_422 = vector.shape_cast %get3A_421 : vector<1x16xf32> to vector<16xf32>
        %mul3A_423 = arith.mulf %get3A_422, %gather3A_388 : vector<16xf32>
        %add3A_424 = arith.addf %add3A_416, %mul3A_423 : vector<16xf32>
        %swap3A_425 = arith.index_cast %add3A_346 : i32 to index
        %swap3A_426 = arith.constant 0 : index
        %swap3A_427 = tpu.vector_load %arg11[%swap3A_425, %swap3A_426] {strides = array<i32>} : memref<128x64xf32, #tpu.memory_space<vmem>>, vector<1x16xf32>,
        %swap3A_428 = vector.shape_cast %swap3A_427 : vector<1x16xf32> to vector<16xf32>
        %swap3A_429 = vector.shape_cast %add3A_424 : vector<16xf32> to vector<1x16xf32>
        tpu.vector_store %arg11[%swap3A_425, %swap3A_426], %swap3A_429 {strides = array<i32>} : memref<128x64xf32, #tpu.memory_space<vmem>>, vector<1x16xf32>,
        %get3A_430 = arith.index_cast %add3A_346 : i32 to index
        %get3A_431 = arith.constant 16 : index
        %get3A_432 = tpu.vector_load %arg10[%get3A_430, %get3A_431] {strides = array<i32>} : memref<128x64xf32, #tpu.memory_space<vmem>>, vector<1x16xf32>,
        %get3A_433 = vector.shape_cast %get3A_432 : vector<1x16xf32> to vector<16xf32>
        %add3A_434 = arith.constant 0 : i32
        %add3A_435 = arith.addi %add3A_434, %add3A_346 : i32
        %get3A_436 = arith.index_cast %add3A_435 : i32 to index
        %get3A_437 = arith.constant 16 : index
        %get3A_438 = tpu.vector_load %arg9[%get3A_436, %get3A_437] {strides = array<i32>} : memref<512x64xf32, #tpu.memory_space<vmem>>, vector<1x16xf32>,
        %get3A_439 = vector.shape_cast %get3A_438 : vector<1x16xf32> to vector<16xf32>
        %mul3A_440 = arith.mulf %get3A_439, %gather3A_358 : vector<16xf32>
        %add3A_441 = arith.addf %get3A_433, %mul3A_440 : vector<16xf32>
        %add3A_442 = arith.constant 128 : i32
        %add3A_443 = arith.addi %add3A_442, %add3A_346 : i32
        %get3A_444 = arith.index_cast %add3A_443 : i32 to index
        %get3A_445 = arith.constant 16 : index
        %get3A_446 = tpu.vector_load %arg9[%get3A_444, %get3A_445] {strides = array<i32>} : memref<512x64xf32, #tpu.memory_space<vmem>>, vector<1x16xf32>,
        %get3A_447 = vector.shape_cast %get3A_446 : vector<1x16xf32> to vector<16xf32>
        %mul3A_448 = arith.mulf %get3A_447, %gather3A_368 : vector<16xf32>
        %add3A_449 = arith.addf %add3A_441, %mul3A_448 : vector<16xf32>
        %add3A_450 = arith.constant 256 : i32
        %add3A_451 = arith.addi %add3A_450, %add3A_346 : i32
        %get3A_452 = arith.index_cast %add3A_451 : i32 to index
        %get3A_453 = arith.constant 16 : index
        %get3A_454 = tpu.vector_load %arg9[%get3A_452, %get3A_453] {strides = array<i32>} : memref<512x64xf32, #tpu.memory_space<vmem>>, vector<1x16xf32>,
        %get3A_455 = vector.shape_cast %get3A_454 : vector<1x16xf32> to vector<16xf32>
        %mul3A_456 = arith.mulf %get3A_455, %gather3A_378 : vector<16xf32>
        %add3A_457 = arith.addf %add3A_449, %mul3A_456 : vector<16xf32>
        %add3A_458 = arith.constant 384 : i32
        %add3A_459 = arith.addi %add3A_458, %add3A_346 : i32
        %get3A_460 = arith.index_cast %add3A_459 : i32 to index
        %get3A_461 = arith.constant 16 : index
        %get3A_462 = tpu.vector_load %arg9[%get3A_460, %get3A_461] {strides = array<i32>} : memref<512x64xf32, #tpu.memory_space<vmem>>, vector<1x16xf32>,
        %get3A_463 = vector.shape_cast %get3A_462 : vector<1x16xf32> to vector<16xf32>
        %mul3A_464 = arith.mulf %get3A_463, %gather3A_388 : vector<16xf32>
        %add3A_465 = arith.addf %add3A_457, %mul3A_464 : vector<16xf32>
        %swap3A_466 = arith.index_cast %add3A_346 : i32 to index
        %swap3A_467 = arith.constant 16 : index
        %swap3A_468 = tpu.vector_load %arg11[%swap3A_466, %swap3A_467] {strides = array<i32>} : memref<128x64xf32, #tpu.memory_space<vmem>>, vector<1x16xf32>,
        %swap3A_469 = vector.shape_cast %swap3A_468 : vector<1x16xf32> to vector<16xf32>
        %swap3A_470 = vector.shape_cast %add3A_465 : vector<16xf32> to vector<1x16xf32>
        tpu.vector_store %arg11[%swap3A_466, %swap3A_467], %swap3A_470 {strides = array<i32>} : memref<128x64xf32, #tpu.memory_space<vmem>>, vector<1x16xf32>,
        %get3A_471 = arith.index_cast %add3A_346 : i32 to index
        %get3A_472 = arith.constant 32 : index
        %get3A_473 = tpu.vector_load %arg10[%get3A_471, %get3A_472] {strides = array<i32>} : memref<128x64xf32, #tpu.memory_space<vmem>>, vector<1x16xf32>,
        %get3A_474 = vector.shape_cast %get3A_473 : vector<1x16xf32> to vector<16xf32>
        %add3A_475 = arith.constant 0 : i32
        %add3A_476 = arith.addi %add3A_475, %add3A_346 : i32
        %get3A_477 = arith.index_cast %add3A_476 : i32 to index
        %get3A_478 = arith.constant 32 : index
        %get3A_479 = tpu.vector_load %arg9[%get3A_477, %get3A_478] {strides = array<i32>} : memref<512x64xf32, #tpu.memory_space<vmem>>, vector<1x16xf32>,
        %get3A_480 = vector.shape_cast %get3A_479 : vector<1x16xf32> to vector<16xf32>
        %mul3A_481 = arith.mulf %get3A_480, %gather3A_358 : vector<16xf32>
        %add3A_482 = arith.addf %get3A_474, %mul3A_481 : vector<16xf32>
        %add3A_483 = arith.constant 128 : i32
        %add3A_484 = arith.addi %add3A_483, %add3A_346 : i32
        %get3A_485 = arith.index_cast %add3A_484 : i32 to index
        %get3A_486 = arith.constant 32 : index
        %get3A_487 = tpu.vector_load %arg9[%get3A_485, %get3A_486] {strides = array<i32>} : memref<512x64xf32, #tpu.memory_space<vmem>>, vector<1x16xf32>,
        %get3A_488 = vector.shape_cast %get3A_487 : vector<1x16xf32> to vector<16xf32>
        %mul3A_489 = arith.mulf %get3A_488, %gather3A_368 : vector<16xf32>
        %add3A_490 = arith.addf %add3A_482, %mul3A_489 : vector<16xf32>
        %add3A_491 = arith.constant 256 : i32
        %add3A_492 = arith.addi %add3A_491, %add3A_346 : i32
        %get3A_493 = arith.index_cast %add3A_492 : i32 to index
        %get3A_494 = arith.constant 32 : index
        %get3A_495 = tpu.vector_load %arg9[%get3A_493, %get3A_494] {strides = array<i32>} : memref<512x64xf32, #tpu.memory_space<vmem>>, vector<1x16xf32>,
        %get3A_496 = vector.shape_cast %get3A_495 : vector<1x16xf32> to vector<16xf32>
        %mul3A_497 = arith.mulf %get3A_496, %gather3A_378 : vector<16xf32>
        %add3A_498 = arith.addf %add3A_490, %mul3A_497 : vector<16xf32>
        %add3A_499 = arith.constant 384 : i32
        %add3A_500 = arith.addi %add3A_499, %add3A_346 : i32
        %get3A_501 = arith.index_cast %add3A_500 : i32 to index
        %get3A_502 = arith.constant 32 : index
        %get3A_503 = tpu.vector_load %arg9[%get3A_501, %get3A_502] {strides = array<i32>} : memref<512x64xf32, #tpu.memory_space<vmem>>, vector<1x16xf32>,
        %get3A_504 = vector.shape_cast %get3A_503 : vector<1x16xf32> to vector<16xf32>
        %mul3A_505 = arith.mulf %get3A_504, %gather3A_388 : vector<16xf32>
        %add3A_506 = arith.addf %add3A_498, %mul3A_505 : vector<16xf32>
        %swap3A_507 = arith.index_cast %add3A_346 : i32 to index
        %swap3A_508 = arith.constant 32 : index
        %swap3A_509 = tpu.vector_load %arg11[%swap3A_507, %swap3A_508] {strides = array<i32>} : memref<128x64xf32, #tpu.memory_space<vmem>>, vector<1x16xf32>,
        %swap3A_510 = vector.shape_cast %swap3A_509 : vector<1x16xf32> to vector<16xf32>
        %swap3A_511 = vector.shape_cast %add3A_506 : vector<16xf32> to vector<1x16xf32>
        tpu.vector_store %arg11[%swap3A_507, %swap3A_508], %swap3A_511 {strides = array<i32>} : memref<128x64xf32, #tpu.memory_space<vmem>>, vector<1x16xf32>,
        %get3A_512 = arith.index_cast %add3A_346 : i32 to index
        %get3A_513 = arith.constant 48 : index
        %get3A_514 = tpu.vector_load %arg10[%get3A_512, %get3A_513] {strides = array<i32>} : memref<128x64xf32, #tpu.memory_space<vmem>>, vector<1x16xf32>,
        %get3A_515 = vector.shape_cast %get3A_514 : vector<1x16xf32> to vector<16xf32>
        %add3A_516 = arith.constant 0 : i32
        %add3A_517 = arith.addi %add3A_516, %add3A_346 : i32
        %get3A_518 = arith.index_cast %add3A_517 : i32 to index
        %get3A_519 = arith.constant 48 : index
        %get3A_520 = tpu.vector_load %arg9[%get3A_518, %get3A_519] {strides = array<i32>} : memref<512x64xf32, #tpu.memory_space<vmem>>, vector<1x16xf32>,
        %get3A_521 = vector.shape_cast %get3A_520 : vector<1x16xf32> to vector<16xf32>
        %mul3A_522 = arith.mulf %get3A_521, %gather3A_358 : vector<16xf32>
        %add3A_523 = arith.addf %get3A_515, %mul3A_522 : vector<16xf32>
        %add3A_524 = arith.constant 128 : i32
        %add3A_525 = arith.addi %add3A_524, %add3A_346 : i32
        %get3A_526 = arith.index_cast %add3A_525 : i32 to index
        %get3A_527 = arith.constant 48 : index
        %get3A_528 = tpu.vector_load %arg9[%get3A_526, %get3A_527] {strides = array<i32>} : memref<512x64xf32, #tpu.memory_space<vmem>>, vector<1x16xf32>,
        %get3A_529 = vector.shape_cast %get3A_528 : vector<1x16xf32> to vector<16xf32>
        %mul3A_530 = arith.mulf %get3A_529, %gather3A_368 : vector<16xf32>
        %add3A_531 = arith.addf %add3A_523, %mul3A_530 : vector<16xf32>
        %add3A_532 = arith.constant 256 : i32
        %add3A_533 = arith.addi %add3A_532, %add3A_346 : i32
        %get3A_534 = arith.index_cast %add3A_533 : i32 to index
        %get3A_535 = arith.constant 48 : index
        %get3A_536 = tpu.vector_load %arg9[%get3A_534, %get3A_535] {strides = array<i32>} : memref<512x64xf32, #tpu.memory_space<vmem>>, vector<1x16xf32>,
        %get3A_537 = vector.shape_cast %get3A_536 : vector<1x16xf32> to vector<16xf32>
        %mul3A_538 = arith.mulf %get3A_537, %gather3A_378 : vector<16xf32>
        %add3A_539 = arith.addf %add3A_531, %mul3A_538 : vector<16xf32>
        %add3A_540 = arith.constant 384 : i32
        %add3A_541 = arith.addi %add3A_540, %add3A_346 : i32
        %get3A_542 = arith.index_cast %add3A_541 : i32 to index
        %get3A_543 = arith.constant 48 : index
        %get3A_544 = tpu.vector_load %arg9[%get3A_542, %get3A_543] {strides = array<i32>} : memref<512x64xf32, #tpu.memory_space<vmem>>, vector<1x16xf32>,
        %get3A_545 = vector.shape_cast %get3A_544 : vector<1x16xf32> to vector<16xf32>
        %mul3A_546 = arith.mulf %get3A_545, %gather3A_388 : vector<16xf32>
        %add3A_547 = arith.addf %add3A_539, %mul3A_546 : vector<16xf32>
        %swap3A_548 = arith.index_cast %add3A_346 : i32 to index
        %swap3A_549 = arith.constant 48 : index
        %swap3A_550 = tpu.vector_load %arg11[%swap3A_548, %swap3A_549] {strides = array<i32>} : memref<128x64xf32, #tpu.memory_space<vmem>>, vector<1x16xf32>,
        %swap3A_551 = vector.shape_cast %swap3A_550 : vector<1x16xf32> to vector<16xf32>
        %swap3A_552 = vector.shape_cast %add3A_547 : vector<16xf32> to vector<1x16xf32>
        tpu.vector_store %arg11[%swap3A_548, %swap3A_549], %swap3A_552 {strides = array<i32>} : memref<128x64xf32, #tpu.memory_space<vmem>>, vector<1x16xf32>,
        %add3A_553 = arith.constant 2 : i32
        %add3A_554 = arith.addi %mul3A_96, %add3A_553 : i32
        %broadcast_in_dim3A_555 = arith.constant 2 : i32
        %broadcast_in_dim3A_556 = vector.broadcast %broadcast_in_dim3A_555 : i32 to vector<16xi32>
        %lt3A_557 = arith.constant 0 : i32
        %lt3A_558 = vector.broadcast %lt3A_557 : i32 to vector<16xi32>
        %lt3A_559 = arith.cmpi slt, %broadcast_in_dim3A_556, %lt3A_558 : vector<16xi32>
        %add3A_560 = arith.constant 16 : i32
        %add3A_561 = vector.broadcast %add3A_560 : i32 to vector<16xi32>
        %add3A_562 = arith.addi %broadcast_in_dim3A_556, %add3A_561 : vector<16xi32>
        %select_n3A_563 = arith.select %lt3A_559, %add3A_562, %broadcast_in_dim3A_556 : vector<16xi1>, vector<16xi32>
        %broadcast_in_dim3A_564 = vector.shape_cast %select_n3A_563 : vector<16xi32> to vector<16x1xi32>
        %gather3A_565 = vector.shape_cast %broadcast_in_dim3A_564 : vector<16x1xi32> to vector<16xi32>
        %gather3A_566 = tpu.dynamic_gather %mul3A_138[%gather3A_565] in [0] : vector<16xf32>, vector<16xi32> -> vector<16xf32>
        %lt3A_567 = arith.constant 0 : i32
        %lt3A_568 = vector.broadcast %lt3A_567 : i32 to vector<16xi32>
        %lt3A_569 = arith.cmpi slt, %broadcast_in_dim3A_556, %lt3A_568 : vector<16xi32>
        %add3A_570 = arith.constant 16 : i32
        %add3A_571 = vector.broadcast %add3A_570 : i32 to vector<16xi32>
        %add3A_572 = arith.addi %broadcast_in_dim3A_556, %add3A_571 : vector<16xi32>
        %select_n3A_573 = arith.select %lt3A_569, %add3A_572, %broadcast_in_dim3A_556 : vector<16xi1>, vector<16xi32>
        %broadcast_in_dim3A_574 = vector.shape_cast %select_n3A_573 : vector<16xi32> to vector<16x1xi32>
        %gather3A_575 = vector.shape_cast %broadcast_in_dim3A_574 : vector<16x1xi32> to vector<16xi32>
        %gather3A_576 = tpu.dynamic_gather %mul3A_139[%gather3A_575] in [0] : vector<16xf32>, vector<16xi32> -> vector<16xf32>
        %lt3A_577 = arith.constant 0 : i32
        %lt3A_578 = vector.broadcast %lt3A_577 : i32 to vector<16xi32>
        %lt3A_579 = arith.cmpi slt, %broadcast_in_dim3A_556, %lt3A_578 : vector<16xi32>
        %add3A_580 = arith.constant 16 : i32
        %add3A_581 = vector.broadcast %add3A_580 : i32 to vector<16xi32>
        %add3A_582 = arith.addi %broadcast_in_dim3A_556, %add3A_581 : vector<16xi32>
        %select_n3A_583 = arith.select %lt3A_579, %add3A_582, %broadcast_in_dim3A_556 : vector<16xi1>, vector<16xi32>
        %broadcast_in_dim3A_584 = vector.shape_cast %select_n3A_583 : vector<16xi32> to vector<16x1xi32>
        %gather3A_585 = vector.shape_cast %broadcast_in_dim3A_584 : vector<16x1xi32> to vector<16xi32>
        %gather3A_586 = tpu.dynamic_gather %mul3A_140[%gather3A_585] in [0] : vector<16xf32>, vector<16xi32> -> vector<16xf32>
        %lt3A_587 = arith.constant 0 : i32
        %lt3A_588 = vector.broadcast %lt3A_587 : i32 to vector<16xi32>
        %lt3A_589 = arith.cmpi slt, %broadcast_in_dim3A_556, %lt3A_588 : vector<16xi32>
        %add3A_590 = arith.constant 16 : i32
        %add3A_591 = vector.broadcast %add3A_590 : i32 to vector<16xi32>
        %add3A_592 = arith.addi %broadcast_in_dim3A_556, %add3A_591 : vector<16xi32>
        %select_n3A_593 = arith.select %lt3A_589, %add3A_592, %broadcast_in_dim3A_556 : vector<16xi1>, vector<16xi32>
        %broadcast_in_dim3A_594 = vector.shape_cast %select_n3A_593 : vector<16xi32> to vector<16x1xi32>
        %gather3A_595 = vector.shape_cast %broadcast_in_dim3A_594 : vector<16x1xi32> to vector<16xi32>
        %gather3A_596 = tpu.dynamic_gather %mul3A_141[%gather3A_595] in [0] : vector<16xf32>, vector<16xi32> -> vector<16xf32>
        %get3A_597 = arith.index_cast %add3A_554 : i32 to index
        %get3A_598 = arith.constant 0 : index
        %get3A_599 = tpu.vector_load %arg10[%get3A_597, %get3A_598] {strides = array<i32>} : memref<128x64xf32, #tpu.memory_space<vmem>>, vector<1x16xf32>,
        %get3A_600 = vector.shape_cast %get3A_599 : vector<1x16xf32> to vector<16xf32>
        %add3A_601 = arith.constant 0 : i32
        %add3A_602 = arith.addi %add3A_601, %add3A_554 : i32
        %get3A_603 = arith.index_cast %add3A_602 : i32 to index
        %get3A_604 = arith.constant 0 : index
        %get3A_605 = tpu.vector_load %arg9[%get3A_603, %get3A_604] {strides = array<i32>} : memref<512x64xf32, #tpu.memory_space<vmem>>, vector<1x16xf32>,
        %get3A_606 = vector.shape_cast %get3A_605 : vector<1x16xf32> to vector<16xf32>
        %mul3A_607 = arith.mulf %get3A_606, %gather3A_566 : vector<16xf32>
        %add3A_608 = arith.addf %get3A_600, %mul3A_607 : vector<16xf32>
        %add3A_609 = arith.constant 128 : i32
        %add3A_610 = arith.addi %add3A_609, %add3A_554 : i32
        %get3A_611 = arith.index_cast %add3A_610 : i32 to index
        %get3A_612 = arith.constant 0 : index
        %get3A_613 = tpu.vector_load %arg9[%get3A_611, %get3A_612] {strides = array<i32>} : memref<512x64xf32, #tpu.memory_space<vmem>>, vector<1x16xf32>,
        %get3A_614 = vector.shape_cast %get3A_613 : vector<1x16xf32> to vector<16xf32>
        %mul3A_615 = arith.mulf %get3A_614, %gather3A_576 : vector<16xf32>
        %add3A_616 = arith.addf %add3A_608, %mul3A_615 : vector<16xf32>
        %add3A_617 = arith.constant 256 : i32
        %add3A_618 = arith.addi %add3A_617, %add3A_554 : i32
        %get3A_619 = arith.index_cast %add3A_618 : i32 to index
        %get3A_620 = arith.constant 0 : index
        %get3A_621 = tpu.vector_load %arg9[%get3A_619, %get3A_620] {strides = array<i32>} : memref<512x64xf32, #tpu.memory_space<vmem>>, vector<1x16xf32>,
        %get3A_622 = vector.shape_cast %get3A_621 : vector<1x16xf32> to vector<16xf32>
        %mul3A_623 = arith.mulf %get3A_622, %gather3A_586 : vector<16xf32>
        %add3A_624 = arith.addf %add3A_616, %mul3A_623 : vector<16xf32>
        %add3A_625 = arith.constant 384 : i32
        %add3A_626 = arith.addi %add3A_625, %add3A_554 : i32
        %get3A_627 = arith.index_cast %add3A_626 : i32 to index
        %get3A_628 = arith.constant 0 : index
        %get3A_629 = tpu.vector_load %arg9[%get3A_627, %get3A_628] {strides = array<i32>} : memref<512x64xf32, #tpu.memory_space<vmem>>, vector<1x16xf32>,
        %get3A_630 = vector.shape_cast %get3A_629 : vector<1x16xf32> to vector<16xf32>
        %mul3A_631 = arith.mulf %get3A_630, %gather3A_596 : vector<16xf32>
        %add3A_632 = arith.addf %add3A_624, %mul3A_631 : vector<16xf32>
        %swap3A_633 = arith.index_cast %add3A_554 : i32 to index
        %swap3A_634 = arith.constant 0 : index
        %swap3A_635 = tpu.vector_load %arg11[%swap3A_633, %swap3A_634] {strides = array<i32>} : memref<128x64xf32, #tpu.memory_space<vmem>>, vector<1x16xf32>,
        %swap3A_636 = vector.shape_cast %swap3A_635 : vector<1x16xf32> to vector<16xf32>
        %swap3A_637 = vector.shape_cast %add3A_632 : vector<16xf32> to vector<1x16xf32>
        tpu.vector_store %arg11[%swap3A_633, %swap3A_634], %swap3A_637 {strides = array<i32>} : memref<128x64xf32, #tpu.memory_space<vmem>>, vector<1x16xf32>,
        %get3A_638 = arith.index_cast %add3A_554 : i32 to index
        %get3A_639 = arith.constant 16 : index
        %get3A_640 = tpu.vector_load %arg10[%get3A_638, %get3A_639] {strides = array<i32>} : memref<128x64xf32, #tpu.memory_space<vmem>>, vector<1x16xf32>,
        %get3A_641 = vector.shape_cast %get3A_640 : vector<1x16xf32> to vector<16xf32>
        %add3A_642 = arith.constant 0 : i32
        %add3A_643 = arith.addi %add3A_642, %add3A_554 : i32
        %get3A_644 = arith.index_cast %add3A_643 : i32 to index
        %get3A_645 = arith.constant 16 : index
        %get3A_646 = tpu.vector_load %arg9[%get3A_644, %get3A_645] {strides = array<i32>} : memref<512x64xf32, #tpu.memory_space<vmem>>, vector<1x16xf32>,
        %get3A_647 = vector.shape_cast %get3A_646 : vector<1x16xf32> to vector<16xf32>
        %mul3A_648 = arith.mulf %get3A_647, %gather3A_566 : vector<16xf32>
        %add3A_649 = arith.addf %get3A_641, %mul3A_648 : vector<16xf32>
        %add3A_650 = arith.constant 128 : i32
        %add3A_651 = arith.addi %add3A_650, %add3A_554 : i32
        %get3A_652 = arith.index_cast %add3A_651 : i32 to index
        %get3A_653 = arith.constant 16 : index
        %get3A_654 = tpu.vector_load %arg9[%get3A_652, %get3A_653] {strides = array<i32>} : memref<512x64xf32, #tpu.memory_space<vmem>>, vector<1x16xf32>,
        %get3A_655 = vector.shape_cast %get3A_654 : vector<1x16xf32> to vector<16xf32>
        %mul3A_656 = arith.mulf %get3A_655, %gather3A_576 : vector<16xf32>
        %add3A_657 = arith.addf %add3A_649, %mul3A_656 : vector<16xf32>
        %add3A_658 = arith.constant 256 : i32
        %add3A_659 = arith.addi %add3A_658, %add3A_554 : i32
        %get3A_660 = arith.index_cast %add3A_659 : i32 to index
        %get3A_661 = arith.constant 16 : index
        %get3A_662 = tpu.vector_load %arg9[%get3A_660, %get3A_661] {strides = array<i32>} : memref<512x64xf32, #tpu.memory_space<vmem>>, vector<1x16xf32>,
        %get3A_663 = vector.shape_cast %get3A_662 : vector<1x16xf32> to vector<16xf32>
        %mul3A_664 = arith.mulf %get3A_663, %gather3A_586 : vector<16xf32>
        %add3A_665 = arith.addf %add3A_657, %mul3A_664 : vector<16xf32>
        %add3A_666 = arith.constant 384 : i32
        %add3A_667 = arith.addi %add3A_666, %add3A_554 : i32
        %get3A_668 = arith.index_cast %add3A_667 : i32 to index
        %get3A_669 = arith.constant 16 : index
        %get3A_670 = tpu.vector_load %arg9[%get3A_668, %get3A_669] {strides = array<i32>} : memref<512x64xf32, #tpu.memory_space<vmem>>, vector<1x16xf32>,
        %get3A_671 = vector.shape_cast %get3A_670 : vector<1x16xf32> to vector<16xf32>
        %mul3A_672 = arith.mulf %get3A_671, %gather3A_596 : vector<16xf32>
        %add3A_673 = arith.addf %add3A_665, %mul3A_672 : vector<16xf32>
        %swap3A_674 = arith.index_cast %add3A_554 : i32 to index
        %swap3A_675 = arith.constant 16 : index
        %swap3A_676 = tpu.vector_load %arg11[%swap3A_674, %swap3A_675] {strides = array<i32>} : memref<128x64xf32, #tpu.memory_space<vmem>>, vector<1x16xf32>,
        %swap3A_677 = vector.shape_cast %swap3A_676 : vector<1x16xf32> to vector<16xf32>
        %swap3A_678 = vector.shape_cast %add3A_673 : vector<16xf32> to vector<1x16xf32>
        tpu.vector_store %arg11[%swap3A_674, %swap3A_675], %swap3A_678 {strides = array<i32>} : memref<128x64xf32, #tpu.memory_space<vmem>>, vector<1x16xf32>,
        %get3A_679 = arith.index_cast %add3A_554 : i32 to index
        %get3A_680 = arith.constant 32 : index
        %get3A_681 = tpu.vector_load %arg10[%get3A_679, %get3A_680] {strides = array<i32>} : memref<128x64xf32, #tpu.memory_space<vmem>>, vector<1x16xf32>,
        %get3A_682 = vector.shape_cast %get3A_681 : vector<1x16xf32> to vector<16xf32>
        %add3A_683 = arith.constant 0 : i32
        %add3A_684 = arith.addi %add3A_683, %add3A_554 : i32
        %get3A_685 = arith.index_cast %add3A_684 : i32 to index
        %get3A_686 = arith.constant 32 : index
        %get3A_687 = tpu.vector_load %arg9[%get3A_685, %get3A_686] {strides = array<i32>} : memref<512x64xf32, #tpu.memory_space<vmem>>, vector<1x16xf32>,
        %get3A_688 = vector.shape_cast %get3A_687 : vector<1x16xf32> to vector<16xf32>
        %mul3A_689 = arith.mulf %get3A_688, %gather3A_566 : vector<16xf32>
        %add3A_690 = arith.addf %get3A_682, %mul3A_689 : vector<16xf32>
        %add3A_691 = arith.constant 128 : i32
        %add3A_692 = arith.addi %add3A_691, %add3A_554 : i32
        %get3A_693 = arith.index_cast %add3A_692 : i32 to index
        %get3A_694 = arith.constant 32 : index
        %get3A_695 = tpu.vector_load %arg9[%get3A_693, %get3A_694] {strides = array<i32>} : memref<512x64xf32, #tpu.memory_space<vmem>>, vector<1x16xf32>,
        %get3A_696 = vector.shape_cast %get3A_695 : vector<1x16xf32> to vector<16xf32>
        %mul3A_697 = arith.mulf %get3A_696, %gather3A_576 : vector<16xf32>
        %add3A_698 = arith.addf %add3A_690, %mul3A_697 : vector<16xf32>
        %add3A_699 = arith.constant 256 : i32
        %add3A_700 = arith.addi %add3A_699, %add3A_554 : i32
        %get3A_701 = arith.index_cast %add3A_700 : i32 to index
        %get3A_702 = arith.constant 32 : index
        %get3A_703 = tpu.vector_load %arg9[%get3A_701, %get3A_702] {strides = array<i32>} : memref<512x64xf32, #tpu.memory_space<vmem>>, vector<1x16xf32>,
        %get3A_704 = vector.shape_cast %get3A_703 : vector<1x16xf32> to vector<16xf32>
        %mul3A_705 = arith.mulf %get3A_704, %gather3A_586 : vector<16xf32>
        %add3A_706 = arith.addf %add3A_698, %mul3A_705 : vector<16xf32>
        %add3A_707 = arith.constant 384 : i32
        %add3A_708 = arith.addi %add3A_707, %add3A_554 : i32
        %get3A_709 = arith.index_cast %add3A_708 : i32 to index
        %get3A_710 = arith.constant 32 : index
        %get3A_711 = tpu.vector_load %arg9[%get3A_709, %get3A_710] {strides = array<i32>} : memref<512x64xf32, #tpu.memory_space<vmem>>, vector<1x16xf32>,
        %get3A_712 = vector.shape_cast %get3A_711 : vector<1x16xf32> to vector<16xf32>
        %mul3A_713 = arith.mulf %get3A_712, %gather3A_596 : vector<16xf32>
        %add3A_714 = arith.addf %add3A_706, %mul3A_713 : vector<16xf32>
        %swap3A_715 = arith.index_cast %add3A_554 : i32 to index
        %swap3A_716 = arith.constant 32 : index
        %swap3A_717 = tpu.vector_load %arg11[%swap3A_715, %swap3A_716] {strides = array<i32>} : memref<128x64xf32, #tpu.memory_space<vmem>>, vector<1x16xf32>,
        %swap3A_718 = vector.shape_cast %swap3A_717 : vector<1x16xf32> to vector<16xf32>
        %swap3A_719 = vector.shape_cast %add3A_714 : vector<16xf32> to vector<1x16xf32>
        tpu.vector_store %arg11[%swap3A_715, %swap3A_716], %swap3A_719 {strides = array<i32>} : memref<128x64xf32, #tpu.memory_space<vmem>>, vector<1x16xf32>,
        %get3A_720 = arith.index_cast %add3A_554 : i32 to index
        %get3A_721 = arith.constant 48 : index
        %get3A_722 = tpu.vector_load %arg10[%get3A_720, %get3A_721] {strides = array<i32>} : memref<128x64xf32, #tpu.memory_space<vmem>>, vector<1x16xf32>,
        %get3A_723 = vector.shape_cast %get3A_722 : vector<1x16xf32> to vector<16xf32>
        %add3A_724 = arith.constant 0 : i32
        %add3A_725 = arith.addi %add3A_724, %add3A_554 : i32
        %get3A_726 = arith.index_cast %add3A_725 : i32 to index
        %get3A_727 = arith.constant 48 : index
        %get3A_728 = tpu.vector_load %arg9[%get3A_726, %get3A_727] {strides = array<i32>} : memref<512x64xf32, #tpu.memory_space<vmem>>, vector<1x16xf32>,
        %get3A_729 = vector.shape_cast %get3A_728 : vector<1x16xf32> to vector<16xf32>
        %mul3A_730 = arith.mulf %get3A_729, %gather3A_566 : vector<16xf32>
        %add3A_731 = arith.addf %get3A_723, %mul3A_730 : vector<16xf32>
        %add3A_732 = arith.constant 128 : i32
        %add3A_733 = arith.addi %add3A_732, %add3A_554 : i32
        %get3A_734 = arith.index_cast %add3A_733 : i32 to index
        %get3A_735 = arith.constant 48 : index
        %get3A_736 = tpu.vector_load %arg9[%get3A_734, %get3A_735] {strides = array<i32>} : memref<512x64xf32, #tpu.memory_space<vmem>>, vector<1x16xf32>,
        %get3A_737 = vector.shape_cast %get3A_736 : vector<1x16xf32> to vector<16xf32>
        %mul3A_738 = arith.mulf %get3A_737, %gather3A_576 : vector<16xf32>
        %add3A_739 = arith.addf %add3A_731, %mul3A_738 : vector<16xf32>
        %add3A_740 = arith.constant 256 : i32
        %add3A_741 = arith.addi %add3A_740, %add3A_554 : i32
        %get3A_742 = arith.index_cast %add3A_741 : i32 to index
        %get3A_743 = arith.constant 48 : index
        %get3A_744 = tpu.vector_load %arg9[%get3A_742, %get3A_743] {strides = array<i32>} : memref<512x64xf32, #tpu.memory_space<vmem>>, vector<1x16xf32>,
        %get3A_745 = vector.shape_cast %get3A_744 : vector<1x16xf32> to vector<16xf32>
        %mul3A_746 = arith.mulf %get3A_745, %gather3A_586 : vector<16xf32>
        %add3A_747 = arith.addf %add3A_739, %mul3A_746 : vector<16xf32>
        %add3A_748 = arith.constant 384 : i32
        %add3A_749 = arith.addi %add3A_748, %add3A_554 : i32
        %get3A_750 = arith.index_cast %add3A_749 : i32 to index
        %get3A_751 = arith.constant 48 : index
        %get3A_752 = tpu.vector_load %arg9[%get3A_750, %get3A_751] {strides = array<i32>} : memref<512x64xf32, #tpu.memory_space<vmem>>, vector<1x16xf32>,
        %get3A_753 = vector.shape_cast %get3A_752 : vector<1x16xf32> to vector<16xf32>
        %mul3A_754 = arith.mulf %get3A_753, %gather3A_596 : vector<16xf32>
        %add3A_755 = arith.addf %add3A_747, %mul3A_754 : vector<16xf32>
        %swap3A_756 = arith.index_cast %add3A_554 : i32 to index
        %swap3A_757 = arith.constant 48 : index
        %swap3A_758 = tpu.vector_load %arg11[%swap3A_756, %swap3A_757] {strides = array<i32>} : memref<128x64xf32, #tpu.memory_space<vmem>>, vector<1x16xf32>,
        %swap3A_759 = vector.shape_cast %swap3A_758 : vector<1x16xf32> to vector<16xf32>
        %swap3A_760 = vector.shape_cast %add3A_755 : vector<16xf32> to vector<1x16xf32>
        tpu.vector_store %arg11[%swap3A_756, %swap3A_757], %swap3A_760 {strides = array<i32>} : memref<128x64xf32, #tpu.memory_space<vmem>>, vector<1x16xf32>,
        %add3A_761 = arith.constant 3 : i32
        %add3A_762 = arith.addi %mul3A_96, %add3A_761 : i32
        %broadcast_in_dim3A_763 = arith.constant 3 : i32
        %broadcast_in_dim3A_764 = vector.broadcast %broadcast_in_dim3A_763 : i32 to vector<16xi32>
        %lt3A_765 = arith.constant 0 : i32
        %lt3A_766 = vector.broadcast %lt3A_765 : i32 to vector<16xi32>
        %lt3A_767 = arith.cmpi slt, %broadcast_in_dim3A_764, %lt3A_766 : vector<16xi32>
        %add3A_768 = arith.constant 16 : i32
        %add3A_769 = vector.broadcast %add3A_768 : i32 to vector<16xi32>
        %add3A_770 = arith.addi %broadcast_in_dim3A_764, %add3A_769 : vector<16xi32>
        %select_n3A_771 = arith.select %lt3A_767, %add3A_770, %broadcast_in_dim3A_764 : vector<16xi1>, vector<16xi32>
        %broadcast_in_dim3A_772 = vector.shape_cast %select_n3A_771 : vector<16xi32> to vector<16x1xi32>
        %gather3A_773 = vector.shape_cast %broadcast_in_dim3A_772 : vector<16x1xi32> to vector<16xi32>
        %gather3A_774 = tpu.dynamic_gather %mul3A_138[%gather3A_773] in [0] : vector<16xf32>, vector<16xi32> -> vector<16xf32>
        %lt3A_775 = arith.constant 0 : i32
        %lt3A_776 = vector.broadcast %lt3A_775 : i32 to vector<16xi32>
        %lt3A_777 = arith.cmpi slt, %broadcast_in_dim3A_764, %lt3A_776 : vector<16xi32>
        %add3A_778 = arith.constant 16 : i32
        %add3A_779 = vector.broadcast %add3A_778 : i32 to vector<16xi32>
        %add3A_780 = arith.addi %broadcast_in_dim3A_764, %add3A_779 : vector<16xi32>
        %select_n3A_781 = arith.select %lt3A_777, %add3A_780, %broadcast_in_dim3A_764 : vector<16xi1>, vector<16xi32>
        %broadcast_in_dim3A_782 = vector.shape_cast %select_n3A_781 : vector<16xi32> to vector<16x1xi32>
        %gather3A_783 = vector.shape_cast %broadcast_in_dim3A_782 : vector<16x1xi32> to vector<16xi32>
        %gather3A_784 = tpu.dynamic_gather %mul3A_139[%gather3A_783] in [0] : vector<16xf32>, vector<16xi32> -> vector<16xf32>
        %lt3A_785 = arith.constant 0 : i32
        %lt3A_786 = vector.broadcast %lt3A_785 : i32 to vector<16xi32>
        %lt3A_787 = arith.cmpi slt, %broadcast_in_dim3A_764, %lt3A_786 : vector<16xi32>
        %add3A_788 = arith.constant 16 : i32
        %add3A_789 = vector.broadcast %add3A_788 : i32 to vector<16xi32>
        %add3A_790 = arith.addi %broadcast_in_dim3A_764, %add3A_789 : vector<16xi32>
        %select_n3A_791 = arith.select %lt3A_787, %add3A_790, %broadcast_in_dim3A_764 : vector<16xi1>, vector<16xi32>
        %broadcast_in_dim3A_792 = vector.shape_cast %select_n3A_791 : vector<16xi32> to vector<16x1xi32>
        %gather3A_793 = vector.shape_cast %broadcast_in_dim3A_792 : vector<16x1xi32> to vector<16xi32>
        %gather3A_794 = tpu.dynamic_gather %mul3A_140[%gather3A_793] in [0] : vector<16xf32>, vector<16xi32> -> vector<16xf32>
        %lt3A_795 = arith.constant 0 : i32
        %lt3A_796 = vector.broadcast %lt3A_795 : i32 to vector<16xi32>
        %lt3A_797 = arith.cmpi slt, %broadcast_in_dim3A_764, %lt3A_796 : vector<16xi32>
        %add3A_798 = arith.constant 16 : i32
        %add3A_799 = vector.broadcast %add3A_798 : i32 to vector<16xi32>
        %add3A_800 = arith.addi %broadcast_in_dim3A_764, %add3A_799 : vector<16xi32>
        %select_n3A_801 = arith.select %lt3A_797, %add3A_800, %broadcast_in_dim3A_764 : vector<16xi1>, vector<16xi32>
        %broadcast_in_dim3A_802 = vector.shape_cast %select_n3A_801 : vector<16xi32> to vector<16x1xi32>
        %gather3A_803 = vector.shape_cast %broadcast_in_dim3A_802 : vector<16x1xi32> to vector<16xi32>
        %gather3A_804 = tpu.dynamic_gather %mul3A_141[%gather3A_803] in [0] : vector<16xf32>, vector<16xi32> -> vector<16xf32>
        %get3A_805 = arith.index_cast %add3A_762 : i32 to index
        %get3A_806 = arith.constant 0 : index
        %get3A_807 = tpu.vector_load %arg10[%get3A_805, %get3A_806] {strides = array<i32>} : memref<128x64xf32, #tpu.memory_space<vmem>>, vector<1x16xf32>,
        %get3A_808 = vector.shape_cast %get3A_807 : vector<1x16xf32> to vector<16xf32>
        %add3A_809 = arith.constant 0 : i32
        %add3A_810 = arith.addi %add3A_809, %add3A_762 : i32
        %get3A_811 = arith.index_cast %add3A_810 : i32 to index
        %get3A_812 = arith.constant 0 : index
        %get3A_813 = tpu.vector_load %arg9[%get3A_811, %get3A_812] {strides = array<i32>} : memref<512x64xf32, #tpu.memory_space<vmem>>, vector<1x16xf32>,
        %get3A_814 = vector.shape_cast %get3A_813 : vector<1x16xf32> to vector<16xf32>
        %mul3A_815 = arith.mulf %get3A_814, %gather3A_774 : vector<16xf32>
        %add3A_816 = arith.addf %get3A_808, %mul3A_815 : vector<16xf32>
        %add3A_817 = arith.constant 128 : i32
        %add3A_818 = arith.addi %add3A_817, %add3A_762 : i32
        %get3A_819 = arith.index_cast %add3A_818 : i32 to index
        %get3A_820 = arith.constant 0 : index
        %get3A_821 = tpu.vector_load %arg9[%get3A_819, %get3A_820] {strides = array<i32>} : memref<512x64xf32, #tpu.memory_space<vmem>>, vector<1x16xf32>,
        %get3A_822 = vector.shape_cast %get3A_821 : vector<1x16xf32> to vector<16xf32>
        %mul3A_823 = arith.mulf %get3A_822, %gather3A_784 : vector<16xf32>
        %add3A_824 = arith.addf %add3A_816, %mul3A_823 : vector<16xf32>
        %add3A_825 = arith.constant 256 : i32
        %add3A_826 = arith.addi %add3A_825, %add3A_762 : i32
        %get3A_827 = arith.index_cast %add3A_826 : i32 to index
        %get3A_828 = arith.constant 0 : index
        %get3A_829 = tpu.vector_load %arg9[%get3A_827, %get3A_828] {strides = array<i32>} : memref<512x64xf32, #tpu.memory_space<vmem>>, vector<1x16xf32>,
        %get3A_830 = vector.shape_cast %get3A_829 : vector<1x16xf32> to vector<16xf32>
        %mul3A_831 = arith.mulf %get3A_830, %gather3A_794 : vector<16xf32>
        %add3A_832 = arith.addf %add3A_824, %mul3A_831 : vector<16xf32>
        %add3A_833 = arith.constant 384 : i32
        %add3A_834 = arith.addi %add3A_833, %add3A_762 : i32
        %get3A_835 = arith.index_cast %add3A_834 : i32 to index
        %get3A_836 = arith.constant 0 : index
        %get3A_837 = tpu.vector_load %arg9[%get3A_835, %get3A_836] {strides = array<i32>} : memref<512x64xf32, #tpu.memory_space<vmem>>, vector<1x16xf32>,
        %get3A_838 = vector.shape_cast %get3A_837 : vector<1x16xf32> to vector<16xf32>
        %mul3A_839 = arith.mulf %get3A_838, %gather3A_804 : vector<16xf32>
        %add3A_840 = arith.addf %add3A_832, %mul3A_839 : vector<16xf32>
        %swap3A_841 = arith.index_cast %add3A_762 : i32 to index
        %swap3A_842 = arith.constant 0 : index
        %swap3A_843 = tpu.vector_load %arg11[%swap3A_841, %swap3A_842] {strides = array<i32>} : memref<128x64xf32, #tpu.memory_space<vmem>>, vector<1x16xf32>,
        %swap3A_844 = vector.shape_cast %swap3A_843 : vector<1x16xf32> to vector<16xf32>
        %swap3A_845 = vector.shape_cast %add3A_840 : vector<16xf32> to vector<1x16xf32>
        tpu.vector_store %arg11[%swap3A_841, %swap3A_842], %swap3A_845 {strides = array<i32>} : memref<128x64xf32, #tpu.memory_space<vmem>>, vector<1x16xf32>,
        %get3A_846 = arith.index_cast %add3A_762 : i32 to index
        %get3A_847 = arith.constant 16 : index
        %get3A_848 = tpu.vector_load %arg10[%get3A_846, %get3A_847] {strides = array<i32>} : memref<128x64xf32, #tpu.memory_space<vmem>>, vector<1x16xf32>,
        %get3A_849 = vector.shape_cast %get3A_848 : vector<1x16xf32> to vector<16xf32>
        %add3A_850 = arith.constant 0 : i32
        %add3A_851 = arith.addi %add3A_850, %add3A_762 : i32
        %get3A_852 = arith.index_cast %add3A_851 : i32 to index
        %get3A_853 = arith.constant 16 : index
        %get3A_854 = tpu.vector_load %arg9[%get3A_852, %get3A_853] {strides = array<i32>} : memref<512x64xf32, #tpu.memory_space<vmem>>, vector<1x16xf32>,
        %get3A_855 = vector.shape_cast %get3A_854 : vector<1x16xf32> to vector<16xf32>
        %mul3A_856 = arith.mulf %get3A_855, %gather3A_774 : vector<16xf32>
        %add3A_857 = arith.addf %get3A_849, %mul3A_856 : vector<16xf32>
        %add3A_858 = arith.constant 128 : i32
        %add3A_859 = arith.addi %add3A_858, %add3A_762 : i32
        %get3A_860 = arith.index_cast %add3A_859 : i32 to index
        %get3A_861 = arith.constant 16 : index
        %get3A_862 = tpu.vector_load %arg9[%get3A_860, %get3A_861] {strides = array<i32>} : memref<512x64xf32, #tpu.memory_space<vmem>>, vector<1x16xf32>,
        %get3A_863 = vector.shape_cast %get3A_862 : vector<1x16xf32> to vector<16xf32>
        %mul3A_864 = arith.mulf %get3A_863, %gather3A_784 : vector<16xf32>
        %add3A_865 = arith.addf %add3A_857, %mul3A_864 : vector<16xf32>
        %add3A_866 = arith.constant 256 : i32
        %add3A_867 = arith.addi %add3A_866, %add3A_762 : i32
        %get3A_868 = arith.index_cast %add3A_867 : i32 to index
        %get3A_869 = arith.constant 16 : index
        %get3A_870 = tpu.vector_load %arg9[%get3A_868, %get3A_869] {strides = array<i32>} : memref<512x64xf32, #tpu.memory_space<vmem>>, vector<1x16xf32>,
        %get3A_871 = vector.shape_cast %get3A_870 : vector<1x16xf32> to vector<16xf32>
        %mul3A_872 = arith.mulf %get3A_871, %gather3A_794 : vector<16xf32>
        %add3A_873 = arith.addf %add3A_865, %mul3A_872 : vector<16xf32>
        %add3A_874 = arith.constant 384 : i32
        %add3A_875 = arith.addi %add3A_874, %add3A_762 : i32
        %get3A_876 = arith.index_cast %add3A_875 : i32 to index
        %get3A_877 = arith.constant 16 : index
        %get3A_878 = tpu.vector_load %arg9[%get3A_876, %get3A_877] {strides = array<i32>} : memref<512x64xf32, #tpu.memory_space<vmem>>, vector<1x16xf32>,
        %get3A_879 = vector.shape_cast %get3A_878 : vector<1x16xf32> to vector<16xf32>
        %mul3A_880 = arith.mulf %get3A_879, %gather3A_804 : vector<16xf32>
        %add3A_881 = arith.addf %add3A_873, %mul3A_880 : vector<16xf32>
        %swap3A_882 = arith.index_cast %add3A_762 : i32 to index
        %swap3A_883 = arith.constant 16 : index
        %swap3A_884 = tpu.vector_load %arg11[%swap3A_882, %swap3A_883] {strides = array<i32>} : memref<128x64xf32, #tpu.memory_space<vmem>>, vector<1x16xf32>,
        %swap3A_885 = vector.shape_cast %swap3A_884 : vector<1x16xf32> to vector<16xf32>
        %swap3A_886 = vector.shape_cast %add3A_881 : vector<16xf32> to vector<1x16xf32>
        tpu.vector_store %arg11[%swap3A_882, %swap3A_883], %swap3A_886 {strides = array<i32>} : memref<128x64xf32, #tpu.memory_space<vmem>>, vector<1x16xf32>,
        %get3A_887 = arith.index_cast %add3A_762 : i32 to index
        %get3A_888 = arith.constant 32 : index
        %get3A_889 = tpu.vector_load %arg10[%get3A_887, %get3A_888] {strides = array<i32>} : memref<128x64xf32, #tpu.memory_space<vmem>>, vector<1x16xf32>,
        %get3A_890 = vector.shape_cast %get3A_889 : vector<1x16xf32> to vector<16xf32>
        %add3A_891 = arith.constant 0 : i32
        %add3A_892 = arith.addi %add3A_891, %add3A_762 : i32
        %get3A_893 = arith.index_cast %add3A_892 : i32 to index
        %get3A_894 = arith.constant 32 : index
        %get3A_895 = tpu.vector_load %arg9[%get3A_893, %get3A_894] {strides = array<i32>} : memref<512x64xf32, #tpu.memory_space<vmem>>, vector<1x16xf32>,
        %get3A_896 = vector.shape_cast %get3A_895 : vector<1x16xf32> to vector<16xf32>
        %mul3A_897 = arith.mulf %get3A_896, %gather3A_774 : vector<16xf32>
        %add3A_898 = arith.addf %get3A_890, %mul3A_897 : vector<16xf32>
        %add3A_899 = arith.constant 128 : i32
        %add3A_900 = arith.addi %add3A_899, %add3A_762 : i32
        %get3A_901 = arith.index_cast %add3A_900 : i32 to index
        %get3A_902 = arith.constant 32 : index
        %get3A_903 = tpu.vector_load %arg9[%get3A_901, %get3A_902] {strides = array<i32>} : memref<512x64xf32, #tpu.memory_space<vmem>>, vector<1x16xf32>,
        %get3A_904 = vector.shape_cast %get3A_903 : vector<1x16xf32> to vector<16xf32>
        %mul3A_905 = arith.mulf %get3A_904, %gather3A_784 : vector<16xf32>
        %add3A_906 = arith.addf %add3A_898, %mul3A_905 : vector<16xf32>
        %add3A_907 = arith.constant 256 : i32
        %add3A_908 = arith.addi %add3A_907, %add3A_762 : i32
        %get3A_909 = arith.index_cast %add3A_908 : i32 to index
        %get3A_910 = arith.constant 32 : index
        %get3A_911 = tpu.vector_load %arg9[%get3A_909, %get3A_910] {strides = array<i32>} : memref<512x64xf32, #tpu.memory_space<vmem>>, vector<1x16xf32>,
        %get3A_912 = vector.shape_cast %get3A_911 : vector<1x16xf32> to vector<16xf32>
        %mul3A_913 = arith.mulf %get3A_912, %gather3A_794 : vector<16xf32>
        %add3A_914 = arith.addf %add3A_906, %mul3A_913 : vector<16xf32>
        %add3A_915 = arith.constant 384 : i32
        %add3A_916 = arith.addi %add3A_915, %add3A_762 : i32
        %get3A_917 = arith.index_cast %add3A_916 : i32 to index
        %get3A_918 = arith.constant 32 : index
        %get3A_919 = tpu.vector_load %arg9[%get3A_917, %get3A_918] {strides = array<i32>} : memref<512x64xf32, #tpu.memory_space<vmem>>, vector<1x16xf32>,
        %get3A_920 = vector.shape_cast %get3A_919 : vector<1x16xf32> to vector<16xf32>
        %mul3A_921 = arith.mulf %get3A_920, %gather3A_804 : vector<16xf32>
        %add3A_922 = arith.addf %add3A_914, %mul3A_921 : vector<16xf32>
        %swap3A_923 = arith.index_cast %add3A_762 : i32 to index
        %swap3A_924 = arith.constant 32 : index
        %swap3A_925 = tpu.vector_load %arg11[%swap3A_923, %swap3A_924] {strides = array<i32>} : memref<128x64xf32, #tpu.memory_space<vmem>>, vector<1x16xf32>,
        %swap3A_926 = vector.shape_cast %swap3A_925 : vector<1x16xf32> to vector<16xf32>
        %swap3A_927 = vector.shape_cast %add3A_922 : vector<16xf32> to vector<1x16xf32>
        tpu.vector_store %arg11[%swap3A_923, %swap3A_924], %swap3A_927 {strides = array<i32>} : memref<128x64xf32, #tpu.memory_space<vmem>>, vector<1x16xf32>,
        %get3A_928 = arith.index_cast %add3A_762 : i32 to index
        %get3A_929 = arith.constant 48 : index
        %get3A_930 = tpu.vector_load %arg10[%get3A_928, %get3A_929] {strides = array<i32>} : memref<128x64xf32, #tpu.memory_space<vmem>>, vector<1x16xf32>,
        %get3A_931 = vector.shape_cast %get3A_930 : vector<1x16xf32> to vector<16xf32>
        %add3A_932 = arith.constant 0 : i32
        %add3A_933 = arith.addi %add3A_932, %add3A_762 : i32
        %get3A_934 = arith.index_cast %add3A_933 : i32 to index
        %get3A_935 = arith.constant 48 : index
        %get3A_936 = tpu.vector_load %arg9[%get3A_934, %get3A_935] {strides = array<i32>} : memref<512x64xf32, #tpu.memory_space<vmem>>, vector<1x16xf32>,
        %get3A_937 = vector.shape_cast %get3A_936 : vector<1x16xf32> to vector<16xf32>
        %mul3A_938 = arith.mulf %get3A_937, %gather3A_774 : vector<16xf32>
        %add3A_939 = arith.addf %get3A_931, %mul3A_938 : vector<16xf32>
        %add3A_940 = arith.constant 128 : i32
        %add3A_941 = arith.addi %add3A_940, %add3A_762 : i32
        %get3A_942 = arith.index_cast %add3A_941 : i32 to index
        %get3A_943 = arith.constant 48 : index
        %get3A_944 = tpu.vector_load %arg9[%get3A_942, %get3A_943] {strides = array<i32>} : memref<512x64xf32, #tpu.memory_space<vmem>>, vector<1x16xf32>,
        %get3A_945 = vector.shape_cast %get3A_944 : vector<1x16xf32> to vector<16xf32>
        %mul3A_946 = arith.mulf %get3A_945, %gather3A_784 : vector<16xf32>
        %add3A_947 = arith.addf %add3A_939, %mul3A_946 : vector<16xf32>
        %add3A_948 = arith.constant 256 : i32
        %add3A_949 = arith.addi %add3A_948, %add3A_762 : i32
        %get3A_950 = arith.index_cast %add3A_949 : i32 to index
        %get3A_951 = arith.constant 48 : index
        %get3A_952 = tpu.vector_load %arg9[%get3A_950, %get3A_951] {strides = array<i32>} : memref<512x64xf32, #tpu.memory_space<vmem>>, vector<1x16xf32>,
        %get3A_953 = vector.shape_cast %get3A_952 : vector<1x16xf32> to vector<16xf32>
        %mul3A_954 = arith.mulf %get3A_953, %gather3A_794 : vector<16xf32>
        %add3A_955 = arith.addf %add3A_947, %mul3A_954 : vector<16xf32>
        %add3A_956 = arith.constant 384 : i32
        %add3A_957 = arith.addi %add3A_956, %add3A_762 : i32
        %get3A_958 = arith.index_cast %add3A_957 : i32 to index
        %get3A_959 = arith.constant 48 : index
        %get3A_960 = tpu.vector_load %arg9[%get3A_958, %get3A_959] {strides = array<i32>} : memref<512x64xf32, #tpu.memory_space<vmem>>, vector<1x16xf32>,
        %get3A_961 = vector.shape_cast %get3A_960 : vector<1x16xf32> to vector<16xf32>
        %mul3A_962 = arith.mulf %get3A_961, %gather3A_804 : vector<16xf32>
        %add3A_963 = arith.addf %add3A_955, %mul3A_962 : vector<16xf32>
        %swap3A_964 = arith.index_cast %add3A_762 : i32 to index
        %swap3A_965 = arith.constant 48 : index
        %swap3A_966 = tpu.vector_load %arg11[%swap3A_964, %swap3A_965] {strides = array<i32>} : memref<128x64xf32, #tpu.memory_space<vmem>>, vector<1x16xf32>,
        %swap3A_967 = vector.shape_cast %swap3A_966 : vector<1x16xf32> to vector<16xf32>
        %swap3A_968 = vector.shape_cast %add3A_963 : vector<16xf32> to vector<1x16xf32>
        tpu.vector_store %arg11[%swap3A_964, %swap3A_965], %swap3A_968 {strides = array<i32>} : memref<128x64xf32, #tpu.memory_space<vmem>>, vector<1x16xf32>,
        %add3A_969 = arith.constant 4 : i32
        %add3A_970 = arith.addi %mul3A_96, %add3A_969 : i32
        %broadcast_in_dim3A_971 = arith.constant 4 : i32
        %broadcast_in_dim3A_972 = vector.broadcast %broadcast_in_dim3A_971 : i32 to vector<16xi32>
        %lt3A_973 = arith.constant 0 : i32
        %lt3A_974 = vector.broadcast %lt3A_973 : i32 to vector<16xi32>
        %lt3A_975 = arith.cmpi slt, %broadcast_in_dim3A_972, %lt3A_974 : vector<16xi32>
        %add3A_976 = arith.constant 16 : i32
        %add3A_977 = vector.broadcast %add3A_976 : i32 to vector<16xi32>
        %add3A_978 = arith.addi %broadcast_in_dim3A_972, %add3A_977 : vector<16xi32>
        %select_n3A_979 = arith.select %lt3A_975, %add3A_978, %broadcast_in_dim3A_972 : vector<16xi1>, vector<16xi32>
        %broadcast_in_dim3A_980 = vector.shape_cast %select_n3A_979 : vector<16xi32> to vector<16x1xi32>
        %gather3A_981 = vector.shape_cast %broadcast_in_dim3A_980 : vector<16x1xi32> to vector<16xi32>
        %gather3A_982 = tpu.dynamic_gather %mul3A_138[%gather3A_981] in [0] : vector<16xf32>, vector<16xi32> -> vector<16xf32>
        %lt3A_983 = arith.constant 0 : i32
        %lt3A_984 = vector.broadcast %lt3A_983 : i32 to vector<16xi32>
        %lt3A_985 = arith.cmpi slt, %broadcast_in_dim3A_972, %lt3A_984 : vector<16xi32>
        %add3A_986 = arith.constant 16 : i32
        %add3A_987 = vector.broadcast %add3A_986 : i32 to vector<16xi32>
        %add3A_988 = arith.addi %broadcast_in_dim3A_972, %add3A_987 : vector<16xi32>
        %select_n3A_989 = arith.select %lt3A_985, %add3A_988, %broadcast_in_dim3A_972 : vector<16xi1>, vector<16xi32>
        %broadcast_in_dim3A_990 = vector.shape_cast %select_n3A_989 : vector<16xi32> to vector<16x1xi32>
        %gather3A_991 = vector.shape_cast %broadcast_in_dim3A_990 : vector<16x1xi32> to vector<16xi32>
        %gather3A_992 = tpu.dynamic_gather %mul3A_139[%gather3A_991] in [0] : vector<16xf32>, vector<16xi32> -> vector<16xf32>
        %lt3A_993 = arith.constant 0 : i32
        %lt3A_994 = vector.broadcast %lt3A_993 : i32 to vector<16xi32>
        %lt3A_995 = arith.cmpi slt, %broadcast_in_dim3A_972, %lt3A_994 : vector<16xi32>
        %add3A_996 = arith.constant 16 : i32
        %add3A_997 = vector.broadcast %add3A_996 : i32 to vector<16xi32>
        %add3A_998 = arith.addi %broadcast_in_dim3A_972, %add3A_997 : vector<16xi32>
        %select_n3A_999 = arith.select %lt3A_995, %add3A_998, %broadcast_in_dim3A_972 : vector<16xi1>, vector<16xi32>
        %broadcast_in_dim3A_1000 = vector.shape_cast %select_n3A_999 : vector<16xi32> to vector<16x1xi32>
        %gather3A_1001 = vector.shape_cast %broadcast_in_dim3A_1000 : vector<16x1xi32> to vector<16xi32>
        %gather3A_1002 = tpu.dynamic_gather %mul3A_140[%gather3A_1001] in [0] : vector<16xf32>, vector<16xi32> -> vector<16xf32>
        %lt3A_1003 = arith.constant 0 : i32
        %lt3A_1004 = vector.broadcast %lt3A_1003 : i32 to vector<16xi32>
        %lt3A_1005 = arith.cmpi slt, %broadcast_in_dim3A_972, %lt3A_1004 : vector<16xi32>
        %add3A_1006 = arith.constant 16 : i32
        %add3A_1007 = vector.broadcast %add3A_1006 : i32 to vector<16xi32>
        %add3A_1008 = arith.addi %broadcast_in_dim3A_972, %add3A_1007 : vector<16xi32>
        %select_n3A_1009 = arith.select %lt3A_1005, %add3A_1008, %broadcast_in_dim3A_972 : vector<16xi1>, vector<16xi32>
        %broadcast_in_dim3A_1010 = vector.shape_cast %select_n3A_1009 : vector<16xi32> to vector<16x1xi32>
        %gather3A_1011 = vector.shape_cast %broadcast_in_dim3A_1010 : vector<16x1xi32> to vector<16xi32>
        %gather3A_1012 = tpu.dynamic_gather %mul3A_141[%gather3A_1011] in [0] : vector<16xf32>, vector<16xi32> -> vector<16xf32>
        %get3A_1013 = arith.index_cast %add3A_970 : i32 to index
        %get3A_1014 = arith.constant 0 : index
        %get3A_1015 = tpu.vector_load %arg10[%get3A_1013, %get3A_1014] {strides = array<i32>} : memref<128x64xf32, #tpu.memory_space<vmem>>, vector<1x16xf32>,
        %get3A_1016 = vector.shape_cast %get3A_1015 : vector<1x16xf32> to vector<16xf32>
        %add3A_1017 = arith.constant 0 : i32
        %add3A_1018 = arith.addi %add3A_1017, %add3A_970 : i32
        %get3A_1019 = arith.index_cast %add3A_1018 : i32 to index
        %get3A_1020 = arith.constant 0 : index
        %get3A_1021 = tpu.vector_load %arg9[%get3A_1019, %get3A_1020] {strides = array<i32>} : memref<512x64xf32, #tpu.memory_space<vmem>>, vector<1x16xf32>,
        %get3A_1022 = vector.shape_cast %get3A_1021 : vector<1x16xf32> to vector<16xf32>
        %mul3A_1023 = arith.mulf %get3A_1022, %gather3A_982 : vector<16xf32>
        %add3A_1024 = arith.addf %get3A_1016, %mul3A_1023 : vector<16xf32>
        %add3A_1025 = arith.constant 128 : i32
        %add3A_1026 = arith.addi %add3A_1025, %add3A_970 : i32
        %get3A_1027 = arith.index_cast %add3A_1026 : i32 to index
        %get3A_1028 = arith.constant 0 : index
        %get3A_1029 = tpu.vector_load %arg9[%get3A_1027, %get3A_1028] {strides = array<i32>} : memref<512x64xf32, #tpu.memory_space<vmem>>, vector<1x16xf32>,
        %get3A_1030 = vector.shape_cast %get3A_1029 : vector<1x16xf32> to vector<16xf32>
        %mul3A_1031 = arith.mulf %get3A_1030, %gather3A_992 : vector<16xf32>
        %add3A_1032 = arith.addf %add3A_1024, %mul3A_1031 : vector<16xf32>
        %add3A_1033 = arith.constant 256 : i32
        %add3A_1034 = arith.addi %add3A_1033, %add3A_970 : i32
        %get3A_1035 = arith.index_cast %add3A_1034 : i32 to index
        %get3A_1036 = arith.constant 0 : index
        %get3A_1037 = tpu.vector_load %arg9[%get3A_1035, %get3A_1036] {strides = array<i32>} : memref<512x64xf32, #tpu.memory_space<vmem>>, vector<1x16xf32>,
        %get3A_1038 = vector.shape_cast %get3A_1037 : vector<1x16xf32> to vector<16xf32>
        %mul3A_1039 = arith.mulf %get3A_1038, %gather3A_1002 : vector<16xf32>
        %add3A_1040 = arith.addf %add3A_1032, %mul3A_1039 : vector<16xf32>
        %add3A_1041 = arith.constant 384 : i32
        %add3A_1042 = arith.addi %add3A_1041, %add3A_970 : i32
        %get3A_1043 = arith.index_cast %add3A_1042 : i32 to index
        %get3A_1044 = arith.constant 0 : index
        %get3A_1045 = tpu.vector_load %arg9[%get3A_1043, %get3A_1044] {strides = array<i32>} : memref<512x64xf32, #tpu.memory_space<vmem>>, vector<1x16xf32>,
        %get3A_1046 = vector.shape_cast %get3A_1045 : vector<1x16xf32> to vector<16xf32>
        %mul3A_1047 = arith.mulf %get3A_1046, %gather3A_1012 : vector<16xf32>
        %add3A_1048 = arith.addf %add3A_1040, %mul3A_1047 : vector<16xf32>
        %swap3A_1049 = arith.index_cast %add3A_970 : i32 to index
        %swap3A_1050 = arith.constant 0 : index
        %swap3A_1051 = tpu.vector_load %arg11[%swap3A_1049, %swap3A_1050] {strides = array<i32>} : memref<128x64xf32, #tpu.memory_space<vmem>>, vector<1x16xf32>,
        %swap3A_1052 = vector.shape_cast %swap3A_1051 : vector<1x16xf32> to vector<16xf32>
        %swap3A_1053 = vector.shape_cast %add3A_1048 : vector<16xf32> to vector<1x16xf32>
        tpu.vector_store %arg11[%swap3A_1049, %swap3A_1050], %swap3A_1053 {strides = array<i32>} : memref<128x64xf32, #tpu.memory_space<vmem>>, vector<1x16xf32>,
        %get3A_1054 = arith.index_cast %add3A_970 : i32 to index
        %get3A_1055 = arith.constant 16 : index
        %get3A_1056 = tpu.vector_load %arg10[%get3A_1054, %get3A_1055] {strides = array<i32>} : memref<128x64xf32, #tpu.memory_space<vmem>>, vector<1x16xf32>,
        %get3A_1057 = vector.shape_cast %get3A_1056 : vector<1x16xf32> to vector<16xf32>
        %add3A_1058 = arith.constant 0 : i32
        %add3A_1059 = arith.addi %add3A_1058, %add3A_970 : i32
        %get3A_1060 = arith.index_cast %add3A_1059 : i32 to index
        %get3A_1061 = arith.constant 16 : index
        %get3A_1062 = tpu.vector_load %arg9[%get3A_1060, %get3A_1061] {strides = array<i32>} : memref<512x64xf32, #tpu.memory_space<vmem>>, vector<1x16xf32>,
        %get3A_1063 = vector.shape_cast %get3A_1062 : vector<1x16xf32> to vector<16xf32>
        %mul3A_1064 = arith.mulf %get3A_1063, %gather3A_982 : vector<16xf32>
        %add3A_1065 = arith.addf %get3A_1057, %mul3A_1064 : vector<16xf32>
        %add3A_1066 = arith.constant 128 : i32
        %add3A_1067 = arith.addi %add3A_1066, %add3A_970 : i32
        %get3A_1068 = arith.index_cast %add3A_1067 : i32 to index
        %get3A_1069 = arith.constant 16 : index
        %get3A_1070 = tpu.vector_load %arg9[%get3A_1068, %get3A_1069] {strides = array<i32>} : memref<512x64xf32, #tpu.memory_space<vmem>>, vector<1x16xf32>,
        %get3A_1071 = vector.shape_cast %get3A_1070 : vector<1x16xf32> to vector<16xf32>
        %mul3A_1072 = arith.mulf %get3A_1071, %gather3A_992 : vector<16xf32>
        %add3A_1073 = arith.addf %add3A_1065, %mul3A_1072 : vector<16xf32>
        %add3A_1074 = arith.constant 256 : i32
        %add3A_1075 = arith.addi %add3A_1074, %add3A_970 : i32
        %get3A_1076 = arith.index_cast %add3A_1075 : i32 to index
        %get3A_1077 = arith.constant 16 : index
        %get3A_1078 = tpu.vector_load %arg9[%get3A_1076, %get3A_1077] {strides = array<i32>} : memref<512x64xf32, #tpu.memory_space<vmem>>, vector<1x16xf32>,
        %get3A_1079 = vector.shape_cast %get3A_1078 : vector<1x16xf32> to vector<16xf32>
        %mul3A_1080 = arith.mulf %get3A_1079, %gather3A_1002 : vector<16xf32>
        %add3A_1081 = arith.addf %add3A_1073, %mul3A_1080 : vector<16xf32>
        %add3A_1082 = arith.constant 384 : i32
        %add3A_1083 = arith.addi %add3A_1082, %add3A_970 : i32
        %get3A_1084 = arith.index_cast %add3A_1083 : i32 to index
        %get3A_1085 = arith.constant 16 : index
        %get3A_1086 = tpu.vector_load %arg9[%get3A_1084, %get3A_1085] {strides = array<i32>} : memref<512x64xf32, #tpu.memory_space<vmem>>, vector<1x16xf32>,
        %get3A_1087 = vector.shape_cast %get3A_1086 : vector<1x16xf32> to vector<16xf32>
        %mul3A_1088 = arith.mulf %get3A_1087, %gather3A_1012 : vector<16xf32>
        %add3A_1089 = arith.addf %add3A_1081, %mul3A_1088 : vector<16xf32>
        %swap3A_1090 = arith.index_cast %add3A_970 : i32 to index
        %swap3A_1091 = arith.constant 16 : index
        %swap3A_1092 = tpu.vector_load %arg11[%swap3A_1090, %swap3A_1091] {strides = array<i32>} : memref<128x64xf32, #tpu.memory_space<vmem>>, vector<1x16xf32>,
        %swap3A_1093 = vector.shape_cast %swap3A_1092 : vector<1x16xf32> to vector<16xf32>
        %swap3A_1094 = vector.shape_cast %add3A_1089 : vector<16xf32> to vector<1x16xf32>
        tpu.vector_store %arg11[%swap3A_1090, %swap3A_1091], %swap3A_1094 {strides = array<i32>} : memref<128x64xf32, #tpu.memory_space<vmem>>, vector<1x16xf32>,
        %get3A_1095 = arith.index_cast %add3A_970 : i32 to index
        %get3A_1096 = arith.constant 32 : index
        %get3A_1097 = tpu.vector_load %arg10[%get3A_1095, %get3A_1096] {strides = array<i32>} : memref<128x64xf32, #tpu.memory_space<vmem>>, vector<1x16xf32>,
        %get3A_1098 = vector.shape_cast %get3A_1097 : vector<1x16xf32> to vector<16xf32>
        %add3A_1099 = arith.constant 0 : i32
        %add3A_1100 = arith.addi %add3A_1099, %add3A_970 : i32
        %get3A_1101 = arith.index_cast %add3A_1100 : i32 to index
        %get3A_1102 = arith.constant 32 : index
        %get3A_1103 = tpu.vector_load %arg9[%get3A_1101, %get3A_1102] {strides = array<i32>} : memref<512x64xf32, #tpu.memory_space<vmem>>, vector<1x16xf32>,
        %get3A_1104 = vector.shape_cast %get3A_1103 : vector<1x16xf32> to vector<16xf32>
        %mul3A_1105 = arith.mulf %get3A_1104, %gather3A_982 : vector<16xf32>
        %add3A_1106 = arith.addf %get3A_1098, %mul3A_1105 : vector<16xf32>
        %add3A_1107 = arith.constant 128 : i32
        %add3A_1108 = arith.addi %add3A_1107, %add3A_970 : i32
        %get3A_1109 = arith.index_cast %add3A_1108 : i32 to index
        %get3A_1110 = arith.constant 32 : index
        %get3A_1111 = tpu.vector_load %arg9[%get3A_1109, %get3A_1110] {strides = array<i32>} : memref<512x64xf32, #tpu.memory_space<vmem>>, vector<1x16xf32>,
        %get3A_1112 = vector.shape_cast %get3A_1111 : vector<1x16xf32> to vector<16xf32>
        %mul3A_1113 = arith.mulf %get3A_1112, %gather3A_992 : vector<16xf32>
        %add3A_1114 = arith.addf %add3A_1106, %mul3A_1113 : vector<16xf32>
        %add3A_1115 = arith.constant 256 : i32
        %add3A_1116 = arith.addi %add3A_1115, %add3A_970 : i32
        %get3A_1117 = arith.index_cast %add3A_1116 : i32 to index
        %get3A_1118 = arith.constant 32 : index
        %get3A_1119 = tpu.vector_load %arg9[%get3A_1117, %get3A_1118] {strides = array<i32>} : memref<512x64xf32, #tpu.memory_space<vmem>>, vector<1x16xf32>,
        %get3A_1120 = vector.shape_cast %get3A_1119 : vector<1x16xf32> to vector<16xf32>
        %mul3A_1121 = arith.mulf %get3A_1120, %gather3A_1002 : vector<16xf32>
        %add3A_1122 = arith.addf %add3A_1114, %mul3A_1121 : vector<16xf32>
        %add3A_1123 = arith.constant 384 : i32
        %add3A_1124 = arith.addi %add3A_1123, %add3A_970 : i32
        %get3A_1125 = arith.index_cast %add3A_1124 : i32 to index
        %get3A_1126 = arith.constant 32 : index
        %get3A_1127 = tpu.vector_load %arg9[%get3A_1125, %get3A_1126] {strides = array<i32>} : memref<512x64xf32, #tpu.memory_space<vmem>>, vector<1x16xf32>,
        %get3A_1128 = vector.shape_cast %get3A_1127 : vector<1x16xf32> to vector<16xf32>
        %mul3A_1129 = arith.mulf %get3A_1128, %gather3A_1012 : vector<16xf32>
        %add3A_1130 = arith.addf %add3A_1122, %mul3A_1129 : vector<16xf32>
        %swap3A_1131 = arith.index_cast %add3A_970 : i32 to index
        %swap3A_1132 = arith.constant 32 : index
        %swap3A_1133 = tpu.vector_load %arg11[%swap3A_1131, %swap3A_1132] {strides = array<i32>} : memref<128x64xf32, #tpu.memory_space<vmem>>, vector<1x16xf32>,
        %swap3A_1134 = vector.shape_cast %swap3A_1133 : vector<1x16xf32> to vector<16xf32>
        %swap3A_1135 = vector.shape_cast %add3A_1130 : vector<16xf32> to vector<1x16xf32>
        tpu.vector_store %arg11[%swap3A_1131, %swap3A_1132], %swap3A_1135 {strides = array<i32>} : memref<128x64xf32, #tpu.memory_space<vmem>>, vector<1x16xf32>,
        %get3A_1136 = arith.index_cast %add3A_970 : i32 to index
        %get3A_1137 = arith.constant 48 : index
        %get3A_1138 = tpu.vector_load %arg10[%get3A_1136, %get3A_1137] {strides = array<i32>} : memref<128x64xf32, #tpu.memory_space<vmem>>, vector<1x16xf32>,
        %get3A_1139 = vector.shape_cast %get3A_1138 : vector<1x16xf32> to vector<16xf32>
        %add3A_1140 = arith.constant 0 : i32
        %add3A_1141 = arith.addi %add3A_1140, %add3A_970 : i32
        %get3A_1142 = arith.index_cast %add3A_1141 : i32 to index
        %get3A_1143 = arith.constant 48 : index
        %get3A_1144 = tpu.vector_load %arg9[%get3A_1142, %get3A_1143] {strides = array<i32>} : memref<512x64xf32, #tpu.memory_space<vmem>>, vector<1x16xf32>,
        %get3A_1145 = vector.shape_cast %get3A_1144 : vector<1x16xf32> to vector<16xf32>
        %mul3A_1146 = arith.mulf %get3A_1145, %gather3A_982 : vector<16xf32>
        %add3A_1147 = arith.addf %get3A_1139, %mul3A_1146 : vector<16xf32>
        %add3A_1148 = arith.constant 128 : i32
        %add3A_1149 = arith.addi %add3A_1148, %add3A_970 : i32
        %get3A_1150 = arith.index_cast %add3A_1149 : i32 to index
        %get3A_1151 = arith.constant 48 : index
        %get3A_1152 = tpu.vector_load %arg9[%get3A_1150, %get3A_1151] {strides = array<i32>} : memref<512x64xf32, #tpu.memory_space<vmem>>, vector<1x16xf32>,
        %get3A_1153 = vector.shape_cast %get3A_1152 : vector<1x16xf32> to vector<16xf32>
        %mul3A_1154 = arith.mulf %get3A_1153, %gather3A_992 : vector<16xf32>
        %add3A_1155 = arith.addf %add3A_1147, %mul3A_1154 : vector<16xf32>
        %add3A_1156 = arith.constant 256 : i32
        %add3A_1157 = arith.addi %add3A_1156, %add3A_970 : i32
        %get3A_1158 = arith.index_cast %add3A_1157 : i32 to index
        %get3A_1159 = arith.constant 48 : index
        %get3A_1160 = tpu.vector_load %arg9[%get3A_1158, %get3A_1159] {strides = array<i32>} : memref<512x64xf32, #tpu.memory_space<vmem>>, vector<1x16xf32>,
        %get3A_1161 = vector.shape_cast %get3A_1160 : vector<1x16xf32> to vector<16xf32>
        %mul3A_1162 = arith.mulf %get3A_1161, %gather3A_1002 : vector<16xf32>
        %add3A_1163 = arith.addf %add3A_1155, %mul3A_1162 : vector<16xf32>
        %add3A_1164 = arith.constant 384 : i32
        %add3A_1165 = arith.addi %add3A_1164, %add3A_970 : i32
        %get3A_1166 = arith.index_cast %add3A_1165 : i32 to index
        %get3A_1167 = arith.constant 48 : index
        %get3A_1168 = tpu.vector_load %arg9[%get3A_1166, %get3A_1167] {strides = array<i32>} : memref<512x64xf32, #tpu.memory_space<vmem>>, vector<1x16xf32>,
        %get3A_1169 = vector.shape_cast %get3A_1168 : vector<1x16xf32> to vector<16xf32>
        %mul3A_1170 = arith.mulf %get3A_1169, %gather3A_1012 : vector<16xf32>
        %add3A_1171 = arith.addf %add3A_1163, %mul3A_1170 : vector<16xf32>
        %swap3A_1172 = arith.index_cast %add3A_970 : i32 to index
        %swap3A_1173 = arith.constant 48 : index
        %swap3A_1174 = tpu.vector_load %arg11[%swap3A_1172, %swap3A_1173] {strides = array<i32>} : memref<128x64xf32, #tpu.memory_space<vmem>>, vector<1x16xf32>,
        %swap3A_1175 = vector.shape_cast %swap3A_1174 : vector<1x16xf32> to vector<16xf32>
        %swap3A_1176 = vector.shape_cast %add3A_1171 : vector<16xf32> to vector<1x16xf32>
        tpu.vector_store %arg11[%swap3A_1172, %swap3A_1173], %swap3A_1176 {strides = array<i32>} : memref<128x64xf32, #tpu.memory_space<vmem>>, vector<1x16xf32>,
        %add3A_1177 = arith.constant 5 : i32
        %add3A_1178 = arith.addi %mul3A_96, %add3A_1177 : i32
        %broadcast_in_dim3A_1179 = arith.constant 5 : i32
        %broadcast_in_dim3A_1180 = vector.broadcast %broadcast_in_dim3A_1179 : i32 to vector<16xi32>
        %lt3A_1181 = arith.constant 0 : i32
        %lt3A_1182 = vector.broadcast %lt3A_1181 : i32 to vector<16xi32>
        %lt3A_1183 = arith.cmpi slt, %broadcast_in_dim3A_1180, %lt3A_1182 : vector<16xi32>
        %add3A_1184 = arith.constant 16 : i32
        %add3A_1185 = vector.broadcast %add3A_1184 : i32 to vector<16xi32>
        %add3A_1186 = arith.addi %broadcast_in_dim3A_1180, %add3A_1185 : vector<16xi32>
        %select_n3A_1187 = arith.select %lt3A_1183, %add3A_1186, %broadcast_in_dim3A_1180 : vector<16xi1>, vector<16xi32>
        %broadcast_in_dim3A_1188 = vector.shape_cast %select_n3A_1187 : vector<16xi32> to vector<16x1xi32>
        %gather3A_1189 = vector.shape_cast %broadcast_in_dim3A_1188 : vector<16x1xi32> to vector<16xi32>
        %gather3A_1190 = tpu.dynamic_gather %mul3A_138[%gather3A_1189] in [0] : vector<16xf32>, vector<16xi32> -> vector<16xf32>
        %lt3A_1191 = arith.constant 0 : i32
        %lt3A_1192 = vector.broadcast %lt3A_1191 : i32 to vector<16xi32>
        %lt3A_1193 = arith.cmpi slt, %broadcast_in_dim3A_1180, %lt3A_1192 : vector<16xi32>
        %add3A_1194 = arith.constant 16 : i32
        %add3A_1195 = vector.broadcast %add3A_1194 : i32 to vector<16xi32>
        %add3A_1196 = arith.addi %broadcast_in_dim3A_1180, %add3A_1195 : vector<16xi32>
        %select_n3A_1197 = arith.select %lt3A_1193, %add3A_1196, %broadcast_in_dim3A_1180 : vector<16xi1>, vector<16xi32>
        %broadcast_in_dim3A_1198 = vector.shape_cast %select_n3A_1197 : vector<16xi32> to vector<16x1xi32>
        %gather3A_1199 = vector.shape_cast %broadcast_in_dim3A_1198 : vector<16x1xi32> to vector<16xi32>
        %gather3A_1200 = tpu.dynamic_gather %mul3A_139[%gather3A_1199] in [0] : vector<16xf32>, vector<16xi32> -> vector<16xf32>
        %lt3A_1201 = arith.constant 0 : i32
        %lt3A_1202 = vector.broadcast %lt3A_1201 : i32 to vector<16xi32>
        %lt3A_1203 = arith.cmpi slt, %broadcast_in_dim3A_1180, %lt3A_1202 : vector<16xi32>
        %add3A_1204 = arith.constant 16 : i32
        %add3A_1205 = vector.broadcast %add3A_1204 : i32 to vector<16xi32>
        %add3A_1206 = arith.addi %broadcast_in_dim3A_1180, %add3A_1205 : vector<16xi32>
        %select_n3A_1207 = arith.select %lt3A_1203, %add3A_1206, %broadcast_in_dim3A_1180 : vector<16xi1>, vector<16xi32>
        %broadcast_in_dim3A_1208 = vector.shape_cast %select_n3A_1207 : vector<16xi32> to vector<16x1xi32>
        %gather3A_1209 = vector.shape_cast %broadcast_in_dim3A_1208 : vector<16x1xi32> to vector<16xi32>
        %gather3A_1210 = tpu.dynamic_gather %mul3A_140[%gather3A_1209] in [0] : vector<16xf32>, vector<16xi32> -> vector<16xf32>
        %lt3A_1211 = arith.constant 0 : i32
        %lt3A_1212 = vector.broadcast %lt3A_1211 : i32 to vector<16xi32>
        %lt3A_1213 = arith.cmpi slt, %broadcast_in_dim3A_1180, %lt3A_1212 : vector<16xi32>
        %add3A_1214 = arith.constant 16 : i32
        %add3A_1215 = vector.broadcast %add3A_1214 : i32 to vector<16xi32>
        %add3A_1216 = arith.addi %broadcast_in_dim3A_1180, %add3A_1215 : vector<16xi32>
        %select_n3A_1217 = arith.select %lt3A_1213, %add3A_1216, %broadcast_in_dim3A_1180 : vector<16xi1>, vector<16xi32>
        %broadcast_in_dim3A_1218 = vector.shape_cast %select_n3A_1217 : vector<16xi32> to vector<16x1xi32>
        %gather3A_1219 = vector.shape_cast %broadcast_in_dim3A_1218 : vector<16x1xi32> to vector<16xi32>
        %gather3A_1220 = tpu.dynamic_gather %mul3A_141[%gather3A_1219] in [0] : vector<16xf32>, vector<16xi32> -> vector<16xf32>
        %get3A_1221 = arith.index_cast %add3A_1178 : i32 to index
        %get3A_1222 = arith.constant 0 : index
        %get3A_1223 = tpu.vector_load %arg10[%get3A_1221, %get3A_1222] {strides = array<i32>} : memref<128x64xf32, #tpu.memory_space<vmem>>, vector<1x16xf32>,
        %get3A_1224 = vector.shape_cast %get3A_1223 : vector<1x16xf32> to vector<16xf32>
        %add3A_1225 = arith.constant 0 : i32
        %add3A_1226 = arith.addi %add3A_1225, %add3A_1178 : i32
        %get3A_1227 = arith.index_cast %add3A_1226 : i32 to index
        %get3A_1228 = arith.constant 0 : index
        %get3A_1229 = tpu.vector_load %arg9[%get3A_1227, %get3A_1228] {strides = array<i32>} : memref<512x64xf32, #tpu.memory_space<vmem>>, vector<1x16xf32>,
        %get3A_1230 = vector.shape_cast %get3A_1229 : vector<1x16xf32> to vector<16xf32>
        %mul3A_1231 = arith.mulf %get3A_1230, %gather3A_1190 : vector<16xf32>
        %add3A_1232 = arith.addf %get3A_1224, %mul3A_1231 : vector<16xf32>
        %add3A_1233 = arith.constant 128 : i32
        %add3A_1234 = arith.addi %add3A_1233, %add3A_1178 : i32
        %get3A_1235 = arith.index_cast %add3A_1234 : i32 to index
        %get3A_1236 = arith.constant 0 : index
        %get3A_1237 = tpu.vector_load %arg9[%get3A_1235, %get3A_1236] {strides = array<i32>} : memref<512x64xf32, #tpu.memory_space<vmem>>, vector<1x16xf32>,
        %get3A_1238 = vector.shape_cast %get3A_1237 : vector<1x16xf32> to vector<16xf32>
        %mul3A_1239 = arith.mulf %get3A_1238, %gather3A_1200 : vector<16xf32>
        %add3A_1240 = arith.addf %add3A_1232, %mul3A_1239 : vector<16xf32>
        %add3A_1241 = arith.constant 256 : i32
        %add3A_1242 = arith.addi %add3A_1241, %add3A_1178 : i32
        %get3A_1243 = arith.index_cast %add3A_1242 : i32 to index
        %get3A_1244 = arith.constant 0 : index
        %get3A_1245 = tpu.vector_load %arg9[%get3A_1243, %get3A_1244] {strides = array<i32>} : memref<512x64xf32, #tpu.memory_space<vmem>>, vector<1x16xf32>,
        %get3A_1246 = vector.shape_cast %get3A_1245 : vector<1x16xf32> to vector<16xf32>
        %mul3A_1247 = arith.mulf %get3A_1246, %gather3A_1210 : vector<16xf32>
        %add3A_1248 = arith.addf %add3A_1240, %mul3A_1247 : vector<16xf32>
        %add3A_1249 = arith.constant 384 : i32
        %add3A_1250 = arith.addi %add3A_1249, %add3A_1178 : i32
        %get3A_1251 = arith.index_cast %add3A_1250 : i32 to index
        %get3A_1252 = arith.constant 0 : index
        %get3A_1253 = tpu.vector_load %arg9[%get3A_1251, %get3A_1252] {strides = array<i32>} : memref<512x64xf32, #tpu.memory_space<vmem>>, vector<1x16xf32>,
        %get3A_1254 = vector.shape_cast %get3A_1253 : vector<1x16xf32> to vector<16xf32>
        %mul3A_1255 = arith.mulf %get3A_1254, %gather3A_1220 : vector<16xf32>
        %add3A_1256 = arith.addf %add3A_1248, %mul3A_1255 : vector<16xf32>
        %swap3A_1257 = arith.index_cast %add3A_1178 : i32 to index
        %swap3A_1258 = arith.constant 0 : index
        %swap3A_1259 = tpu.vector_load %arg11[%swap3A_1257, %swap3A_1258] {strides = array<i32>} : memref<128x64xf32, #tpu.memory_space<vmem>>, vector<1x16xf32>,
        %swap3A_1260 = vector.shape_cast %swap3A_1259 : vector<1x16xf32> to vector<16xf32>
        %swap3A_1261 = vector.shape_cast %add3A_1256 : vector<16xf32> to vector<1x16xf32>
        tpu.vector_store %arg11[%swap3A_1257, %swap3A_1258], %swap3A_1261 {strides = array<i32>} : memref<128x64xf32, #tpu.memory_space<vmem>>, vector<1x16xf32>,
        %get3A_1262 = arith.index_cast %add3A_1178 : i32 to index
        %get3A_1263 = arith.constant 16 : index
        %get3A_1264 = tpu.vector_load %arg10[%get3A_1262, %get3A_1263] {strides = array<i32>} : memref<128x64xf32, #tpu.memory_space<vmem>>, vector<1x16xf32>,
        %get3A_1265 = vector.shape_cast %get3A_1264 : vector<1x16xf32> to vector<16xf32>
        %add3A_1266 = arith.constant 0 : i32
        %add3A_1267 = arith.addi %add3A_1266, %add3A_1178 : i32
        %get3A_1268 = arith.index_cast %add3A_1267 : i32 to index
        %get3A_1269 = arith.constant 16 : index
        %get3A_1270 = tpu.vector_load %arg9[%get3A_1268, %get3A_1269] {strides = array<i32>} : memref<512x64xf32, #tpu.memory_space<vmem>>, vector<1x16xf32>,
        %get3A_1271 = vector.shape_cast %get3A_1270 : vector<1x16xf32> to vector<16xf32>
        %mul3A_1272 = arith.mulf %get3A_1271, %gather3A_1190 : vector<16xf32>
        %add3A_1273 = arith.addf %get3A_1265, %mul3A_1272 : vector<16xf32>
        %add3A_1274 = arith.constant 128 : i32
        %add3A_1275 = arith.addi %add3A_1274, %add3A_1178 : i32
        %get3A_1276 = arith.index_cast %add3A_1275 : i32 to index
        %get3A_1277 = arith.constant 16 : index
        %get3A_1278 = tpu.vector_load %arg9[%get3A_1276, %get3A_1277] {strides = array<i32>} : memref<512x64xf32, #tpu.memory_space<vmem>>, vector<1x16xf32>,
        %get3A_1279 = vector.shape_cast %get3A_1278 : vector<1x16xf32> to vector<16xf32>
        %mul3A_1280 = arith.mulf %get3A_1279, %gather3A_1200 : vector<16xf32>
        %add3A_1281 = arith.addf %add3A_1273, %mul3A_1280 : vector<16xf32>
        %add3A_1282 = arith.constant 256 : i32
        %add3A_1283 = arith.addi %add3A_1282, %add3A_1178 : i32
        %get3A_1284 = arith.index_cast %add3A_1283 : i32 to index
        %get3A_1285 = arith.constant 16 : index
        %get3A_1286 = tpu.vector_load %arg9[%get3A_1284, %get3A_1285] {strides = array<i32>} : memref<512x64xf32, #tpu.memory_space<vmem>>, vector<1x16xf32>,
        %get3A_1287 = vector.shape_cast %get3A_1286 : vector<1x16xf32> to vector<16xf32>
        %mul3A_1288 = arith.mulf %get3A_1287, %gather3A_1210 : vector<16xf32>
        %add3A_1289 = arith.addf %add3A_1281, %mul3A_1288 : vector<16xf32>
        %add3A_1290 = arith.constant 384 : i32
        %add3A_1291 = arith.addi %add3A_1290, %add3A_1178 : i32
        %get3A_1292 = arith.index_cast %add3A_1291 : i32 to index
        %get3A_1293 = arith.constant 16 : index
        %get3A_1294 = tpu.vector_load %arg9[%get3A_1292, %get3A_1293] {strides = array<i32>} : memref<512x64xf32, #tpu.memory_space<vmem>>, vector<1x16xf32>,
        %get3A_1295 = vector.shape_cast %get3A_1294 : vector<1x16xf32> to vector<16xf32>
        %mul3A_1296 = arith.mulf %get3A_1295, %gather3A_1220 : vector<16xf32>
        %add3A_1297 = arith.addf %add3A_1289, %mul3A_1296 : vector<16xf32>
        %swap3A_1298 = arith.index_cast %add3A_1178 : i32 to index
        %swap3A_1299 = arith.constant 16 : index
        %swap3A_1300 = tpu.vector_load %arg11[%swap3A_1298, %swap3A_1299] {strides = array<i32>} : memref<128x64xf32, #tpu.memory_space<vmem>>, vector<1x16xf32>,
        %swap3A_1301 = vector.shape_cast %swap3A_1300 : vector<1x16xf32> to vector<16xf32>
        %swap3A_1302 = vector.shape_cast %add3A_1297 : vector<16xf32> to vector<1x16xf32>
        tpu.vector_store %arg11[%swap3A_1298, %swap3A_1299], %swap3A_1302 {strides = array<i32>} : memref<128x64xf32, #tpu.memory_space<vmem>>, vector<1x16xf32>,
        %get3A_1303 = arith.index_cast %add3A_1178 : i32 to index
        %get3A_1304 = arith.constant 32 : index
        %get3A_1305 = tpu.vector_load %arg10[%get3A_1303, %get3A_1304] {strides = array<i32>} : memref<128x64xf32, #tpu.memory_space<vmem>>, vector<1x16xf32>,
        %get3A_1306 = vector.shape_cast %get3A_1305 : vector<1x16xf32> to vector<16xf32>
        %add3A_1307 = arith.constant 0 : i32
        %add3A_1308 = arith.addi %add3A_1307, %add3A_1178 : i32
        %get3A_1309 = arith.index_cast %add3A_1308 : i32 to index
        %get3A_1310 = arith.constant 32 : index
        %get3A_1311 = tpu.vector_load %arg9[%get3A_1309, %get3A_1310] {strides = array<i32>} : memref<512x64xf32, #tpu.memory_space<vmem>>, vector<1x16xf32>,
        %get3A_1312 = vector.shape_cast %get3A_1311 : vector<1x16xf32> to vector<16xf32>
        %mul3A_1313 = arith.mulf %get3A_1312, %gather3A_1190 : vector<16xf32>
        %add3A_1314 = arith.addf %get3A_1306, %mul3A_1313 : vector<16xf32>
        %add3A_1315 = arith.constant 128 : i32
        %add3A_1316 = arith.addi %add3A_1315, %add3A_1178 : i32
        %get3A_1317 = arith.index_cast %add3A_1316 : i32 to index
        %get3A_1318 = arith.constant 32 : index
        %get3A_1319 = tpu.vector_load %arg9[%get3A_1317, %get3A_1318] {strides = array<i32>} : memref<512x64xf32, #tpu.memory_space<vmem>>, vector<1x16xf32>,
        %get3A_1320 = vector.shape_cast %get3A_1319 : vector<1x16xf32> to vector<16xf32>
        %mul3A_1321 = arith.mulf %get3A_1320, %gather3A_1200 : vector<16xf32>
        %add3A_1322 = arith.addf %add3A_1314, %mul3A_1321 : vector<16xf32>
        %add3A_1323 = arith.constant 256 : i32
        %add3A_1324 = arith.addi %add3A_1323, %add3A_1178 : i32
        %get3A_1325 = arith.index_cast %add3A_1324 : i32 to index
        %get3A_1326 = arith.constant 32 : index
        %get3A_1327 = tpu.vector_load %arg9[%get3A_1325, %get3A_1326] {strides = array<i32>} : memref<512x64xf32, #tpu.memory_space<vmem>>, vector<1x16xf32>,
        %get3A_1328 = vector.shape_cast %get3A_1327 : vector<1x16xf32> to vector<16xf32>
        %mul3A_1329 = arith.mulf %get3A_1328, %gather3A_1210 : vector<16xf32>
        %add3A_1330 = arith.addf %add3A_1322, %mul3A_1329 : vector<16xf32>
        %add3A_1331 = arith.constant 384 : i32
        %add3A_1332 = arith.addi %add3A_1331, %add3A_1178 : i32
        %get3A_1333 = arith.index_cast %add3A_1332 : i32 to index
        %get3A_1334 = arith.constant 32 : index
        %get3A_1335 = tpu.vector_load %arg9[%get3A_1333, %get3A_1334] {strides = array<i32>} : memref<512x64xf32, #tpu.memory_space<vmem>>, vector<1x16xf32>,
        %get3A_1336 = vector.shape_cast %get3A_1335 : vector<1x16xf32> to vector<16xf32>
        %mul3A_1337 = arith.mulf %get3A_1336, %gather3A_1220 : vector<16xf32>
        %add3A_1338 = arith.addf %add3A_1330, %mul3A_1337 : vector<16xf32>
        %swap3A_1339 = arith.index_cast %add3A_1178 : i32 to index
        %swap3A_1340 = arith.constant 32 : index
        %swap3A_1341 = tpu.vector_load %arg11[%swap3A_1339, %swap3A_1340] {strides = array<i32>} : memref<128x64xf32, #tpu.memory_space<vmem>>, vector<1x16xf32>,
        %swap3A_1342 = vector.shape_cast %swap3A_1341 : vector<1x16xf32> to vector<16xf32>
        %swap3A_1343 = vector.shape_cast %add3A_1338 : vector<16xf32> to vector<1x16xf32>
        tpu.vector_store %arg11[%swap3A_1339, %swap3A_1340], %swap3A_1343 {strides = array<i32>} : memref<128x64xf32, #tpu.memory_space<vmem>>, vector<1x16xf32>,
        %get3A_1344 = arith.index_cast %add3A_1178 : i32 to index
        %get3A_1345 = arith.constant 48 : index
        %get3A_1346 = tpu.vector_load %arg10[%get3A_1344, %get3A_1345] {strides = array<i32>} : memref<128x64xf32, #tpu.memory_space<vmem>>, vector<1x16xf32>,
        %get3A_1347 = vector.shape_cast %get3A_1346 : vector<1x16xf32> to vector<16xf32>
        %add3A_1348 = arith.constant 0 : i32
        %add3A_1349 = arith.addi %add3A_1348, %add3A_1178 : i32
        %get3A_1350 = arith.index_cast %add3A_1349 : i32 to index
        %get3A_1351 = arith.constant 48 : index
        %get3A_1352 = tpu.vector_load %arg9[%get3A_1350, %get3A_1351] {strides = array<i32>} : memref<512x64xf32, #tpu.memory_space<vmem>>, vector<1x16xf32>,
        %get3A_1353 = vector.shape_cast %get3A_1352 : vector<1x16xf32> to vector<16xf32>
        %mul3A_1354 = arith.mulf %get3A_1353, %gather3A_1190 : vector<16xf32>
        %add3A_1355 = arith.addf %get3A_1347, %mul3A_1354 : vector<16xf32>
        %add3A_1356 = arith.constant 128 : i32
        %add3A_1357 = arith.addi %add3A_1356, %add3A_1178 : i32
        %get3A_1358 = arith.index_cast %add3A_1357 : i32 to index
        %get3A_1359 = arith.constant 48 : index
        %get3A_1360 = tpu.vector_load %arg9[%get3A_1358, %get3A_1359] {strides = array<i32>} : memref<512x64xf32, #tpu.memory_space<vmem>>, vector<1x16xf32>,
        %get3A_1361 = vector.shape_cast %get3A_1360 : vector<1x16xf32> to vector<16xf32>
        %mul3A_1362 = arith.mulf %get3A_1361, %gather3A_1200 : vector<16xf32>
        %add3A_1363 = arith.addf %add3A_1355, %mul3A_1362 : vector<16xf32>
        %add3A_1364 = arith.constant 256 : i32
        %add3A_1365 = arith.addi %add3A_1364, %add3A_1178 : i32
        %get3A_1366 = arith.index_cast %add3A_1365 : i32 to index
        %get3A_1367 = arith.constant 48 : index
        %get3A_1368 = tpu.vector_load %arg9[%get3A_1366, %get3A_1367] {strides = array<i32>} : memref<512x64xf32, #tpu.memory_space<vmem>>, vector<1x16xf32>,
        %get3A_1369 = vector.shape_cast %get3A_1368 : vector<1x16xf32> to vector<16xf32>
        %mul3A_1370 = arith.mulf %get3A_1369, %gather3A_1210 : vector<16xf32>
        %add3A_1371 = arith.addf %add3A_1363, %mul3A_1370 : vector<16xf32>
        %add3A_1372 = arith.constant 384 : i32
        %add3A_1373 = arith.addi %add3A_1372, %add3A_1178 : i32
        %get3A_1374 = arith.index_cast %add3A_1373 : i32 to index
        %get3A_1375 = arith.constant 48 : index
        %get3A_1376 = tpu.vector_load %arg9[%get3A_1374, %get3A_1375] {strides = array<i32>} : memref<512x64xf32, #tpu.memory_space<vmem>>, vector<1x16xf32>,
        %get3A_1377 = vector.shape_cast %get3A_1376 : vector<1x16xf32> to vector<16xf32>
        %mul3A_1378 = arith.mulf %get3A_1377, %gather3A_1220 : vector<16xf32>
        %add3A_1379 = arith.addf %add3A_1371, %mul3A_1378 : vector<16xf32>
        %swap3A_1380 = arith.index_cast %add3A_1178 : i32 to index
        %swap3A_1381 = arith.constant 48 : index
        %swap3A_1382 = tpu.vector_load %arg11[%swap3A_1380, %swap3A_1381] {strides = array<i32>} : memref<128x64xf32, #tpu.memory_space<vmem>>, vector<1x16xf32>,
        %swap3A_1383 = vector.shape_cast %swap3A_1382 : vector<1x16xf32> to vector<16xf32>
        %swap3A_1384 = vector.shape_cast %add3A_1379 : vector<16xf32> to vector<1x16xf32>
        tpu.vector_store %arg11[%swap3A_1380, %swap3A_1381], %swap3A_1384 {strides = array<i32>} : memref<128x64xf32, #tpu.memory_space<vmem>>, vector<1x16xf32>,
        %add3A_1385 = arith.constant 6 : i32
        %add3A_1386 = arith.addi %mul3A_96, %add3A_1385 : i32
        %broadcast_in_dim3A_1387 = arith.constant 6 : i32
        %broadcast_in_dim3A_1388 = vector.broadcast %broadcast_in_dim3A_1387 : i32 to vector<16xi32>
        %lt3A_1389 = arith.constant 0 : i32
        %lt3A_1390 = vector.broadcast %lt3A_1389 : i32 to vector<16xi32>
        %lt3A_1391 = arith.cmpi slt, %broadcast_in_dim3A_1388, %lt3A_1390 : vector<16xi32>
        %add3A_1392 = arith.constant 16 : i32
        %add3A_1393 = vector.broadcast %add3A_1392 : i32 to vector<16xi32>
        %add3A_1394 = arith.addi %broadcast_in_dim3A_1388, %add3A_1393 : vector<16xi32>
        %select_n3A_1395 = arith.select %lt3A_1391, %add3A_1394, %broadcast_in_dim3A_1388 : vector<16xi1>, vector<16xi32>
        %broadcast_in_dim3A_1396 = vector.shape_cast %select_n3A_1395 : vector<16xi32> to vector<16x1xi32>
        %gather3A_1397 = vector.shape_cast %broadcast_in_dim3A_1396 : vector<16x1xi32> to vector<16xi32>
        %gather3A_1398 = tpu.dynamic_gather %mul3A_138[%gather3A_1397] in [0] : vector<16xf32>, vector<16xi32> -> vector<16xf32>
        %lt3A_1399 = arith.constant 0 : i32
        %lt3A_1400 = vector.broadcast %lt3A_1399 : i32 to vector<16xi32>
        %lt3A_1401 = arith.cmpi slt, %broadcast_in_dim3A_1388, %lt3A_1400 : vector<16xi32>
        %add3A_1402 = arith.constant 16 : i32
        %add3A_1403 = vector.broadcast %add3A_1402 : i32 to vector<16xi32>
        %add3A_1404 = arith.addi %broadcast_in_dim3A_1388, %add3A_1403 : vector<16xi32>
        %select_n3A_1405 = arith.select %lt3A_1401, %add3A_1404, %broadcast_in_dim3A_1388 : vector<16xi1>, vector<16xi32>
        %broadcast_in_dim3A_1406 = vector.shape_cast %select_n3A_1405 : vector<16xi32> to vector<16x1xi32>
        %gather3A_1407 = vector.shape_cast %broadcast_in_dim3A_1406 : vector<16x1xi32> to vector<16xi32>
        %gather3A_1408 = tpu.dynamic_gather %mul3A_139[%gather3A_1407] in [0] : vector<16xf32>, vector<16xi32> -> vector<16xf32>
        %lt3A_1409 = arith.constant 0 : i32
        %lt3A_1410 = vector.broadcast %lt3A_1409 : i32 to vector<16xi32>
        %lt3A_1411 = arith.cmpi slt, %broadcast_in_dim3A_1388, %lt3A_1410 : vector<16xi32>
        %add3A_1412 = arith.constant 16 : i32
        %add3A_1413 = vector.broadcast %add3A_1412 : i32 to vector<16xi32>
        %add3A_1414 = arith.addi %broadcast_in_dim3A_1388, %add3A_1413 : vector<16xi32>
        %select_n3A_1415 = arith.select %lt3A_1411, %add3A_1414, %broadcast_in_dim3A_1388 : vector<16xi1>, vector<16xi32>
        %broadcast_in_dim3A_1416 = vector.shape_cast %select_n3A_1415 : vector<16xi32> to vector<16x1xi32>
        %gather3A_1417 = vector.shape_cast %broadcast_in_dim3A_1416 : vector<16x1xi32> to vector<16xi32>
        %gather3A_1418 = tpu.dynamic_gather %mul3A_140[%gather3A_1417] in [0] : vector<16xf32>, vector<16xi32> -> vector<16xf32>
        %lt3A_1419 = arith.constant 0 : i32
        %lt3A_1420 = vector.broadcast %lt3A_1419 : i32 to vector<16xi32>
        %lt3A_1421 = arith.cmpi slt, %broadcast_in_dim3A_1388, %lt3A_1420 : vector<16xi32>
        %add3A_1422 = arith.constant 16 : i32
        %add3A_1423 = vector.broadcast %add3A_1422 : i32 to vector<16xi32>
        %add3A_1424 = arith.addi %broadcast_in_dim3A_1388, %add3A_1423 : vector<16xi32>
        %select_n3A_1425 = arith.select %lt3A_1421, %add3A_1424, %broadcast_in_dim3A_1388 : vector<16xi1>, vector<16xi32>
        %broadcast_in_dim3A_1426 = vector.shape_cast %select_n3A_1425 : vector<16xi32> to vector<16x1xi32>
        %gather3A_1427 = vector.shape_cast %broadcast_in_dim3A_1426 : vector<16x1xi32> to vector<16xi32>
        %gather3A_1428 = tpu.dynamic_gather %mul3A_141[%gather3A_1427] in [0] : vector<16xf32>, vector<16xi32> -> vector<16xf32>
        %get3A_1429 = arith.index_cast %add3A_1386 : i32 to index
        %get3A_1430 = arith.constant 0 : index
        %get3A_1431 = tpu.vector_load %arg10[%get3A_1429, %get3A_1430] {strides = array<i32>} : memref<128x64xf32, #tpu.memory_space<vmem>>, vector<1x16xf32>,
        %get3A_1432 = vector.shape_cast %get3A_1431 : vector<1x16xf32> to vector<16xf32>
        %add3A_1433 = arith.constant 0 : i32
        %add3A_1434 = arith.addi %add3A_1433, %add3A_1386 : i32
        %get3A_1435 = arith.index_cast %add3A_1434 : i32 to index
        %get3A_1436 = arith.constant 0 : index
        %get3A_1437 = tpu.vector_load %arg9[%get3A_1435, %get3A_1436] {strides = array<i32>} : memref<512x64xf32, #tpu.memory_space<vmem>>, vector<1x16xf32>,
        %get3A_1438 = vector.shape_cast %get3A_1437 : vector<1x16xf32> to vector<16xf32>
        %mul3A_1439 = arith.mulf %get3A_1438, %gather3A_1398 : vector<16xf32>
        %add3A_1440 = arith.addf %get3A_1432, %mul3A_1439 : vector<16xf32>
        %add3A_1441 = arith.constant 128 : i32
        %add3A_1442 = arith.addi %add3A_1441, %add3A_1386 : i32
        %get3A_1443 = arith.index_cast %add3A_1442 : i32 to index
        %get3A_1444 = arith.constant 0 : index
        %get3A_1445 = tpu.vector_load %arg9[%get3A_1443, %get3A_1444] {strides = array<i32>} : memref<512x64xf32, #tpu.memory_space<vmem>>, vector<1x16xf32>,
        %get3A_1446 = vector.shape_cast %get3A_1445 : vector<1x16xf32> to vector<16xf32>
        %mul3A_1447 = arith.mulf %get3A_1446, %gather3A_1408 : vector<16xf32>
        %add3A_1448 = arith.addf %add3A_1440, %mul3A_1447 : vector<16xf32>
        %add3A_1449 = arith.constant 256 : i32
        %add3A_1450 = arith.addi %add3A_1449, %add3A_1386 : i32
        %get3A_1451 = arith.index_cast %add3A_1450 : i32 to index
        %get3A_1452 = arith.constant 0 : index
        %get3A_1453 = tpu.vector_load %arg9[%get3A_1451, %get3A_1452] {strides = array<i32>} : memref<512x64xf32, #tpu.memory_space<vmem>>, vector<1x16xf32>,
        %get3A_1454 = vector.shape_cast %get3A_1453 : vector<1x16xf32> to vector<16xf32>
        %mul3A_1455 = arith.mulf %get3A_1454, %gather3A_1418 : vector<16xf32>
        %add3A_1456 = arith.addf %add3A_1448, %mul3A_1455 : vector<16xf32>
        %add3A_1457 = arith.constant 384 : i32
        %add3A_1458 = arith.addi %add3A_1457, %add3A_1386 : i32
        %get3A_1459 = arith.index_cast %add3A_1458 : i32 to index
        %get3A_1460 = arith.constant 0 : index
        %get3A_1461 = tpu.vector_load %arg9[%get3A_1459, %get3A_1460] {strides = array<i32>} : memref<512x64xf32, #tpu.memory_space<vmem>>, vector<1x16xf32>,
        %get3A_1462 = vector.shape_cast %get3A_1461 : vector<1x16xf32> to vector<16xf32>
        %mul3A_1463 = arith.mulf %get3A_1462, %gather3A_1428 : vector<16xf32>
        %add3A_1464 = arith.addf %add3A_1456, %mul3A_1463 : vector<16xf32>
        %swap3A_1465 = arith.index_cast %add3A_1386 : i32 to index
        %swap3A_1466 = arith.constant 0 : index
        %swap3A_1467 = tpu.vector_load %arg11[%swap3A_1465, %swap3A_1466] {strides = array<i32>} : memref<128x64xf32, #tpu.memory_space<vmem>>, vector<1x16xf32>,
        %swap3A_1468 = vector.shape_cast %swap3A_1467 : vector<1x16xf32> to vector<16xf32>
        %swap3A_1469 = vector.shape_cast %add3A_1464 : vector<16xf32> to vector<1x16xf32>
        tpu.vector_store %arg11[%swap3A_1465, %swap3A_1466], %swap3A_1469 {strides = array<i32>} : memref<128x64xf32, #tpu.memory_space<vmem>>, vector<1x16xf32>,
        %get3A_1470 = arith.index_cast %add3A_1386 : i32 to index
        %get3A_1471 = arith.constant 16 : index
        %get3A_1472 = tpu.vector_load %arg10[%get3A_1470, %get3A_1471] {strides = array<i32>} : memref<128x64xf32, #tpu.memory_space<vmem>>, vector<1x16xf32>,
        %get3A_1473 = vector.shape_cast %get3A_1472 : vector<1x16xf32> to vector<16xf32>
        %add3A_1474 = arith.constant 0 : i32
        %add3A_1475 = arith.addi %add3A_1474, %add3A_1386 : i32
        %get3A_1476 = arith.index_cast %add3A_1475 : i32 to index
        %get3A_1477 = arith.constant 16 : index
        %get3A_1478 = tpu.vector_load %arg9[%get3A_1476, %get3A_1477] {strides = array<i32>} : memref<512x64xf32, #tpu.memory_space<vmem>>, vector<1x16xf32>,
        %get3A_1479 = vector.shape_cast %get3A_1478 : vector<1x16xf32> to vector<16xf32>
        %mul3A_1480 = arith.mulf %get3A_1479, %gather3A_1398 : vector<16xf32>
        %add3A_1481 = arith.addf %get3A_1473, %mul3A_1480 : vector<16xf32>
        %add3A_1482 = arith.constant 128 : i32
        %add3A_1483 = arith.addi %add3A_1482, %add3A_1386 : i32
        %get3A_1484 = arith.index_cast %add3A_1483 : i32 to index
        %get3A_1485 = arith.constant 16 : index
        %get3A_1486 = tpu.vector_load %arg9[%get3A_1484, %get3A_1485] {strides = array<i32>} : memref<512x64xf32, #tpu.memory_space<vmem>>, vector<1x16xf32>,
        %get3A_1487 = vector.shape_cast %get3A_1486 : vector<1x16xf32> to vector<16xf32>
        %mul3A_1488 = arith.mulf %get3A_1487, %gather3A_1408 : vector<16xf32>
        %add3A_1489 = arith.addf %add3A_1481, %mul3A_1488 : vector<16xf32>
        %add3A_1490 = arith.constant 256 : i32
        %add3A_1491 = arith.addi %add3A_1490, %add3A_1386 : i32
        %get3A_1492 = arith.index_cast %add3A_1491 : i32 to index
        %get3A_1493 = arith.constant 16 : index
        %get3A_1494 = tpu.vector_load %arg9[%get3A_1492, %get3A_1493] {strides = array<i32>} : memref<512x64xf32, #tpu.memory_space<vmem>>, vector<1x16xf32>,
        %get3A_1495 = vector.shape_cast %get3A_1494 : vector<1x16xf32> to vector<16xf32>
        %mul3A_1496 = arith.mulf %get3A_1495, %gather3A_1418 : vector<16xf32>
        %add3A_1497 = arith.addf %add3A_1489, %mul3A_1496 : vector<16xf32>
        %add3A_1498 = arith.constant 384 : i32
        %add3A_1499 = arith.addi %add3A_1498, %add3A_1386 : i32
        %get3A_1500 = arith.index_cast %add3A_1499 : i32 to index
        %get3A_1501 = arith.constant 16 : index
        %get3A_1502 = tpu.vector_load %arg9[%get3A_1500, %get3A_1501] {strides = array<i32>} : memref<512x64xf32, #tpu.memory_space<vmem>>, vector<1x16xf32>,
        %get3A_1503 = vector.shape_cast %get3A_1502 : vector<1x16xf32> to vector<16xf32>
        %mul3A_1504 = arith.mulf %get3A_1503, %gather3A_1428 : vector<16xf32>
        %add3A_1505 = arith.addf %add3A_1497, %mul3A_1504 : vector<16xf32>
        %swap3A_1506 = arith.index_cast %add3A_1386 : i32 to index
        %swap3A_1507 = arith.constant 16 : index
        %swap3A_1508 = tpu.vector_load %arg11[%swap3A_1506, %swap3A_1507] {strides = array<i32>} : memref<128x64xf32, #tpu.memory_space<vmem>>, vector<1x16xf32>,
        %swap3A_1509 = vector.shape_cast %swap3A_1508 : vector<1x16xf32> to vector<16xf32>
        %swap3A_1510 = vector.shape_cast %add3A_1505 : vector<16xf32> to vector<1x16xf32>
        tpu.vector_store %arg11[%swap3A_1506, %swap3A_1507], %swap3A_1510 {strides = array<i32>} : memref<128x64xf32, #tpu.memory_space<vmem>>, vector<1x16xf32>,
        %get3A_1511 = arith.index_cast %add3A_1386 : i32 to index
        %get3A_1512 = arith.constant 32 : index
        %get3A_1513 = tpu.vector_load %arg10[%get3A_1511, %get3A_1512] {strides = array<i32>} : memref<128x64xf32, #tpu.memory_space<vmem>>, vector<1x16xf32>,
        %get3A_1514 = vector.shape_cast %get3A_1513 : vector<1x16xf32> to vector<16xf32>
        %add3A_1515 = arith.constant 0 : i32
        %add3A_1516 = arith.addi %add3A_1515, %add3A_1386 : i32
        %get3A_1517 = arith.index_cast %add3A_1516 : i32 to index
        %get3A_1518 = arith.constant 32 : index
        %get3A_1519 = tpu.vector_load %arg9[%get3A_1517, %get3A_1518] {strides = array<i32>} : memref<512x64xf32, #tpu.memory_space<vmem>>, vector<1x16xf32>,
        %get3A_1520 = vector.shape_cast %get3A_1519 : vector<1x16xf32> to vector<16xf32>
        %mul3A_1521 = arith.mulf %get3A_1520, %gather3A_1398 : vector<16xf32>
        %add3A_1522 = arith.addf %get3A_1514, %mul3A_1521 : vector<16xf32>
        %add3A_1523 = arith.constant 128 : i32
        %add3A_1524 = arith.addi %add3A_1523, %add3A_1386 : i32
        %get3A_1525 = arith.index_cast %add3A_1524 : i32 to index
        %get3A_1526 = arith.constant 32 : index
        %get3A_1527 = tpu.vector_load %arg9[%get3A_1525, %get3A_1526] {strides = array<i32>} : memref<512x64xf32, #tpu.memory_space<vmem>>, vector<1x16xf32>,
        %get3A_1528 = vector.shape_cast %get3A_1527 : vector<1x16xf32> to vector<16xf32>
        %mul3A_1529 = arith.mulf %get3A_1528, %gather3A_1408 : vector<16xf32>
        %add3A_1530 = arith.addf %add3A_1522, %mul3A_1529 : vector<16xf32>
        %add3A_1531 = arith.constant 256 : i32
        %add3A_1532 = arith.addi %add3A_1531, %add3A_1386 : i32
        %get3A_1533 = arith.index_cast %add3A_1532 : i32 to index
        %get3A_1534 = arith.constant 32 : index
        %get3A_1535 = tpu.vector_load %arg9[%get3A_1533, %get3A_1534] {strides = array<i32>} : memref<512x64xf32, #tpu.memory_space<vmem>>, vector<1x16xf32>,
        %get3A_1536 = vector.shape_cast %get3A_1535 : vector<1x16xf32> to vector<16xf32>
        %mul3A_1537 = arith.mulf %get3A_1536, %gather3A_1418 : vector<16xf32>
        %add3A_1538 = arith.addf %add3A_1530, %mul3A_1537 : vector<16xf32>
        %add3A_1539 = arith.constant 384 : i32
        %add3A_1540 = arith.addi %add3A_1539, %add3A_1386 : i32
        %get3A_1541 = arith.index_cast %add3A_1540 : i32 to index
        %get3A_1542 = arith.constant 32 : index
        %get3A_1543 = tpu.vector_load %arg9[%get3A_1541, %get3A_1542] {strides = array<i32>} : memref<512x64xf32, #tpu.memory_space<vmem>>, vector<1x16xf32>,
        %get3A_1544 = vector.shape_cast %get3A_1543 : vector<1x16xf32> to vector<16xf32>
        %mul3A_1545 = arith.mulf %get3A_1544, %gather3A_1428 : vector<16xf32>
        %add3A_1546 = arith.addf %add3A_1538, %mul3A_1545 : vector<16xf32>
        %swap3A_1547 = arith.index_cast %add3A_1386 : i32 to index
        %swap3A_1548 = arith.constant 32 : index
        %swap3A_1549 = tpu.vector_load %arg11[%swap3A_1547, %swap3A_1548] {strides = array<i32>} : memref<128x64xf32, #tpu.memory_space<vmem>>, vector<1x16xf32>,
        %swap3A_1550 = vector.shape_cast %swap3A_1549 : vector<1x16xf32> to vector<16xf32>
        %swap3A_1551 = vector.shape_cast %add3A_1546 : vector<16xf32> to vector<1x16xf32>
        tpu.vector_store %arg11[%swap3A_1547, %swap3A_1548], %swap3A_1551 {strides = array<i32>} : memref<128x64xf32, #tpu.memory_space<vmem>>, vector<1x16xf32>,
        %get3A_1552 = arith.index_cast %add3A_1386 : i32 to index
        %get3A_1553 = arith.constant 48 : index
        %get3A_1554 = tpu.vector_load %arg10[%get3A_1552, %get3A_1553] {strides = array<i32>} : memref<128x64xf32, #tpu.memory_space<vmem>>, vector<1x16xf32>,
        %get3A_1555 = vector.shape_cast %get3A_1554 : vector<1x16xf32> to vector<16xf32>
        %add3A_1556 = arith.constant 0 : i32
        %add3A_1557 = arith.addi %add3A_1556, %add3A_1386 : i32
        %get3A_1558 = arith.index_cast %add3A_1557 : i32 to index
        %get3A_1559 = arith.constant 48 : index
        %get3A_1560 = tpu.vector_load %arg9[%get3A_1558, %get3A_1559] {strides = array<i32>} : memref<512x64xf32, #tpu.memory_space<vmem>>, vector<1x16xf32>,
        %get3A_1561 = vector.shape_cast %get3A_1560 : vector<1x16xf32> to vector<16xf32>
        %mul3A_1562 = arith.mulf %get3A_1561, %gather3A_1398 : vector<16xf32>
        %add3A_1563 = arith.addf %get3A_1555, %mul3A_1562 : vector<16xf32>
        %add3A_1564 = arith.constant 128 : i32
        %add3A_1565 = arith.addi %add3A_1564, %add3A_1386 : i32
        %get3A_1566 = arith.index_cast %add3A_1565 : i32 to index
        %get3A_1567 = arith.constant 48 : index
        %get3A_1568 = tpu.vector_load %arg9[%get3A_1566, %get3A_1567] {strides = array<i32>} : memref<512x64xf32, #tpu.memory_space<vmem>>, vector<1x16xf32>,
        %get3A_1569 = vector.shape_cast %get3A_1568 : vector<1x16xf32> to vector<16xf32>
        %mul3A_1570 = arith.mulf %get3A_1569, %gather3A_1408 : vector<16xf32>
        %add3A_1571 = arith.addf %add3A_1563, %mul3A_1570 : vector<16xf32>
        %add3A_1572 = arith.constant 256 : i32
        %add3A_1573 = arith.addi %add3A_1572, %add3A_1386 : i32
        %get3A_1574 = arith.index_cast %add3A_1573 : i32 to index
        %get3A_1575 = arith.constant 48 : index
        %get3A_1576 = tpu.vector_load %arg9[%get3A_1574, %get3A_1575] {strides = array<i32>} : memref<512x64xf32, #tpu.memory_space<vmem>>, vector<1x16xf32>,
        %get3A_1577 = vector.shape_cast %get3A_1576 : vector<1x16xf32> to vector<16xf32>
        %mul3A_1578 = arith.mulf %get3A_1577, %gather3A_1418 : vector<16xf32>
        %add3A_1579 = arith.addf %add3A_1571, %mul3A_1578 : vector<16xf32>
        %add3A_1580 = arith.constant 384 : i32
        %add3A_1581 = arith.addi %add3A_1580, %add3A_1386 : i32
        %get3A_1582 = arith.index_cast %add3A_1581 : i32 to index
        %get3A_1583 = arith.constant 48 : index
        %get3A_1584 = tpu.vector_load %arg9[%get3A_1582, %get3A_1583] {strides = array<i32>} : memref<512x64xf32, #tpu.memory_space<vmem>>, vector<1x16xf32>,
        %get3A_1585 = vector.shape_cast %get3A_1584 : vector<1x16xf32> to vector<16xf32>
        %mul3A_1586 = arith.mulf %get3A_1585, %gather3A_1428 : vector<16xf32>
        %add3A_1587 = arith.addf %add3A_1579, %mul3A_1586 : vector<16xf32>
        %swap3A_1588 = arith.index_cast %add3A_1386 : i32 to index
        %swap3A_1589 = arith.constant 48 : index
        %swap3A_1590 = tpu.vector_load %arg11[%swap3A_1588, %swap3A_1589] {strides = array<i32>} : memref<128x64xf32, #tpu.memory_space<vmem>>, vector<1x16xf32>,
        %swap3A_1591 = vector.shape_cast %swap3A_1590 : vector<1x16xf32> to vector<16xf32>
        %swap3A_1592 = vector.shape_cast %add3A_1587 : vector<16xf32> to vector<1x16xf32>
        tpu.vector_store %arg11[%swap3A_1588, %swap3A_1589], %swap3A_1592 {strides = array<i32>} : memref<128x64xf32, #tpu.memory_space<vmem>>, vector<1x16xf32>,
        %add3A_1593 = arith.constant 7 : i32
        %add3A_1594 = arith.addi %mul3A_96, %add3A_1593 : i32
        %broadcast_in_dim3A_1595 = arith.constant 7 : i32
        %broadcast_in_dim3A_1596 = vector.broadcast %broadcast_in_dim3A_1595 : i32 to vector<16xi32>
        %lt3A_1597 = arith.constant 0 : i32
        %lt3A_1598 = vector.broadcast %lt3A_1597 : i32 to vector<16xi32>
        %lt3A_1599 = arith.cmpi slt, %broadcast_in_dim3A_1596, %lt3A_1598 : vector<16xi32>
        %add3A_1600 = arith.constant 16 : i32
        %add3A_1601 = vector.broadcast %add3A_1600 : i32 to vector<16xi32>
        %add3A_1602 = arith.addi %broadcast_in_dim3A_1596, %add3A_1601 : vector<16xi32>
        %select_n3A_1603 = arith.select %lt3A_1599, %add3A_1602, %broadcast_in_dim3A_1596 : vector<16xi1>, vector<16xi32>
        %broadcast_in_dim3A_1604 = vector.shape_cast %select_n3A_1603 : vector<16xi32> to vector<16x1xi32>
        %gather3A_1605 = vector.shape_cast %broadcast_in_dim3A_1604 : vector<16x1xi32> to vector<16xi32>
        %gather3A_1606 = tpu.dynamic_gather %mul3A_138[%gather3A_1605] in [0] : vector<16xf32>, vector<16xi32> -> vector<16xf32>
        %lt3A_1607 = arith.constant 0 : i32
        %lt3A_1608 = vector.broadcast %lt3A_1607 : i32 to vector<16xi32>
        %lt3A_1609 = arith.cmpi slt, %broadcast_in_dim3A_1596, %lt3A_1608 : vector<16xi32>
        %add3A_1610 = arith.constant 16 : i32
        %add3A_1611 = vector.broadcast %add3A_1610 : i32 to vector<16xi32>
        %add3A_1612 = arith.addi %broadcast_in_dim3A_1596, %add3A_1611 : vector<16xi32>
        %select_n3A_1613 = arith.select %lt3A_1609, %add3A_1612, %broadcast_in_dim3A_1596 : vector<16xi1>, vector<16xi32>
        %broadcast_in_dim3A_1614 = vector.shape_cast %select_n3A_1613 : vector<16xi32> to vector<16x1xi32>
        %gather3A_1615 = vector.shape_cast %broadcast_in_dim3A_1614 : vector<16x1xi32> to vector<16xi32>
        %gather3A_1616 = tpu.dynamic_gather %mul3A_139[%gather3A_1615] in [0] : vector<16xf32>, vector<16xi32> -> vector<16xf32>
        %lt3A_1617 = arith.constant 0 : i32
        %lt3A_1618 = vector.broadcast %lt3A_1617 : i32 to vector<16xi32>
        %lt3A_1619 = arith.cmpi slt, %broadcast_in_dim3A_1596, %lt3A_1618 : vector<16xi32>
        %add3A_1620 = arith.constant 16 : i32
        %add3A_1621 = vector.broadcast %add3A_1620 : i32 to vector<16xi32>
        %add3A_1622 = arith.addi %broadcast_in_dim3A_1596, %add3A_1621 : vector<16xi32>
        %select_n3A_1623 = arith.select %lt3A_1619, %add3A_1622, %broadcast_in_dim3A_1596 : vector<16xi1>, vector<16xi32>
        %broadcast_in_dim3A_1624 = vector.shape_cast %select_n3A_1623 : vector<16xi32> to vector<16x1xi32>
        %gather3A_1625 = vector.shape_cast %broadcast_in_dim3A_1624 : vector<16x1xi32> to vector<16xi32>
        %gather3A_1626 = tpu.dynamic_gather %mul3A_140[%gather3A_1625] in [0] : vector<16xf32>, vector<16xi32> -> vector<16xf32>
        %lt3A_1627 = arith.constant 0 : i32
        %lt3A_1628 = vector.broadcast %lt3A_1627 : i32 to vector<16xi32>
        %lt3A_1629 = arith.cmpi slt, %broadcast_in_dim3A_1596, %lt3A_1628 : vector<16xi32>
        %add3A_1630 = arith.constant 16 : i32
        %add3A_1631 = vector.broadcast %add3A_1630 : i32 to vector<16xi32>
        %add3A_1632 = arith.addi %broadcast_in_dim3A_1596, %add3A_1631 : vector<16xi32>
        %select_n3A_1633 = arith.select %lt3A_1629, %add3A_1632, %broadcast_in_dim3A_1596 : vector<16xi1>, vector<16xi32>
        %broadcast_in_dim3A_1634 = vector.shape_cast %select_n3A_1633 : vector<16xi32> to vector<16x1xi32>
        %gather3A_1635 = vector.shape_cast %broadcast_in_dim3A_1634 : vector<16x1xi32> to vector<16xi32>
        %gather3A_1636 = tpu.dynamic_gather %mul3A_141[%gather3A_1635] in [0] : vector<16xf32>, vector<16xi32> -> vector<16xf32>
        %get3A_1637 = arith.index_cast %add3A_1594 : i32 to index
        %get3A_1638 = arith.constant 0 : index
        %get3A_1639 = tpu.vector_load %arg10[%get3A_1637, %get3A_1638] {strides = array<i32>} : memref<128x64xf32, #tpu.memory_space<vmem>>, vector<1x16xf32>,
        %get3A_1640 = vector.shape_cast %get3A_1639 : vector<1x16xf32> to vector<16xf32>
        %add3A_1641 = arith.constant 0 : i32
        %add3A_1642 = arith.addi %add3A_1641, %add3A_1594 : i32
        %get3A_1643 = arith.index_cast %add3A_1642 : i32 to index
        %get3A_1644 = arith.constant 0 : index
        %get3A_1645 = tpu.vector_load %arg9[%get3A_1643, %get3A_1644] {strides = array<i32>} : memref<512x64xf32, #tpu.memory_space<vmem>>, vector<1x16xf32>,
        %get3A_1646 = vector.shape_cast %get3A_1645 : vector<1x16xf32> to vector<16xf32>
        %mul3A_1647 = arith.mulf %get3A_1646, %gather3A_1606 : vector<16xf32>
        %add3A_1648 = arith.addf %get3A_1640, %mul3A_1647 : vector<16xf32>
        %add3A_1649 = arith.constant 128 : i32
        %add3A_1650 = arith.addi %add3A_1649, %add3A_1594 : i32
        %get3A_1651 = arith.index_cast %add3A_1650 : i32 to index
        %get3A_1652 = arith.constant 0 : index
        %get3A_1653 = tpu.vector_load %arg9[%get3A_1651, %get3A_1652] {strides = array<i32>} : memref<512x64xf32, #tpu.memory_space<vmem>>, vector<1x16xf32>,
        %get3A_1654 = vector.shape_cast %get3A_1653 : vector<1x16xf32> to vector<16xf32>
        %mul3A_1655 = arith.mulf %get3A_1654, %gather3A_1616 : vector<16xf32>
        %add3A_1656 = arith.addf %add3A_1648, %mul3A_1655 : vector<16xf32>
        %add3A_1657 = arith.constant 256 : i32
        %add3A_1658 = arith.addi %add3A_1657, %add3A_1594 : i32
        %get3A_1659 = arith.index_cast %add3A_1658 : i32 to index
        %get3A_1660 = arith.constant 0 : index
        %get3A_1661 = tpu.vector_load %arg9[%get3A_1659, %get3A_1660] {strides = array<i32>} : memref<512x64xf32, #tpu.memory_space<vmem>>, vector<1x16xf32>,
        %get3A_1662 = vector.shape_cast %get3A_1661 : vector<1x16xf32> to vector<16xf32>
        %mul3A_1663 = arith.mulf %get3A_1662, %gather3A_1626 : vector<16xf32>
        %add3A_1664 = arith.addf %add3A_1656, %mul3A_1663 : vector<16xf32>
        %add3A_1665 = arith.constant 384 : i32
        %add3A_1666 = arith.addi %add3A_1665, %add3A_1594 : i32
        %get3A_1667 = arith.index_cast %add3A_1666 : i32 to index
        %get3A_1668 = arith.constant 0 : index
        %get3A_1669 = tpu.vector_load %arg9[%get3A_1667, %get3A_1668] {strides = array<i32>} : memref<512x64xf32, #tpu.memory_space<vmem>>, vector<1x16xf32>,
        %get3A_1670 = vector.shape_cast %get3A_1669 : vector<1x16xf32> to vector<16xf32>
        %mul3A_1671 = arith.mulf %get3A_1670, %gather3A_1636 : vector<16xf32>
        %add3A_1672 = arith.addf %add3A_1664, %mul3A_1671 : vector<16xf32>
        %swap3A_1673 = arith.index_cast %add3A_1594 : i32 to index
        %swap3A_1674 = arith.constant 0 : index
        %swap3A_1675 = tpu.vector_load %arg11[%swap3A_1673, %swap3A_1674] {strides = array<i32>} : memref<128x64xf32, #tpu.memory_space<vmem>>, vector<1x16xf32>,
        %swap3A_1676 = vector.shape_cast %swap3A_1675 : vector<1x16xf32> to vector<16xf32>
        %swap3A_1677 = vector.shape_cast %add3A_1672 : vector<16xf32> to vector<1x16xf32>
        tpu.vector_store %arg11[%swap3A_1673, %swap3A_1674], %swap3A_1677 {strides = array<i32>} : memref<128x64xf32, #tpu.memory_space<vmem>>, vector<1x16xf32>,
        %get3A_1678 = arith.index_cast %add3A_1594 : i32 to index
        %get3A_1679 = arith.constant 16 : index
        %get3A_1680 = tpu.vector_load %arg10[%get3A_1678, %get3A_1679] {strides = array<i32>} : memref<128x64xf32, #tpu.memory_space<vmem>>, vector<1x16xf32>,
        %get3A_1681 = vector.shape_cast %get3A_1680 : vector<1x16xf32> to vector<16xf32>
        %add3A_1682 = arith.constant 0 : i32
        %add3A_1683 = arith.addi %add3A_1682, %add3A_1594 : i32
        %get3A_1684 = arith.index_cast %add3A_1683 : i32 to index
        %get3A_1685 = arith.constant 16 : index
        %get3A_1686 = tpu.vector_load %arg9[%get3A_1684, %get3A_1685] {strides = array<i32>} : memref<512x64xf32, #tpu.memory_space<vmem>>, vector<1x16xf32>,
        %get3A_1687 = vector.shape_cast %get3A_1686 : vector<1x16xf32> to vector<16xf32>
        %mul3A_1688 = arith.mulf %get3A_1687, %gather3A_1606 : vector<16xf32>
        %add3A_1689 = arith.addf %get3A_1681, %mul3A_1688 : vector<16xf32>
        %add3A_1690 = arith.constant 128 : i32
        %add3A_1691 = arith.addi %add3A_1690, %add3A_1594 : i32
        %get3A_1692 = arith.index_cast %add3A_1691 : i32 to index
        %get3A_1693 = arith.constant 16 : index
        %get3A_1694 = tpu.vector_load %arg9[%get3A_1692, %get3A_1693] {strides = array<i32>} : memref<512x64xf32, #tpu.memory_space<vmem>>, vector<1x16xf32>,
        %get3A_1695 = vector.shape_cast %get3A_1694 : vector<1x16xf32> to vector<16xf32>
        %mul3A_1696 = arith.mulf %get3A_1695, %gather3A_1616 : vector<16xf32>
        %add3A_1697 = arith.addf %add3A_1689, %mul3A_1696 : vector<16xf32>
        %add3A_1698 = arith.constant 256 : i32
        %add3A_1699 = arith.addi %add3A_1698, %add3A_1594 : i32
        %get3A_1700 = arith.index_cast %add3A_1699 : i32 to index
        %get3A_1701 = arith.constant 16 : index
        %get3A_1702 = tpu.vector_load %arg9[%get3A_1700, %get3A_1701] {strides = array<i32>} : memref<512x64xf32, #tpu.memory_space<vmem>>, vector<1x16xf32>,
        %get3A_1703 = vector.shape_cast %get3A_1702 : vector<1x16xf32> to vector<16xf32>
        %mul3A_1704 = arith.mulf %get3A_1703, %gather3A_1626 : vector<16xf32>
        %add3A_1705 = arith.addf %add3A_1697, %mul3A_1704 : vector<16xf32>
        %add3A_1706 = arith.constant 384 : i32
        %add3A_1707 = arith.addi %add3A_1706, %add3A_1594 : i32
        %get3A_1708 = arith.index_cast %add3A_1707 : i32 to index
        %get3A_1709 = arith.constant 16 : index
        %get3A_1710 = tpu.vector_load %arg9[%get3A_1708, %get3A_1709] {strides = array<i32>} : memref<512x64xf32, #tpu.memory_space<vmem>>, vector<1x16xf32>,
        %get3A_1711 = vector.shape_cast %get3A_1710 : vector<1x16xf32> to vector<16xf32>
        %mul3A_1712 = arith.mulf %get3A_1711, %gather3A_1636 : vector<16xf32>
        %add3A_1713 = arith.addf %add3A_1705, %mul3A_1712 : vector<16xf32>
        %swap3A_1714 = arith.index_cast %add3A_1594 : i32 to index
        %swap3A_1715 = arith.constant 16 : index
        %swap3A_1716 = tpu.vector_load %arg11[%swap3A_1714, %swap3A_1715] {strides = array<i32>} : memref<128x64xf32, #tpu.memory_space<vmem>>, vector<1x16xf32>,
        %swap3A_1717 = vector.shape_cast %swap3A_1716 : vector<1x16xf32> to vector<16xf32>
        %swap3A_1718 = vector.shape_cast %add3A_1713 : vector<16xf32> to vector<1x16xf32>
        tpu.vector_store %arg11[%swap3A_1714, %swap3A_1715], %swap3A_1718 {strides = array<i32>} : memref<128x64xf32, #tpu.memory_space<vmem>>, vector<1x16xf32>,
        %get3A_1719 = arith.index_cast %add3A_1594 : i32 to index
        %get3A_1720 = arith.constant 32 : index
        %get3A_1721 = tpu.vector_load %arg10[%get3A_1719, %get3A_1720] {strides = array<i32>} : memref<128x64xf32, #tpu.memory_space<vmem>>, vector<1x16xf32>,
        %get3A_1722 = vector.shape_cast %get3A_1721 : vector<1x16xf32> to vector<16xf32>
        %add3A_1723 = arith.constant 0 : i32
        %add3A_1724 = arith.addi %add3A_1723, %add3A_1594 : i32
        %get3A_1725 = arith.index_cast %add3A_1724 : i32 to index
        %get3A_1726 = arith.constant 32 : index
        %get3A_1727 = tpu.vector_load %arg9[%get3A_1725, %get3A_1726] {strides = array<i32>} : memref<512x64xf32, #tpu.memory_space<vmem>>, vector<1x16xf32>,
        %get3A_1728 = vector.shape_cast %get3A_1727 : vector<1x16xf32> to vector<16xf32>
        %mul3A_1729 = arith.mulf %get3A_1728, %gather3A_1606 : vector<16xf32>
        %add3A_1730 = arith.addf %get3A_1722, %mul3A_1729 : vector<16xf32>
        %add3A_1731 = arith.constant 128 : i32
        %add3A_1732 = arith.addi %add3A_1731, %add3A_1594 : i32
        %get3A_1733 = arith.index_cast %add3A_1732 : i32 to index
        %get3A_1734 = arith.constant 32 : index
        %get3A_1735 = tpu.vector_load %arg9[%get3A_1733, %get3A_1734] {strides = array<i32>} : memref<512x64xf32, #tpu.memory_space<vmem>>, vector<1x16xf32>,
        %get3A_1736 = vector.shape_cast %get3A_1735 : vector<1x16xf32> to vector<16xf32>
        %mul3A_1737 = arith.mulf %get3A_1736, %gather3A_1616 : vector<16xf32>
        %add3A_1738 = arith.addf %add3A_1730, %mul3A_1737 : vector<16xf32>
        %add3A_1739 = arith.constant 256 : i32
        %add3A_1740 = arith.addi %add3A_1739, %add3A_1594 : i32
        %get3A_1741 = arith.index_cast %add3A_1740 : i32 to index
        %get3A_1742 = arith.constant 32 : index
        %get3A_1743 = tpu.vector_load %arg9[%get3A_1741, %get3A_1742] {strides = array<i32>} : memref<512x64xf32, #tpu.memory_space<vmem>>, vector<1x16xf32>,
        %get3A_1744 = vector.shape_cast %get3A_1743 : vector<1x16xf32> to vector<16xf32>
        %mul3A_1745 = arith.mulf %get3A_1744, %gather3A_1626 : vector<16xf32>
        %add3A_1746 = arith.addf %add3A_1738, %mul3A_1745 : vector<16xf32>
        %add3A_1747 = arith.constant 384 : i32
        %add3A_1748 = arith.addi %add3A_1747, %add3A_1594 : i32
        %get3A_1749 = arith.index_cast %add3A_1748 : i32 to index
        %get3A_1750 = arith.constant 32 : index
        %get3A_1751 = tpu.vector_load %arg9[%get3A_1749, %get3A_1750] {strides = array<i32>} : memref<512x64xf32, #tpu.memory_space<vmem>>, vector<1x16xf32>,
        %get3A_1752 = vector.shape_cast %get3A_1751 : vector<1x16xf32> to vector<16xf32>
        %mul3A_1753 = arith.mulf %get3A_1752, %gather3A_1636 : vector<16xf32>
        %add3A_1754 = arith.addf %add3A_1746, %mul3A_1753 : vector<16xf32>
        %swap3A_1755 = arith.index_cast %add3A_1594 : i32 to index
        %swap3A_1756 = arith.constant 32 : index
        %swap3A_1757 = tpu.vector_load %arg11[%swap3A_1755, %swap3A_1756] {strides = array<i32>} : memref<128x64xf32, #tpu.memory_space<vmem>>, vector<1x16xf32>,
        %swap3A_1758 = vector.shape_cast %swap3A_1757 : vector<1x16xf32> to vector<16xf32>
        %swap3A_1759 = vector.shape_cast %add3A_1754 : vector<16xf32> to vector<1x16xf32>
        tpu.vector_store %arg11[%swap3A_1755, %swap3A_1756], %swap3A_1759 {strides = array<i32>} : memref<128x64xf32, #tpu.memory_space<vmem>>, vector<1x16xf32>,
        %get3A_1760 = arith.index_cast %add3A_1594 : i32 to index
        %get3A_1761 = arith.constant 48 : index
        %get3A_1762 = tpu.vector_load %arg10[%get3A_1760, %get3A_1761] {strides = array<i32>} : memref<128x64xf32, #tpu.memory_space<vmem>>, vector<1x16xf32>,
        %get3A_1763 = vector.shape_cast %get3A_1762 : vector<1x16xf32> to vector<16xf32>
        %add3A_1764 = arith.constant 0 : i32
        %add3A_1765 = arith.addi %add3A_1764, %add3A_1594 : i32
        %get3A_1766 = arith.index_cast %add3A_1765 : i32 to index
        %get3A_1767 = arith.constant 48 : index
        %get3A_1768 = tpu.vector_load %arg9[%get3A_1766, %get3A_1767] {strides = array<i32>} : memref<512x64xf32, #tpu.memory_space<vmem>>, vector<1x16xf32>,
        %get3A_1769 = vector.shape_cast %get3A_1768 : vector<1x16xf32> to vector<16xf32>
        %mul3A_1770 = arith.mulf %get3A_1769, %gather3A_1606 : vector<16xf32>
        %add3A_1771 = arith.addf %get3A_1763, %mul3A_1770 : vector<16xf32>
        %add3A_1772 = arith.constant 128 : i32
        %add3A_1773 = arith.addi %add3A_1772, %add3A_1594 : i32
        %get3A_1774 = arith.index_cast %add3A_1773 : i32 to index
        %get3A_1775 = arith.constant 48 : index
        %get3A_1776 = tpu.vector_load %arg9[%get3A_1774, %get3A_1775] {strides = array<i32>} : memref<512x64xf32, #tpu.memory_space<vmem>>, vector<1x16xf32>,
        %get3A_1777 = vector.shape_cast %get3A_1776 : vector<1x16xf32> to vector<16xf32>
        %mul3A_1778 = arith.mulf %get3A_1777, %gather3A_1616 : vector<16xf32>
        %add3A_1779 = arith.addf %add3A_1771, %mul3A_1778 : vector<16xf32>
        %add3A_1780 = arith.constant 256 : i32
        %add3A_1781 = arith.addi %add3A_1780, %add3A_1594 : i32
        %get3A_1782 = arith.index_cast %add3A_1781 : i32 to index
        %get3A_1783 = arith.constant 48 : index
        %get3A_1784 = tpu.vector_load %arg9[%get3A_1782, %get3A_1783] {strides = array<i32>} : memref<512x64xf32, #tpu.memory_space<vmem>>, vector<1x16xf32>,
        %get3A_1785 = vector.shape_cast %get3A_1784 : vector<1x16xf32> to vector<16xf32>
        %mul3A_1786 = arith.mulf %get3A_1785, %gather3A_1626 : vector<16xf32>
        %add3A_1787 = arith.addf %add3A_1779, %mul3A_1786 : vector<16xf32>
        %add3A_1788 = arith.constant 384 : i32
        %add3A_1789 = arith.addi %add3A_1788, %add3A_1594 : i32
        %get3A_1790 = arith.index_cast %add3A_1789 : i32 to index
        %get3A_1791 = arith.constant 48 : index
        %get3A_1792 = tpu.vector_load %arg9[%get3A_1790, %get3A_1791] {strides = array<i32>} : memref<512x64xf32, #tpu.memory_space<vmem>>, vector<1x16xf32>,
        %get3A_1793 = vector.shape_cast %get3A_1792 : vector<1x16xf32> to vector<16xf32>
        %mul3A_1794 = arith.mulf %get3A_1793, %gather3A_1636 : vector<16xf32>
        %add3A_1795 = arith.addf %add3A_1787, %mul3A_1794 : vector<16xf32>
        %swap3A_1796 = arith.index_cast %add3A_1594 : i32 to index
        %swap3A_1797 = arith.constant 48 : index
        %swap3A_1798 = tpu.vector_load %arg11[%swap3A_1796, %swap3A_1797] {strides = array<i32>} : memref<128x64xf32, #tpu.memory_space<vmem>>, vector<1x16xf32>,
        %swap3A_1799 = vector.shape_cast %swap3A_1798 : vector<1x16xf32> to vector<16xf32>
        %swap3A_1800 = vector.shape_cast %add3A_1795 : vector<16xf32> to vector<1x16xf32>
        tpu.vector_store %arg11[%swap3A_1796, %swap3A_1797], %swap3A_1800 {strides = array<i32>} : memref<128x64xf32, #tpu.memory_space<vmem>>, vector<1x16xf32>,
        %add3A_1801 = arith.constant 8 : i32
        %add3A_1802 = arith.addi %mul3A_96, %add3A_1801 : i32
        %broadcast_in_dim3A_1803 = arith.constant 8 : i32
        %broadcast_in_dim3A_1804 = vector.broadcast %broadcast_in_dim3A_1803 : i32 to vector<16xi32>
        %lt3A_1805 = arith.constant 0 : i32
        %lt3A_1806 = vector.broadcast %lt3A_1805 : i32 to vector<16xi32>
        %lt3A_1807 = arith.cmpi slt, %broadcast_in_dim3A_1804, %lt3A_1806 : vector<16xi32>
        %add3A_1808 = arith.constant 16 : i32
        %add3A_1809 = vector.broadcast %add3A_1808 : i32 to vector<16xi32>
        %add3A_1810 = arith.addi %broadcast_in_dim3A_1804, %add3A_1809 : vector<16xi32>
        %select_n3A_1811 = arith.select %lt3A_1807, %add3A_1810, %broadcast_in_dim3A_1804 : vector<16xi1>, vector<16xi32>
        %broadcast_in_dim3A_1812 = vector.shape_cast %select_n3A_1811 : vector<16xi32> to vector<16x1xi32>
        %gather3A_1813 = vector.shape_cast %broadcast_in_dim3A_1812 : vector<16x1xi32> to vector<16xi32>
        %gather3A_1814 = tpu.dynamic_gather %mul3A_138[%gather3A_1813] in [0] : vector<16xf32>, vector<16xi32> -> vector<16xf32>
        %lt3A_1815 = arith.constant 0 : i32
        %lt3A_1816 = vector.broadcast %lt3A_1815 : i32 to vector<16xi32>
        %lt3A_1817 = arith.cmpi slt, %broadcast_in_dim3A_1804, %lt3A_1816 : vector<16xi32>
        %add3A_1818 = arith.constant 16 : i32
        %add3A_1819 = vector.broadcast %add3A_1818 : i32 to vector<16xi32>
        %add3A_1820 = arith.addi %broadcast_in_dim3A_1804, %add3A_1819 : vector<16xi32>
        %select_n3A_1821 = arith.select %lt3A_1817, %add3A_1820, %broadcast_in_dim3A_1804 : vector<16xi1>, vector<16xi32>
        %broadcast_in_dim3A_1822 = vector.shape_cast %select_n3A_1821 : vector<16xi32> to vector<16x1xi32>
        %gather3A_1823 = vector.shape_cast %broadcast_in_dim3A_1822 : vector<16x1xi32> to vector<16xi32>
        %gather3A_1824 = tpu.dynamic_gather %mul3A_139[%gather3A_1823] in [0] : vector<16xf32>, vector<16xi32> -> vector<16xf32>
        %lt3A_1825 = arith.constant 0 : i32
        %lt3A_1826 = vector.broadcast %lt3A_1825 : i32 to vector<16xi32>
        %lt3A_1827 = arith.cmpi slt, %broadcast_in_dim3A_1804, %lt3A_1826 : vector<16xi32>
        %add3A_1828 = arith.constant 16 : i32
        %add3A_1829 = vector.broadcast %add3A_1828 : i32 to vector<16xi32>
        %add3A_1830 = arith.addi %broadcast_in_dim3A_1804, %add3A_1829 : vector<16xi32>
        %select_n3A_1831 = arith.select %lt3A_1827, %add3A_1830, %broadcast_in_dim3A_1804 : vector<16xi1>, vector<16xi32>
        %broadcast_in_dim3A_1832 = vector.shape_cast %select_n3A_1831 : vector<16xi32> to vector<16x1xi32>
        %gather3A_1833 = vector.shape_cast %broadcast_in_dim3A_1832 : vector<16x1xi32> to vector<16xi32>
        %gather3A_1834 = tpu.dynamic_gather %mul3A_140[%gather3A_1833] in [0] : vector<16xf32>, vector<16xi32> -> vector<16xf32>
        %lt3A_1835 = arith.constant 0 : i32
        %lt3A_1836 = vector.broadcast %lt3A_1835 : i32 to vector<16xi32>
        %lt3A_1837 = arith.cmpi slt, %broadcast_in_dim3A_1804, %lt3A_1836 : vector<16xi32>
        %add3A_1838 = arith.constant 16 : i32
        %add3A_1839 = vector.broadcast %add3A_1838 : i32 to vector<16xi32>
        %add3A_1840 = arith.addi %broadcast_in_dim3A_1804, %add3A_1839 : vector<16xi32>
        %select_n3A_1841 = arith.select %lt3A_1837, %add3A_1840, %broadcast_in_dim3A_1804 : vector<16xi1>, vector<16xi32>
        %broadcast_in_dim3A_1842 = vector.shape_cast %select_n3A_1841 : vector<16xi32> to vector<16x1xi32>
        %gather3A_1843 = vector.shape_cast %broadcast_in_dim3A_1842 : vector<16x1xi32> to vector<16xi32>
        %gather3A_1844 = tpu.dynamic_gather %mul3A_141[%gather3A_1843] in [0] : vector<16xf32>, vector<16xi32> -> vector<16xf32>
        %get3A_1845 = arith.index_cast %add3A_1802 : i32 to index
        %get3A_1846 = arith.constant 0 : index
        %get3A_1847 = tpu.vector_load %arg10[%get3A_1845, %get3A_1846] {strides = array<i32>} : memref<128x64xf32, #tpu.memory_space<vmem>>, vector<1x16xf32>,
        %get3A_1848 = vector.shape_cast %get3A_1847 : vector<1x16xf32> to vector<16xf32>
        %add3A_1849 = arith.constant 0 : i32
        %add3A_1850 = arith.addi %add3A_1849, %add3A_1802 : i32
        %get3A_1851 = arith.index_cast %add3A_1850 : i32 to index
        %get3A_1852 = arith.constant 0 : index
        %get3A_1853 = tpu.vector_load %arg9[%get3A_1851, %get3A_1852] {strides = array<i32>} : memref<512x64xf32, #tpu.memory_space<vmem>>, vector<1x16xf32>,
        %get3A_1854 = vector.shape_cast %get3A_1853 : vector<1x16xf32> to vector<16xf32>
        %mul3A_1855 = arith.mulf %get3A_1854, %gather3A_1814 : vector<16xf32>
        %add3A_1856 = arith.addf %get3A_1848, %mul3A_1855 : vector<16xf32>
        %add3A_1857 = arith.constant 128 : i32
        %add3A_1858 = arith.addi %add3A_1857, %add3A_1802 : i32
        %get3A_1859 = arith.index_cast %add3A_1858 : i32 to index
        %get3A_1860 = arith.constant 0 : index
        %get3A_1861 = tpu.vector_load %arg9[%get3A_1859, %get3A_1860] {strides = array<i32>} : memref<512x64xf32, #tpu.memory_space<vmem>>, vector<1x16xf32>,
        %get3A_1862 = vector.shape_cast %get3A_1861 : vector<1x16xf32> to vector<16xf32>
        %mul3A_1863 = arith.mulf %get3A_1862, %gather3A_1824 : vector<16xf32>
        %add3A_1864 = arith.addf %add3A_1856, %mul3A_1863 : vector<16xf32>
        %add3A_1865 = arith.constant 256 : i32
        %add3A_1866 = arith.addi %add3A_1865, %add3A_1802 : i32
        %get3A_1867 = arith.index_cast %add3A_1866 : i32 to index
        %get3A_1868 = arith.constant 0 : index
        %get3A_1869 = tpu.vector_load %arg9[%get3A_1867, %get3A_1868] {strides = array<i32>} : memref<512x64xf32, #tpu.memory_space<vmem>>, vector<1x16xf32>,
        %get3A_1870 = vector.shape_cast %get3A_1869 : vector<1x16xf32> to vector<16xf32>
        %mul3A_1871 = arith.mulf %get3A_1870, %gather3A_1834 : vector<16xf32>
        %add3A_1872 = arith.addf %add3A_1864, %mul3A_1871 : vector<16xf32>
        %add3A_1873 = arith.constant 384 : i32
        %add3A_1874 = arith.addi %add3A_1873, %add3A_1802 : i32
        %get3A_1875 = arith.index_cast %add3A_1874 : i32 to index
        %get3A_1876 = arith.constant 0 : index
        %get3A_1877 = tpu.vector_load %arg9[%get3A_1875, %get3A_1876] {strides = array<i32>} : memref<512x64xf32, #tpu.memory_space<vmem>>, vector<1x16xf32>,
        %get3A_1878 = vector.shape_cast %get3A_1877 : vector<1x16xf32> to vector<16xf32>
        %mul3A_1879 = arith.mulf %get3A_1878, %gather3A_1844 : vector<16xf32>
        %add3A_1880 = arith.addf %add3A_1872, %mul3A_1879 : vector<16xf32>
        %swap3A_1881 = arith.index_cast %add3A_1802 : i32 to index
        %swap3A_1882 = arith.constant 0 : index
        %swap3A_1883 = tpu.vector_load %arg11[%swap3A_1881, %swap3A_1882] {strides = array<i32>} : memref<128x64xf32, #tpu.memory_space<vmem>>, vector<1x16xf32>,
        %swap3A_1884 = vector.shape_cast %swap3A_1883 : vector<1x16xf32> to vector<16xf32>
        %swap3A_1885 = vector.shape_cast %add3A_1880 : vector<16xf32> to vector<1x16xf32>
        tpu.vector_store %arg11[%swap3A_1881, %swap3A_1882], %swap3A_1885 {strides = array<i32>} : memref<128x64xf32, #tpu.memory_space<vmem>>, vector<1x16xf32>,
        %get3A_1886 = arith.index_cast %add3A_1802 : i32 to index
        %get3A_1887 = arith.constant 16 : index
        %get3A_1888 = tpu.vector_load %arg10[%get3A_1886, %get3A_1887] {strides = array<i32>} : memref<128x64xf32, #tpu.memory_space<vmem>>, vector<1x16xf32>,
        %get3A_1889 = vector.shape_cast %get3A_1888 : vector<1x16xf32> to vector<16xf32>
        %add3A_1890 = arith.constant 0 : i32
        %add3A_1891 = arith.addi %add3A_1890, %add3A_1802 : i32
        %get3A_1892 = arith.index_cast %add3A_1891 : i32 to index
        %get3A_1893 = arith.constant 16 : index
        %get3A_1894 = tpu.vector_load %arg9[%get3A_1892, %get3A_1893] {strides = array<i32>} : memref<512x64xf32, #tpu.memory_space<vmem>>, vector<1x16xf32>,
        %get3A_1895 = vector.shape_cast %get3A_1894 : vector<1x16xf32> to vector<16xf32>
        %mul3A_1896 = arith.mulf %get3A_1895, %gather3A_1814 : vector<16xf32>
        %add3A_1897 = arith.addf %get3A_1889, %mul3A_1896 : vector<16xf32>
        %add3A_1898 = arith.constant 128 : i32
        %add3A_1899 = arith.addi %add3A_1898, %add3A_1802 : i32
        %get3A_1900 = arith.index_cast %add3A_1899 : i32 to index
        %get3A_1901 = arith.constant 16 : index
        %get3A_1902 = tpu.vector_load %arg9[%get3A_1900, %get3A_1901] {strides = array<i32>} : memref<512x64xf32, #tpu.memory_space<vmem>>, vector<1x16xf32>,
        %get3A_1903 = vector.shape_cast %get3A_1902 : vector<1x16xf32> to vector<16xf32>
        %mul3A_1904 = arith.mulf %get3A_1903, %gather3A_1824 : vector<16xf32>
        %add3A_1905 = arith.addf %add3A_1897, %mul3A_1904 : vector<16xf32>
        %add3A_1906 = arith.constant 256 : i32
        %add3A_1907 = arith.addi %add3A_1906, %add3A_1802 : i32
        %get3A_1908 = arith.index_cast %add3A_1907 : i32 to index
        %get3A_1909 = arith.constant 16 : index
        %get3A_1910 = tpu.vector_load %arg9[%get3A_1908, %get3A_1909] {strides = array<i32>} : memref<512x64xf32, #tpu.memory_space<vmem>>, vector<1x16xf32>,
        %get3A_1911 = vector.shape_cast %get3A_1910 : vector<1x16xf32> to vector<16xf32>
        %mul3A_1912 = arith.mulf %get3A_1911, %gather3A_1834 : vector<16xf32>
        %add3A_1913 = arith.addf %add3A_1905, %mul3A_1912 : vector<16xf32>
        %add3A_1914 = arith.constant 384 : i32
        %add3A_1915 = arith.addi %add3A_1914, %add3A_1802 : i32
        %get3A_1916 = arith.index_cast %add3A_1915 : i32 to index
        %get3A_1917 = arith.constant 16 : index
        %get3A_1918 = tpu.vector_load %arg9[%get3A_1916, %get3A_1917] {strides = array<i32>} : memref<512x64xf32, #tpu.memory_space<vmem>>, vector<1x16xf32>,
        %get3A_1919 = vector.shape_cast %get3A_1918 : vector<1x16xf32> to vector<16xf32>
        %mul3A_1920 = arith.mulf %get3A_1919, %gather3A_1844 : vector<16xf32>
        %add3A_1921 = arith.addf %add3A_1913, %mul3A_1920 : vector<16xf32>
        %swap3A_1922 = arith.index_cast %add3A_1802 : i32 to index
        %swap3A_1923 = arith.constant 16 : index
        %swap3A_1924 = tpu.vector_load %arg11[%swap3A_1922, %swap3A_1923] {strides = array<i32>} : memref<128x64xf32, #tpu.memory_space<vmem>>, vector<1x16xf32>,
        %swap3A_1925 = vector.shape_cast %swap3A_1924 : vector<1x16xf32> to vector<16xf32>
        %swap3A_1926 = vector.shape_cast %add3A_1921 : vector<16xf32> to vector<1x16xf32>
        tpu.vector_store %arg11[%swap3A_1922, %swap3A_1923], %swap3A_1926 {strides = array<i32>} : memref<128x64xf32, #tpu.memory_space<vmem>>, vector<1x16xf32>,
        %get3A_1927 = arith.index_cast %add3A_1802 : i32 to index
        %get3A_1928 = arith.constant 32 : index
        %get3A_1929 = tpu.vector_load %arg10[%get3A_1927, %get3A_1928] {strides = array<i32>} : memref<128x64xf32, #tpu.memory_space<vmem>>, vector<1x16xf32>,
        %get3A_1930 = vector.shape_cast %get3A_1929 : vector<1x16xf32> to vector<16xf32>
        %add3A_1931 = arith.constant 0 : i32
        %add3A_1932 = arith.addi %add3A_1931, %add3A_1802 : i32
        %get3A_1933 = arith.index_cast %add3A_1932 : i32 to index
        %get3A_1934 = arith.constant 32 : index
        %get3A_1935 = tpu.vector_load %arg9[%get3A_1933, %get3A_1934] {strides = array<i32>} : memref<512x64xf32, #tpu.memory_space<vmem>>, vector<1x16xf32>,
        %get3A_1936 = vector.shape_cast %get3A_1935 : vector<1x16xf32> to vector<16xf32>
        %mul3A_1937 = arith.mulf %get3A_1936, %gather3A_1814 : vector<16xf32>
        %add3A_1938 = arith.addf %get3A_1930, %mul3A_1937 : vector<16xf32>
        %add3A_1939 = arith.constant 128 : i32
        %add3A_1940 = arith.addi %add3A_1939, %add3A_1802 : i32
        %get3A_1941 = arith.index_cast %add3A_1940 : i32 to index
        %get3A_1942 = arith.constant 32 : index
        %get3A_1943 = tpu.vector_load %arg9[%get3A_1941, %get3A_1942] {strides = array<i32>} : memref<512x64xf32, #tpu.memory_space<vmem>>, vector<1x16xf32>,
        %get3A_1944 = vector.shape_cast %get3A_1943 : vector<1x16xf32> to vector<16xf32>
        %mul3A_1945 = arith.mulf %get3A_1944, %gather3A_1824 : vector<16xf32>
        %add3A_1946 = arith.addf %add3A_1938, %mul3A_1945 : vector<16xf32>
        %add3A_1947 = arith.constant 256 : i32
        %add3A_1948 = arith.addi %add3A_1947, %add3A_1802 : i32
        %get3A_1949 = arith.index_cast %add3A_1948 : i32 to index
        %get3A_1950 = arith.constant 32 : index
        %get3A_1951 = tpu.vector_load %arg9[%get3A_1949, %get3A_1950] {strides = array<i32>} : memref<512x64xf32, #tpu.memory_space<vmem>>, vector<1x16xf32>,
        %get3A_1952 = vector.shape_cast %get3A_1951 : vector<1x16xf32> to vector<16xf32>
        %mul3A_1953 = arith.mulf %get3A_1952, %gather3A_1834 : vector<16xf32>
        %add3A_1954 = arith.addf %add3A_1946, %mul3A_1953 : vector<16xf32>
        %add3A_1955 = arith.constant 384 : i32
        %add3A_1956 = arith.addi %add3A_1955, %add3A_1802 : i32
        %get3A_1957 = arith.index_cast %add3A_1956 : i32 to index
        %get3A_1958 = arith.constant 32 : index
        %get3A_1959 = tpu.vector_load %arg9[%get3A_1957, %get3A_1958] {strides = array<i32>} : memref<512x64xf32, #tpu.memory_space<vmem>>, vector<1x16xf32>,
        %get3A_1960 = vector.shape_cast %get3A_1959 : vector<1x16xf32> to vector<16xf32>
        %mul3A_1961 = arith.mulf %get3A_1960, %gather3A_1844 : vector<16xf32>
        %add3A_1962 = arith.addf %add3A_1954, %mul3A_1961 : vector<16xf32>
        %swap3A_1963 = arith.index_cast %add3A_1802 : i32 to index
        %swap3A_1964 = arith.constant 32 : index
        %swap3A_1965 = tpu.vector_load %arg11[%swap3A_1963, %swap3A_1964] {strides = array<i32>} : memref<128x64xf32, #tpu.memory_space<vmem>>, vector<1x16xf32>,
        %swap3A_1966 = vector.shape_cast %swap3A_1965 : vector<1x16xf32> to vector<16xf32>
        %swap3A_1967 = vector.shape_cast %add3A_1962 : vector<16xf32> to vector<1x16xf32>
        tpu.vector_store %arg11[%swap3A_1963, %swap3A_1964], %swap3A_1967 {strides = array<i32>} : memref<128x64xf32, #tpu.memory_space<vmem>>, vector<1x16xf32>,
        %get3A_1968 = arith.index_cast %add3A_1802 : i32 to index
        %get3A_1969 = arith.constant 48 : index
        %get3A_1970 = tpu.vector_load %arg10[%get3A_1968, %get3A_1969] {strides = array<i32>} : memref<128x64xf32, #tpu.memory_space<vmem>>, vector<1x16xf32>,
        %get3A_1971 = vector.shape_cast %get3A_1970 : vector<1x16xf32> to vector<16xf32>
        %add3A_1972 = arith.constant 0 : i32
        %add3A_1973 = arith.addi %add3A_1972, %add3A_1802 : i32
        %get3A_1974 = arith.index_cast %add3A_1973 : i32 to index
        %get3A_1975 = arith.constant 48 : index
        %get3A_1976 = tpu.vector_load %arg9[%get3A_1974, %get3A_1975] {strides = array<i32>} : memref<512x64xf32, #tpu.memory_space<vmem>>, vector<1x16xf32>,
        %get3A_1977 = vector.shape_cast %get3A_1976 : vector<1x16xf32> to vector<16xf32>
        %mul3A_1978 = arith.mulf %get3A_1977, %gather3A_1814 : vector<16xf32>
        %add3A_1979 = arith.addf %get3A_1971, %mul3A_1978 : vector<16xf32>
        %add3A_1980 = arith.constant 128 : i32
        %add3A_1981 = arith.addi %add3A_1980, %add3A_1802 : i32
        %get3A_1982 = arith.index_cast %add3A_1981 : i32 to index
        %get3A_1983 = arith.constant 48 : index
        %get3A_1984 = tpu.vector_load %arg9[%get3A_1982, %get3A_1983] {strides = array<i32>} : memref<512x64xf32, #tpu.memory_space<vmem>>, vector<1x16xf32>,
        %get3A_1985 = vector.shape_cast %get3A_1984 : vector<1x16xf32> to vector<16xf32>
        %mul3A_1986 = arith.mulf %get3A_1985, %gather3A_1824 : vector<16xf32>
        %add3A_1987 = arith.addf %add3A_1979, %mul3A_1986 : vector<16xf32>
        %add3A_1988 = arith.constant 256 : i32
        %add3A_1989 = arith.addi %add3A_1988, %add3A_1802 : i32
        %get3A_1990 = arith.index_cast %add3A_1989 : i32 to index
        %get3A_1991 = arith.constant 48 : index
        %get3A_1992 = tpu.vector_load %arg9[%get3A_1990, %get3A_1991] {strides = array<i32>} : memref<512x64xf32, #tpu.memory_space<vmem>>, vector<1x16xf32>,
        %get3A_1993 = vector.shape_cast %get3A_1992 : vector<1x16xf32> to vector<16xf32>
        %mul3A_1994 = arith.mulf %get3A_1993, %gather3A_1834 : vector<16xf32>
        %add3A_1995 = arith.addf %add3A_1987, %mul3A_1994 : vector<16xf32>
        %add3A_1996 = arith.constant 384 : i32
        %add3A_1997 = arith.addi %add3A_1996, %add3A_1802 : i32
        %get3A_1998 = arith.index_cast %add3A_1997 : i32 to index
        %get3A_1999 = arith.constant 48 : index
        %get3A_2000 = tpu.vector_load %arg9[%get3A_1998, %get3A_1999] {strides = array<i32>} : memref<512x64xf32, #tpu.memory_space<vmem>>, vector<1x16xf32>,
        %get3A_2001 = vector.shape_cast %get3A_2000 : vector<1x16xf32> to vector<16xf32>
        %mul3A_2002 = arith.mulf %get3A_2001, %gather3A_1844 : vector<16xf32>
        %add3A_2003 = arith.addf %add3A_1995, %mul3A_2002 : vector<16xf32>
        %swap3A_2004 = arith.index_cast %add3A_1802 : i32 to index
        %swap3A_2005 = arith.constant 48 : index
        %swap3A_2006 = tpu.vector_load %arg11[%swap3A_2004, %swap3A_2005] {strides = array<i32>} : memref<128x64xf32, #tpu.memory_space<vmem>>, vector<1x16xf32>,
        %swap3A_2007 = vector.shape_cast %swap3A_2006 : vector<1x16xf32> to vector<16xf32>
        %swap3A_2008 = vector.shape_cast %add3A_2003 : vector<16xf32> to vector<1x16xf32>
        tpu.vector_store %arg11[%swap3A_2004, %swap3A_2005], %swap3A_2008 {strides = array<i32>} : memref<128x64xf32, #tpu.memory_space<vmem>>, vector<1x16xf32>,
        %add3A_2009 = arith.constant 9 : i32
        %add3A_2010 = arith.addi %mul3A_96, %add3A_2009 : i32
        %broadcast_in_dim3A_2011 = arith.constant 9 : i32
        %broadcast_in_dim3A_2012 = vector.broadcast %broadcast_in_dim3A_2011 : i32 to vector<16xi32>
        %lt3A_2013 = arith.constant 0 : i32
        %lt3A_2014 = vector.broadcast %lt3A_2013 : i32 to vector<16xi32>
        %lt3A_2015 = arith.cmpi slt, %broadcast_in_dim3A_2012, %lt3A_2014 : vector<16xi32>
        %add3A_2016 = arith.constant 16 : i32
        %add3A_2017 = vector.broadcast %add3A_2016 : i32 to vector<16xi32>
        %add3A_2018 = arith.addi %broadcast_in_dim3A_2012, %add3A_2017 : vector<16xi32>
        %select_n3A_2019 = arith.select %lt3A_2015, %add3A_2018, %broadcast_in_dim3A_2012 : vector<16xi1>, vector<16xi32>
        %broadcast_in_dim3A_2020 = vector.shape_cast %select_n3A_2019 : vector<16xi32> to vector<16x1xi32>
        %gather3A_2021 = vector.shape_cast %broadcast_in_dim3A_2020 : vector<16x1xi32> to vector<16xi32>
        %gather3A_2022 = tpu.dynamic_gather %mul3A_138[%gather3A_2021] in [0] : vector<16xf32>, vector<16xi32> -> vector<16xf32>
        %lt3A_2023 = arith.constant 0 : i32
        %lt3A_2024 = vector.broadcast %lt3A_2023 : i32 to vector<16xi32>
        %lt3A_2025 = arith.cmpi slt, %broadcast_in_dim3A_2012, %lt3A_2024 : vector<16xi32>
        %add3A_2026 = arith.constant 16 : i32
        %add3A_2027 = vector.broadcast %add3A_2026 : i32 to vector<16xi32>
        %add3A_2028 = arith.addi %broadcast_in_dim3A_2012, %add3A_2027 : vector<16xi32>
        %select_n3A_2029 = arith.select %lt3A_2025, %add3A_2028, %broadcast_in_dim3A_2012 : vector<16xi1>, vector<16xi32>
        %broadcast_in_dim3A_2030 = vector.shape_cast %select_n3A_2029 : vector<16xi32> to vector<16x1xi32>
        %gather3A_2031 = vector.shape_cast %broadcast_in_dim3A_2030 : vector<16x1xi32> to vector<16xi32>
        %gather3A_2032 = tpu.dynamic_gather %mul3A_139[%gather3A_2031] in [0] : vector<16xf32>, vector<16xi32> -> vector<16xf32>
        %lt3A_2033 = arith.constant 0 : i32
        %lt3A_2034 = vector.broadcast %lt3A_2033 : i32 to vector<16xi32>
        %lt3A_2035 = arith.cmpi slt, %broadcast_in_dim3A_2012, %lt3A_2034 : vector<16xi32>
        %add3A_2036 = arith.constant 16 : i32
        %add3A_2037 = vector.broadcast %add3A_2036 : i32 to vector<16xi32>
        %add3A_2038 = arith.addi %broadcast_in_dim3A_2012, %add3A_2037 : vector<16xi32>
        %select_n3A_2039 = arith.select %lt3A_2035, %add3A_2038, %broadcast_in_dim3A_2012 : vector<16xi1>, vector<16xi32>
        %broadcast_in_dim3A_2040 = vector.shape_cast %select_n3A_2039 : vector<16xi32> to vector<16x1xi32>
        %gather3A_2041 = vector.shape_cast %broadcast_in_dim3A_2040 : vector<16x1xi32> to vector<16xi32>
        %gather3A_2042 = tpu.dynamic_gather %mul3A_140[%gather3A_2041] in [0] : vector<16xf32>, vector<16xi32> -> vector<16xf32>
        %lt3A_2043 = arith.constant 0 : i32
        %lt3A_2044 = vector.broadcast %lt3A_2043 : i32 to vector<16xi32>
        %lt3A_2045 = arith.cmpi slt, %broadcast_in_dim3A_2012, %lt3A_2044 : vector<16xi32>
        %add3A_2046 = arith.constant 16 : i32
        %add3A_2047 = vector.broadcast %add3A_2046 : i32 to vector<16xi32>
        %add3A_2048 = arith.addi %broadcast_in_dim3A_2012, %add3A_2047 : vector<16xi32>
        %select_n3A_2049 = arith.select %lt3A_2045, %add3A_2048, %broadcast_in_dim3A_2012 : vector<16xi1>, vector<16xi32>
        %broadcast_in_dim3A_2050 = vector.shape_cast %select_n3A_2049 : vector<16xi32> to vector<16x1xi32>
        %gather3A_2051 = vector.shape_cast %broadcast_in_dim3A_2050 : vector<16x1xi32> to vector<16xi32>
        %gather3A_2052 = tpu.dynamic_gather %mul3A_141[%gather3A_2051] in [0] : vector<16xf32>, vector<16xi32> -> vector<16xf32>
        %get3A_2053 = arith.index_cast %add3A_2010 : i32 to index
        %get3A_2054 = arith.constant 0 : index
        %get3A_2055 = tpu.vector_load %arg10[%get3A_2053, %get3A_2054] {strides = array<i32>} : memref<128x64xf32, #tpu.memory_space<vmem>>, vector<1x16xf32>,
        %get3A_2056 = vector.shape_cast %get3A_2055 : vector<1x16xf32> to vector<16xf32>
        %add3A_2057 = arith.constant 0 : i32
        %add3A_2058 = arith.addi %add3A_2057, %add3A_2010 : i32
        %get3A_2059 = arith.index_cast %add3A_2058 : i32 to index
        %get3A_2060 = arith.constant 0 : index
        %get3A_2061 = tpu.vector_load %arg9[%get3A_2059, %get3A_2060] {strides = array<i32>} : memref<512x64xf32, #tpu.memory_space<vmem>>, vector<1x16xf32>,
        %get3A_2062 = vector.shape_cast %get3A_2061 : vector<1x16xf32> to vector<16xf32>
        %mul3A_2063 = arith.mulf %get3A_2062, %gather3A_2022 : vector<16xf32>
        %add3A_2064 = arith.addf %get3A_2056, %mul3A_2063 : vector<16xf32>
        %add3A_2065 = arith.constant 128 : i32
        %add3A_2066 = arith.addi %add3A_2065, %add3A_2010 : i32
        %get3A_2067 = arith.index_cast %add3A_2066 : i32 to index
        %get3A_2068 = arith.constant 0 : index
        %get3A_2069 = tpu.vector_load %arg9[%get3A_2067, %get3A_2068] {strides = array<i32>} : memref<512x64xf32, #tpu.memory_space<vmem>>, vector<1x16xf32>,
        %get3A_2070 = vector.shape_cast %get3A_2069 : vector<1x16xf32> to vector<16xf32>
        %mul3A_2071 = arith.mulf %get3A_2070, %gather3A_2032 : vector<16xf32>
        %add3A_2072 = arith.addf %add3A_2064, %mul3A_2071 : vector<16xf32>
        %add3A_2073 = arith.constant 256 : i32
        %add3A_2074 = arith.addi %add3A_2073, %add3A_2010 : i32
        %get3A_2075 = arith.index_cast %add3A_2074 : i32 to index
        %get3A_2076 = arith.constant 0 : index
        %get3A_2077 = tpu.vector_load %arg9[%get3A_2075, %get3A_2076] {strides = array<i32>} : memref<512x64xf32, #tpu.memory_space<vmem>>, vector<1x16xf32>,
        %get3A_2078 = vector.shape_cast %get3A_2077 : vector<1x16xf32> to vector<16xf32>
        %mul3A_2079 = arith.mulf %get3A_2078, %gather3A_2042 : vector<16xf32>
        %add3A_2080 = arith.addf %add3A_2072, %mul3A_2079 : vector<16xf32>
        %add3A_2081 = arith.constant 384 : i32
        %add3A_2082 = arith.addi %add3A_2081, %add3A_2010 : i32
        %get3A_2083 = arith.index_cast %add3A_2082 : i32 to index
        %get3A_2084 = arith.constant 0 : index
        %get3A_2085 = tpu.vector_load %arg9[%get3A_2083, %get3A_2084] {strides = array<i32>} : memref<512x64xf32, #tpu.memory_space<vmem>>, vector<1x16xf32>,
        %get3A_2086 = vector.shape_cast %get3A_2085 : vector<1x16xf32> to vector<16xf32>
        %mul3A_2087 = arith.mulf %get3A_2086, %gather3A_2052 : vector<16xf32>
        %add3A_2088 = arith.addf %add3A_2080, %mul3A_2087 : vector<16xf32>
        %swap3A_2089 = arith.index_cast %add3A_2010 : i32 to index
        %swap3A_2090 = arith.constant 0 : index
        %swap3A_2091 = tpu.vector_load %arg11[%swap3A_2089, %swap3A_2090] {strides = array<i32>} : memref<128x64xf32, #tpu.memory_space<vmem>>, vector<1x16xf32>,
        %swap3A_2092 = vector.shape_cast %swap3A_2091 : vector<1x16xf32> to vector<16xf32>
        %swap3A_2093 = vector.shape_cast %add3A_2088 : vector<16xf32> to vector<1x16xf32>
        tpu.vector_store %arg11[%swap3A_2089, %swap3A_2090], %swap3A_2093 {strides = array<i32>} : memref<128x64xf32, #tpu.memory_space<vmem>>, vector<1x16xf32>,
        %get3A_2094 = arith.index_cast %add3A_2010 : i32 to index
        %get3A_2095 = arith.constant 16 : index
        %get3A_2096 = tpu.vector_load %arg10[%get3A_2094, %get3A_2095] {strides = array<i32>} : memref<128x64xf32, #tpu.memory_space<vmem>>, vector<1x16xf32>,
        %get3A_2097 = vector.shape_cast %get3A_2096 : vector<1x16xf32> to vector<16xf32>
        %add3A_2098 = arith.constant 0 : i32
        %add3A_2099 = arith.addi %add3A_2098, %add3A_2010 : i32
        %get3A_2100 = arith.index_cast %add3A_2099 : i32 to index
        %get3A_2101 = arith.constant 16 : index
        %get3A_2102 = tpu.vector_load %arg9[%get3A_2100, %get3A_2101] {strides = array<i32>} : memref<512x64xf32, #tpu.memory_space<vmem>>, vector<1x16xf32>,
        %get3A_2103 = vector.shape_cast %get3A_2102 : vector<1x16xf32> to vector<16xf32>
        %mul3A_2104 = arith.mulf %get3A_2103, %gather3A_2022 : vector<16xf32>
        %add3A_2105 = arith.addf %get3A_2097, %mul3A_2104 : vector<16xf32>
        %add3A_2106 = arith.constant 128 : i32
        %add3A_2107 = arith.addi %add3A_2106, %add3A_2010 : i32
        %get3A_2108 = arith.index_cast %add3A_2107 : i32 to index
        %get3A_2109 = arith.constant 16 : index
        %get3A_2110 = tpu.vector_load %arg9[%get3A_2108, %get3A_2109] {strides = array<i32>} : memref<512x64xf32, #tpu.memory_space<vmem>>, vector<1x16xf32>,
        %get3A_2111 = vector.shape_cast %get3A_2110 : vector<1x16xf32> to vector<16xf32>
        %mul3A_2112 = arith.mulf %get3A_2111, %gather3A_2032 : vector<16xf32>
        %add3A_2113 = arith.addf %add3A_2105, %mul3A_2112 : vector<16xf32>
        %add3A_2114 = arith.constant 256 : i32
        %add3A_2115 = arith.addi %add3A_2114, %add3A_2010 : i32
        %get3A_2116 = arith.index_cast %add3A_2115 : i32 to index
        %get3A_2117 = arith.constant 16 : index
        %get3A_2118 = tpu.vector_load %arg9[%get3A_2116, %get3A_2117] {strides = array<i32>} : memref<512x64xf32, #tpu.memory_space<vmem>>, vector<1x16xf32>,
        %get3A_2119 = vector.shape_cast %get3A_2118 : vector<1x16xf32> to vector<16xf32>
        %mul3A_2120 = arith.mulf %get3A_2119, %gather3A_2042 : vector<16xf32>
        %add3A_2121 = arith.addf %add3A_2113, %mul3A_2120 : vector<16xf32>
        %add3A_2122 = arith.constant 384 : i32
        %add3A_2123 = arith.addi %add3A_2122, %add3A_2010 : i32
        %get3A_2124 = arith.index_cast %add3A_2123 : i32 to index
        %get3A_2125 = arith.constant 16 : index
        %get3A_2126 = tpu.vector_load %arg9[%get3A_2124, %get3A_2125] {strides = array<i32>} : memref<512x64xf32, #tpu.memory_space<vmem>>, vector<1x16xf32>,
        %get3A_2127 = vector.shape_cast %get3A_2126 : vector<1x16xf32> to vector<16xf32>
        %mul3A_2128 = arith.mulf %get3A_2127, %gather3A_2052 : vector<16xf32>
        %add3A_2129 = arith.addf %add3A_2121, %mul3A_2128 : vector<16xf32>
        %swap3A_2130 = arith.index_cast %add3A_2010 : i32 to index
        %swap3A_2131 = arith.constant 16 : index
        %swap3A_2132 = tpu.vector_load %arg11[%swap3A_2130, %swap3A_2131] {strides = array<i32>} : memref<128x64xf32, #tpu.memory_space<vmem>>, vector<1x16xf32>,
        %swap3A_2133 = vector.shape_cast %swap3A_2132 : vector<1x16xf32> to vector<16xf32>
        %swap3A_2134 = vector.shape_cast %add3A_2129 : vector<16xf32> to vector<1x16xf32>
        tpu.vector_store %arg11[%swap3A_2130, %swap3A_2131], %swap3A_2134 {strides = array<i32>} : memref<128x64xf32, #tpu.memory_space<vmem>>, vector<1x16xf32>,
        %get3A_2135 = arith.index_cast %add3A_2010 : i32 to index
        %get3A_2136 = arith.constant 32 : index
        %get3A_2137 = tpu.vector_load %arg10[%get3A_2135, %get3A_2136] {strides = array<i32>} : memref<128x64xf32, #tpu.memory_space<vmem>>, vector<1x16xf32>,
        %get3A_2138 = vector.shape_cast %get3A_2137 : vector<1x16xf32> to vector<16xf32>
        %add3A_2139 = arith.constant 0 : i32
        %add3A_2140 = arith.addi %add3A_2139, %add3A_2010 : i32
        %get3A_2141 = arith.index_cast %add3A_2140 : i32 to index
        %get3A_2142 = arith.constant 32 : index
        %get3A_2143 = tpu.vector_load %arg9[%get3A_2141, %get3A_2142] {strides = array<i32>} : memref<512x64xf32, #tpu.memory_space<vmem>>, vector<1x16xf32>,
        %get3A_2144 = vector.shape_cast %get3A_2143 : vector<1x16xf32> to vector<16xf32>
        %mul3A_2145 = arith.mulf %get3A_2144, %gather3A_2022 : vector<16xf32>
        %add3A_2146 = arith.addf %get3A_2138, %mul3A_2145 : vector<16xf32>
        %add3A_2147 = arith.constant 128 : i32
        %add3A_2148 = arith.addi %add3A_2147, %add3A_2010 : i32
        %get3A_2149 = arith.index_cast %add3A_2148 : i32 to index
        %get3A_2150 = arith.constant 32 : index
        %get3A_2151 = tpu.vector_load %arg9[%get3A_2149, %get3A_2150] {strides = array<i32>} : memref<512x64xf32, #tpu.memory_space<vmem>>, vector<1x16xf32>,
        %get3A_2152 = vector.shape_cast %get3A_2151 : vector<1x16xf32> to vector<16xf32>
        %mul3A_2153 = arith.mulf %get3A_2152, %gather3A_2032 : vector<16xf32>
        %add3A_2154 = arith.addf %add3A_2146, %mul3A_2153 : vector<16xf32>
        %add3A_2155 = arith.constant 256 : i32
        %add3A_2156 = arith.addi %add3A_2155, %add3A_2010 : i32
        %get3A_2157 = arith.index_cast %add3A_2156 : i32 to index
        %get3A_2158 = arith.constant 32 : index
        %get3A_2159 = tpu.vector_load %arg9[%get3A_2157, %get3A_2158] {strides = array<i32>} : memref<512x64xf32, #tpu.memory_space<vmem>>, vector<1x16xf32>,
        %get3A_2160 = vector.shape_cast %get3A_2159 : vector<1x16xf32> to vector<16xf32>
        %mul3A_2161 = arith.mulf %get3A_2160, %gather3A_2042 : vector<16xf32>
        %add3A_2162 = arith.addf %add3A_2154, %mul3A_2161 : vector<16xf32>
        %add3A_2163 = arith.constant 384 : i32
        %add3A_2164 = arith.addi %add3A_2163, %add3A_2010 : i32
        %get3A_2165 = arith.index_cast %add3A_2164 : i32 to index
        %get3A_2166 = arith.constant 32 : index
        %get3A_2167 = tpu.vector_load %arg9[%get3A_2165, %get3A_2166] {strides = array<i32>} : memref<512x64xf32, #tpu.memory_space<vmem>>, vector<1x16xf32>,
        %get3A_2168 = vector.shape_cast %get3A_2167 : vector<1x16xf32> to vector<16xf32>
        %mul3A_2169 = arith.mulf %get3A_2168, %gather3A_2052 : vector<16xf32>
        %add3A_2170 = arith.addf %add3A_2162, %mul3A_2169 : vector<16xf32>
        %swap3A_2171 = arith.index_cast %add3A_2010 : i32 to index
        %swap3A_2172 = arith.constant 32 : index
        %swap3A_2173 = tpu.vector_load %arg11[%swap3A_2171, %swap3A_2172] {strides = array<i32>} : memref<128x64xf32, #tpu.memory_space<vmem>>, vector<1x16xf32>,
        %swap3A_2174 = vector.shape_cast %swap3A_2173 : vector<1x16xf32> to vector<16xf32>
        %swap3A_2175 = vector.shape_cast %add3A_2170 : vector<16xf32> to vector<1x16xf32>
        tpu.vector_store %arg11[%swap3A_2171, %swap3A_2172], %swap3A_2175 {strides = array<i32>} : memref<128x64xf32, #tpu.memory_space<vmem>>, vector<1x16xf32>,
        %get3A_2176 = arith.index_cast %add3A_2010 : i32 to index
        %get3A_2177 = arith.constant 48 : index
        %get3A_2178 = tpu.vector_load %arg10[%get3A_2176, %get3A_2177] {strides = array<i32>} : memref<128x64xf32, #tpu.memory_space<vmem>>, vector<1x16xf32>,
        %get3A_2179 = vector.shape_cast %get3A_2178 : vector<1x16xf32> to vector<16xf32>
        %add3A_2180 = arith.constant 0 : i32
        %add3A_2181 = arith.addi %add3A_2180, %add3A_2010 : i32
        %get3A_2182 = arith.index_cast %add3A_2181 : i32 to index
        %get3A_2183 = arith.constant 48 : index
        %get3A_2184 = tpu.vector_load %arg9[%get3A_2182, %get3A_2183] {strides = array<i32>} : memref<512x64xf32, #tpu.memory_space<vmem>>, vector<1x16xf32>,
        %get3A_2185 = vector.shape_cast %get3A_2184 : vector<1x16xf32> to vector<16xf32>
        %mul3A_2186 = arith.mulf %get3A_2185, %gather3A_2022 : vector<16xf32>
        %add3A_2187 = arith.addf %get3A_2179, %mul3A_2186 : vector<16xf32>
        %add3A_2188 = arith.constant 128 : i32
        %add3A_2189 = arith.addi %add3A_2188, %add3A_2010 : i32
        %get3A_2190 = arith.index_cast %add3A_2189 : i32 to index
        %get3A_2191 = arith.constant 48 : index
        %get3A_2192 = tpu.vector_load %arg9[%get3A_2190, %get3A_2191] {strides = array<i32>} : memref<512x64xf32, #tpu.memory_space<vmem>>, vector<1x16xf32>,
        %get3A_2193 = vector.shape_cast %get3A_2192 : vector<1x16xf32> to vector<16xf32>
        %mul3A_2194 = arith.mulf %get3A_2193, %gather3A_2032 : vector<16xf32>
        %add3A_2195 = arith.addf %add3A_2187, %mul3A_2194 : vector<16xf32>
        %add3A_2196 = arith.constant 256 : i32
        %add3A_2197 = arith.addi %add3A_2196, %add3A_2010 : i32
        %get3A_2198 = arith.index_cast %add3A_2197 : i32 to index
        %get3A_2199 = arith.constant 48 : index
        %get3A_2200 = tpu.vector_load %arg9[%get3A_2198, %get3A_2199] {strides = array<i32>} : memref<512x64xf32, #tpu.memory_space<vmem>>, vector<1x16xf32>,
        %get3A_2201 = vector.shape_cast %get3A_2200 : vector<1x16xf32> to vector<16xf32>
        %mul3A_2202 = arith.mulf %get3A_2201, %gather3A_2042 : vector<16xf32>
        %add3A_2203 = arith.addf %add3A_2195, %mul3A_2202 : vector<16xf32>
        %add3A_2204 = arith.constant 384 : i32
        %add3A_2205 = arith.addi %add3A_2204, %add3A_2010 : i32
        %get3A_2206 = arith.index_cast %add3A_2205 : i32 to index
        %get3A_2207 = arith.constant 48 : index
        %get3A_2208 = tpu.vector_load %arg9[%get3A_2206, %get3A_2207] {strides = array<i32>} : memref<512x64xf32, #tpu.memory_space<vmem>>, vector<1x16xf32>,
        %get3A_2209 = vector.shape_cast %get3A_2208 : vector<1x16xf32> to vector<16xf32>
        %mul3A_2210 = arith.mulf %get3A_2209, %gather3A_2052 : vector<16xf32>
        %add3A_2211 = arith.addf %add3A_2203, %mul3A_2210 : vector<16xf32>
        %swap3A_2212 = arith.index_cast %add3A_2010 : i32 to index
        %swap3A_2213 = arith.constant 48 : index
        %swap3A_2214 = tpu.vector_load %arg11[%swap3A_2212, %swap3A_2213] {strides = array<i32>} : memref<128x64xf32, #tpu.memory_space<vmem>>, vector<1x16xf32>,
        %swap3A_2215 = vector.shape_cast %swap3A_2214 : vector<1x16xf32> to vector<16xf32>
        %swap3A_2216 = vector.shape_cast %add3A_2211 : vector<16xf32> to vector<1x16xf32>
        tpu.vector_store %arg11[%swap3A_2212, %swap3A_2213], %swap3A_2216 {strides = array<i32>} : memref<128x64xf32, #tpu.memory_space<vmem>>, vector<1x16xf32>,
        %add3A_2217 = arith.constant 10 : i32
        %add3A_2218 = arith.addi %mul3A_96, %add3A_2217 : i32
        %broadcast_in_dim3A_2219 = arith.constant 10 : i32
        %broadcast_in_dim3A_2220 = vector.broadcast %broadcast_in_dim3A_2219 : i32 to vector<16xi32>
        %lt3A_2221 = arith.constant 0 : i32
        %lt3A_2222 = vector.broadcast %lt3A_2221 : i32 to vector<16xi32>
        %lt3A_2223 = arith.cmpi slt, %broadcast_in_dim3A_2220, %lt3A_2222 : vector<16xi32>
        %add3A_2224 = arith.constant 16 : i32
        %add3A_2225 = vector.broadcast %add3A_2224 : i32 to vector<16xi32>
        %add3A_2226 = arith.addi %broadcast_in_dim3A_2220, %add3A_2225 : vector<16xi32>
        %select_n3A_2227 = arith.select %lt3A_2223, %add3A_2226, %broadcast_in_dim3A_2220 : vector<16xi1>, vector<16xi32>
        %broadcast_in_dim3A_2228 = vector.shape_cast %select_n3A_2227 : vector<16xi32> to vector<16x1xi32>
        %gather3A_2229 = vector.shape_cast %broadcast_in_dim3A_2228 : vector<16x1xi32> to vector<16xi32>
        %gather3A_2230 = tpu.dynamic_gather %mul3A_138[%gather3A_2229] in [0] : vector<16xf32>, vector<16xi32> -> vector<16xf32>
        %lt3A_2231 = arith.constant 0 : i32
        %lt3A_2232 = vector.broadcast %lt3A_2231 : i32 to vector<16xi32>
        %lt3A_2233 = arith.cmpi slt, %broadcast_in_dim3A_2220, %lt3A_2232 : vector<16xi32>
        %add3A_2234 = arith.constant 16 : i32
        %add3A_2235 = vector.broadcast %add3A_2234 : i32 to vector<16xi32>
        %add3A_2236 = arith.addi %broadcast_in_dim3A_2220, %add3A_2235 : vector<16xi32>
        %select_n3A_2237 = arith.select %lt3A_2233, %add3A_2236, %broadcast_in_dim3A_2220 : vector<16xi1>, vector<16xi32>
        %broadcast_in_dim3A_2238 = vector.shape_cast %select_n3A_2237 : vector<16xi32> to vector<16x1xi32>
        %gather3A_2239 = vector.shape_cast %broadcast_in_dim3A_2238 : vector<16x1xi32> to vector<16xi32>
        %gather3A_2240 = tpu.dynamic_gather %mul3A_139[%gather3A_2239] in [0] : vector<16xf32>, vector<16xi32> -> vector<16xf32>
        %lt3A_2241 = arith.constant 0 : i32
        %lt3A_2242 = vector.broadcast %lt3A_2241 : i32 to vector<16xi32>
        %lt3A_2243 = arith.cmpi slt, %broadcast_in_dim3A_2220, %lt3A_2242 : vector<16xi32>
        %add3A_2244 = arith.constant 16 : i32
        %add3A_2245 = vector.broadcast %add3A_2244 : i32 to vector<16xi32>
        %add3A_2246 = arith.addi %broadcast_in_dim3A_2220, %add3A_2245 : vector<16xi32>
        %select_n3A_2247 = arith.select %lt3A_2243, %add3A_2246, %broadcast_in_dim3A_2220 : vector<16xi1>, vector<16xi32>
        %broadcast_in_dim3A_2248 = vector.shape_cast %select_n3A_2247 : vector<16xi32> to vector<16x1xi32>
        %gather3A_2249 = vector.shape_cast %broadcast_in_dim3A_2248 : vector<16x1xi32> to vector<16xi32>
        %gather3A_2250 = tpu.dynamic_gather %mul3A_140[%gather3A_2249] in [0] : vector<16xf32>, vector<16xi32> -> vector<16xf32>
        %lt3A_2251 = arith.constant 0 : i32
        %lt3A_2252 = vector.broadcast %lt3A_2251 : i32 to vector<16xi32>
        %lt3A_2253 = arith.cmpi slt, %broadcast_in_dim3A_2220, %lt3A_2252 : vector<16xi32>
        %add3A_2254 = arith.constant 16 : i32
        %add3A_2255 = vector.broadcast %add3A_2254 : i32 to vector<16xi32>
        %add3A_2256 = arith.addi %broadcast_in_dim3A_2220, %add3A_2255 : vector<16xi32>
        %select_n3A_2257 = arith.select %lt3A_2253, %add3A_2256, %broadcast_in_dim3A_2220 : vector<16xi1>, vector<16xi32>
        %broadcast_in_dim3A_2258 = vector.shape_cast %select_n3A_2257 : vector<16xi32> to vector<16x1xi32>
        %gather3A_2259 = vector.shape_cast %broadcast_in_dim3A_2258 : vector<16x1xi32> to vector<16xi32>
        %gather3A_2260 = tpu.dynamic_gather %mul3A_141[%gather3A_2259] in [0] : vector<16xf32>, vector<16xi32> -> vector<16xf32>
        %get3A_2261 = arith.index_cast %add3A_2218 : i32 to index
        %get3A_2262 = arith.constant 0 : index
        %get3A_2263 = tpu.vector_load %arg10[%get3A_2261, %get3A_2262] {strides = array<i32>} : memref<128x64xf32, #tpu.memory_space<vmem>>, vector<1x16xf32>,
        %get3A_2264 = vector.shape_cast %get3A_2263 : vector<1x16xf32> to vector<16xf32>
        %add3A_2265 = arith.constant 0 : i32
        %add3A_2266 = arith.addi %add3A_2265, %add3A_2218 : i32
        %get3A_2267 = arith.index_cast %add3A_2266 : i32 to index
        %get3A_2268 = arith.constant 0 : index
        %get3A_2269 = tpu.vector_load %arg9[%get3A_2267, %get3A_2268] {strides = array<i32>} : memref<512x64xf32, #tpu.memory_space<vmem>>, vector<1x16xf32>,
        %get3A_2270 = vector.shape_cast %get3A_2269 : vector<1x16xf32> to vector<16xf32>
        %mul3A_2271 = arith.mulf %get3A_2270, %gather3A_2230 : vector<16xf32>
        %add3A_2272 = arith.addf %get3A_2264, %mul3A_2271 : vector<16xf32>
        %add3A_2273 = arith.constant 128 : i32
        %add3A_2274 = arith.addi %add3A_2273, %add3A_2218 : i32
        %get3A_2275 = arith.index_cast %add3A_2274 : i32 to index
        %get3A_2276 = arith.constant 0 : index
        %get3A_2277 = tpu.vector_load %arg9[%get3A_2275, %get3A_2276] {strides = array<i32>} : memref<512x64xf32, #tpu.memory_space<vmem>>, vector<1x16xf32>,
        %get3A_2278 = vector.shape_cast %get3A_2277 : vector<1x16xf32> to vector<16xf32>
        %mul3A_2279 = arith.mulf %get3A_2278, %gather3A_2240 : vector<16xf32>
        %add3A_2280 = arith.addf %add3A_2272, %mul3A_2279 : vector<16xf32>
        %add3A_2281 = arith.constant 256 : i32
        %add3A_2282 = arith.addi %add3A_2281, %add3A_2218 : i32
        %get3A_2283 = arith.index_cast %add3A_2282 : i32 to index
        %get3A_2284 = arith.constant 0 : index
        %get3A_2285 = tpu.vector_load %arg9[%get3A_2283, %get3A_2284] {strides = array<i32>} : memref<512x64xf32, #tpu.memory_space<vmem>>, vector<1x16xf32>,
        %get3A_2286 = vector.shape_cast %get3A_2285 : vector<1x16xf32> to vector<16xf32>
        %mul3A_2287 = arith.mulf %get3A_2286, %gather3A_2250 : vector<16xf32>
        %add3A_2288 = arith.addf %add3A_2280, %mul3A_2287 : vector<16xf32>
        %add3A_2289 = arith.constant 384 : i32
        %add3A_2290 = arith.addi %add3A_2289, %add3A_2218 : i32
        %get3A_2291 = arith.index_cast %add3A_2290 : i32 to index
        %get3A_2292 = arith.constant 0 : index
        %get3A_2293 = tpu.vector_load %arg9[%get3A_2291, %get3A_2292] {strides = array<i32>} : memref<512x64xf32, #tpu.memory_space<vmem>>, vector<1x16xf32>,
        %get3A_2294 = vector.shape_cast %get3A_2293 : vector<1x16xf32> to vector<16xf32>
        %mul3A_2295 = arith.mulf %get3A_2294, %gather3A_2260 : vector<16xf32>
        %add3A_2296 = arith.addf %add3A_2288, %mul3A_2295 : vector<16xf32>
        %swap3A_2297 = arith.index_cast %add3A_2218 : i32 to index
        %swap3A_2298 = arith.constant 0 : index
        %swap3A_2299 = tpu.vector_load %arg11[%swap3A_2297, %swap3A_2298] {strides = array<i32>} : memref<128x64xf32, #tpu.memory_space<vmem>>, vector<1x16xf32>,
        %swap3A_2300 = vector.shape_cast %swap3A_2299 : vector<1x16xf32> to vector<16xf32>
        %swap3A_2301 = vector.shape_cast %add3A_2296 : vector<16xf32> to vector<1x16xf32>
        tpu.vector_store %arg11[%swap3A_2297, %swap3A_2298], %swap3A_2301 {strides = array<i32>} : memref<128x64xf32, #tpu.memory_space<vmem>>, vector<1x16xf32>,
        %get3A_2302 = arith.index_cast %add3A_2218 : i32 to index
        %get3A_2303 = arith.constant 16 : index
        %get3A_2304 = tpu.vector_load %arg10[%get3A_2302, %get3A_2303] {strides = array<i32>} : memref<128x64xf32, #tpu.memory_space<vmem>>, vector<1x16xf32>,
        %get3A_2305 = vector.shape_cast %get3A_2304 : vector<1x16xf32> to vector<16xf32>
        %add3A_2306 = arith.constant 0 : i32
        %add3A_2307 = arith.addi %add3A_2306, %add3A_2218 : i32
        %get3A_2308 = arith.index_cast %add3A_2307 : i32 to index
        %get3A_2309 = arith.constant 16 : index
        %get3A_2310 = tpu.vector_load %arg9[%get3A_2308, %get3A_2309] {strides = array<i32>} : memref<512x64xf32, #tpu.memory_space<vmem>>, vector<1x16xf32>,
        %get3A_2311 = vector.shape_cast %get3A_2310 : vector<1x16xf32> to vector<16xf32>
        %mul3A_2312 = arith.mulf %get3A_2311, %gather3A_2230 : vector<16xf32>
        %add3A_2313 = arith.addf %get3A_2305, %mul3A_2312 : vector<16xf32>
        %add3A_2314 = arith.constant 128 : i32
        %add3A_2315 = arith.addi %add3A_2314, %add3A_2218 : i32
        %get3A_2316 = arith.index_cast %add3A_2315 : i32 to index
        %get3A_2317 = arith.constant 16 : index
        %get3A_2318 = tpu.vector_load %arg9[%get3A_2316, %get3A_2317] {strides = array<i32>} : memref<512x64xf32, #tpu.memory_space<vmem>>, vector<1x16xf32>,
        %get3A_2319 = vector.shape_cast %get3A_2318 : vector<1x16xf32> to vector<16xf32>
        %mul3A_2320 = arith.mulf %get3A_2319, %gather3A_2240 : vector<16xf32>
        %add3A_2321 = arith.addf %add3A_2313, %mul3A_2320 : vector<16xf32>
        %add3A_2322 = arith.constant 256 : i32
        %add3A_2323 = arith.addi %add3A_2322, %add3A_2218 : i32
        %get3A_2324 = arith.index_cast %add3A_2323 : i32 to index
        %get3A_2325 = arith.constant 16 : index
        %get3A_2326 = tpu.vector_load %arg9[%get3A_2324, %get3A_2325] {strides = array<i32>} : memref<512x64xf32, #tpu.memory_space<vmem>>, vector<1x16xf32>,
        %get3A_2327 = vector.shape_cast %get3A_2326 : vector<1x16xf32> to vector<16xf32>
        %mul3A_2328 = arith.mulf %get3A_2327, %gather3A_2250 : vector<16xf32>
        %add3A_2329 = arith.addf %add3A_2321, %mul3A_2328 : vector<16xf32>
        %add3A_2330 = arith.constant 384 : i32
        %add3A_2331 = arith.addi %add3A_2330, %add3A_2218 : i32
        %get3A_2332 = arith.index_cast %add3A_2331 : i32 to index
        %get3A_2333 = arith.constant 16 : index
        %get3A_2334 = tpu.vector_load %arg9[%get3A_2332, %get3A_2333] {strides = array<i32>} : memref<512x64xf32, #tpu.memory_space<vmem>>, vector<1x16xf32>,
        %get3A_2335 = vector.shape_cast %get3A_2334 : vector<1x16xf32> to vector<16xf32>
        %mul3A_2336 = arith.mulf %get3A_2335, %gather3A_2260 : vector<16xf32>
        %add3A_2337 = arith.addf %add3A_2329, %mul3A_2336 : vector<16xf32>
        %swap3A_2338 = arith.index_cast %add3A_2218 : i32 to index
        %swap3A_2339 = arith.constant 16 : index
        %swap3A_2340 = tpu.vector_load %arg11[%swap3A_2338, %swap3A_2339] {strides = array<i32>} : memref<128x64xf32, #tpu.memory_space<vmem>>, vector<1x16xf32>,
        %swap3A_2341 = vector.shape_cast %swap3A_2340 : vector<1x16xf32> to vector<16xf32>
        %swap3A_2342 = vector.shape_cast %add3A_2337 : vector<16xf32> to vector<1x16xf32>
        tpu.vector_store %arg11[%swap3A_2338, %swap3A_2339], %swap3A_2342 {strides = array<i32>} : memref<128x64xf32, #tpu.memory_space<vmem>>, vector<1x16xf32>,
        %get3A_2343 = arith.index_cast %add3A_2218 : i32 to index
        %get3A_2344 = arith.constant 32 : index
        %get3A_2345 = tpu.vector_load %arg10[%get3A_2343, %get3A_2344] {strides = array<i32>} : memref<128x64xf32, #tpu.memory_space<vmem>>, vector<1x16xf32>,
        %get3A_2346 = vector.shape_cast %get3A_2345 : vector<1x16xf32> to vector<16xf32>
        %add3A_2347 = arith.constant 0 : i32
        %add3A_2348 = arith.addi %add3A_2347, %add3A_2218 : i32
        %get3A_2349 = arith.index_cast %add3A_2348 : i32 to index
        %get3A_2350 = arith.constant 32 : index
        %get3A_2351 = tpu.vector_load %arg9[%get3A_2349, %get3A_2350] {strides = array<i32>} : memref<512x64xf32, #tpu.memory_space<vmem>>, vector<1x16xf32>,
        %get3A_2352 = vector.shape_cast %get3A_2351 : vector<1x16xf32> to vector<16xf32>
        %mul3A_2353 = arith.mulf %get3A_2352, %gather3A_2230 : vector<16xf32>
        %add3A_2354 = arith.addf %get3A_2346, %mul3A_2353 : vector<16xf32>
        %add3A_2355 = arith.constant 128 : i32
        %add3A_2356 = arith.addi %add3A_2355, %add3A_2218 : i32
        %get3A_2357 = arith.index_cast %add3A_2356 : i32 to index
        %get3A_2358 = arith.constant 32 : index
        %get3A_2359 = tpu.vector_load %arg9[%get3A_2357, %get3A_2358] {strides = array<i32>} : memref<512x64xf32, #tpu.memory_space<vmem>>, vector<1x16xf32>,
        %get3A_2360 = vector.shape_cast %get3A_2359 : vector<1x16xf32> to vector<16xf32>
        %mul3A_2361 = arith.mulf %get3A_2360, %gather3A_2240 : vector<16xf32>
        %add3A_2362 = arith.addf %add3A_2354, %mul3A_2361 : vector<16xf32>
        %add3A_2363 = arith.constant 256 : i32
        %add3A_2364 = arith.addi %add3A_2363, %add3A_2218 : i32
        %get3A_2365 = arith.index_cast %add3A_2364 : i32 to index
        %get3A_2366 = arith.constant 32 : index
        %get3A_2367 = tpu.vector_load %arg9[%get3A_2365, %get3A_2366] {strides = array<i32>} : memref<512x64xf32, #tpu.memory_space<vmem>>, vector<1x16xf32>,
        %get3A_2368 = vector.shape_cast %get3A_2367 : vector<1x16xf32> to vector<16xf32>
        %mul3A_2369 = arith.mulf %get3A_2368, %gather3A_2250 : vector<16xf32>
        %add3A_2370 = arith.addf %add3A_2362, %mul3A_2369 : vector<16xf32>
        %add3A_2371 = arith.constant 384 : i32
        %add3A_2372 = arith.addi %add3A_2371, %add3A_2218 : i32
        %get3A_2373 = arith.index_cast %add3A_2372 : i32 to index
        %get3A_2374 = arith.constant 32 : index
        %get3A_2375 = tpu.vector_load %arg9[%get3A_2373, %get3A_2374] {strides = array<i32>} : memref<512x64xf32, #tpu.memory_space<vmem>>, vector<1x16xf32>,
        %get3A_2376 = vector.shape_cast %get3A_2375 : vector<1x16xf32> to vector<16xf32>
        %mul3A_2377 = arith.mulf %get3A_2376, %gather3A_2260 : vector<16xf32>
        %add3A_2378 = arith.addf %add3A_2370, %mul3A_2377 : vector<16xf32>
        %swap3A_2379 = arith.index_cast %add3A_2218 : i32 to index
        %swap3A_2380 = arith.constant 32 : index
        %swap3A_2381 = tpu.vector_load %arg11[%swap3A_2379, %swap3A_2380] {strides = array<i32>} : memref<128x64xf32, #tpu.memory_space<vmem>>, vector<1x16xf32>,
        %swap3A_2382 = vector.shape_cast %swap3A_2381 : vector<1x16xf32> to vector<16xf32>
        %swap3A_2383 = vector.shape_cast %add3A_2378 : vector<16xf32> to vector<1x16xf32>
        tpu.vector_store %arg11[%swap3A_2379, %swap3A_2380], %swap3A_2383 {strides = array<i32>} : memref<128x64xf32, #tpu.memory_space<vmem>>, vector<1x16xf32>,
        %get3A_2384 = arith.index_cast %add3A_2218 : i32 to index
        %get3A_2385 = arith.constant 48 : index
        %get3A_2386 = tpu.vector_load %arg10[%get3A_2384, %get3A_2385] {strides = array<i32>} : memref<128x64xf32, #tpu.memory_space<vmem>>, vector<1x16xf32>,
        %get3A_2387 = vector.shape_cast %get3A_2386 : vector<1x16xf32> to vector<16xf32>
        %add3A_2388 = arith.constant 0 : i32
        %add3A_2389 = arith.addi %add3A_2388, %add3A_2218 : i32
        %get3A_2390 = arith.index_cast %add3A_2389 : i32 to index
        %get3A_2391 = arith.constant 48 : index
        %get3A_2392 = tpu.vector_load %arg9[%get3A_2390, %get3A_2391] {strides = array<i32>} : memref<512x64xf32, #tpu.memory_space<vmem>>, vector<1x16xf32>,
        %get3A_2393 = vector.shape_cast %get3A_2392 : vector<1x16xf32> to vector<16xf32>
        %mul3A_2394 = arith.mulf %get3A_2393, %gather3A_2230 : vector<16xf32>
        %add3A_2395 = arith.addf %get3A_2387, %mul3A_2394 : vector<16xf32>
        %add3A_2396 = arith.constant 128 : i32
        %add3A_2397 = arith.addi %add3A_2396, %add3A_2218 : i32
        %get3A_2398 = arith.index_cast %add3A_2397 : i32 to index
        %get3A_2399 = arith.constant 48 : index
        %get3A_2400 = tpu.vector_load %arg9[%get3A_2398, %get3A_2399] {strides = array<i32>} : memref<512x64xf32, #tpu.memory_space<vmem>>, vector<1x16xf32>,
        %get3A_2401 = vector.shape_cast %get3A_2400 : vector<1x16xf32> to vector<16xf32>
        %mul3A_2402 = arith.mulf %get3A_2401, %gather3A_2240 : vector<16xf32>
        %add3A_2403 = arith.addf %add3A_2395, %mul3A_2402 : vector<16xf32>
        %add3A_2404 = arith.constant 256 : i32
        %add3A_2405 = arith.addi %add3A_2404, %add3A_2218 : i32
        %get3A_2406 = arith.index_cast %add3A_2405 : i32 to index
        %get3A_2407 = arith.constant 48 : index
        %get3A_2408 = tpu.vector_load %arg9[%get3A_2406, %get3A_2407] {strides = array<i32>} : memref<512x64xf32, #tpu.memory_space<vmem>>, vector<1x16xf32>,
        %get3A_2409 = vector.shape_cast %get3A_2408 : vector<1x16xf32> to vector<16xf32>
        %mul3A_2410 = arith.mulf %get3A_2409, %gather3A_2250 : vector<16xf32>
        %add3A_2411 = arith.addf %add3A_2403, %mul3A_2410 : vector<16xf32>
        %add3A_2412 = arith.constant 384 : i32
        %add3A_2413 = arith.addi %add3A_2412, %add3A_2218 : i32
        %get3A_2414 = arith.index_cast %add3A_2413 : i32 to index
        %get3A_2415 = arith.constant 48 : index
        %get3A_2416 = tpu.vector_load %arg9[%get3A_2414, %get3A_2415] {strides = array<i32>} : memref<512x64xf32, #tpu.memory_space<vmem>>, vector<1x16xf32>,
        %get3A_2417 = vector.shape_cast %get3A_2416 : vector<1x16xf32> to vector<16xf32>
        %mul3A_2418 = arith.mulf %get3A_2417, %gather3A_2260 : vector<16xf32>
        %add3A_2419 = arith.addf %add3A_2411, %mul3A_2418 : vector<16xf32>
        %swap3A_2420 = arith.index_cast %add3A_2218 : i32 to index
        %swap3A_2421 = arith.constant 48 : index
        %swap3A_2422 = tpu.vector_load %arg11[%swap3A_2420, %swap3A_2421] {strides = array<i32>} : memref<128x64xf32, #tpu.memory_space<vmem>>, vector<1x16xf32>,
        %swap3A_2423 = vector.shape_cast %swap3A_2422 : vector<1x16xf32> to vector<16xf32>
        %swap3A_2424 = vector.shape_cast %add3A_2419 : vector<16xf32> to vector<1x16xf32>
        tpu.vector_store %arg11[%swap3A_2420, %swap3A_2421], %swap3A_2424 {strides = array<i32>} : memref<128x64xf32, #tpu.memory_space<vmem>>, vector<1x16xf32>,
        %add3A_2425 = arith.constant 11 : i32
        %add3A_2426 = arith.addi %mul3A_96, %add3A_2425 : i32
        %broadcast_in_dim3A_2427 = arith.constant 11 : i32
        %broadcast_in_dim3A_2428 = vector.broadcast %broadcast_in_dim3A_2427 : i32 to vector<16xi32>
        %lt3A_2429 = arith.constant 0 : i32
        %lt3A_2430 = vector.broadcast %lt3A_2429 : i32 to vector<16xi32>
        %lt3A_2431 = arith.cmpi slt, %broadcast_in_dim3A_2428, %lt3A_2430 : vector<16xi32>
        %add3A_2432 = arith.constant 16 : i32
        %add3A_2433 = vector.broadcast %add3A_2432 : i32 to vector<16xi32>
        %add3A_2434 = arith.addi %broadcast_in_dim3A_2428, %add3A_2433 : vector<16xi32>
        %select_n3A_2435 = arith.select %lt3A_2431, %add3A_2434, %broadcast_in_dim3A_2428 : vector<16xi1>, vector<16xi32>
        %broadcast_in_dim3A_2436 = vector.shape_cast %select_n3A_2435 : vector<16xi32> to vector<16x1xi32>
        %gather3A_2437 = vector.shape_cast %broadcast_in_dim3A_2436 : vector<16x1xi32> to vector<16xi32>
        %gather3A_2438 = tpu.dynamic_gather %mul3A_138[%gather3A_2437] in [0] : vector<16xf32>, vector<16xi32> -> vector<16xf32>
        %lt3A_2439 = arith.constant 0 : i32
        %lt3A_2440 = vector.broadcast %lt3A_2439 : i32 to vector<16xi32>
        %lt3A_2441 = arith.cmpi slt, %broadcast_in_dim3A_2428, %lt3A_2440 : vector<16xi32>
        %add3A_2442 = arith.constant 16 : i32
        %add3A_2443 = vector.broadcast %add3A_2442 : i32 to vector<16xi32>
        %add3A_2444 = arith.addi %broadcast_in_dim3A_2428, %add3A_2443 : vector<16xi32>
        %select_n3A_2445 = arith.select %lt3A_2441, %add3A_2444, %broadcast_in_dim3A_2428 : vector<16xi1>, vector<16xi32>
        %broadcast_in_dim3A_2446 = vector.shape_cast %select_n3A_2445 : vector<16xi32> to vector<16x1xi32>
        %gather3A_2447 = vector.shape_cast %broadcast_in_dim3A_2446 : vector<16x1xi32> to vector<16xi32>
        %gather3A_2448 = tpu.dynamic_gather %mul3A_139[%gather3A_2447] in [0] : vector<16xf32>, vector<16xi32> -> vector<16xf32>
        %lt3A_2449 = arith.constant 0 : i32
        %lt3A_2450 = vector.broadcast %lt3A_2449 : i32 to vector<16xi32>
        %lt3A_2451 = arith.cmpi slt, %broadcast_in_dim3A_2428, %lt3A_2450 : vector<16xi32>
        %add3A_2452 = arith.constant 16 : i32
        %add3A_2453 = vector.broadcast %add3A_2452 : i32 to vector<16xi32>
        %add3A_2454 = arith.addi %broadcast_in_dim3A_2428, %add3A_2453 : vector<16xi32>
        %select_n3A_2455 = arith.select %lt3A_2451, %add3A_2454, %broadcast_in_dim3A_2428 : vector<16xi1>, vector<16xi32>
        %broadcast_in_dim3A_2456 = vector.shape_cast %select_n3A_2455 : vector<16xi32> to vector<16x1xi32>
        %gather3A_2457 = vector.shape_cast %broadcast_in_dim3A_2456 : vector<16x1xi32> to vector<16xi32>
        %gather3A_2458 = tpu.dynamic_gather %mul3A_140[%gather3A_2457] in [0] : vector<16xf32>, vector<16xi32> -> vector<16xf32>
        %lt3A_2459 = arith.constant 0 : i32
        %lt3A_2460 = vector.broadcast %lt3A_2459 : i32 to vector<16xi32>
        %lt3A_2461 = arith.cmpi slt, %broadcast_in_dim3A_2428, %lt3A_2460 : vector<16xi32>
        %add3A_2462 = arith.constant 16 : i32
        %add3A_2463 = vector.broadcast %add3A_2462 : i32 to vector<16xi32>
        %add3A_2464 = arith.addi %broadcast_in_dim3A_2428, %add3A_2463 : vector<16xi32>
        %select_n3A_2465 = arith.select %lt3A_2461, %add3A_2464, %broadcast_in_dim3A_2428 : vector<16xi1>, vector<16xi32>
        %broadcast_in_dim3A_2466 = vector.shape_cast %select_n3A_2465 : vector<16xi32> to vector<16x1xi32>
        %gather3A_2467 = vector.shape_cast %broadcast_in_dim3A_2466 : vector<16x1xi32> to vector<16xi32>
        %gather3A_2468 = tpu.dynamic_gather %mul3A_141[%gather3A_2467] in [0] : vector<16xf32>, vector<16xi32> -> vector<16xf32>
        %get3A_2469 = arith.index_cast %add3A_2426 : i32 to index
        %get3A_2470 = arith.constant 0 : index
        %get3A_2471 = tpu.vector_load %arg10[%get3A_2469, %get3A_2470] {strides = array<i32>} : memref<128x64xf32, #tpu.memory_space<vmem>>, vector<1x16xf32>,
        %get3A_2472 = vector.shape_cast %get3A_2471 : vector<1x16xf32> to vector<16xf32>
        %add3A_2473 = arith.constant 0 : i32
        %add3A_2474 = arith.addi %add3A_2473, %add3A_2426 : i32
        %get3A_2475 = arith.index_cast %add3A_2474 : i32 to index
        %get3A_2476 = arith.constant 0 : index
        %get3A_2477 = tpu.vector_load %arg9[%get3A_2475, %get3A_2476] {strides = array<i32>} : memref<512x64xf32, #tpu.memory_space<vmem>>, vector<1x16xf32>,
        %get3A_2478 = vector.shape_cast %get3A_2477 : vector<1x16xf32> to vector<16xf32>
        %mul3A_2479 = arith.mulf %get3A_2478, %gather3A_2438 : vector<16xf32>
        %add3A_2480 = arith.addf %get3A_2472, %mul3A_2479 : vector<16xf32>
        %add3A_2481 = arith.constant 128 : i32
        %add3A_2482 = arith.addi %add3A_2481, %add3A_2426 : i32
        %get3A_2483 = arith.index_cast %add3A_2482 : i32 to index
        %get3A_2484 = arith.constant 0 : index
        %get3A_2485 = tpu.vector_load %arg9[%get3A_2483, %get3A_2484] {strides = array<i32>} : memref<512x64xf32, #tpu.memory_space<vmem>>, vector<1x16xf32>,
        %get3A_2486 = vector.shape_cast %get3A_2485 : vector<1x16xf32> to vector<16xf32>
        %mul3A_2487 = arith.mulf %get3A_2486, %gather3A_2448 : vector<16xf32>
        %add3A_2488 = arith.addf %add3A_2480, %mul3A_2487 : vector<16xf32>
        %add3A_2489 = arith.constant 256 : i32
        %add3A_2490 = arith.addi %add3A_2489, %add3A_2426 : i32
        %get3A_2491 = arith.index_cast %add3A_2490 : i32 to index
        %get3A_2492 = arith.constant 0 : index
        %get3A_2493 = tpu.vector_load %arg9[%get3A_2491, %get3A_2492] {strides = array<i32>} : memref<512x64xf32, #tpu.memory_space<vmem>>, vector<1x16xf32>,
        %get3A_2494 = vector.shape_cast %get3A_2493 : vector<1x16xf32> to vector<16xf32>
        %mul3A_2495 = arith.mulf %get3A_2494, %gather3A_2458 : vector<16xf32>
        %add3A_2496 = arith.addf %add3A_2488, %mul3A_2495 : vector<16xf32>
        %add3A_2497 = arith.constant 384 : i32
        %add3A_2498 = arith.addi %add3A_2497, %add3A_2426 : i32
        %get3A_2499 = arith.index_cast %add3A_2498 : i32 to index
        %get3A_2500 = arith.constant 0 : index
        %get3A_2501 = tpu.vector_load %arg9[%get3A_2499, %get3A_2500] {strides = array<i32>} : memref<512x64xf32, #tpu.memory_space<vmem>>, vector<1x16xf32>,
        %get3A_2502 = vector.shape_cast %get3A_2501 : vector<1x16xf32> to vector<16xf32>
        %mul3A_2503 = arith.mulf %get3A_2502, %gather3A_2468 : vector<16xf32>
        %add3A_2504 = arith.addf %add3A_2496, %mul3A_2503 : vector<16xf32>
        %swap3A_2505 = arith.index_cast %add3A_2426 : i32 to index
        %swap3A_2506 = arith.constant 0 : index
        %swap3A_2507 = tpu.vector_load %arg11[%swap3A_2505, %swap3A_2506] {strides = array<i32>} : memref<128x64xf32, #tpu.memory_space<vmem>>, vector<1x16xf32>,
        %swap3A_2508 = vector.shape_cast %swap3A_2507 : vector<1x16xf32> to vector<16xf32>
        %swap3A_2509 = vector.shape_cast %add3A_2504 : vector<16xf32> to vector<1x16xf32>
        tpu.vector_store %arg11[%swap3A_2505, %swap3A_2506], %swap3A_2509 {strides = array<i32>} : memref<128x64xf32, #tpu.memory_space<vmem>>, vector<1x16xf32>,
        %get3A_2510 = arith.index_cast %add3A_2426 : i32 to index
        %get3A_2511 = arith.constant 16 : index
        %get3A_2512 = tpu.vector_load %arg10[%get3A_2510, %get3A_2511] {strides = array<i32>} : memref<128x64xf32, #tpu.memory_space<vmem>>, vector<1x16xf32>,
        %get3A_2513 = vector.shape_cast %get3A_2512 : vector<1x16xf32> to vector<16xf32>
        %add3A_2514 = arith.constant 0 : i32
        %add3A_2515 = arith.addi %add3A_2514, %add3A_2426 : i32
        %get3A_2516 = arith.index_cast %add3A_2515 : i32 to index
        %get3A_2517 = arith.constant 16 : index
        %get3A_2518 = tpu.vector_load %arg9[%get3A_2516, %get3A_2517] {strides = array<i32>} : memref<512x64xf32, #tpu.memory_space<vmem>>, vector<1x16xf32>,
        %get3A_2519 = vector.shape_cast %get3A_2518 : vector<1x16xf32> to vector<16xf32>
        %mul3A_2520 = arith.mulf %get3A_2519, %gather3A_2438 : vector<16xf32>
        %add3A_2521 = arith.addf %get3A_2513, %mul3A_2520 : vector<16xf32>
        %add3A_2522 = arith.constant 128 : i32
        %add3A_2523 = arith.addi %add3A_2522, %add3A_2426 : i32
        %get3A_2524 = arith.index_cast %add3A_2523 : i32 to index
        %get3A_2525 = arith.constant 16 : index
        %get3A_2526 = tpu.vector_load %arg9[%get3A_2524, %get3A_2525] {strides = array<i32>} : memref<512x64xf32, #tpu.memory_space<vmem>>, vector<1x16xf32>,
        %get3A_2527 = vector.shape_cast %get3A_2526 : vector<1x16xf32> to vector<16xf32>
        %mul3A_2528 = arith.mulf %get3A_2527, %gather3A_2448 : vector<16xf32>
        %add3A_2529 = arith.addf %add3A_2521, %mul3A_2528 : vector<16xf32>
        %add3A_2530 = arith.constant 256 : i32
        %add3A_2531 = arith.addi %add3A_2530, %add3A_2426 : i32
        %get3A_2532 = arith.index_cast %add3A_2531 : i32 to index
        %get3A_2533 = arith.constant 16 : index
        %get3A_2534 = tpu.vector_load %arg9[%get3A_2532, %get3A_2533] {strides = array<i32>} : memref<512x64xf32, #tpu.memory_space<vmem>>, vector<1x16xf32>,
        %get3A_2535 = vector.shape_cast %get3A_2534 : vector<1x16xf32> to vector<16xf32>
        %mul3A_2536 = arith.mulf %get3A_2535, %gather3A_2458 : vector<16xf32>
        %add3A_2537 = arith.addf %add3A_2529, %mul3A_2536 : vector<16xf32>
        %add3A_2538 = arith.constant 384 : i32
        %add3A_2539 = arith.addi %add3A_2538, %add3A_2426 : i32
        %get3A_2540 = arith.index_cast %add3A_2539 : i32 to index
        %get3A_2541 = arith.constant 16 : index
        %get3A_2542 = tpu.vector_load %arg9[%get3A_2540, %get3A_2541] {strides = array<i32>} : memref<512x64xf32, #tpu.memory_space<vmem>>, vector<1x16xf32>,
        %get3A_2543 = vector.shape_cast %get3A_2542 : vector<1x16xf32> to vector<16xf32>
        %mul3A_2544 = arith.mulf %get3A_2543, %gather3A_2468 : vector<16xf32>
        %add3A_2545 = arith.addf %add3A_2537, %mul3A_2544 : vector<16xf32>
        %swap3A_2546 = arith.index_cast %add3A_2426 : i32 to index
        %swap3A_2547 = arith.constant 16 : index
        %swap3A_2548 = tpu.vector_load %arg11[%swap3A_2546, %swap3A_2547] {strides = array<i32>} : memref<128x64xf32, #tpu.memory_space<vmem>>, vector<1x16xf32>,
        %swap3A_2549 = vector.shape_cast %swap3A_2548 : vector<1x16xf32> to vector<16xf32>
        %swap3A_2550 = vector.shape_cast %add3A_2545 : vector<16xf32> to vector<1x16xf32>
        tpu.vector_store %arg11[%swap3A_2546, %swap3A_2547], %swap3A_2550 {strides = array<i32>} : memref<128x64xf32, #tpu.memory_space<vmem>>, vector<1x16xf32>,
        %get3A_2551 = arith.index_cast %add3A_2426 : i32 to index
        %get3A_2552 = arith.constant 32 : index
        %get3A_2553 = tpu.vector_load %arg10[%get3A_2551, %get3A_2552] {strides = array<i32>} : memref<128x64xf32, #tpu.memory_space<vmem>>, vector<1x16xf32>,
        %get3A_2554 = vector.shape_cast %get3A_2553 : vector<1x16xf32> to vector<16xf32>
        %add3A_2555 = arith.constant 0 : i32
        %add3A_2556 = arith.addi %add3A_2555, %add3A_2426 : i32
        %get3A_2557 = arith.index_cast %add3A_2556 : i32 to index
        %get3A_2558 = arith.constant 32 : index
        %get3A_2559 = tpu.vector_load %arg9[%get3A_2557, %get3A_2558] {strides = array<i32>} : memref<512x64xf32, #tpu.memory_space<vmem>>, vector<1x16xf32>,
        %get3A_2560 = vector.shape_cast %get3A_2559 : vector<1x16xf32> to vector<16xf32>
        %mul3A_2561 = arith.mulf %get3A_2560, %gather3A_2438 : vector<16xf32>
        %add3A_2562 = arith.addf %get3A_2554, %mul3A_2561 : vector<16xf32>
        %add3A_2563 = arith.constant 128 : i32
        %add3A_2564 = arith.addi %add3A_2563, %add3A_2426 : i32
        %get3A_2565 = arith.index_cast %add3A_2564 : i32 to index
        %get3A_2566 = arith.constant 32 : index
        %get3A_2567 = tpu.vector_load %arg9[%get3A_2565, %get3A_2566] {strides = array<i32>} : memref<512x64xf32, #tpu.memory_space<vmem>>, vector<1x16xf32>,
        %get3A_2568 = vector.shape_cast %get3A_2567 : vector<1x16xf32> to vector<16xf32>
        %mul3A_2569 = arith.mulf %get3A_2568, %gather3A_2448 : vector<16xf32>
        %add3A_2570 = arith.addf %add3A_2562, %mul3A_2569 : vector<16xf32>
        %add3A_2571 = arith.constant 256 : i32
        %add3A_2572 = arith.addi %add3A_2571, %add3A_2426 : i32
        %get3A_2573 = arith.index_cast %add3A_2572 : i32 to index
        %get3A_2574 = arith.constant 32 : index
        %get3A_2575 = tpu.vector_load %arg9[%get3A_2573, %get3A_2574] {strides = array<i32>} : memref<512x64xf32, #tpu.memory_space<vmem>>, vector<1x16xf32>,
        %get3A_2576 = vector.shape_cast %get3A_2575 : vector<1x16xf32> to vector<16xf32>
        %mul3A_2577 = arith.mulf %get3A_2576, %gather3A_2458 : vector<16xf32>
        %add3A_2578 = arith.addf %add3A_2570, %mul3A_2577 : vector<16xf32>
        %add3A_2579 = arith.constant 384 : i32
        %add3A_2580 = arith.addi %add3A_2579, %add3A_2426 : i32
        %get3A_2581 = arith.index_cast %add3A_2580 : i32 to index
        %get3A_2582 = arith.constant 32 : index
        %get3A_2583 = tpu.vector_load %arg9[%get3A_2581, %get3A_2582] {strides = array<i32>} : memref<512x64xf32, #tpu.memory_space<vmem>>, vector<1x16xf32>,
        %get3A_2584 = vector.shape_cast %get3A_2583 : vector<1x16xf32> to vector<16xf32>
        %mul3A_2585 = arith.mulf %get3A_2584, %gather3A_2468 : vector<16xf32>
        %add3A_2586 = arith.addf %add3A_2578, %mul3A_2585 : vector<16xf32>
        %swap3A_2587 = arith.index_cast %add3A_2426 : i32 to index
        %swap3A_2588 = arith.constant 32 : index
        %swap3A_2589 = tpu.vector_load %arg11[%swap3A_2587, %swap3A_2588] {strides = array<i32>} : memref<128x64xf32, #tpu.memory_space<vmem>>, vector<1x16xf32>,
        %swap3A_2590 = vector.shape_cast %swap3A_2589 : vector<1x16xf32> to vector<16xf32>
        %swap3A_2591 = vector.shape_cast %add3A_2586 : vector<16xf32> to vector<1x16xf32>
        tpu.vector_store %arg11[%swap3A_2587, %swap3A_2588], %swap3A_2591 {strides = array<i32>} : memref<128x64xf32, #tpu.memory_space<vmem>>, vector<1x16xf32>,
        %get3A_2592 = arith.index_cast %add3A_2426 : i32 to index
        %get3A_2593 = arith.constant 48 : index
        %get3A_2594 = tpu.vector_load %arg10[%get3A_2592, %get3A_2593] {strides = array<i32>} : memref<128x64xf32, #tpu.memory_space<vmem>>, vector<1x16xf32>,
        %get3A_2595 = vector.shape_cast %get3A_2594 : vector<1x16xf32> to vector<16xf32>
        %add3A_2596 = arith.constant 0 : i32
        %add3A_2597 = arith.addi %add3A_2596, %add3A_2426 : i32
        %get3A_2598 = arith.index_cast %add3A_2597 : i32 to index
        %get3A_2599 = arith.constant 48 : index
        %get3A_2600 = tpu.vector_load %arg9[%get3A_2598, %get3A_2599] {strides = array<i32>} : memref<512x64xf32, #tpu.memory_space<vmem>>, vector<1x16xf32>,
        %get3A_2601 = vector.shape_cast %get3A_2600 : vector<1x16xf32> to vector<16xf32>
        %mul3A_2602 = arith.mulf %get3A_2601, %gather3A_2438 : vector<16xf32>
        %add3A_2603 = arith.addf %get3A_2595, %mul3A_2602 : vector<16xf32>
        %add3A_2604 = arith.constant 128 : i32
        %add3A_2605 = arith.addi %add3A_2604, %add3A_2426 : i32
        %get3A_2606 = arith.index_cast %add3A_2605 : i32 to index
        %get3A_2607 = arith.constant 48 : index
        %get3A_2608 = tpu.vector_load %arg9[%get3A_2606, %get3A_2607] {strides = array<i32>} : memref<512x64xf32, #tpu.memory_space<vmem>>, vector<1x16xf32>,
        %get3A_2609 = vector.shape_cast %get3A_2608 : vector<1x16xf32> to vector<16xf32>
        %mul3A_2610 = arith.mulf %get3A_2609, %gather3A_2448 : vector<16xf32>
        %add3A_2611 = arith.addf %add3A_2603, %mul3A_2610 : vector<16xf32>
        %add3A_2612 = arith.constant 256 : i32
        %add3A_2613 = arith.addi %add3A_2612, %add3A_2426 : i32
        %get3A_2614 = arith.index_cast %add3A_2613 : i32 to index
        %get3A_2615 = arith.constant 48 : index
        %get3A_2616 = tpu.vector_load %arg9[%get3A_2614, %get3A_2615] {strides = array<i32>} : memref<512x64xf32, #tpu.memory_space<vmem>>, vector<1x16xf32>,
        %get3A_2617 = vector.shape_cast %get3A_2616 : vector<1x16xf32> to vector<16xf32>
        %mul3A_2618 = arith.mulf %get3A_2617, %gather3A_2458 : vector<16xf32>
        %add3A_2619 = arith.addf %add3A_2611, %mul3A_2618 : vector<16xf32>
        %add3A_2620 = arith.constant 384 : i32
        %add3A_2621 = arith.addi %add3A_2620, %add3A_2426 : i32
        %get3A_2622 = arith.index_cast %add3A_2621 : i32 to index
        %get3A_2623 = arith.constant 48 : index
        %get3A_2624 = tpu.vector_load %arg9[%get3A_2622, %get3A_2623] {strides = array<i32>} : memref<512x64xf32, #tpu.memory_space<vmem>>, vector<1x16xf32>,
        %get3A_2625 = vector.shape_cast %get3A_2624 : vector<1x16xf32> to vector<16xf32>
        %mul3A_2626 = arith.mulf %get3A_2625, %gather3A_2468 : vector<16xf32>
        %add3A_2627 = arith.addf %add3A_2619, %mul3A_2626 : vector<16xf32>
        %swap3A_2628 = arith.index_cast %add3A_2426 : i32 to index
        %swap3A_2629 = arith.constant 48 : index
        %swap3A_2630 = tpu.vector_load %arg11[%swap3A_2628, %swap3A_2629] {strides = array<i32>} : memref<128x64xf32, #tpu.memory_space<vmem>>, vector<1x16xf32>,
        %swap3A_2631 = vector.shape_cast %swap3A_2630 : vector<1x16xf32> to vector<16xf32>
        %swap3A_2632 = vector.shape_cast %add3A_2627 : vector<16xf32> to vector<1x16xf32>
        tpu.vector_store %arg11[%swap3A_2628, %swap3A_2629], %swap3A_2632 {strides = array<i32>} : memref<128x64xf32, #tpu.memory_space<vmem>>, vector<1x16xf32>,
        %add3A_2633 = arith.constant 12 : i32
        %add3A_2634 = arith.addi %mul3A_96, %add3A_2633 : i32
        %broadcast_in_dim3A_2635 = arith.constant 12 : i32
        %broadcast_in_dim3A_2636 = vector.broadcast %broadcast_in_dim3A_2635 : i32 to vector<16xi32>
        %lt3A_2637 = arith.constant 0 : i32
        %lt3A_2638 = vector.broadcast %lt3A_2637 : i32 to vector<16xi32>
        %lt3A_2639 = arith.cmpi slt, %broadcast_in_dim3A_2636, %lt3A_2638 : vector<16xi32>
        %add3A_2640 = arith.constant 16 : i32
        %add3A_2641 = vector.broadcast %add3A_2640 : i32 to vector<16xi32>
        %add3A_2642 = arith.addi %broadcast_in_dim3A_2636, %add3A_2641 : vector<16xi32>
        %select_n3A_2643 = arith.select %lt3A_2639, %add3A_2642, %broadcast_in_dim3A_2636 : vector<16xi1>, vector<16xi32>
        %broadcast_in_dim3A_2644 = vector.shape_cast %select_n3A_2643 : vector<16xi32> to vector<16x1xi32>
        %gather3A_2645 = vector.shape_cast %broadcast_in_dim3A_2644 : vector<16x1xi32> to vector<16xi32>
        %gather3A_2646 = tpu.dynamic_gather %mul3A_138[%gather3A_2645] in [0] : vector<16xf32>, vector<16xi32> -> vector<16xf32>
        %lt3A_2647 = arith.constant 0 : i32
        %lt3A_2648 = vector.broadcast %lt3A_2647 : i32 to vector<16xi32>
        %lt3A_2649 = arith.cmpi slt, %broadcast_in_dim3A_2636, %lt3A_2648 : vector<16xi32>
        %add3A_2650 = arith.constant 16 : i32
        %add3A_2651 = vector.broadcast %add3A_2650 : i32 to vector<16xi32>
        %add3A_2652 = arith.addi %broadcast_in_dim3A_2636, %add3A_2651 : vector<16xi32>
        %select_n3A_2653 = arith.select %lt3A_2649, %add3A_2652, %broadcast_in_dim3A_2636 : vector<16xi1>, vector<16xi32>
        %broadcast_in_dim3A_2654 = vector.shape_cast %select_n3A_2653 : vector<16xi32> to vector<16x1xi32>
        %gather3A_2655 = vector.shape_cast %broadcast_in_dim3A_2654 : vector<16x1xi32> to vector<16xi32>
        %gather3A_2656 = tpu.dynamic_gather %mul3A_139[%gather3A_2655] in [0] : vector<16xf32>, vector<16xi32> -> vector<16xf32>
        %lt3A_2657 = arith.constant 0 : i32
        %lt3A_2658 = vector.broadcast %lt3A_2657 : i32 to vector<16xi32>
        %lt3A_2659 = arith.cmpi slt, %broadcast_in_dim3A_2636, %lt3A_2658 : vector<16xi32>
        %add3A_2660 = arith.constant 16 : i32
        %add3A_2661 = vector.broadcast %add3A_2660 : i32 to vector<16xi32>
        %add3A_2662 = arith.addi %broadcast_in_dim3A_2636, %add3A_2661 : vector<16xi32>
        %select_n3A_2663 = arith.select %lt3A_2659, %add3A_2662, %broadcast_in_dim3A_2636 : vector<16xi1>, vector<16xi32>
        %broadcast_in_dim3A_2664 = vector.shape_cast %select_n3A_2663 : vector<16xi32> to vector<16x1xi32>
        %gather3A_2665 = vector.shape_cast %broadcast_in_dim3A_2664 : vector<16x1xi32> to vector<16xi32>
        %gather3A_2666 = tpu.dynamic_gather %mul3A_140[%gather3A_2665] in [0] : vector<16xf32>, vector<16xi32> -> vector<16xf32>
        %lt3A_2667 = arith.constant 0 : i32
        %lt3A_2668 = vector.broadcast %lt3A_2667 : i32 to vector<16xi32>
        %lt3A_2669 = arith.cmpi slt, %broadcast_in_dim3A_2636, %lt3A_2668 : vector<16xi32>
        %add3A_2670 = arith.constant 16 : i32
        %add3A_2671 = vector.broadcast %add3A_2670 : i32 to vector<16xi32>
        %add3A_2672 = arith.addi %broadcast_in_dim3A_2636, %add3A_2671 : vector<16xi32>
        %select_n3A_2673 = arith.select %lt3A_2669, %add3A_2672, %broadcast_in_dim3A_2636 : vector<16xi1>, vector<16xi32>
        %broadcast_in_dim3A_2674 = vector.shape_cast %select_n3A_2673 : vector<16xi32> to vector<16x1xi32>
        %gather3A_2675 = vector.shape_cast %broadcast_in_dim3A_2674 : vector<16x1xi32> to vector<16xi32>
        %gather3A_2676 = tpu.dynamic_gather %mul3A_141[%gather3A_2675] in [0] : vector<16xf32>, vector<16xi32> -> vector<16xf32>
        %get3A_2677 = arith.index_cast %add3A_2634 : i32 to index
        %get3A_2678 = arith.constant 0 : index
        %get3A_2679 = tpu.vector_load %arg10[%get3A_2677, %get3A_2678] {strides = array<i32>} : memref<128x64xf32, #tpu.memory_space<vmem>>, vector<1x16xf32>,
        %get3A_2680 = vector.shape_cast %get3A_2679 : vector<1x16xf32> to vector<16xf32>
        %add3A_2681 = arith.constant 0 : i32
        %add3A_2682 = arith.addi %add3A_2681, %add3A_2634 : i32
        %get3A_2683 = arith.index_cast %add3A_2682 : i32 to index
        %get3A_2684 = arith.constant 0 : index
        %get3A_2685 = tpu.vector_load %arg9[%get3A_2683, %get3A_2684] {strides = array<i32>} : memref<512x64xf32, #tpu.memory_space<vmem>>, vector<1x16xf32>,
        %get3A_2686 = vector.shape_cast %get3A_2685 : vector<1x16xf32> to vector<16xf32>
        %mul3A_2687 = arith.mulf %get3A_2686, %gather3A_2646 : vector<16xf32>
        %add3A_2688 = arith.addf %get3A_2680, %mul3A_2687 : vector<16xf32>
        %add3A_2689 = arith.constant 128 : i32
        %add3A_2690 = arith.addi %add3A_2689, %add3A_2634 : i32
        %get3A_2691 = arith.index_cast %add3A_2690 : i32 to index
        %get3A_2692 = arith.constant 0 : index
        %get3A_2693 = tpu.vector_load %arg9[%get3A_2691, %get3A_2692] {strides = array<i32>} : memref<512x64xf32, #tpu.memory_space<vmem>>, vector<1x16xf32>,
        %get3A_2694 = vector.shape_cast %get3A_2693 : vector<1x16xf32> to vector<16xf32>
        %mul3A_2695 = arith.mulf %get3A_2694, %gather3A_2656 : vector<16xf32>
        %add3A_2696 = arith.addf %add3A_2688, %mul3A_2695 : vector<16xf32>
        %add3A_2697 = arith.constant 256 : i32
        %add3A_2698 = arith.addi %add3A_2697, %add3A_2634 : i32
        %get3A_2699 = arith.index_cast %add3A_2698 : i32 to index
        %get3A_2700 = arith.constant 0 : index
        %get3A_2701 = tpu.vector_load %arg9[%get3A_2699, %get3A_2700] {strides = array<i32>} : memref<512x64xf32, #tpu.memory_space<vmem>>, vector<1x16xf32>,
        %get3A_2702 = vector.shape_cast %get3A_2701 : vector<1x16xf32> to vector<16xf32>
        %mul3A_2703 = arith.mulf %get3A_2702, %gather3A_2666 : vector<16xf32>
        %add3A_2704 = arith.addf %add3A_2696, %mul3A_2703 : vector<16xf32>
        %add3A_2705 = arith.constant 384 : i32
        %add3A_2706 = arith.addi %add3A_2705, %add3A_2634 : i32
        %get3A_2707 = arith.index_cast %add3A_2706 : i32 to index
        %get3A_2708 = arith.constant 0 : index
        %get3A_2709 = tpu.vector_load %arg9[%get3A_2707, %get3A_2708] {strides = array<i32>} : memref<512x64xf32, #tpu.memory_space<vmem>>, vector<1x16xf32>,
        %get3A_2710 = vector.shape_cast %get3A_2709 : vector<1x16xf32> to vector<16xf32>
        %mul3A_2711 = arith.mulf %get3A_2710, %gather3A_2676 : vector<16xf32>
        %add3A_2712 = arith.addf %add3A_2704, %mul3A_2711 : vector<16xf32>
        %swap3A_2713 = arith.index_cast %add3A_2634 : i32 to index
        %swap3A_2714 = arith.constant 0 : index
        %swap3A_2715 = tpu.vector_load %arg11[%swap3A_2713, %swap3A_2714] {strides = array<i32>} : memref<128x64xf32, #tpu.memory_space<vmem>>, vector<1x16xf32>,
        %swap3A_2716 = vector.shape_cast %swap3A_2715 : vector<1x16xf32> to vector<16xf32>
        %swap3A_2717 = vector.shape_cast %add3A_2712 : vector<16xf32> to vector<1x16xf32>
        tpu.vector_store %arg11[%swap3A_2713, %swap3A_2714], %swap3A_2717 {strides = array<i32>} : memref<128x64xf32, #tpu.memory_space<vmem>>, vector<1x16xf32>,
        %get3A_2718 = arith.index_cast %add3A_2634 : i32 to index
        %get3A_2719 = arith.constant 16 : index
        %get3A_2720 = tpu.vector_load %arg10[%get3A_2718, %get3A_2719] {strides = array<i32>} : memref<128x64xf32, #tpu.memory_space<vmem>>, vector<1x16xf32>,
        %get3A_2721 = vector.shape_cast %get3A_2720 : vector<1x16xf32> to vector<16xf32>
        %add3A_2722 = arith.constant 0 : i32
        %add3A_2723 = arith.addi %add3A_2722, %add3A_2634 : i32
        %get3A_2724 = arith.index_cast %add3A_2723 : i32 to index
        %get3A_2725 = arith.constant 16 : index
        %get3A_2726 = tpu.vector_load %arg9[%get3A_2724, %get3A_2725] {strides = array<i32>} : memref<512x64xf32, #tpu.memory_space<vmem>>, vector<1x16xf32>,
        %get3A_2727 = vector.shape_cast %get3A_2726 : vector<1x16xf32> to vector<16xf32>
        %mul3A_2728 = arith.mulf %get3A_2727, %gather3A_2646 : vector<16xf32>
        %add3A_2729 = arith.addf %get3A_2721, %mul3A_2728 : vector<16xf32>
        %add3A_2730 = arith.constant 128 : i32
        %add3A_2731 = arith.addi %add3A_2730, %add3A_2634 : i32
        %get3A_2732 = arith.index_cast %add3A_2731 : i32 to index
        %get3A_2733 = arith.constant 16 : index
        %get3A_2734 = tpu.vector_load %arg9[%get3A_2732, %get3A_2733] {strides = array<i32>} : memref<512x64xf32, #tpu.memory_space<vmem>>, vector<1x16xf32>,
        %get3A_2735 = vector.shape_cast %get3A_2734 : vector<1x16xf32> to vector<16xf32>
        %mul3A_2736 = arith.mulf %get3A_2735, %gather3A_2656 : vector<16xf32>
        %add3A_2737 = arith.addf %add3A_2729, %mul3A_2736 : vector<16xf32>
        %add3A_2738 = arith.constant 256 : i32
        %add3A_2739 = arith.addi %add3A_2738, %add3A_2634 : i32
        %get3A_2740 = arith.index_cast %add3A_2739 : i32 to index
        %get3A_2741 = arith.constant 16 : index
        %get3A_2742 = tpu.vector_load %arg9[%get3A_2740, %get3A_2741] {strides = array<i32>} : memref<512x64xf32, #tpu.memory_space<vmem>>, vector<1x16xf32>,
        %get3A_2743 = vector.shape_cast %get3A_2742 : vector<1x16xf32> to vector<16xf32>
        %mul3A_2744 = arith.mulf %get3A_2743, %gather3A_2666 : vector<16xf32>
        %add3A_2745 = arith.addf %add3A_2737, %mul3A_2744 : vector<16xf32>
        %add3A_2746 = arith.constant 384 : i32
        %add3A_2747 = arith.addi %add3A_2746, %add3A_2634 : i32
        %get3A_2748 = arith.index_cast %add3A_2747 : i32 to index
        %get3A_2749 = arith.constant 16 : index
        %get3A_2750 = tpu.vector_load %arg9[%get3A_2748, %get3A_2749] {strides = array<i32>} : memref<512x64xf32, #tpu.memory_space<vmem>>, vector<1x16xf32>,
        %get3A_2751 = vector.shape_cast %get3A_2750 : vector<1x16xf32> to vector<16xf32>
        %mul3A_2752 = arith.mulf %get3A_2751, %gather3A_2676 : vector<16xf32>
        %add3A_2753 = arith.addf %add3A_2745, %mul3A_2752 : vector<16xf32>
        %swap3A_2754 = arith.index_cast %add3A_2634 : i32 to index
        %swap3A_2755 = arith.constant 16 : index
        %swap3A_2756 = tpu.vector_load %arg11[%swap3A_2754, %swap3A_2755] {strides = array<i32>} : memref<128x64xf32, #tpu.memory_space<vmem>>, vector<1x16xf32>,
        %swap3A_2757 = vector.shape_cast %swap3A_2756 : vector<1x16xf32> to vector<16xf32>
        %swap3A_2758 = vector.shape_cast %add3A_2753 : vector<16xf32> to vector<1x16xf32>
        tpu.vector_store %arg11[%swap3A_2754, %swap3A_2755], %swap3A_2758 {strides = array<i32>} : memref<128x64xf32, #tpu.memory_space<vmem>>, vector<1x16xf32>,
        %get3A_2759 = arith.index_cast %add3A_2634 : i32 to index
        %get3A_2760 = arith.constant 32 : index
        %get3A_2761 = tpu.vector_load %arg10[%get3A_2759, %get3A_2760] {strides = array<i32>} : memref<128x64xf32, #tpu.memory_space<vmem>>, vector<1x16xf32>,
        %get3A_2762 = vector.shape_cast %get3A_2761 : vector<1x16xf32> to vector<16xf32>
        %add3A_2763 = arith.constant 0 : i32
        %add3A_2764 = arith.addi %add3A_2763, %add3A_2634 : i32
        %get3A_2765 = arith.index_cast %add3A_2764 : i32 to index
        %get3A_2766 = arith.constant 32 : index
        %get3A_2767 = tpu.vector_load %arg9[%get3A_2765, %get3A_2766] {strides = array<i32>} : memref<512x64xf32, #tpu.memory_space<vmem>>, vector<1x16xf32>,
        %get3A_2768 = vector.shape_cast %get3A_2767 : vector<1x16xf32> to vector<16xf32>
        %mul3A_2769 = arith.mulf %get3A_2768, %gather3A_2646 : vector<16xf32>
        %add3A_2770 = arith.addf %get3A_2762, %mul3A_2769 : vector<16xf32>
        %add3A_2771 = arith.constant 128 : i32
        %add3A_2772 = arith.addi %add3A_2771, %add3A_2634 : i32
        %get3A_2773 = arith.index_cast %add3A_2772 : i32 to index
        %get3A_2774 = arith.constant 32 : index
        %get3A_2775 = tpu.vector_load %arg9[%get3A_2773, %get3A_2774] {strides = array<i32>} : memref<512x64xf32, #tpu.memory_space<vmem>>, vector<1x16xf32>,
        %get3A_2776 = vector.shape_cast %get3A_2775 : vector<1x16xf32> to vector<16xf32>
        %mul3A_2777 = arith.mulf %get3A_2776, %gather3A_2656 : vector<16xf32>
        %add3A_2778 = arith.addf %add3A_2770, %mul3A_2777 : vector<16xf32>
        %add3A_2779 = arith.constant 256 : i32
        %add3A_2780 = arith.addi %add3A_2779, %add3A_2634 : i32
        %get3A_2781 = arith.index_cast %add3A_2780 : i32 to index
        %get3A_2782 = arith.constant 32 : index
        %get3A_2783 = tpu.vector_load %arg9[%get3A_2781, %get3A_2782] {strides = array<i32>} : memref<512x64xf32, #tpu.memory_space<vmem>>, vector<1x16xf32>,
        %get3A_2784 = vector.shape_cast %get3A_2783 : vector<1x16xf32> to vector<16xf32>
        %mul3A_2785 = arith.mulf %get3A_2784, %gather3A_2666 : vector<16xf32>
        %add3A_2786 = arith.addf %add3A_2778, %mul3A_2785 : vector<16xf32>
        %add3A_2787 = arith.constant 384 : i32
        %add3A_2788 = arith.addi %add3A_2787, %add3A_2634 : i32
        %get3A_2789 = arith.index_cast %add3A_2788 : i32 to index
        %get3A_2790 = arith.constant 32 : index
        %get3A_2791 = tpu.vector_load %arg9[%get3A_2789, %get3A_2790] {strides = array<i32>} : memref<512x64xf32, #tpu.memory_space<vmem>>, vector<1x16xf32>,
        %get3A_2792 = vector.shape_cast %get3A_2791 : vector<1x16xf32> to vector<16xf32>
        %mul3A_2793 = arith.mulf %get3A_2792, %gather3A_2676 : vector<16xf32>
        %add3A_2794 = arith.addf %add3A_2786, %mul3A_2793 : vector<16xf32>
        %swap3A_2795 = arith.index_cast %add3A_2634 : i32 to index
        %swap3A_2796 = arith.constant 32 : index
        %swap3A_2797 = tpu.vector_load %arg11[%swap3A_2795, %swap3A_2796] {strides = array<i32>} : memref<128x64xf32, #tpu.memory_space<vmem>>, vector<1x16xf32>,
        %swap3A_2798 = vector.shape_cast %swap3A_2797 : vector<1x16xf32> to vector<16xf32>
        %swap3A_2799 = vector.shape_cast %add3A_2794 : vector<16xf32> to vector<1x16xf32>
        tpu.vector_store %arg11[%swap3A_2795, %swap3A_2796], %swap3A_2799 {strides = array<i32>} : memref<128x64xf32, #tpu.memory_space<vmem>>, vector<1x16xf32>,
        %get3A_2800 = arith.index_cast %add3A_2634 : i32 to index
        %get3A_2801 = arith.constant 48 : index
        %get3A_2802 = tpu.vector_load %arg10[%get3A_2800, %get3A_2801] {strides = array<i32>} : memref<128x64xf32, #tpu.memory_space<vmem>>, vector<1x16xf32>,
        %get3A_2803 = vector.shape_cast %get3A_2802 : vector<1x16xf32> to vector<16xf32>
        %add3A_2804 = arith.constant 0 : i32
        %add3A_2805 = arith.addi %add3A_2804, %add3A_2634 : i32
        %get3A_2806 = arith.index_cast %add3A_2805 : i32 to index
        %get3A_2807 = arith.constant 48 : index
        %get3A_2808 = tpu.vector_load %arg9[%get3A_2806, %get3A_2807] {strides = array<i32>} : memref<512x64xf32, #tpu.memory_space<vmem>>, vector<1x16xf32>,
        %get3A_2809 = vector.shape_cast %get3A_2808 : vector<1x16xf32> to vector<16xf32>
        %mul3A_2810 = arith.mulf %get3A_2809, %gather3A_2646 : vector<16xf32>
        %add3A_2811 = arith.addf %get3A_2803, %mul3A_2810 : vector<16xf32>
        %add3A_2812 = arith.constant 128 : i32
        %add3A_2813 = arith.addi %add3A_2812, %add3A_2634 : i32
        %get3A_2814 = arith.index_cast %add3A_2813 : i32 to index
        %get3A_2815 = arith.constant 48 : index
        %get3A_2816 = tpu.vector_load %arg9[%get3A_2814, %get3A_2815] {strides = array<i32>} : memref<512x64xf32, #tpu.memory_space<vmem>>, vector<1x16xf32>,
        %get3A_2817 = vector.shape_cast %get3A_2816 : vector<1x16xf32> to vector<16xf32>
        %mul3A_2818 = arith.mulf %get3A_2817, %gather3A_2656 : vector<16xf32>
        %add3A_2819 = arith.addf %add3A_2811, %mul3A_2818 : vector<16xf32>
        %add3A_2820 = arith.constant 256 : i32
        %add3A_2821 = arith.addi %add3A_2820, %add3A_2634 : i32
        %get3A_2822 = arith.index_cast %add3A_2821 : i32 to index
        %get3A_2823 = arith.constant 48 : index
        %get3A_2824 = tpu.vector_load %arg9[%get3A_2822, %get3A_2823] {strides = array<i32>} : memref<512x64xf32, #tpu.memory_space<vmem>>, vector<1x16xf32>,
        %get3A_2825 = vector.shape_cast %get3A_2824 : vector<1x16xf32> to vector<16xf32>
        %mul3A_2826 = arith.mulf %get3A_2825, %gather3A_2666 : vector<16xf32>
        %add3A_2827 = arith.addf %add3A_2819, %mul3A_2826 : vector<16xf32>
        %add3A_2828 = arith.constant 384 : i32
        %add3A_2829 = arith.addi %add3A_2828, %add3A_2634 : i32
        %get3A_2830 = arith.index_cast %add3A_2829 : i32 to index
        %get3A_2831 = arith.constant 48 : index
        %get3A_2832 = tpu.vector_load %arg9[%get3A_2830, %get3A_2831] {strides = array<i32>} : memref<512x64xf32, #tpu.memory_space<vmem>>, vector<1x16xf32>,
        %get3A_2833 = vector.shape_cast %get3A_2832 : vector<1x16xf32> to vector<16xf32>
        %mul3A_2834 = arith.mulf %get3A_2833, %gather3A_2676 : vector<16xf32>
        %add3A_2835 = arith.addf %add3A_2827, %mul3A_2834 : vector<16xf32>
        %swap3A_2836 = arith.index_cast %add3A_2634 : i32 to index
        %swap3A_2837 = arith.constant 48 : index
        %swap3A_2838 = tpu.vector_load %arg11[%swap3A_2836, %swap3A_2837] {strides = array<i32>} : memref<128x64xf32, #tpu.memory_space<vmem>>, vector<1x16xf32>,
        %swap3A_2839 = vector.shape_cast %swap3A_2838 : vector<1x16xf32> to vector<16xf32>
        %swap3A_2840 = vector.shape_cast %add3A_2835 : vector<16xf32> to vector<1x16xf32>
        tpu.vector_store %arg11[%swap3A_2836, %swap3A_2837], %swap3A_2840 {strides = array<i32>} : memref<128x64xf32, #tpu.memory_space<vmem>>, vector<1x16xf32>,
        %add3A_2841 = arith.constant 13 : i32
        %add3A_2842 = arith.addi %mul3A_96, %add3A_2841 : i32
        %broadcast_in_dim3A_2843 = arith.constant 13 : i32
        %broadcast_in_dim3A_2844 = vector.broadcast %broadcast_in_dim3A_2843 : i32 to vector<16xi32>
        %lt3A_2845 = arith.constant 0 : i32
        %lt3A_2846 = vector.broadcast %lt3A_2845 : i32 to vector<16xi32>
        %lt3A_2847 = arith.cmpi slt, %broadcast_in_dim3A_2844, %lt3A_2846 : vector<16xi32>
        %add3A_2848 = arith.constant 16 : i32
        %add3A_2849 = vector.broadcast %add3A_2848 : i32 to vector<16xi32>
        %add3A_2850 = arith.addi %broadcast_in_dim3A_2844, %add3A_2849 : vector<16xi32>
        %select_n3A_2851 = arith.select %lt3A_2847, %add3A_2850, %broadcast_in_dim3A_2844 : vector<16xi1>, vector<16xi32>
        %broadcast_in_dim3A_2852 = vector.shape_cast %select_n3A_2851 : vector<16xi32> to vector<16x1xi32>
        %gather3A_2853 = vector.shape_cast %broadcast_in_dim3A_2852 : vector<16x1xi32> to vector<16xi32>
        %gather3A_2854 = tpu.dynamic_gather %mul3A_138[%gather3A_2853] in [0] : vector<16xf32>, vector<16xi32> -> vector<16xf32>
        %lt3A_2855 = arith.constant 0 : i32
        %lt3A_2856 = vector.broadcast %lt3A_2855 : i32 to vector<16xi32>
        %lt3A_2857 = arith.cmpi slt, %broadcast_in_dim3A_2844, %lt3A_2856 : vector<16xi32>
        %add3A_2858 = arith.constant 16 : i32
        %add3A_2859 = vector.broadcast %add3A_2858 : i32 to vector<16xi32>
        %add3A_2860 = arith.addi %broadcast_in_dim3A_2844, %add3A_2859 : vector<16xi32>
        %select_n3A_2861 = arith.select %lt3A_2857, %add3A_2860, %broadcast_in_dim3A_2844 : vector<16xi1>, vector<16xi32>
        %broadcast_in_dim3A_2862 = vector.shape_cast %select_n3A_2861 : vector<16xi32> to vector<16x1xi32>
        %gather3A_2863 = vector.shape_cast %broadcast_in_dim3A_2862 : vector<16x1xi32> to vector<16xi32>
        %gather3A_2864 = tpu.dynamic_gather %mul3A_139[%gather3A_2863] in [0] : vector<16xf32>, vector<16xi32> -> vector<16xf32>
        %lt3A_2865 = arith.constant 0 : i32
        %lt3A_2866 = vector.broadcast %lt3A_2865 : i32 to vector<16xi32>
        %lt3A_2867 = arith.cmpi slt, %broadcast_in_dim3A_2844, %lt3A_2866 : vector<16xi32>
        %add3A_2868 = arith.constant 16 : i32
        %add3A_2869 = vector.broadcast %add3A_2868 : i32 to vector<16xi32>
        %add3A_2870 = arith.addi %broadcast_in_dim3A_2844, %add3A_2869 : vector<16xi32>
        %select_n3A_2871 = arith.select %lt3A_2867, %add3A_2870, %broadcast_in_dim3A_2844 : vector<16xi1>, vector<16xi32>
        %broadcast_in_dim3A_2872 = vector.shape_cast %select_n3A_2871 : vector<16xi32> to vector<16x1xi32>
        %gather3A_2873 = vector.shape_cast %broadcast_in_dim3A_2872 : vector<16x1xi32> to vector<16xi32>
        %gather3A_2874 = tpu.dynamic_gather %mul3A_140[%gather3A_2873] in [0] : vector<16xf32>, vector<16xi32> -> vector<16xf32>
        %lt3A_2875 = arith.constant 0 : i32
        %lt3A_2876 = vector.broadcast %lt3A_2875 : i32 to vector<16xi32>
        %lt3A_2877 = arith.cmpi slt, %broadcast_in_dim3A_2844, %lt3A_2876 : vector<16xi32>
        %add3A_2878 = arith.constant 16 : i32
        %add3A_2879 = vector.broadcast %add3A_2878 : i32 to vector<16xi32>
        %add3A_2880 = arith.addi %broadcast_in_dim3A_2844, %add3A_2879 : vector<16xi32>
        %select_n3A_2881 = arith.select %lt3A_2877, %add3A_2880, %broadcast_in_dim3A_2844 : vector<16xi1>, vector<16xi32>
        %broadcast_in_dim3A_2882 = vector.shape_cast %select_n3A_2881 : vector<16xi32> to vector<16x1xi32>
        %gather3A_2883 = vector.shape_cast %broadcast_in_dim3A_2882 : vector<16x1xi32> to vector<16xi32>
        %gather3A_2884 = tpu.dynamic_gather %mul3A_141[%gather3A_2883] in [0] : vector<16xf32>, vector<16xi32> -> vector<16xf32>
        %get3A_2885 = arith.index_cast %add3A_2842 : i32 to index
        %get3A_2886 = arith.constant 0 : index
        %get3A_2887 = tpu.vector_load %arg10[%get3A_2885, %get3A_2886] {strides = array<i32>} : memref<128x64xf32, #tpu.memory_space<vmem>>, vector<1x16xf32>,
        %get3A_2888 = vector.shape_cast %get3A_2887 : vector<1x16xf32> to vector<16xf32>
        %add3A_2889 = arith.constant 0 : i32
        %add3A_2890 = arith.addi %add3A_2889, %add3A_2842 : i32
        %get3A_2891 = arith.index_cast %add3A_2890 : i32 to index
        %get3A_2892 = arith.constant 0 : index
        %get3A_2893 = tpu.vector_load %arg9[%get3A_2891, %get3A_2892] {strides = array<i32>} : memref<512x64xf32, #tpu.memory_space<vmem>>, vector<1x16xf32>,
        %get3A_2894 = vector.shape_cast %get3A_2893 : vector<1x16xf32> to vector<16xf32>
        %mul3A_2895 = arith.mulf %get3A_2894, %gather3A_2854 : vector<16xf32>
        %add3A_2896 = arith.addf %get3A_2888, %mul3A_2895 : vector<16xf32>
        %add3A_2897 = arith.constant 128 : i32
        %add3A_2898 = arith.addi %add3A_2897, %add3A_2842 : i32
        %get3A_2899 = arith.index_cast %add3A_2898 : i32 to index
        %get3A_2900 = arith.constant 0 : index
        %get3A_2901 = tpu.vector_load %arg9[%get3A_2899, %get3A_2900] {strides = array<i32>} : memref<512x64xf32, #tpu.memory_space<vmem>>, vector<1x16xf32>,
        %get3A_2902 = vector.shape_cast %get3A_2901 : vector<1x16xf32> to vector<16xf32>
        %mul3A_2903 = arith.mulf %get3A_2902, %gather3A_2864 : vector<16xf32>
        %add3A_2904 = arith.addf %add3A_2896, %mul3A_2903 : vector<16xf32>
        %add3A_2905 = arith.constant 256 : i32
        %add3A_2906 = arith.addi %add3A_2905, %add3A_2842 : i32
        %get3A_2907 = arith.index_cast %add3A_2906 : i32 to index
        %get3A_2908 = arith.constant 0 : index
        %get3A_2909 = tpu.vector_load %arg9[%get3A_2907, %get3A_2908] {strides = array<i32>} : memref<512x64xf32, #tpu.memory_space<vmem>>, vector<1x16xf32>,
        %get3A_2910 = vector.shape_cast %get3A_2909 : vector<1x16xf32> to vector<16xf32>
        %mul3A_2911 = arith.mulf %get3A_2910, %gather3A_2874 : vector<16xf32>
        %add3A_2912 = arith.addf %add3A_2904, %mul3A_2911 : vector<16xf32>
        %add3A_2913 = arith.constant 384 : i32
        %add3A_2914 = arith.addi %add3A_2913, %add3A_2842 : i32
        %get3A_2915 = arith.index_cast %add3A_2914 : i32 to index
        %get3A_2916 = arith.constant 0 : index
        %get3A_2917 = tpu.vector_load %arg9[%get3A_2915, %get3A_2916] {strides = array<i32>} : memref<512x64xf32, #tpu.memory_space<vmem>>, vector<1x16xf32>,
        %get3A_2918 = vector.shape_cast %get3A_2917 : vector<1x16xf32> to vector<16xf32>
        %mul3A_2919 = arith.mulf %get3A_2918, %gather3A_2884 : vector<16xf32>
        %add3A_2920 = arith.addf %add3A_2912, %mul3A_2919 : vector<16xf32>
        %swap3A_2921 = arith.index_cast %add3A_2842 : i32 to index
        %swap3A_2922 = arith.constant 0 : index
        %swap3A_2923 = tpu.vector_load %arg11[%swap3A_2921, %swap3A_2922] {strides = array<i32>} : memref<128x64xf32, #tpu.memory_space<vmem>>, vector<1x16xf32>,
        %swap3A_2924 = vector.shape_cast %swap3A_2923 : vector<1x16xf32> to vector<16xf32>
        %swap3A_2925 = vector.shape_cast %add3A_2920 : vector<16xf32> to vector<1x16xf32>
        tpu.vector_store %arg11[%swap3A_2921, %swap3A_2922], %swap3A_2925 {strides = array<i32>} : memref<128x64xf32, #tpu.memory_space<vmem>>, vector<1x16xf32>,
        %get3A_2926 = arith.index_cast %add3A_2842 : i32 to index
        %get3A_2927 = arith.constant 16 : index
        %get3A_2928 = tpu.vector_load %arg10[%get3A_2926, %get3A_2927] {strides = array<i32>} : memref<128x64xf32, #tpu.memory_space<vmem>>, vector<1x16xf32>,
        %get3A_2929 = vector.shape_cast %get3A_2928 : vector<1x16xf32> to vector<16xf32>
        %add3A_2930 = arith.constant 0 : i32
        %add3A_2931 = arith.addi %add3A_2930, %add3A_2842 : i32
        %get3A_2932 = arith.index_cast %add3A_2931 : i32 to index
        %get3A_2933 = arith.constant 16 : index
        %get3A_2934 = tpu.vector_load %arg9[%get3A_2932, %get3A_2933] {strides = array<i32>} : memref<512x64xf32, #tpu.memory_space<vmem>>, vector<1x16xf32>,
        %get3A_2935 = vector.shape_cast %get3A_2934 : vector<1x16xf32> to vector<16xf32>
        %mul3A_2936 = arith.mulf %get3A_2935, %gather3A_2854 : vector<16xf32>
        %add3A_2937 = arith.addf %get3A_2929, %mul3A_2936 : vector<16xf32>
        %add3A_2938 = arith.constant 128 : i32
        %add3A_2939 = arith.addi %add3A_2938, %add3A_2842 : i32
        %get3A_2940 = arith.index_cast %add3A_2939 : i32 to index
        %get3A_2941 = arith.constant 16 : index
        %get3A_2942 = tpu.vector_load %arg9[%get3A_2940, %get3A_2941] {strides = array<i32>} : memref<512x64xf32, #tpu.memory_space<vmem>>, vector<1x16xf32>,
        %get3A_2943 = vector.shape_cast %get3A_2942 : vector<1x16xf32> to vector<16xf32>
        %mul3A_2944 = arith.mulf %get3A_2943, %gather3A_2864 : vector<16xf32>
        %add3A_2945 = arith.addf %add3A_2937, %mul3A_2944 : vector<16xf32>
        %add3A_2946 = arith.constant 256 : i32
        %add3A_2947 = arith.addi %add3A_2946, %add3A_2842 : i32
        %get3A_2948 = arith.index_cast %add3A_2947 : i32 to index
        %get3A_2949 = arith.constant 16 : index
        %get3A_2950 = tpu.vector_load %arg9[%get3A_2948, %get3A_2949] {strides = array<i32>} : memref<512x64xf32, #tpu.memory_space<vmem>>, vector<1x16xf32>,
        %get3A_2951 = vector.shape_cast %get3A_2950 : vector<1x16xf32> to vector<16xf32>
        %mul3A_2952 = arith.mulf %get3A_2951, %gather3A_2874 : vector<16xf32>
        %add3A_2953 = arith.addf %add3A_2945, %mul3A_2952 : vector<16xf32>
        %add3A_2954 = arith.constant 384 : i32
        %add3A_2955 = arith.addi %add3A_2954, %add3A_2842 : i32
        %get3A_2956 = arith.index_cast %add3A_2955 : i32 to index
        %get3A_2957 = arith.constant 16 : index
        %get3A_2958 = tpu.vector_load %arg9[%get3A_2956, %get3A_2957] {strides = array<i32>} : memref<512x64xf32, #tpu.memory_space<vmem>>, vector<1x16xf32>,
        %get3A_2959 = vector.shape_cast %get3A_2958 : vector<1x16xf32> to vector<16xf32>
        %mul3A_2960 = arith.mulf %get3A_2959, %gather3A_2884 : vector<16xf32>
        %add3A_2961 = arith.addf %add3A_2953, %mul3A_2960 : vector<16xf32>
        %swap3A_2962 = arith.index_cast %add3A_2842 : i32 to index
        %swap3A_2963 = arith.constant 16 : index
        %swap3A_2964 = tpu.vector_load %arg11[%swap3A_2962, %swap3A_2963] {strides = array<i32>} : memref<128x64xf32, #tpu.memory_space<vmem>>, vector<1x16xf32>,
        %swap3A_2965 = vector.shape_cast %swap3A_2964 : vector<1x16xf32> to vector<16xf32>
        %swap3A_2966 = vector.shape_cast %add3A_2961 : vector<16xf32> to vector<1x16xf32>
        tpu.vector_store %arg11[%swap3A_2962, %swap3A_2963], %swap3A_2966 {strides = array<i32>} : memref<128x64xf32, #tpu.memory_space<vmem>>, vector<1x16xf32>,
        %get3A_2967 = arith.index_cast %add3A_2842 : i32 to index
        %get3A_2968 = arith.constant 32 : index
        %get3A_2969 = tpu.vector_load %arg10[%get3A_2967, %get3A_2968] {strides = array<i32>} : memref<128x64xf32, #tpu.memory_space<vmem>>, vector<1x16xf32>,
        %get3A_2970 = vector.shape_cast %get3A_2969 : vector<1x16xf32> to vector<16xf32>
        %add3A_2971 = arith.constant 0 : i32
        %add3A_2972 = arith.addi %add3A_2971, %add3A_2842 : i32
        %get3A_2973 = arith.index_cast %add3A_2972 : i32 to index
        %get3A_2974 = arith.constant 32 : index
        %get3A_2975 = tpu.vector_load %arg9[%get3A_2973, %get3A_2974] {strides = array<i32>} : memref<512x64xf32, #tpu.memory_space<vmem>>, vector<1x16xf32>,
        %get3A_2976 = vector.shape_cast %get3A_2975 : vector<1x16xf32> to vector<16xf32>
        %mul3A_2977 = arith.mulf %get3A_2976, %gather3A_2854 : vector<16xf32>
        %add3A_2978 = arith.addf %get3A_2970, %mul3A_2977 : vector<16xf32>
        %add3A_2979 = arith.constant 128 : i32
        %add3A_2980 = arith.addi %add3A_2979, %add3A_2842 : i32
        %get3A_2981 = arith.index_cast %add3A_2980 : i32 to index
        %get3A_2982 = arith.constant 32 : index
        %get3A_2983 = tpu.vector_load %arg9[%get3A_2981, %get3A_2982] {strides = array<i32>} : memref<512x64xf32, #tpu.memory_space<vmem>>, vector<1x16xf32>,
        %get3A_2984 = vector.shape_cast %get3A_2983 : vector<1x16xf32> to vector<16xf32>
        %mul3A_2985 = arith.mulf %get3A_2984, %gather3A_2864 : vector<16xf32>
        %add3A_2986 = arith.addf %add3A_2978, %mul3A_2985 : vector<16xf32>
        %add3A_2987 = arith.constant 256 : i32
        %add3A_2988 = arith.addi %add3A_2987, %add3A_2842 : i32
        %get3A_2989 = arith.index_cast %add3A_2988 : i32 to index
        %get3A_2990 = arith.constant 32 : index
        %get3A_2991 = tpu.vector_load %arg9[%get3A_2989, %get3A_2990] {strides = array<i32>} : memref<512x64xf32, #tpu.memory_space<vmem>>, vector<1x16xf32>,
        %get3A_2992 = vector.shape_cast %get3A_2991 : vector<1x16xf32> to vector<16xf32>
        %mul3A_2993 = arith.mulf %get3A_2992, %gather3A_2874 : vector<16xf32>
        %add3A_2994 = arith.addf %add3A_2986, %mul3A_2993 : vector<16xf32>
        %add3A_2995 = arith.constant 384 : i32
        %add3A_2996 = arith.addi %add3A_2995, %add3A_2842 : i32
        %get3A_2997 = arith.index_cast %add3A_2996 : i32 to index
        %get3A_2998 = arith.constant 32 : index
        %get3A_2999 = tpu.vector_load %arg9[%get3A_2997, %get3A_2998] {strides = array<i32>} : memref<512x64xf32, #tpu.memory_space<vmem>>, vector<1x16xf32>,
        %get3A_3000 = vector.shape_cast %get3A_2999 : vector<1x16xf32> to vector<16xf32>
        %mul3A_3001 = arith.mulf %get3A_3000, %gather3A_2884 : vector<16xf32>
        %add3A_3002 = arith.addf %add3A_2994, %mul3A_3001 : vector<16xf32>
        %swap3A_3003 = arith.index_cast %add3A_2842 : i32 to index
        %swap3A_3004 = arith.constant 32 : index
        %swap3A_3005 = tpu.vector_load %arg11[%swap3A_3003, %swap3A_3004] {strides = array<i32>} : memref<128x64xf32, #tpu.memory_space<vmem>>, vector<1x16xf32>,
        %swap3A_3006 = vector.shape_cast %swap3A_3005 : vector<1x16xf32> to vector<16xf32>
        %swap3A_3007 = vector.shape_cast %add3A_3002 : vector<16xf32> to vector<1x16xf32>
        tpu.vector_store %arg11[%swap3A_3003, %swap3A_3004], %swap3A_3007 {strides = array<i32>} : memref<128x64xf32, #tpu.memory_space<vmem>>, vector<1x16xf32>,
        %get3A_3008 = arith.index_cast %add3A_2842 : i32 to index
        %get3A_3009 = arith.constant 48 : index
        %get3A_3010 = tpu.vector_load %arg10[%get3A_3008, %get3A_3009] {strides = array<i32>} : memref<128x64xf32, #tpu.memory_space<vmem>>, vector<1x16xf32>,
        %get3A_3011 = vector.shape_cast %get3A_3010 : vector<1x16xf32> to vector<16xf32>
        %add3A_3012 = arith.constant 0 : i32
        %add3A_3013 = arith.addi %add3A_3012, %add3A_2842 : i32
        %get3A_3014 = arith.index_cast %add3A_3013 : i32 to index
        %get3A_3015 = arith.constant 48 : index
        %get3A_3016 = tpu.vector_load %arg9[%get3A_3014, %get3A_3015] {strides = array<i32>} : memref<512x64xf32, #tpu.memory_space<vmem>>, vector<1x16xf32>,
        %get3A_3017 = vector.shape_cast %get3A_3016 : vector<1x16xf32> to vector<16xf32>
        %mul3A_3018 = arith.mulf %get3A_3017, %gather3A_2854 : vector<16xf32>
        %add3A_3019 = arith.addf %get3A_3011, %mul3A_3018 : vector<16xf32>
        %add3A_3020 = arith.constant 128 : i32
        %add3A_3021 = arith.addi %add3A_3020, %add3A_2842 : i32
        %get3A_3022 = arith.index_cast %add3A_3021 : i32 to index
        %get3A_3023 = arith.constant 48 : index
        %get3A_3024 = tpu.vector_load %arg9[%get3A_3022, %get3A_3023] {strides = array<i32>} : memref<512x64xf32, #tpu.memory_space<vmem>>, vector<1x16xf32>,
        %get3A_3025 = vector.shape_cast %get3A_3024 : vector<1x16xf32> to vector<16xf32>
        %mul3A_3026 = arith.mulf %get3A_3025, %gather3A_2864 : vector<16xf32>
        %add3A_3027 = arith.addf %add3A_3019, %mul3A_3026 : vector<16xf32>
        %add3A_3028 = arith.constant 256 : i32
        %add3A_3029 = arith.addi %add3A_3028, %add3A_2842 : i32
        %get3A_3030 = arith.index_cast %add3A_3029 : i32 to index
        %get3A_3031 = arith.constant 48 : index
        %get3A_3032 = tpu.vector_load %arg9[%get3A_3030, %get3A_3031] {strides = array<i32>} : memref<512x64xf32, #tpu.memory_space<vmem>>, vector<1x16xf32>,
        %get3A_3033 = vector.shape_cast %get3A_3032 : vector<1x16xf32> to vector<16xf32>
        %mul3A_3034 = arith.mulf %get3A_3033, %gather3A_2874 : vector<16xf32>
        %add3A_3035 = arith.addf %add3A_3027, %mul3A_3034 : vector<16xf32>
        %add3A_3036 = arith.constant 384 : i32
        %add3A_3037 = arith.addi %add3A_3036, %add3A_2842 : i32
        %get3A_3038 = arith.index_cast %add3A_3037 : i32 to index
        %get3A_3039 = arith.constant 48 : index
        %get3A_3040 = tpu.vector_load %arg9[%get3A_3038, %get3A_3039] {strides = array<i32>} : memref<512x64xf32, #tpu.memory_space<vmem>>, vector<1x16xf32>,
        %get3A_3041 = vector.shape_cast %get3A_3040 : vector<1x16xf32> to vector<16xf32>
        %mul3A_3042 = arith.mulf %get3A_3041, %gather3A_2884 : vector<16xf32>
        %add3A_3043 = arith.addf %add3A_3035, %mul3A_3042 : vector<16xf32>
        %swap3A_3044 = arith.index_cast %add3A_2842 : i32 to index
        %swap3A_3045 = arith.constant 48 : index
        %swap3A_3046 = tpu.vector_load %arg11[%swap3A_3044, %swap3A_3045] {strides = array<i32>} : memref<128x64xf32, #tpu.memory_space<vmem>>, vector<1x16xf32>,
        %swap3A_3047 = vector.shape_cast %swap3A_3046 : vector<1x16xf32> to vector<16xf32>
        %swap3A_3048 = vector.shape_cast %add3A_3043 : vector<16xf32> to vector<1x16xf32>
        tpu.vector_store %arg11[%swap3A_3044, %swap3A_3045], %swap3A_3048 {strides = array<i32>} : memref<128x64xf32, #tpu.memory_space<vmem>>, vector<1x16xf32>,
        %add3A_3049 = arith.constant 14 : i32
        %add3A_3050 = arith.addi %mul3A_96, %add3A_3049 : i32
        %broadcast_in_dim3A_3051 = arith.constant 14 : i32
        %broadcast_in_dim3A_3052 = vector.broadcast %broadcast_in_dim3A_3051 : i32 to vector<16xi32>
        %lt3A_3053 = arith.constant 0 : i32
        %lt3A_3054 = vector.broadcast %lt3A_3053 : i32 to vector<16xi32>
        %lt3A_3055 = arith.cmpi slt, %broadcast_in_dim3A_3052, %lt3A_3054 : vector<16xi32>
        %add3A_3056 = arith.constant 16 : i32
        %add3A_3057 = vector.broadcast %add3A_3056 : i32 to vector<16xi32>
        %add3A_3058 = arith.addi %broadcast_in_dim3A_3052, %add3A_3057 : vector<16xi32>
        %select_n3A_3059 = arith.select %lt3A_3055, %add3A_3058, %broadcast_in_dim3A_3052 : vector<16xi1>, vector<16xi32>
        %broadcast_in_dim3A_3060 = vector.shape_cast %select_n3A_3059 : vector<16xi32> to vector<16x1xi32>
        %gather3A_3061 = vector.shape_cast %broadcast_in_dim3A_3060 : vector<16x1xi32> to vector<16xi32>
        %gather3A_3062 = tpu.dynamic_gather %mul3A_138[%gather3A_3061] in [0] : vector<16xf32>, vector<16xi32> -> vector<16xf32>
        %lt3A_3063 = arith.constant 0 : i32
        %lt3A_3064 = vector.broadcast %lt3A_3063 : i32 to vector<16xi32>
        %lt3A_3065 = arith.cmpi slt, %broadcast_in_dim3A_3052, %lt3A_3064 : vector<16xi32>
        %add3A_3066 = arith.constant 16 : i32
        %add3A_3067 = vector.broadcast %add3A_3066 : i32 to vector<16xi32>
        %add3A_3068 = arith.addi %broadcast_in_dim3A_3052, %add3A_3067 : vector<16xi32>
        %select_n3A_3069 = arith.select %lt3A_3065, %add3A_3068, %broadcast_in_dim3A_3052 : vector<16xi1>, vector<16xi32>
        %broadcast_in_dim3A_3070 = vector.shape_cast %select_n3A_3069 : vector<16xi32> to vector<16x1xi32>
        %gather3A_3071 = vector.shape_cast %broadcast_in_dim3A_3070 : vector<16x1xi32> to vector<16xi32>
        %gather3A_3072 = tpu.dynamic_gather %mul3A_139[%gather3A_3071] in [0] : vector<16xf32>, vector<16xi32> -> vector<16xf32>
        %lt3A_3073 = arith.constant 0 : i32
        %lt3A_3074 = vector.broadcast %lt3A_3073 : i32 to vector<16xi32>
        %lt3A_3075 = arith.cmpi slt, %broadcast_in_dim3A_3052, %lt3A_3074 : vector<16xi32>
        %add3A_3076 = arith.constant 16 : i32
        %add3A_3077 = vector.broadcast %add3A_3076 : i32 to vector<16xi32>
        %add3A_3078 = arith.addi %broadcast_in_dim3A_3052, %add3A_3077 : vector<16xi32>
        %select_n3A_3079 = arith.select %lt3A_3075, %add3A_3078, %broadcast_in_dim3A_3052 : vector<16xi1>, vector<16xi32>
        %broadcast_in_dim3A_3080 = vector.shape_cast %select_n3A_3079 : vector<16xi32> to vector<16x1xi32>
        %gather3A_3081 = vector.shape_cast %broadcast_in_dim3A_3080 : vector<16x1xi32> to vector<16xi32>
        %gather3A_3082 = tpu.dynamic_gather %mul3A_140[%gather3A_3081] in [0] : vector<16xf32>, vector<16xi32> -> vector<16xf32>
        %lt3A_3083 = arith.constant 0 : i32
        %lt3A_3084 = vector.broadcast %lt3A_3083 : i32 to vector<16xi32>
        %lt3A_3085 = arith.cmpi slt, %broadcast_in_dim3A_3052, %lt3A_3084 : vector<16xi32>
        %add3A_3086 = arith.constant 16 : i32
        %add3A_3087 = vector.broadcast %add3A_3086 : i32 to vector<16xi32>
        %add3A_3088 = arith.addi %broadcast_in_dim3A_3052, %add3A_3087 : vector<16xi32>
        %select_n3A_3089 = arith.select %lt3A_3085, %add3A_3088, %broadcast_in_dim3A_3052 : vector<16xi1>, vector<16xi32>
        %broadcast_in_dim3A_3090 = vector.shape_cast %select_n3A_3089 : vector<16xi32> to vector<16x1xi32>
        %gather3A_3091 = vector.shape_cast %broadcast_in_dim3A_3090 : vector<16x1xi32> to vector<16xi32>
        %gather3A_3092 = tpu.dynamic_gather %mul3A_141[%gather3A_3091] in [0] : vector<16xf32>, vector<16xi32> -> vector<16xf32>
        %get3A_3093 = arith.index_cast %add3A_3050 : i32 to index
        %get3A_3094 = arith.constant 0 : index
        %get3A_3095 = tpu.vector_load %arg10[%get3A_3093, %get3A_3094] {strides = array<i32>} : memref<128x64xf32, #tpu.memory_space<vmem>>, vector<1x16xf32>,
        %get3A_3096 = vector.shape_cast %get3A_3095 : vector<1x16xf32> to vector<16xf32>
        %add3A_3097 = arith.constant 0 : i32
        %add3A_3098 = arith.addi %add3A_3097, %add3A_3050 : i32
        %get3A_3099 = arith.index_cast %add3A_3098 : i32 to index
        %get3A_3100 = arith.constant 0 : index
        %get3A_3101 = tpu.vector_load %arg9[%get3A_3099, %get3A_3100] {strides = array<i32>} : memref<512x64xf32, #tpu.memory_space<vmem>>, vector<1x16xf32>,
        %get3A_3102 = vector.shape_cast %get3A_3101 : vector<1x16xf32> to vector<16xf32>
        %mul3A_3103 = arith.mulf %get3A_3102, %gather3A_3062 : vector<16xf32>
        %add3A_3104 = arith.addf %get3A_3096, %mul3A_3103 : vector<16xf32>
        %add3A_3105 = arith.constant 128 : i32
        %add3A_3106 = arith.addi %add3A_3105, %add3A_3050 : i32
        %get3A_3107 = arith.index_cast %add3A_3106 : i32 to index
        %get3A_3108 = arith.constant 0 : index
        %get3A_3109 = tpu.vector_load %arg9[%get3A_3107, %get3A_3108] {strides = array<i32>} : memref<512x64xf32, #tpu.memory_space<vmem>>, vector<1x16xf32>,
        %get3A_3110 = vector.shape_cast %get3A_3109 : vector<1x16xf32> to vector<16xf32>
        %mul3A_3111 = arith.mulf %get3A_3110, %gather3A_3072 : vector<16xf32>
        %add3A_3112 = arith.addf %add3A_3104, %mul3A_3111 : vector<16xf32>
        %add3A_3113 = arith.constant 256 : i32
        %add3A_3114 = arith.addi %add3A_3113, %add3A_3050 : i32
        %get3A_3115 = arith.index_cast %add3A_3114 : i32 to index
        %get3A_3116 = arith.constant 0 : index
        %get3A_3117 = tpu.vector_load %arg9[%get3A_3115, %get3A_3116] {strides = array<i32>} : memref<512x64xf32, #tpu.memory_space<vmem>>, vector<1x16xf32>,
        %get3A_3118 = vector.shape_cast %get3A_3117 : vector<1x16xf32> to vector<16xf32>
        %mul3A_3119 = arith.mulf %get3A_3118, %gather3A_3082 : vector<16xf32>
        %add3A_3120 = arith.addf %add3A_3112, %mul3A_3119 : vector<16xf32>
        %add3A_3121 = arith.constant 384 : i32
        %add3A_3122 = arith.addi %add3A_3121, %add3A_3050 : i32
        %get3A_3123 = arith.index_cast %add3A_3122 : i32 to index
        %get3A_3124 = arith.constant 0 : index
        %get3A_3125 = tpu.vector_load %arg9[%get3A_3123, %get3A_3124] {strides = array<i32>} : memref<512x64xf32, #tpu.memory_space<vmem>>, vector<1x16xf32>,
        %get3A_3126 = vector.shape_cast %get3A_3125 : vector<1x16xf32> to vector<16xf32>
        %mul3A_3127 = arith.mulf %get3A_3126, %gather3A_3092 : vector<16xf32>
        %add3A_3128 = arith.addf %add3A_3120, %mul3A_3127 : vector<16xf32>
        %swap3A_3129 = arith.index_cast %add3A_3050 : i32 to index
        %swap3A_3130 = arith.constant 0 : index
        %swap3A_3131 = tpu.vector_load %arg11[%swap3A_3129, %swap3A_3130] {strides = array<i32>} : memref<128x64xf32, #tpu.memory_space<vmem>>, vector<1x16xf32>,
        %swap3A_3132 = vector.shape_cast %swap3A_3131 : vector<1x16xf32> to vector<16xf32>
        %swap3A_3133 = vector.shape_cast %add3A_3128 : vector<16xf32> to vector<1x16xf32>
        tpu.vector_store %arg11[%swap3A_3129, %swap3A_3130], %swap3A_3133 {strides = array<i32>} : memref<128x64xf32, #tpu.memory_space<vmem>>, vector<1x16xf32>,
        %get3A_3134 = arith.index_cast %add3A_3050 : i32 to index
        %get3A_3135 = arith.constant 16 : index
        %get3A_3136 = tpu.vector_load %arg10[%get3A_3134, %get3A_3135] {strides = array<i32>} : memref<128x64xf32, #tpu.memory_space<vmem>>, vector<1x16xf32>,
        %get3A_3137 = vector.shape_cast %get3A_3136 : vector<1x16xf32> to vector<16xf32>
        %add3A_3138 = arith.constant 0 : i32
        %add3A_3139 = arith.addi %add3A_3138, %add3A_3050 : i32
        %get3A_3140 = arith.index_cast %add3A_3139 : i32 to index
        %get3A_3141 = arith.constant 16 : index
        %get3A_3142 = tpu.vector_load %arg9[%get3A_3140, %get3A_3141] {strides = array<i32>} : memref<512x64xf32, #tpu.memory_space<vmem>>, vector<1x16xf32>,
        %get3A_3143 = vector.shape_cast %get3A_3142 : vector<1x16xf32> to vector<16xf32>
        %mul3A_3144 = arith.mulf %get3A_3143, %gather3A_3062 : vector<16xf32>
        %add3A_3145 = arith.addf %get3A_3137, %mul3A_3144 : vector<16xf32>
        %add3A_3146 = arith.constant 128 : i32
        %add3A_3147 = arith.addi %add3A_3146, %add3A_3050 : i32
        %get3A_3148 = arith.index_cast %add3A_3147 : i32 to index
        %get3A_3149 = arith.constant 16 : index
        %get3A_3150 = tpu.vector_load %arg9[%get3A_3148, %get3A_3149] {strides = array<i32>} : memref<512x64xf32, #tpu.memory_space<vmem>>, vector<1x16xf32>,
        %get3A_3151 = vector.shape_cast %get3A_3150 : vector<1x16xf32> to vector<16xf32>
        %mul3A_3152 = arith.mulf %get3A_3151, %gather3A_3072 : vector<16xf32>
        %add3A_3153 = arith.addf %add3A_3145, %mul3A_3152 : vector<16xf32>
        %add3A_3154 = arith.constant 256 : i32
        %add3A_3155 = arith.addi %add3A_3154, %add3A_3050 : i32
        %get3A_3156 = arith.index_cast %add3A_3155 : i32 to index
        %get3A_3157 = arith.constant 16 : index
        %get3A_3158 = tpu.vector_load %arg9[%get3A_3156, %get3A_3157] {strides = array<i32>} : memref<512x64xf32, #tpu.memory_space<vmem>>, vector<1x16xf32>,
        %get3A_3159 = vector.shape_cast %get3A_3158 : vector<1x16xf32> to vector<16xf32>
        %mul3A_3160 = arith.mulf %get3A_3159, %gather3A_3082 : vector<16xf32>
        %add3A_3161 = arith.addf %add3A_3153, %mul3A_3160 : vector<16xf32>
        %add3A_3162 = arith.constant 384 : i32
        %add3A_3163 = arith.addi %add3A_3162, %add3A_3050 : i32
        %get3A_3164 = arith.index_cast %add3A_3163 : i32 to index
        %get3A_3165 = arith.constant 16 : index
        %get3A_3166 = tpu.vector_load %arg9[%get3A_3164, %get3A_3165] {strides = array<i32>} : memref<512x64xf32, #tpu.memory_space<vmem>>, vector<1x16xf32>,
        %get3A_3167 = vector.shape_cast %get3A_3166 : vector<1x16xf32> to vector<16xf32>
        %mul3A_3168 = arith.mulf %get3A_3167, %gather3A_3092 : vector<16xf32>
        %add3A_3169 = arith.addf %add3A_3161, %mul3A_3168 : vector<16xf32>
        %swap3A_3170 = arith.index_cast %add3A_3050 : i32 to index
        %swap3A_3171 = arith.constant 16 : index
        %swap3A_3172 = tpu.vector_load %arg11[%swap3A_3170, %swap3A_3171] {strides = array<i32>} : memref<128x64xf32, #tpu.memory_space<vmem>>, vector<1x16xf32>,
        %swap3A_3173 = vector.shape_cast %swap3A_3172 : vector<1x16xf32> to vector<16xf32>
        %swap3A_3174 = vector.shape_cast %add3A_3169 : vector<16xf32> to vector<1x16xf32>
        tpu.vector_store %arg11[%swap3A_3170, %swap3A_3171], %swap3A_3174 {strides = array<i32>} : memref<128x64xf32, #tpu.memory_space<vmem>>, vector<1x16xf32>,
        %get3A_3175 = arith.index_cast %add3A_3050 : i32 to index
        %get3A_3176 = arith.constant 32 : index
        %get3A_3177 = tpu.vector_load %arg10[%get3A_3175, %get3A_3176] {strides = array<i32>} : memref<128x64xf32, #tpu.memory_space<vmem>>, vector<1x16xf32>,
        %get3A_3178 = vector.shape_cast %get3A_3177 : vector<1x16xf32> to vector<16xf32>
        %add3A_3179 = arith.constant 0 : i32
        %add3A_3180 = arith.addi %add3A_3179, %add3A_3050 : i32
        %get3A_3181 = arith.index_cast %add3A_3180 : i32 to index
        %get3A_3182 = arith.constant 32 : index
        %get3A_3183 = tpu.vector_load %arg9[%get3A_3181, %get3A_3182] {strides = array<i32>} : memref<512x64xf32, #tpu.memory_space<vmem>>, vector<1x16xf32>,
        %get3A_3184 = vector.shape_cast %get3A_3183 : vector<1x16xf32> to vector<16xf32>
        %mul3A_3185 = arith.mulf %get3A_3184, %gather3A_3062 : vector<16xf32>
        %add3A_3186 = arith.addf %get3A_3178, %mul3A_3185 : vector<16xf32>
        %add3A_3187 = arith.constant 128 : i32
        %add3A_3188 = arith.addi %add3A_3187, %add3A_3050 : i32
        %get3A_3189 = arith.index_cast %add3A_3188 : i32 to index
        %get3A_3190 = arith.constant 32 : index
        %get3A_3191 = tpu.vector_load %arg9[%get3A_3189, %get3A_3190] {strides = array<i32>} : memref<512x64xf32, #tpu.memory_space<vmem>>, vector<1x16xf32>,
        %get3A_3192 = vector.shape_cast %get3A_3191 : vector<1x16xf32> to vector<16xf32>
        %mul3A_3193 = arith.mulf %get3A_3192, %gather3A_3072 : vector<16xf32>
        %add3A_3194 = arith.addf %add3A_3186, %mul3A_3193 : vector<16xf32>
        %add3A_3195 = arith.constant 256 : i32
        %add3A_3196 = arith.addi %add3A_3195, %add3A_3050 : i32
        %get3A_3197 = arith.index_cast %add3A_3196 : i32 to index
        %get3A_3198 = arith.constant 32 : index
        %get3A_3199 = tpu.vector_load %arg9[%get3A_3197, %get3A_3198] {strides = array<i32>} : memref<512x64xf32, #tpu.memory_space<vmem>>, vector<1x16xf32>,
        %get3A_3200 = vector.shape_cast %get3A_3199 : vector<1x16xf32> to vector<16xf32>
        %mul3A_3201 = arith.mulf %get3A_3200, %gather3A_3082 : vector<16xf32>
        %add3A_3202 = arith.addf %add3A_3194, %mul3A_3201 : vector<16xf32>
        %add3A_3203 = arith.constant 384 : i32
        %add3A_3204 = arith.addi %add3A_3203, %add3A_3050 : i32
        %get3A_3205 = arith.index_cast %add3A_3204 : i32 to index
        %get3A_3206 = arith.constant 32 : index
        %get3A_3207 = tpu.vector_load %arg9[%get3A_3205, %get3A_3206] {strides = array<i32>} : memref<512x64xf32, #tpu.memory_space<vmem>>, vector<1x16xf32>,
        %get3A_3208 = vector.shape_cast %get3A_3207 : vector<1x16xf32> to vector<16xf32>
        %mul3A_3209 = arith.mulf %get3A_3208, %gather3A_3092 : vector<16xf32>
        %add3A_3210 = arith.addf %add3A_3202, %mul3A_3209 : vector<16xf32>
        %swap3A_3211 = arith.index_cast %add3A_3050 : i32 to index
        %swap3A_3212 = arith.constant 32 : index
        %swap3A_3213 = tpu.vector_load %arg11[%swap3A_3211, %swap3A_3212] {strides = array<i32>} : memref<128x64xf32, #tpu.memory_space<vmem>>, vector<1x16xf32>,
        %swap3A_3214 = vector.shape_cast %swap3A_3213 : vector<1x16xf32> to vector<16xf32>
        %swap3A_3215 = vector.shape_cast %add3A_3210 : vector<16xf32> to vector<1x16xf32>
        tpu.vector_store %arg11[%swap3A_3211, %swap3A_3212], %swap3A_3215 {strides = array<i32>} : memref<128x64xf32, #tpu.memory_space<vmem>>, vector<1x16xf32>,
        %get3A_3216 = arith.index_cast %add3A_3050 : i32 to index
        %get3A_3217 = arith.constant 48 : index
        %get3A_3218 = tpu.vector_load %arg10[%get3A_3216, %get3A_3217] {strides = array<i32>} : memref<128x64xf32, #tpu.memory_space<vmem>>, vector<1x16xf32>,
        %get3A_3219 = vector.shape_cast %get3A_3218 : vector<1x16xf32> to vector<16xf32>
        %add3A_3220 = arith.constant 0 : i32
        %add3A_3221 = arith.addi %add3A_3220, %add3A_3050 : i32
        %get3A_3222 = arith.index_cast %add3A_3221 : i32 to index
        %get3A_3223 = arith.constant 48 : index
        %get3A_3224 = tpu.vector_load %arg9[%get3A_3222, %get3A_3223] {strides = array<i32>} : memref<512x64xf32, #tpu.memory_space<vmem>>, vector<1x16xf32>,
        %get3A_3225 = vector.shape_cast %get3A_3224 : vector<1x16xf32> to vector<16xf32>
        %mul3A_3226 = arith.mulf %get3A_3225, %gather3A_3062 : vector<16xf32>
        %add3A_3227 = arith.addf %get3A_3219, %mul3A_3226 : vector<16xf32>
        %add3A_3228 = arith.constant 128 : i32
        %add3A_3229 = arith.addi %add3A_3228, %add3A_3050 : i32
        %get3A_3230 = arith.index_cast %add3A_3229 : i32 to index
        %get3A_3231 = arith.constant 48 : index
        %get3A_3232 = tpu.vector_load %arg9[%get3A_3230, %get3A_3231] {strides = array<i32>} : memref<512x64xf32, #tpu.memory_space<vmem>>, vector<1x16xf32>,
        %get3A_3233 = vector.shape_cast %get3A_3232 : vector<1x16xf32> to vector<16xf32>
        %mul3A_3234 = arith.mulf %get3A_3233, %gather3A_3072 : vector<16xf32>
        %add3A_3235 = arith.addf %add3A_3227, %mul3A_3234 : vector<16xf32>
        %add3A_3236 = arith.constant 256 : i32
        %add3A_3237 = arith.addi %add3A_3236, %add3A_3050 : i32
        %get3A_3238 = arith.index_cast %add3A_3237 : i32 to index
        %get3A_3239 = arith.constant 48 : index
        %get3A_3240 = tpu.vector_load %arg9[%get3A_3238, %get3A_3239] {strides = array<i32>} : memref<512x64xf32, #tpu.memory_space<vmem>>, vector<1x16xf32>,
        %get3A_3241 = vector.shape_cast %get3A_3240 : vector<1x16xf32> to vector<16xf32>
        %mul3A_3242 = arith.mulf %get3A_3241, %gather3A_3082 : vector<16xf32>
        %add3A_3243 = arith.addf %add3A_3235, %mul3A_3242 : vector<16xf32>
        %add3A_3244 = arith.constant 384 : i32
        %add3A_3245 = arith.addi %add3A_3244, %add3A_3050 : i32
        %get3A_3246 = arith.index_cast %add3A_3245 : i32 to index
        %get3A_3247 = arith.constant 48 : index
        %get3A_3248 = tpu.vector_load %arg9[%get3A_3246, %get3A_3247] {strides = array<i32>} : memref<512x64xf32, #tpu.memory_space<vmem>>, vector<1x16xf32>,
        %get3A_3249 = vector.shape_cast %get3A_3248 : vector<1x16xf32> to vector<16xf32>
        %mul3A_3250 = arith.mulf %get3A_3249, %gather3A_3092 : vector<16xf32>
        %add3A_3251 = arith.addf %add3A_3243, %mul3A_3250 : vector<16xf32>
        %swap3A_3252 = arith.index_cast %add3A_3050 : i32 to index
        %swap3A_3253 = arith.constant 48 : index
        %swap3A_3254 = tpu.vector_load %arg11[%swap3A_3252, %swap3A_3253] {strides = array<i32>} : memref<128x64xf32, #tpu.memory_space<vmem>>, vector<1x16xf32>,
        %swap3A_3255 = vector.shape_cast %swap3A_3254 : vector<1x16xf32> to vector<16xf32>
        %swap3A_3256 = vector.shape_cast %add3A_3251 : vector<16xf32> to vector<1x16xf32>
        tpu.vector_store %arg11[%swap3A_3252, %swap3A_3253], %swap3A_3256 {strides = array<i32>} : memref<128x64xf32, #tpu.memory_space<vmem>>, vector<1x16xf32>,
        %add3A_3257 = arith.constant 15 : i32
        %add3A_3258 = arith.addi %mul3A_96, %add3A_3257 : i32
        %broadcast_in_dim3A_3259 = arith.constant 15 : i32
        %broadcast_in_dim3A_3260 = vector.broadcast %broadcast_in_dim3A_3259 : i32 to vector<16xi32>
        %lt3A_3261 = arith.constant 0 : i32
        %lt3A_3262 = vector.broadcast %lt3A_3261 : i32 to vector<16xi32>
        %lt3A_3263 = arith.cmpi slt, %broadcast_in_dim3A_3260, %lt3A_3262 : vector<16xi32>
        %add3A_3264 = arith.constant 16 : i32
        %add3A_3265 = vector.broadcast %add3A_3264 : i32 to vector<16xi32>
        %add3A_3266 = arith.addi %broadcast_in_dim3A_3260, %add3A_3265 : vector<16xi32>
        %select_n3A_3267 = arith.select %lt3A_3263, %add3A_3266, %broadcast_in_dim3A_3260 : vector<16xi1>, vector<16xi32>
        %broadcast_in_dim3A_3268 = vector.shape_cast %select_n3A_3267 : vector<16xi32> to vector<16x1xi32>
        %gather3A_3269 = vector.shape_cast %broadcast_in_dim3A_3268 : vector<16x1xi32> to vector<16xi32>
        %gather3A_3270 = tpu.dynamic_gather %mul3A_138[%gather3A_3269] in [0] : vector<16xf32>, vector<16xi32> -> vector<16xf32>
        %lt3A_3271 = arith.constant 0 : i32
        %lt3A_3272 = vector.broadcast %lt3A_3271 : i32 to vector<16xi32>
        %lt3A_3273 = arith.cmpi slt, %broadcast_in_dim3A_3260, %lt3A_3272 : vector<16xi32>
        %add3A_3274 = arith.constant 16 : i32
        %add3A_3275 = vector.broadcast %add3A_3274 : i32 to vector<16xi32>
        %add3A_3276 = arith.addi %broadcast_in_dim3A_3260, %add3A_3275 : vector<16xi32>
        %select_n3A_3277 = arith.select %lt3A_3273, %add3A_3276, %broadcast_in_dim3A_3260 : vector<16xi1>, vector<16xi32>
        %broadcast_in_dim3A_3278 = vector.shape_cast %select_n3A_3277 : vector<16xi32> to vector<16x1xi32>
        %gather3A_3279 = vector.shape_cast %broadcast_in_dim3A_3278 : vector<16x1xi32> to vector<16xi32>
        %gather3A_3280 = tpu.dynamic_gather %mul3A_139[%gather3A_3279] in [0] : vector<16xf32>, vector<16xi32> -> vector<16xf32>
        %lt3A_3281 = arith.constant 0 : i32
        %lt3A_3282 = vector.broadcast %lt3A_3281 : i32 to vector<16xi32>
        %lt3A_3283 = arith.cmpi slt, %broadcast_in_dim3A_3260, %lt3A_3282 : vector<16xi32>
        %add3A_3284 = arith.constant 16 : i32
        %add3A_3285 = vector.broadcast %add3A_3284 : i32 to vector<16xi32>
        %add3A_3286 = arith.addi %broadcast_in_dim3A_3260, %add3A_3285 : vector<16xi32>
        %select_n3A_3287 = arith.select %lt3A_3283, %add3A_3286, %broadcast_in_dim3A_3260 : vector<16xi1>, vector<16xi32>
        %broadcast_in_dim3A_3288 = vector.shape_cast %select_n3A_3287 : vector<16xi32> to vector<16x1xi32>
        %gather3A_3289 = vector.shape_cast %broadcast_in_dim3A_3288 : vector<16x1xi32> to vector<16xi32>
        %gather3A_3290 = tpu.dynamic_gather %mul3A_140[%gather3A_3289] in [0] : vector<16xf32>, vector<16xi32> -> vector<16xf32>
        %lt3A_3291 = arith.constant 0 : i32
        %lt3A_3292 = vector.broadcast %lt3A_3291 : i32 to vector<16xi32>
        %lt3A_3293 = arith.cmpi slt, %broadcast_in_dim3A_3260, %lt3A_3292 : vector<16xi32>
        %add3A_3294 = arith.constant 16 : i32
        %add3A_3295 = vector.broadcast %add3A_3294 : i32 to vector<16xi32>
        %add3A_3296 = arith.addi %broadcast_in_dim3A_3260, %add3A_3295 : vector<16xi32>
        %select_n3A_3297 = arith.select %lt3A_3293, %add3A_3296, %broadcast_in_dim3A_3260 : vector<16xi1>, vector<16xi32>
        %broadcast_in_dim3A_3298 = vector.shape_cast %select_n3A_3297 : vector<16xi32> to vector<16x1xi32>
        %gather3A_3299 = vector.shape_cast %broadcast_in_dim3A_3298 : vector<16x1xi32> to vector<16xi32>
        %gather3A_3300 = tpu.dynamic_gather %mul3A_141[%gather3A_3299] in [0] : vector<16xf32>, vector<16xi32> -> vector<16xf32>
        %get3A_3301 = arith.index_cast %add3A_3258 : i32 to index
        %get3A_3302 = arith.constant 0 : index
        %get3A_3303 = tpu.vector_load %arg10[%get3A_3301, %get3A_3302] {strides = array<i32>} : memref<128x64xf32, #tpu.memory_space<vmem>>, vector<1x16xf32>,
        %get3A_3304 = vector.shape_cast %get3A_3303 : vector<1x16xf32> to vector<16xf32>
        %add3A_3305 = arith.constant 0 : i32
        %add3A_3306 = arith.addi %add3A_3305, %add3A_3258 : i32
        %get3A_3307 = arith.index_cast %add3A_3306 : i32 to index
        %get3A_3308 = arith.constant 0 : index
        %get3A_3309 = tpu.vector_load %arg9[%get3A_3307, %get3A_3308] {strides = array<i32>} : memref<512x64xf32, #tpu.memory_space<vmem>>, vector<1x16xf32>,
        %get3A_3310 = vector.shape_cast %get3A_3309 : vector<1x16xf32> to vector<16xf32>
        %mul3A_3311 = arith.mulf %get3A_3310, %gather3A_3270 : vector<16xf32>
        %add3A_3312 = arith.addf %get3A_3304, %mul3A_3311 : vector<16xf32>
        %add3A_3313 = arith.constant 128 : i32
        %add3A_3314 = arith.addi %add3A_3313, %add3A_3258 : i32
        %get3A_3315 = arith.index_cast %add3A_3314 : i32 to index
        %get3A_3316 = arith.constant 0 : index
        %get3A_3317 = tpu.vector_load %arg9[%get3A_3315, %get3A_3316] {strides = array<i32>} : memref<512x64xf32, #tpu.memory_space<vmem>>, vector<1x16xf32>,
        %get3A_3318 = vector.shape_cast %get3A_3317 : vector<1x16xf32> to vector<16xf32>
        %mul3A_3319 = arith.mulf %get3A_3318, %gather3A_3280 : vector<16xf32>
        %add3A_3320 = arith.addf %add3A_3312, %mul3A_3319 : vector<16xf32>
        %add3A_3321 = arith.constant 256 : i32
        %add3A_3322 = arith.addi %add3A_3321, %add3A_3258 : i32
        %get3A_3323 = arith.index_cast %add3A_3322 : i32 to index
        %get3A_3324 = arith.constant 0 : index
        %get3A_3325 = tpu.vector_load %arg9[%get3A_3323, %get3A_3324] {strides = array<i32>} : memref<512x64xf32, #tpu.memory_space<vmem>>, vector<1x16xf32>,
        %get3A_3326 = vector.shape_cast %get3A_3325 : vector<1x16xf32> to vector<16xf32>
        %mul3A_3327 = arith.mulf %get3A_3326, %gather3A_3290 : vector<16xf32>
        %add3A_3328 = arith.addf %add3A_3320, %mul3A_3327 : vector<16xf32>
        %add3A_3329 = arith.constant 384 : i32
        %add3A_3330 = arith.addi %add3A_3329, %add3A_3258 : i32
        %get3A_3331 = arith.index_cast %add3A_3330 : i32 to index
        %get3A_3332 = arith.constant 0 : index
        %get3A_3333 = tpu.vector_load %arg9[%get3A_3331, %get3A_3332] {strides = array<i32>} : memref<512x64xf32, #tpu.memory_space<vmem>>, vector<1x16xf32>,
        %get3A_3334 = vector.shape_cast %get3A_3333 : vector<1x16xf32> to vector<16xf32>
        %mul3A_3335 = arith.mulf %get3A_3334, %gather3A_3300 : vector<16xf32>
        %add3A_3336 = arith.addf %add3A_3328, %mul3A_3335 : vector<16xf32>
        %swap3A_3337 = arith.index_cast %add3A_3258 : i32 to index
        %swap3A_3338 = arith.constant 0 : index
        %swap3A_3339 = tpu.vector_load %arg11[%swap3A_3337, %swap3A_3338] {strides = array<i32>} : memref<128x64xf32, #tpu.memory_space<vmem>>, vector<1x16xf32>,
        %swap3A_3340 = vector.shape_cast %swap3A_3339 : vector<1x16xf32> to vector<16xf32>
        %swap3A_3341 = vector.shape_cast %add3A_3336 : vector<16xf32> to vector<1x16xf32>
        tpu.vector_store %arg11[%swap3A_3337, %swap3A_3338], %swap3A_3341 {strides = array<i32>} : memref<128x64xf32, #tpu.memory_space<vmem>>, vector<1x16xf32>,
        %get3A_3342 = arith.index_cast %add3A_3258 : i32 to index
        %get3A_3343 = arith.constant 16 : index
        %get3A_3344 = tpu.vector_load %arg10[%get3A_3342, %get3A_3343] {strides = array<i32>} : memref<128x64xf32, #tpu.memory_space<vmem>>, vector<1x16xf32>,
        %get3A_3345 = vector.shape_cast %get3A_3344 : vector<1x16xf32> to vector<16xf32>
        %add3A_3346 = arith.constant 0 : i32
        %add3A_3347 = arith.addi %add3A_3346, %add3A_3258 : i32
        %get3A_3348 = arith.index_cast %add3A_3347 : i32 to index
        %get3A_3349 = arith.constant 16 : index
        %get3A_3350 = tpu.vector_load %arg9[%get3A_3348, %get3A_3349] {strides = array<i32>} : memref<512x64xf32, #tpu.memory_space<vmem>>, vector<1x16xf32>,
        %get3A_3351 = vector.shape_cast %get3A_3350 : vector<1x16xf32> to vector<16xf32>
        %mul3A_3352 = arith.mulf %get3A_3351, %gather3A_3270 : vector<16xf32>
        %add3A_3353 = arith.addf %get3A_3345, %mul3A_3352 : vector<16xf32>
        %add3A_3354 = arith.constant 128 : i32
        %add3A_3355 = arith.addi %add3A_3354, %add3A_3258 : i32
        %get3A_3356 = arith.index_cast %add3A_3355 : i32 to index
        %get3A_3357 = arith.constant 16 : index
        %get3A_3358 = tpu.vector_load %arg9[%get3A_3356, %get3A_3357] {strides = array<i32>} : memref<512x64xf32, #tpu.memory_space<vmem>>, vector<1x16xf32>,
        %get3A_3359 = vector.shape_cast %get3A_3358 : vector<1x16xf32> to vector<16xf32>
        %mul3A_3360 = arith.mulf %get3A_3359, %gather3A_3280 : vector<16xf32>
        %add3A_3361 = arith.addf %add3A_3353, %mul3A_3360 : vector<16xf32>
        %add3A_3362 = arith.constant 256 : i32
        %add3A_3363 = arith.addi %add3A_3362, %add3A_3258 : i32
        %get3A_3364 = arith.index_cast %add3A_3363 : i32 to index
        %get3A_3365 = arith.constant 16 : index
        %get3A_3366 = tpu.vector_load %arg9[%get3A_3364, %get3A_3365] {strides = array<i32>} : memref<512x64xf32, #tpu.memory_space<vmem>>, vector<1x16xf32>,
        %get3A_3367 = vector.shape_cast %get3A_3366 : vector<1x16xf32> to vector<16xf32>
        %mul3A_3368 = arith.mulf %get3A_3367, %gather3A_3290 : vector<16xf32>
        %add3A_3369 = arith.addf %add3A_3361, %mul3A_3368 : vector<16xf32>
        %add3A_3370 = arith.constant 384 : i32
        %add3A_3371 = arith.addi %add3A_3370, %add3A_3258 : i32
        %get3A_3372 = arith.index_cast %add3A_3371 : i32 to index
        %get3A_3373 = arith.constant 16 : index
        %get3A_3374 = tpu.vector_load %arg9[%get3A_3372, %get3A_3373] {strides = array<i32>} : memref<512x64xf32, #tpu.memory_space<vmem>>, vector<1x16xf32>,
        %get3A_3375 = vector.shape_cast %get3A_3374 : vector<1x16xf32> to vector<16xf32>
        %mul3A_3376 = arith.mulf %get3A_3375, %gather3A_3300 : vector<16xf32>
        %add3A_3377 = arith.addf %add3A_3369, %mul3A_3376 : vector<16xf32>
        %swap3A_3378 = arith.index_cast %add3A_3258 : i32 to index
        %swap3A_3379 = arith.constant 16 : index
        %swap3A_3380 = tpu.vector_load %arg11[%swap3A_3378, %swap3A_3379] {strides = array<i32>} : memref<128x64xf32, #tpu.memory_space<vmem>>, vector<1x16xf32>,
        %swap3A_3381 = vector.shape_cast %swap3A_3380 : vector<1x16xf32> to vector<16xf32>
        %swap3A_3382 = vector.shape_cast %add3A_3377 : vector<16xf32> to vector<1x16xf32>
        tpu.vector_store %arg11[%swap3A_3378, %swap3A_3379], %swap3A_3382 {strides = array<i32>} : memref<128x64xf32, #tpu.memory_space<vmem>>, vector<1x16xf32>,
        %get3A_3383 = arith.index_cast %add3A_3258 : i32 to index
        %get3A_3384 = arith.constant 32 : index
        %get3A_3385 = tpu.vector_load %arg10[%get3A_3383, %get3A_3384] {strides = array<i32>} : memref<128x64xf32, #tpu.memory_space<vmem>>, vector<1x16xf32>,
        %get3A_3386 = vector.shape_cast %get3A_3385 : vector<1x16xf32> to vector<16xf32>
        %add3A_3387 = arith.constant 0 : i32
        %add3A_3388 = arith.addi %add3A_3387, %add3A_3258 : i32
        %get3A_3389 = arith.index_cast %add3A_3388 : i32 to index
        %get3A_3390 = arith.constant 32 : index
        %get3A_3391 = tpu.vector_load %arg9[%get3A_3389, %get3A_3390] {strides = array<i32>} : memref<512x64xf32, #tpu.memory_space<vmem>>, vector<1x16xf32>,
        %get3A_3392 = vector.shape_cast %get3A_3391 : vector<1x16xf32> to vector<16xf32>
        %mul3A_3393 = arith.mulf %get3A_3392, %gather3A_3270 : vector<16xf32>
        %add3A_3394 = arith.addf %get3A_3386, %mul3A_3393 : vector<16xf32>
        %add3A_3395 = arith.constant 128 : i32
        %add3A_3396 = arith.addi %add3A_3395, %add3A_3258 : i32
        %get3A_3397 = arith.index_cast %add3A_3396 : i32 to index
        %get3A_3398 = arith.constant 32 : index
        %get3A_3399 = tpu.vector_load %arg9[%get3A_3397, %get3A_3398] {strides = array<i32>} : memref<512x64xf32, #tpu.memory_space<vmem>>, vector<1x16xf32>,
        %get3A_3400 = vector.shape_cast %get3A_3399 : vector<1x16xf32> to vector<16xf32>
        %mul3A_3401 = arith.mulf %get3A_3400, %gather3A_3280 : vector<16xf32>
        %add3A_3402 = arith.addf %add3A_3394, %mul3A_3401 : vector<16xf32>
        %add3A_3403 = arith.constant 256 : i32
        %add3A_3404 = arith.addi %add3A_3403, %add3A_3258 : i32
        %get3A_3405 = arith.index_cast %add3A_3404 : i32 to index
        %get3A_3406 = arith.constant 32 : index
        %get3A_3407 = tpu.vector_load %arg9[%get3A_3405, %get3A_3406] {strides = array<i32>} : memref<512x64xf32, #tpu.memory_space<vmem>>, vector<1x16xf32>,
        %get3A_3408 = vector.shape_cast %get3A_3407 : vector<1x16xf32> to vector<16xf32>
        %mul3A_3409 = arith.mulf %get3A_3408, %gather3A_3290 : vector<16xf32>
        %add3A_3410 = arith.addf %add3A_3402, %mul3A_3409 : vector<16xf32>
        %add3A_3411 = arith.constant 384 : i32
        %add3A_3412 = arith.addi %add3A_3411, %add3A_3258 : i32
        %get3A_3413 = arith.index_cast %add3A_3412 : i32 to index
        %get3A_3414 = arith.constant 32 : index
        %get3A_3415 = tpu.vector_load %arg9[%get3A_3413, %get3A_3414] {strides = array<i32>} : memref<512x64xf32, #tpu.memory_space<vmem>>, vector<1x16xf32>,
        %get3A_3416 = vector.shape_cast %get3A_3415 : vector<1x16xf32> to vector<16xf32>
        %mul3A_3417 = arith.mulf %get3A_3416, %gather3A_3300 : vector<16xf32>
        %add3A_3418 = arith.addf %add3A_3410, %mul3A_3417 : vector<16xf32>
        %swap3A_3419 = arith.index_cast %add3A_3258 : i32 to index
        %swap3A_3420 = arith.constant 32 : index
        %swap3A_3421 = tpu.vector_load %arg11[%swap3A_3419, %swap3A_3420] {strides = array<i32>} : memref<128x64xf32, #tpu.memory_space<vmem>>, vector<1x16xf32>,
        %swap3A_3422 = vector.shape_cast %swap3A_3421 : vector<1x16xf32> to vector<16xf32>
        %swap3A_3423 = vector.shape_cast %add3A_3418 : vector<16xf32> to vector<1x16xf32>
        tpu.vector_store %arg11[%swap3A_3419, %swap3A_3420], %swap3A_3423 {strides = array<i32>} : memref<128x64xf32, #tpu.memory_space<vmem>>, vector<1x16xf32>,
        %get3A_3424 = arith.index_cast %add3A_3258 : i32 to index
        %get3A_3425 = arith.constant 48 : index
        %get3A_3426 = tpu.vector_load %arg10[%get3A_3424, %get3A_3425] {strides = array<i32>} : memref<128x64xf32, #tpu.memory_space<vmem>>, vector<1x16xf32>,
        %get3A_3427 = vector.shape_cast %get3A_3426 : vector<1x16xf32> to vector<16xf32>
        %add3A_3428 = arith.constant 0 : i32
        %add3A_3429 = arith.addi %add3A_3428, %add3A_3258 : i32
        %get3A_3430 = arith.index_cast %add3A_3429 : i32 to index
        %get3A_3431 = arith.constant 48 : index
        %get3A_3432 = tpu.vector_load %arg9[%get3A_3430, %get3A_3431] {strides = array<i32>} : memref<512x64xf32, #tpu.memory_space<vmem>>, vector<1x16xf32>,
        %get3A_3433 = vector.shape_cast %get3A_3432 : vector<1x16xf32> to vector<16xf32>
        %mul3A_3434 = arith.mulf %get3A_3433, %gather3A_3270 : vector<16xf32>
        %add3A_3435 = arith.addf %get3A_3427, %mul3A_3434 : vector<16xf32>
        %add3A_3436 = arith.constant 128 : i32
        %add3A_3437 = arith.addi %add3A_3436, %add3A_3258 : i32
        %get3A_3438 = arith.index_cast %add3A_3437 : i32 to index
        %get3A_3439 = arith.constant 48 : index
        %get3A_3440 = tpu.vector_load %arg9[%get3A_3438, %get3A_3439] {strides = array<i32>} : memref<512x64xf32, #tpu.memory_space<vmem>>, vector<1x16xf32>,
        %get3A_3441 = vector.shape_cast %get3A_3440 : vector<1x16xf32> to vector<16xf32>
        %mul3A_3442 = arith.mulf %get3A_3441, %gather3A_3280 : vector<16xf32>
        %add3A_3443 = arith.addf %add3A_3435, %mul3A_3442 : vector<16xf32>
        %add3A_3444 = arith.constant 256 : i32
        %add3A_3445 = arith.addi %add3A_3444, %add3A_3258 : i32
        %get3A_3446 = arith.index_cast %add3A_3445 : i32 to index
        %get3A_3447 = arith.constant 48 : index
        %get3A_3448 = tpu.vector_load %arg9[%get3A_3446, %get3A_3447] {strides = array<i32>} : memref<512x64xf32, #tpu.memory_space<vmem>>, vector<1x16xf32>,
        %get3A_3449 = vector.shape_cast %get3A_3448 : vector<1x16xf32> to vector<16xf32>
        %mul3A_3450 = arith.mulf %get3A_3449, %gather3A_3290 : vector<16xf32>
        %add3A_3451 = arith.addf %add3A_3443, %mul3A_3450 : vector<16xf32>
        %add3A_3452 = arith.constant 384 : i32
        %add3A_3453 = arith.addi %add3A_3452, %add3A_3258 : i32
        %get3A_3454 = arith.index_cast %add3A_3453 : i32 to index
        %get3A_3455 = arith.constant 48 : index
        %get3A_3456 = tpu.vector_load %arg9[%get3A_3454, %get3A_3455] {strides = array<i32>} : memref<512x64xf32, #tpu.memory_space<vmem>>, vector<1x16xf32>,
        %get3A_3457 = vector.shape_cast %get3A_3456 : vector<1x16xf32> to vector<16xf32>
        %mul3A_3458 = arith.mulf %get3A_3457, %gather3A_3300 : vector<16xf32>
        %add3A_3459 = arith.addf %add3A_3451, %mul3A_3458 : vector<16xf32>
        %swap3A_3460 = arith.index_cast %add3A_3258 : i32 to index
        %swap3A_3461 = arith.constant 48 : index
        %swap3A_3462 = tpu.vector_load %arg11[%swap3A_3460, %swap3A_3461] {strides = array<i32>} : memref<128x64xf32, #tpu.memory_space<vmem>>, vector<1x16xf32>,
        %swap3A_3463 = vector.shape_cast %swap3A_3462 : vector<1x16xf32> to vector<16xf32>
        %swap3A_3464 = vector.shape_cast %add3A_3459 : vector<16xf32> to vector<1x16xf32>
        tpu.vector_store %arg11[%swap3A_3460, %swap3A_3461], %swap3A_3464 {strides = array<i32>} : memref<128x64xf32, #tpu.memory_space<vmem>>, vector<1x16xf32>,
      }
      %scan3A_93 = arith.constant 8 : i32
      "tpu.region"() ({
        %run_scoped3A = tpu.sem_alloc : memref<!tpu.dma_semaphore, #tpu.memory_space<semaphore_mem>>
        %dma_start3A_94 = arith.constant 0 : i32
        %dma_start3A_95 = tpu.memref_slice %arg6[%add3A_11, %dma_start3A_94] : memref<204800x64xf32, #tpu.memory_space<hbm>> -> memref<128x64xf32, #tpu.memory_space<hbm>>
        %dma_start3A_96 = arith.constant 0 : i32
        %dma_start3A_97 = tpu.memref_slice %arg6[%add3A_11, %dma_start3A_96] : memref<204800x64xf32, #tpu.memory_space<hbm>> -> memref<128x64xf32, #tpu.memory_space<hbm>>
        tpu.enqueue_dma source(%arg11 : memref<128x64xf32, #tpu.memory_space<vmem>>) target(%dma_start3A_97 : memref<128x64xf32, #tpu.memory_space<hbm>>) target_semaphore(%run_scoped3A : memref<!tpu.dma_semaphore, #tpu.memory_space<semaphore_mem>>)
        %dma_wait3A_98 = arith.constant 0 : i32
        %dma_wait3A_99 = tpu.memref_slice %arg6[%add3A_11, %dma_wait3A_98] : memref<204800x64xf32, #tpu.memory_space<hbm>> -> memref<128x64xf32, #tpu.memory_space<hbm>>
        %dma_wait3A_100 = arith.constant 0 : i32
        %dma_wait3A_101 = tpu.memref_slice %arg6[%add3A_11, %dma_wait3A_100] : memref<204800x64xf32, #tpu.memory_space<hbm>> -> memref<128x64xf32, #tpu.memory_space<hbm>>
        tpu.wait_dma2 semaphore(%run_scoped3A : memref<!tpu.dma_semaphore, #tpu.memory_space<semaphore_mem>>) src(%arg11 : memref<128x64xf32, #tpu.memory_space<vmem>>) dst(%dma_wait3A_101 : memref<128x64xf32, #tpu.memory_space<hbm>>)
        tpu.yield
      }) : () -> ()
    }
    %scan3A_7 = arith.constant 50 : i32
    return
  }
}

</mosaic_0001>

<sc_bundles>
// kernel: kernel.3.cloned.1.call-start
scs
__scs_entry_jumppad:
0x0: {  	(pc) =	sbr.rel $0x88, $3  }
0x1: {  	(tag) =	ssettag $0x0;
	lr =	simm.s32 $0x1  }
0x2: {  	[smem:$0x3F9D] =	sst lr;
	_ =	strace $0xD0000000  }
0x3: {  	_ = 	snop  }
0x4: {  	_ = 	snop  }
0x5: {  	_ = 	snop  }
0x6: {  	_ = 	snop  }
0x7: {  	_ = 	snop  }
__scs_overlays_trampoline_lowered:
0x8: {  	[smem:$0x3FAC] =	sst s0  }
0x9: {  	[smem:$0x3FAD] =	sst s1  }
0xa: {  	[smem:$0x3FAE] =	sst s2  }
0xb: {  	[smem:$0x3FAF] =	sst s3  }
0xc: {  	[smem:$0x3FB0] =	sst s4  }
0xd: {  	[smem:$0x3FB1] =	sst s5  }
0xe: {  	[smem:$0x3FB2] =	sst s6  }
0xf: {  	[smem:$0x3FB3] =	sst s7  }
0x10: {  	[smem:$0x3FB4] =	sst s8  }
0x11: {  	[smem:$0x3FB5] =	sst s9;
	s0 =	simm.s32 @!p0 $0x0  }
0x12: {  	s1 =	sld [smem:$0x3F9B];
	s0 =	simm.s32 @p0 $0x1  }
0x13: {  	[smem:$0x3FB6] =	sst s0;
	s0 =	simm.s32 @!p1 $0x0  }
0x14: {  	s2 =	sld [smem:$0x3F9A];
	s0 =	simm.s32 @p1 $0x1  }
0x15: {  	[smem:$0x3FB7] =	sst s0;
	s0 =	simm.s32 @!p2 $0x0  }
0x16: {  	s3 =	sld [smem:$0x3FDB];
	s0 =	simm.s32 @p2 $0x1  }
0x17: {  	s4 =	simm.s32 $0x1BF5;
	[smem:$0x3FB9] =	sst s0  }
0x18: {  	s0 =	sld [smem:$0x3F9C];
	_ =	swait.ge [sflag:s4], $0x0  }
0x19: {  	s7 =	sld [smem:$0x3F9D]  }
0x1a: {  	s8 =	sadd.s32 $0xFFFFE003, lr  }
0x1b: {  	s9 =	sadd.s32 $0xFFFFFEF7, lr;
	s5 =	simm.s32 $0xFFFFFFFF;
	p2 =	slt.u32 s8, $0xFFFFF086  }
0x1c: {  	p1 =	slt.u32 s9, $0xF7A;
	s5 =	simm.s32 @!p2 $0x0  }
0x1d: {  	s5 =	simm.s32 @p1 $0x1;
	p0 =	seq.s32 s7, s2  }
0x1e: {  	s7 =	smul.u32 @!p0 $0xF7A, s2;
	p2 =	seq.s32 @!p0 s5, $0x0  }
0x1f: {  	s9 =	smul.u32 $0xF7A, s1;
	s8 =	simm.s32 @!p0 $0x1BF5;
	p2 =	por !p2, p0  }
0x20: {  	[sflag:s8] =	ssyncset.s32 @!p0 $0xFFFFF086;
	s6 =	sadd.s32 @!p0 s3, s7;
	s7 =	simm.s32 @!p0 $0x108  }
0x21: {  	s3 =	sadd.s32 s3, s9;
	s6 =	sadd.s32 @!p0 $0x88, s6;
	s7 =	simm.s32 @p2 $0x1082  }
0x22: {  	[simem:s7], [sflag:s8] =	dma.local @!p0 [hbm:s6], $0xF7A  }
0x23: {  	s9 =	sor.u32 $0xD0000000, s2;
	s6 =	simm.s32 $0x108;
	_ =	swait.ge @!p0 [sflag:s8], $0x0  }
0x24: {  	s3 =	sadd.s32 $0x88, s3;
	s6 =	simm.s32 @!p1 $0x1082;
	[sflag:s4] =	ssyncset.s32 $0xFFFFF086  }
0x25: {  	[simem:s6], [sflag:s4] =	dma.local [hbm:s3], $0xF7A  }
0x26: {  	[smem:$0x3F9D] =	sst s1;
	(tag) =	ssettag s2;
	_ =	strace s9  }
0x27: {  	s1 =	sld [smem:$0x3FAD]  }
0x28: {  	s2 =	sld [smem:$0x3FAE]  }
0x29: {  	s4 =	sld [smem:$0x3FB0]  }
0x2a: {  	p0 =	seq.s32 s5, $0x0;
	s5 =	sld [smem:$0x3FB1]  }
0x2b: {  	s6 =	sld [smem:$0x3FB2]  }
0x2c: {  	s7 =	sld [smem:$0x3FB3]  }
0x2d: {  	s3 =	simm.s32 $0x108;
	s8 =	sld [smem:$0x3FB4]  }
0x2e: {  	s3 =	simm.s32 @!p0 $0x1082;
	s9 =	sld [smem:$0x3FB5]  }
0x2f: {  	lr =	sadd.s32 s0, s3;
	s0 =	sld [smem:$0x3FAC]  }
0x30: {  	s3 =	sld [smem:$0x3FAF]  }
0x31: {  	[smem:$0x3FB8] =	sst s10  }
0x32: {  	s10 =	sld [smem:$0x3FB6];
	_ =	sdelay $0x3  }
0x33: {  	p0 =	seq.s32 s10, $0x1;
	s10 =	sld [smem:$0x3FB8];
	_ =	sdelay $0x3  }
0x34: {  	[smem:$0x3FB8] =	sst s10  }
0x35: {  	s10 =	sld [smem:$0x3FB7];
	_ =	sdelay $0x3  }
0x36: {  	p1 =	seq.s32 s10, $0x1;
	s10 =	sld [smem:$0x3FB8];
	_ =	sdelay $0x3  }
0x37: {  	[smem:$0x3FB8] =	sst s10  }
0x38: {  	s10 =	sld [smem:$0x3FB9]  }
0x39: {  	_ = 	snop;
	(pc) =	sbr.ind lr, $3  }
0x3a: {  	_ = 	snop  }
0x3b: {  	_ = 	snop  }
0x3c: {  	p2 =	seq.s32 s10, $0x1;
	s10 =	sld [smem:$0x3FB8]  }
0x3d: {  	_ =	shalt  }
0x3e: {  	_ =	shalt  }
0x3f: {  	_ =	shalt  }
0x40: {  	_ =	shalt  }
0x41: {  	_ =	shalt  }
0x42: {  	_ =	shalt  }
0x43: {  	_ =	shalt  }
0x44: {  	_ =	shalt  }
0x45: {  	_ =	shalt  }
0x46: {  	_ =	shalt  }
0x47: {  	_ =	shalt  }
0x48: {  	_ =	shalt  }
0x49: {  	_ =	shalt  }
0x4a: {  	_ =	shalt  }
0x4b: {  	_ =	shalt  }
0x4c: {  	_ =	shalt  }
0x4d: {  	_ =	shalt  }
0x4e: {  	_ =	shalt  }
0x4f: {  	_ =	shalt  }
0x50: {  	_ =	shalt  }
0x51: {  	_ =	shalt  }
0x52: {  	_ =	shalt  }
0x53: {  	_ =	shalt  }
0x54: {  	_ =	shalt  }
0x55: {  	_ =	shalt  }
0x56: {  	_ =	shalt  }
0x57: {  	_ =	shalt  }
0x58: {  	_ =	shalt  }
0x59: {  	_ =	shalt  }
0x5a: {  	_ =	shalt  }
0x5b: {  	_ =	shalt  }
0x5c: {  	_ =	shalt  }
0x5d: {  	_ =	shalt  }
0x5e: {  	_ =	shalt  }
0x5f: {  	_ =	shalt  }
0x60: {  	_ =	shalt  }
0x61: {  	_ =	shalt  }
0x62: {  	_ =	shalt  }
0x63: {  	_ =	shalt  }
0x64: {  	_ =	shalt  }
0x65: {  	_ =	shalt  }
0x66: {  	_ =	shalt  }
0x67: {  	_ =	shalt  }
0x68: {  	_ =	shalt  }
0x69: {  	_ =	shalt  }
0x6a: {  	_ =	shalt  }
0x6b: {  	_ =	shalt  }
0x6c: {  	_ =	shalt  }
0x6d: {  	_ =	shalt  }
0x6e: {  	_ =	shalt  }
0x6f: {  	_ =	shalt  }
0x70: {  	_ =	shalt  }
0x71: {  	_ =	shalt  }
0x72: {  	_ =	shalt  }
0x73: {  	_ =	shalt  }
0x74: {  	_ =	shalt  }
0x75: {  	_ =	shalt  }
0x76: {  	_ =	shalt  }
0x77: {  	_ =	shalt  }
0x78: {  	_ =	shalt  }
0x79: {  	_ =	shalt  }
0x7a: {  	_ =	shalt  }
0x7b: {  	_ =	shalt  }
0x7c: {  	_ =	shalt  }
0x7d: {  	_ =	shalt  }
0x7e: {  	_ =	shalt  }
0x7f: {  	_ =	shalt  }
0x80: {  	_ =	shalt  }
0x81: {  	_ =	shalt  }
0x82: {  	_ =	shalt  }
0x83: {  	_ =	shalt  }
0x84: {  	_ =	shalt  }
0x85: {  	_ =	shalt  }
0x86: {  	_ =	shalt  }
0x87: {  	_ =	shalt  }
.Lfunc_end0:
.L_simem_size_0:
called_computation.1_lowered:
.L_overlay_start_0:
0x88: {  	s2 =	sld [smem:$0x3FD9]  }
0x89: {  	s3 =	sld [smem:$0x3FFE];
	_ =	sdelay $0x1  }
0x8a: {  	s1 =	srdreg.scid  }
0x8b: {  	s0 =	sand.u32 $0x1, s1  }
0x8c: {  	s17 =	sshll.u32 s0, $0xA;
	s2 =	sadd.s32 s3, s2  }
0x8d: {  	s2 =	sadd.s32 s2, s17  }
0x8e: {  	[smem:$0x3FC4] =	sst s2  }
0x8f: {  	_ = 	snop  }
0x90: {  	s2 =	sld [smem:$0x3FD0];
	(tm) =	ssettm $0x1  }
0x91: {  	s18 =	sld [smem:$0x3FFB];
	_ =	sdelay $0x3  }
0x92: {  	_ =	strace s18  }
0x93: {  	s3 =	sld [smem:$0x3FFC];
	_ =	sdelay $0x3  }
0x94: {  	_ =	strace s3  }
0x95: {  	s3 =	sld [smem:$0x3FFD];
	_ =	sdelay $0x3  }
0x96: {  	_ =	strace s3  }
0x97: {  	_ =	strace $0x8FFFFFFF  }
0x98: {  	s19 =	sld [smem:$0x3FDB];
	_ =	sdelay $0x1  }
0x99: {  	s4 =	simm.s32 $_scs_section_size  }
0x9a: {  	s5 =	simm.s32 $_size__tile_overlayer_lowered;
	s6 =	simm.s32 $_tile_overlayer_lowered  }
0x9b: {  	s22 =	simm.s32 $0x1BFF;
	s21 =	sshll.u32 s6, $0x1;
	s3 =	sadd.s32 s4, s19  }
0x9c: {  	s7 =	simm.s32 $0x0;
	s20 =	sshll.u32 s5, $0x1;
	s5 =	sadd.s32 s21, s3  }
0x9d: {  	[timem:s7], [sflag:s22] =	dma.local [hbm:s5], s20  }
0x9e: {  	_ =	swait.ge [sflag:s22], s20  }
0x9f: {  	s4 =	ssub.s32 $0x0, s20;
	[sflag:s22] =	ssyncset.done $0x0  }
0xa0: {  	[sflag:s22] =	ssyncadd.s32 s4;
	_ =	sdelay $0x1  }
0xa1: {  	s23 =	simm.s32 $0x1B8B  }
0xa2: {  	_ =	swait.ge [sflag:s23], $0x1  }
0xa3: {  	[sflag:s23] =	ssyncset.done $0x0  }
0xa4: {  	s25 =	simm.s32 $0x1B8E;
	s24 =	sld [smem:$0x3FFE];
	[sflag:s23] =	ssyncadd.s32 $0xFFFFFFFF  }
0xa5: {  	s26 =	simm.s32 $execute0_lowered;
	[smem:$0x3FD2] =	sst s25  }
0xa6: {  	s5 =	sshll.u32 s26, $0x1;
	_ =	strace $0x80000046;
	[dreg:$0x1] =	wrdreg $0xFFFFFFFF  }
0xa7: {  	s28 =	simm.s32 $_size_execute0_lowered;
	s3 =	sadd.s32 s3, s5;
	[dreg:$0x0] =	wrdreg $0x0  }
0xa8: {  	s5 =	sshll.u32 s28, $0x1;
	[dreg:$0x2] =	wrdreg s3  }
0xa9: {  	[dreg:$0x3] =	wrdreg s5  }
0xaa: {  	[dreg:$0x4] =	wrdreg $0xC0  }
0xab: {  	_ =	task [dreg:s7], $0x5FFFF  }
0xac: {  	[dreg:$0x1] =	wrdreg $0xFFFFFFFF  }
0xad: {  	[dreg:$0x0] =	wrdreg $0x60  }
0xae: {  	[dreg:$0x2] =	wrdreg s24  }
0xaf: {  	[dreg:$0x3] =	wrdreg s2  }
0xb0: {  	[dreg:$0x4] =	wrdreg $0x9  }
0xb1: {  	_ =	task.clear_ibuf [dreg:s7], $0x5FFFF;
	_ =	strace $0x90000046  }
0xb2: {  	s29 =	simm.s32 $0x9;
	_ =	strace $0x80000048  }
0xb3: {  	_ =	swait.ge [sflag:s29], $0x1  }
0xb4: {  	[sflag:s29] =	ssyncadd.s32 $0xFFFFFFFF  }
0xb5: {  	_ =	strace $0x90000048  }
0xb6: {  	_ =	sfence  }
0xb7: {  	s30 =	sld [smem:$0x0];
	_ =	sdelay $0x2  }
0xb8: {  	s31 =	sshll.u32 s1, $0xD;
	s1 =	sshrl.u32 s1, $0x2  }
0xb9: {  	s3 =	sand.u32 $0x4000, s31;
	s1 =	sadd.s32 s1, s30  }
0xba: {  	s0 =	sor.u32 s3, s0;
	s1 =	sshll.u32 s1, $0x11  }
0xbb: {  	s0 =	sor.u32 s1, s0  }
0xbc: {  	s0 =	sadd.s32 $0x8F2B, s0  }
0xbd: {  	[sflag:s0] =	ssyncadd.remote.s32 $0x1  }
0xbe: {  	_ =	sfence.sel $0xFFFF  }
0xbf: {  	[dreg:$0x0] =	wrdreg $0xFFFFFFFF;
	(pc) =	sbr.abs _section_cstart, $3  }
0xc0: {  	[dreg:$0x1] =	wrdreg $0xFFFFFFFF  }
0xc1: {  	_ =	task.clear_ibuf [dreg:s7], $0x2FFFF;
	_ =	strace $0x9FFFFFFF  }
0xc2: {  	(tm) =	ssettm $0x7FFFFFFF  }
0xc3: {  	_ =	shalt  }
tec
execute0_lowered:
.L_overlay_start_1:
0x0: {  	(tag) =	ssettag $0x1  }
0x1: {  	s7 =	rddreg [dreg:$0x0]  }
0x2: {  	s1 =	rddreg [dreg:$0x1]  }
0x3: {  	s0 =	rddreg [dreg:$0x2]  }
0x4: {  	s2 =	simm.s32 $0x0;
	s3 =	srdreg.scid;
	s12 =	simm.s32 $0x100  }
0x5: {  	s13 =	simm.s32 $0x180;
	s14 =	simm.s32 $0x200;
	s15 =	simm.s32 $0x280  }
0x6: {  	s16 =	simm.s32 $0x2280;
	s17 =	simm.s32 $0x4280;
	s18 =	simm.s32 $0x6280  }
0x7: {  	s19 =	simm.s32 $0x8280;
	s20 =	simm.s32 $0x1;
	s21 =	simm.s32 $0xA280  }
0x8: {  	s22 =	simm.s32 $0x0;
	[smem:$0x7FF] =	sst s2;
	s4 =	sadd.s32 $0xE00, s7  }
0x9: {  	s8 =	sand.u32 $0x1, s3;
	s5 =	sadd.s32 $0x19E00, s7;
	s3 =	stileid.u32  }
0xa: {  	s6 =	sadd.s32 $0xF43200, s7;
	s7 =	sadd.s32 $0x20200, s7;
	s9 =	ssub.s32 $0x2, s8  }
0xb: {  	_ =	strace $0x80000047;
	s11 =	sshll.u32 s3, $0x1;
	s10 =	sshrl.u32 s9, $0x1  }
0xc: {  	s8 =	sor.u32 s8, s11;
	s11 =	simm.s32 $0x80;
	s9 =	ssub.s32 s9, s10  }
0xd: {  	v9 =	vimm.s32 $0x0;
	s8 =	smul.u32 $0x1900, s8;
	s10 =	simm.s32 $0x2;
	s9 =	smax.u32 s9, $0x1  }
.LBB2_1:
0xe: {  	s23 =	simm.s32 $0x0  }
.LBB2_2:
0xf: {  	s24 =	sshll.u32 s23, $0x7  }
0x10: {  	s24 =	sadd.s32 s8, s24  }
0x11: {  	s26 =	sshrl.u32 s24, $0x3  }
0x12: {  	s25 =	simm.s32 $0x0;
	s28 =	sadd.s32 s4, s26  }
0x13: {  	[tilespmem:s25], [sflag:$0x2] =	stream.linear.gather [hbm4b:s28+s25], $0x80, $0x38;
	[tilespmem:$0xC280] =	vst v63  }
0x14: {  	_ =	swait.ge [sflag:s10], $0x80  }
0x15: {  	[sflag:s10] =	ssyncset.done $0x0  }
0x16: {  	s29 =	sadd.s32 $0x6400, s28;
	[sflag:s10] =	ssyncadd.s32 $0xFFFFFF80  }
0x17: {  	[tilespmem:s11], [sflag:$0x2] =	stream.linear.gather [hbm4b:s29+s25], $0x80, $0x38;
	[tilespmem:$0xC280] =	vst v63  }
0x18: {  	_ =	swait.ge [sflag:s10], $0x80  }
0x19: {  	[sflag:s10] =	ssyncset.done $0x0  }
0x1a: {  	s31 =	sadd.s32 $0xC800, s28;
	[sflag:s10] =	ssyncadd.s32 $0xFFFFFF80  }
0x1b: {  	[tilespmem:s12], [sflag:$0x2] =	stream.linear.gather [hbm4b:s31+s25], $0x80, $0x38;
	[tilespmem:$0xC280] =	vst v63  }
0x1c: {  	_ =	swait.ge [sflag:s10], $0x80  }
0x1d: {  	[sflag:s10] =	ssyncset.done $0x0  }
0x1e: {  	s28 =	sadd.s32 $0x12C00, s28;
	[sflag:s10] =	ssyncadd.s32 $0xFFFFFF80  }
0x1f: {  	[tilespmem:s13], [sflag:$0x2] =	stream.linear.gather [hbm4b:s28+s25], $0x80, $0x38;
	[tilespmem:$0xC280] =	vst v63  }
0x20: {  	_ =	swait.ge [sflag:s10], $0x80  }
0x21: {  	[sflag:s10] =	ssyncset.done $0x0  }
0x22: {  	s26 =	sadd.s32 s5, s26;
	[sflag:s10] =	ssyncadd.s32 $0xFFFFFF80  }
0x23: {  	[tilespmem:s14], [sflag:$0x2] =	stream.linear.gather [hbm4b:s26+s25], $0x80, $0x38;
	[tilespmem:$0xC280] =	vst v63  }
0x24: {  	_ =	swait.ge [sflag:s10], $0x80  }
0x25: {  	[sflag:s10] =	ssyncset.done $0x0  }
0x26: {  	[sflag:s10] =	ssyncadd.s32 $0xFFFFFF80  }
0x27: {  	[tilespmem:s15], [sflag:$0x1] =	stream.indirect.gather [hbm4b:s6+s11], $0x40, s25, s11, $0xb8;
	[tilespmem:$0xC280] =	vst v63  }
0x28: {  	_ = 	snop  }
0x29: {  	[tilespmem:s16], [sflag:$0x1] =	stream.indirect.gather [hbm4b:s6+s11], $0x40, s11, s11, $0xb8;
	[tilespmem:$0xC280] =	vst v63  }
0x2a: {  	_ = 	snop  }
0x2b: {  	[tilespmem:s17], [sflag:$0x1] =	stream.indirect.gather [hbm4b:s6+s11], $0x40, s12, s11, $0xb8;
	[tilespmem:$0xC280] =	vst v63  }
0x2c: {  	_ = 	snop  }
0x2d: {  	[tilespmem:s18], [sflag:$0x1] =	stream.indirect.gather [hbm4b:s6+s11], $0x40, s13, s11, $0xb8;
	[tilespmem:$0xC280] =	vst v63  }
0x2e: {  	_ = 	snop  }
0x2f: {  	[tilespmem:s19], [sflag:$0x1] =	stream.indirect.gather [hbm4b:s7+s11], $0x40, s14, s11, $0xb8;
	[tilespmem:$0xC280] =	vst v63  }
0x30: {  	_ =	swait.ge [sflag:s20], $0x2000  }
0x31: {  	[sflag:s20] =	ssyncset.done $0x0  }
0x32: {  	[sflag:s20] =	ssyncadd.s32 $0xFFFFE000  }
0x33: {  	_ =	swait.ge [sflag:s20], $0x2000  }
0x34: {  	[sflag:s20] =	ssyncset.done $0x0  }
0x35: {  	[sflag:s20] =	ssyncadd.s32 $0xFFFFE000  }
0x36: {  	_ =	swait.ge [sflag:s20], $0x2000  }
0x37: {  	[sflag:s20] =	ssyncset.done $0x0  }
0x38: {  	[sflag:s20] =	ssyncadd.s32 $0xFFFFE000  }
0x39: {  	_ =	swait.ge [sflag:s20], $0x2000  }
0x3a: {  	[sflag:s20] =	ssyncset.done $0x0  }
0x3b: {  	[sflag:s20] =	ssyncadd.s32 $0xFFFFE000  }
0x3c: {  	_ =	swait.ge [sflag:s20], $0x2000  }
0x3d: {  	[sflag:s20] =	ssyncset.done $0x0  }
0x3e: {  	[sflag:s20] =	ssyncadd.s32 $0xFFFFE000  }
.LBB2_3:
0x3f: {  	s26 =	sshll.u32 s25, $0x4  }
0x40: {  	v0 =	vld [tilespmem:s26+$0x0];
	s28 =	sor.u32 $0x80, s26  }
0x41: {  	v1 =	vld [tilespmem:s28+$0x0]  }
0x42: {  	s29 =	sor.u32 $0x100, s26  }
0x43: {  	v2 =	vld [tilespmem:s29+$0x0]  }
0x44: {  	s30 =	sor.u32 $0x180, s26  }
0x45: {  	v3 =	vld [tilespmem:s30+$0x0]  }
0x46: {  	vm0 =	vlt.s32 v0, $0x1;
	vm1 =	vlt.s32 v1, $0x1  }
0x47: {  	v0 =	vnsel vm0, $0x1, v0;
	v1 =	vnsel vm1, $0x1, v1  }
0x48: {  	vm14 =	vlt.s32 v2, $0x1;
	v0 =	vcvt.s32.f32 v0;
	v1 =	vcvt.s32.f32 v1  }
0x49: {  	v2 =	vnsel vm14, $0x1, v2  }
0x4a: {  	vm15 =	vlt.s32 v3, $0x1;
	v2 =	vcvt.s32.f32 v2;
	v4 =	vadd.f32 v1, v0  }
0x4b: {  	v3 =	vnsel vm15, $0x1, v3  }
0x4c: {  	v3 =	vcvt.s32.f32 v3;
	v4 =	vadd.f32 v2, v4;
	_ =	sdelay $0x1  }
0x4d: {  	v4 =	vadd.f32 v3, v4;
	_ =	sdelay $0x1  }
0x4e: {  	v4 =	vadd.f32 $1.000000010e-10, v4;
	_ =	sdelay $0x1  }
0x4f: {  	(erf) = vrcp.f32 v4;
	_ =	sdelay $0x6  }
0x50: {  	s29 =	sshll.u32 s29, $0x6  }
0x51: {  	s29 =	sand.u32 $0x3FFFFC00, s29  }
0x52: {  	v8 =	vld [tilespmem:s29+$0x280];
	v4 =	vpop (erf)  }
0x53: {  	v17 =	vmul.f32 v2, v4;
	_ =	sdelay $0x1  }
0x54: {  	v2 =	vperm.xlane v17, v9  }
0x55: {  	s31 =	sshll.u32 s25, $0xA  }
0x56: {  	v40 =	vmul.f32 v8, v2;
	v8 =	vld [tilespmem:s31+$0x6330];
	_ =	sdelay $0x4  }
0x57: {  	[tilespmem:$0x1F6A0] =	vst v8;
	v8 =	vld [tilespmem:s31+$0x6340];
	_ =	sdelay $0x4  }
0x58: {  	[tilespmem:$0x1F6B0] =	vst v8;
	v8 =	vld [tilespmem:s31+$0x6350];
	_ =	sdelay $0x4  }
0x59: {  	[tilespmem:$0x1F730] =	vst v8;
	v8 =	vld [tilespmem:s31+$0x8360];
	_ =	sdelay $0x4  }
0x5a: {  	[tilespmem:$0x1F6C0] =	vst v8;
	v8 =	vld [tilespmem:s31+$0x4360];
	_ =	sdelay $0x4  }
0x5b: {  	[tilespmem:$0x1F6E0] =	vst v8;
	v8 =	vld [tilespmem:s31+$0x6360];
	_ =	sdelay $0x4  }
0x5c: {  	[tilespmem:$0x1F740] =	vst v8;
	v8 =	vld [tilespmem:s31+$0x8370];
	_ =	sdelay $0x4  }
0x5d: {  	[tilespmem:$0x1F6F0] =	vst v8;
	v8 =	vld [tilespmem:s31+$0x370];
	_ =	sdelay $0x4  }
0x5e: {  	[tilespmem:$0x1F6D0] =	vst v8;
	v8 =	vld [tilespmem:s31+$0x2370];
	_ =	sdelay $0x4  }
0x5f: {  	[tilespmem:$0x1F700] =	vst v8;
	v8 =	vld [tilespmem:s31+$0x4370];
	_ =	sdelay $0x4  }
0x60: {  	[tilespmem:$0x1F710] =	vst v8;
	v8 =	vld [tilespmem:s31+$0x6370];
	_ =	sdelay $0x4  }
0x61: {  	[tilespmem:$0x1F7B0] =	vst v8;
	v8 =	vld [tilespmem:s31+$0x8380];
	_ =	sdelay $0x4  }
0x62: {  	[tilespmem:$0x1F750] =	vst v8;
	v8 =	vld [tilespmem:s31+$0x380];
	_ =	sdelay $0x4  }
0x63: {  	[tilespmem:$0x1F720] =	vst v8;
	v8 =	vld [tilespmem:s31+$0x2380];
	_ =	sdelay $0x4  }
0x64: {  	[tilespmem:$0x1F760] =	vst v8;
	v8 =	vld [tilespmem:s31+$0x4380];
	_ =	sdelay $0x4  }
0x65: {  	[tilespmem:$0x1F780] =	vst v8;
	v8 =	vld [tilespmem:s31+$0x6380];
	_ =	sdelay $0x4  }
0x66: {  	[tilespmem:$0x1F7D0] =	vst v8;
	v8 =	vld [tilespmem:s31+$0x8390];
	_ =	sdelay $0x4  }
0x67: {  	[tilespmem:$0x1F790] =	vst v8;
	v8 =	vld [tilespmem:s31+$0x390];
	_ =	sdelay $0x4  }
0x68: {  	[tilespmem:$0x1F770] =	vst v8;
	v8 =	vld [tilespmem:s31+$0x2390];
	_ =	sdelay $0x4  }
0x69: {  	[tilespmem:$0x1F7A0] =	vst v8;
	v8 =	vld [tilespmem:s31+$0x4390];
	_ =	sdelay $0x4  }
0x6a: {  	[tilespmem:$0x1F7E0] =	vst v8;
	v8 =	vld [tilespmem:s31+$0x6390];
	_ =	sdelay $0x4  }
0x6b: {  	[tilespmem:$0x1F870] =	vst v8;
	v8 =	vld [tilespmem:s31+$0x83A0];
	_ =	sdelay $0x4  }
0x6c: {  	[tilespmem:$0x1F7F0] =	vst v8;
	v8 =	vld [tilespmem:s31+$0x3A0];
	_ =	sdelay $0x4  }
0x6d: {  	[tilespmem:$0x1F7C0] =	vst v8;
	v8 =	vld [tilespmem:s31+$0x23A0];
	_ =	sdelay $0x4  }
0x6e: {  	[tilespmem:$0x1F800] =	vst v8;
	v8 =	vld [tilespmem:s31+$0x43A0];
	_ =	sdelay $0x4  }
0x6f: {  	[tilespmem:$0x1F820] =	vst v8;
	v8 =	vld [tilespmem:s31+$0x63A0];
	_ =	sdelay $0x4  }
0x70: {  	[tilespmem:$0x1F880] =	vst v8;
	v8 =	vld [tilespmem:s31+$0x83B0];
	_ =	sdelay $0x4  }
0x71: {  	[tilespmem:$0x1F830] =	vst v8;
	v8 =	vld [tilespmem:s31+$0x3B0];
	_ =	sdelay $0x4  }
0x72: {  	[tilespmem:$0x1F810] =	vst v8;
	v8 =	vld [tilespmem:s31+$0x23B0];
	_ =	sdelay $0x4  }
0x73: {  	[tilespmem:$0x1F840] =	vst v8;
	v8 =	vld [tilespmem:s31+$0x43B0];
	_ =	sdelay $0x4  }
0x74: {  	[tilespmem:$0x1F850] =	vst v8;
	v8 =	vld [tilespmem:s31+$0x63B0];
	_ =	sdelay $0x4  }
0x75: {  	[tilespmem:$0x1F8F0] =	vst v8;
	v8 =	vld [tilespmem:s31+$0x83C0];
	_ =	sdelay $0x4  }
0x76: {  	[tilespmem:$0x1F890] =	vst v8;
	v8 =	vld [tilespmem:s31+$0x3C0];
	_ =	sdelay $0x4  }
0x77: {  	[tilespmem:$0x1F860] =	vst v8;
	v8 =	vld [tilespmem:s31+$0x23C0];
	_ =	sdelay $0x4  }
0x78: {  	[tilespmem:$0x1F8A0] =	vst v8;
	v8 =	vld [tilespmem:s31+$0x43C0];
	_ =	sdelay $0x4  }
0x79: {  	[tilespmem:$0x1F8C0] =	vst v8;
	v8 =	vld [tilespmem:s31+$0x63C0];
	_ =	sdelay $0x4  }
0x7a: {  	[tilespmem:$0x1F910] =	vst v8;
	v8 =	vld [tilespmem:s31+$0x83D0];
	_ =	sdelay $0x4  }
0x7b: {  	[tilespmem:$0x1F8D0] =	vst v8;
	v8 =	vld [tilespmem:s31+$0x3D0];
	_ =	sdelay $0x4  }
0x7c: {  	[tilespmem:$0x1F8B0] =	vst v8;
	v8 =	vld [tilespmem:s31+$0x23D0];
	_ =	sdelay $0x4  }
0x7d: {  	[tilespmem:$0x1F8E0] =	vst v8;
	v8 =	vld [tilespmem:s31+$0x43D0];
	_ =	sdelay $0x1  }
0x7e: {  	v5 =	vld [tilespmem:s31+$0x280]  }
0x7f: {  	v6 =	vld [tilespmem:s31+$0x8280]  }
0x80: {  	v41 =	vld [tilespmem:s31+$0x290]  }
0x81: {  	[tilespmem:$0x1F920] =	vst v8;
	v8 =	vld [tilespmem:s31+$0x63D0]  }
0x82: {  	v42 =	vld [tilespmem:s31+$0x8290]  }
0x83: {  	v49 =	vld [tilespmem:s31+$0x2A0]  }
0x84: {  	v51 =	vld [tilespmem:s31+$0x82A0]  }
0x85: {  	v10 =	vld [tilespmem:s31+$0x82C0]  }
0x86: {  	[tilespmem:$0x1F9B0] =	vst v8;
	v8 =	vld [tilespmem:s31+$0x83E0]  }
0x87: {  	v15 =	vld [tilespmem:s31+$0x42C0]  }
0x88: {  	v24 =	vld [tilespmem:s31+$0x62C0]  }
0x89: {  	v13 =	vld [tilespmem:s31+$0x82D0]  }
0x8a: {  	v12 =	vld [tilespmem:s31+$0x22D0]  }
0x8b: {  	[tilespmem:$0x1F930] =	vst v8;
	v8 =	vld [tilespmem:s31+$0x3E0]  }
0x8c: {  	v22 =	vld [tilespmem:s31+$0x42D0]  }
0x8d: {  	v23 =	vld [tilespmem:s31+$0x82E0]  }
0x8e: {  	v14 =	vld [tilespmem:s31+$0x2E0]  }
0x8f: {  	v20 =	vld [tilespmem:s31+$0x22E0]  }
0x90: {  	[tilespmem:$0x1F900] =	vst v8;
	v8 =	vld [tilespmem:s31+$0x23E0]  }
0x91: {  	v27 =	vld [tilespmem:s31+$0x42E0]  }
0x92: {  	v34 =	vld [tilespmem:s31+$0x62E0]  }
0x93: {  	v30 =	vld [tilespmem:s31+$0x82F0]  }
0x94: {  	v21 =	vld [tilespmem:s31+$0x2F0]  }
0x95: {  	[tilespmem:$0x1F940] =	vst v8;
	v8 =	vld [tilespmem:s31+$0x43E0]  }
0x96: {  	v28 =	vld [tilespmem:s31+$0x22F0]  }
0x97: {  	v29 =	vld [tilespmem:s31+$0x42F0]  }
0x98: {  	v33 =	vld [tilespmem:s31+$0x8300]  }
0x99: {  	v26 =	vld [tilespmem:s31+$0x300]  }
0x9a: {  	[tilespmem:$0x1F960] =	vst v8;
	v8 =	vld [tilespmem:s31+$0x63E0]  }
0x9b: {  	v31 =	vld [tilespmem:s31+$0x2300]  }
0x9c: {  	v32 =	vld [tilespmem:s31+$0x310]  }
0x9d: {  	v35 =	vld [tilespmem:s31+$0x2310]  }
0x9e: {  	v62 =	vld [tilespmem:s31+$0x6310]  }
0x9f: {  	[tilespmem:$0x1F9C0] =	vst v8;
	v8 =	vld [tilespmem:s31+$0x83F0]  }
0xa0: {  	v36 =	vld [tilespmem:s31+$0x320]  }
0xa1: {  	v61 =	vld [tilespmem:s31+$0x4320];
	s28 =	sshll.u32 s28, $0x6  }
0xa2: {  	v59 =	vld [tilespmem:s31+$0x8330];
	s28 =	sand.u32 $0x3FFFFC00, s28;
	v19 =	vmul.f32 v0, v4  }
0xa3: {  	v7 =	vld [tilespmem:s28+$0x280]  }
0xa4: {  	s30 =	sshll.u32 s30, $0x6;
	v18 =	vmul.f32 v1, v4;
	v0 =	vperm.xlane v19, v9;
	[tilespmem:$0x1F970] =	vst v8;
	v8 =	vld [tilespmem:s31+$0x3F0]  }
0xa5: {  	v63 =	vld [tilespmem:s31+$0x4350];
	s30 =	sand.u32 $0x3FFFFC00, s30;
	v16 =	vmul.f32 v3, v4  }
0xa6: {  	v37 =	vld [tilespmem:s30+$0x280];
	v1 =	vperm.xlane v18, v9;
	v5 =	vmul.f32 v5, v0  }
0xa7: {  	v60 =	vld [tilespmem:s31+$0x2360]  }
0xa8: {  	v50 =	vperm.xlane v16, v9;
	v9 =	vld [tilespmem:s31+$0x22C0];
	v39 =	vmul.f32 v7, v1;
	v38 =	vadd.f32 v5, v6  }
0xa9: {  	[tilespmem:$0x1F950] =	vst v8;
	v8 =	vld [tilespmem:s31+$0x23F0]  }
0xaa: {  	v7 =	vld [tilespmem:s31+$0x2D0];
	v4 =	vadd.f32 v39, v38  }
0xab: {  	v3 =	vmul.f32 v37, v50;
	v37 =	vld [tilespmem:s31+$0x4300]  }
0xac: {  	v6 =	vld [tilespmem:s31+$0x82B0];
	v4 =	vadd.f32 v40, v4  }
0xad: {  	v39 =	vld [tilespmem:s31+$0x62D0]  }
0xae: {  	v3 =	vadd.f32 v3, v4;
	[tilespmem:$0x1F980] =	vst v8;
	v8 =	vld [tilespmem:s31+$0x43F0]  }
0xaf: {  	v38 =	vld [tilespmem:s31+$0x8310]  }
0xb0: {  	v40 =	vld [tilespmem:s31+$0x4310];
	[tilespmem:s31+$0xA280] =	vst v3  }
0xb1: {  	v43 =	vld [tilespmem:s28+$0x290]  }
0xb2: {  	v44 =	vld [tilespmem:s29+$0x290]  }
0xb3: {  	[tilespmem:$0x1F990] =	vst v8;
	v8 =	vld [tilespmem:s31+$0x63F0]  }
0xb4: {  	v4 =	vmul.f32 v41, v0;
	v41 =	vld [tilespmem:s31+$0x2320]  }
0xb5: {  	v45 =	vld [tilespmem:s30+$0x290]  }
0xb6: {  	v3 =	vadd.f32 v4, v42;
	v42 =	vld [tilespmem:s31+$0x330];
	v46 =	vmul.f32 v43, v1  }
0xb7: {  	v4 =	vmul.f32 v49, v0;
	v49 =	vld [tilespmem:s31+$0x2340]  }
0xb8: {  	v47 =	vmul.f32 v44, v2;
	v3 =	vadd.f32 v46, v3;
	[tilespmem:$0x1FA30] =	vst v8;
	v8 =	vld [tilespmem:s31+$0x8400]  }
0xb9: {  	v44 =	vld [tilespmem:s31+$0x62F0]  }
0xba: {  	v48 =	vmul.f32 v45, v50;
	v45 =	vld [tilespmem:s31+$0x6300];
	v3 =	vadd.f32 v47, v3  }
0xbb: {  	v43 =	vld [tilespmem:s31+$0x8320]  }
0xbc: {  	v46 =	vld [tilespmem:s31+$0x2330];
	v3 =	vadd.f32 v48, v3  }
0xbd: {  	[tilespmem:$0x1F9D0] =	vst v8;
	v8 =	vld [tilespmem:s31+$0x400]  }
0xbe: {  	v47 =	vld [tilespmem:s31+$0x4330];
	[tilespmem:s31+$0xA290] =	vst v3  }
0xbf: {  	v52 =	vld [tilespmem:s28+$0x2A0]  }
0xc0: {  	v53 =	vld [tilespmem:s29+$0x2A0]  }
0xc1: {  	v48 =	vld [tilespmem:s31+$0x340]  }
0xc2: {  	[tilespmem:$0x1F9A0] =	vst v8;
	v8 =	vld [tilespmem:s31+$0x2400]  }
0xc3: {  	v54 =	vld [tilespmem:s30+$0x2A0]  }
0xc4: {  	v3 =	vadd.f32 v4, v51;
	v51 =	vld [tilespmem:s31+$0x8340]  }
0xc5: {  	v55 =	vmul.f32 v52, v1;
	v56 =	vmul.f32 v53, v2;
	v53 =	vld [tilespmem:s31+$0x6320]  }
0xc6: {  	v52 =	vld [tilespmem:s31+$0x350]  }
0xc7: {  	v3 =	vadd.f32 v55, v3;
	[tilespmem:$0x1F9E0] =	vst v8;
	v8 =	vld [tilespmem:s31+$0x4400]  }
0xc8: {  	v57 =	vmul.f32 v54, v50;
	v54 =	vld [tilespmem:s31+$0x2350]  }
0xc9: {  	v55 =	vld [tilespmem:s31+$0x8350];
	v3 =	vadd.f32 v56, v3  }
0xca: {  	v56 =	vld [tilespmem:s31+$0x4340]  }
0xcb: {  	v4 =	vadd.f32 v57, v3;
	v3 =	vld [tilespmem:s31+$0x2B0]  }
0xcc: {  	[tilespmem:$0x1FA00] =	vst v8;
	v8 =	vld [tilespmem:s31+$0x6400]  }
0xcd: {  	v57 =	vld [tilespmem:s31+$0x360]  }
0xce: {  	[tilespmem:s31+$0xA2A0] =	vst v4;
	v4 =	vld [tilespmem:s31+$0x2C0]  }
0xcf: {  	v5 =	vld [tilespmem:s28+$0x2B0]  }
0xd0: {  	v11 =	vld [tilespmem:s29+$0x2B0]  }
0xd1: {  	v25 =	vld [tilespmem:s30+$0x2B0];
	[tilespmem:$0x1FA50] =	vst v8  }
0xd2: {  	v8 =	vld [tilespmem:s31+$0x8410];
	_ =	sdelay $0x4  }
0xd3: {  	[tilespmem:$0x1FA10] =	vst v8;
	v8 =	vld [tilespmem:s31+$0x410];
	_ =	sdelay $0x4  }
0xd4: {  	[tilespmem:$0x1F9F0] =	vst v8;
	v8 =	vld [tilespmem:s31+$0x2410];
	_ =	sdelay $0x4  }
0xd5: {  	[tilespmem:$0x1FA20] =	vst v8;
	v8 =	vld [tilespmem:s31+$0x4410];
	_ =	sdelay $0x4  }
0xd6: {  	[tilespmem:$0x1FA60] =	vst v8;
	v8 =	vld [tilespmem:s31+$0x6410];
	_ =	sdelay $0x4  }
0xd7: {  	[tilespmem:$0x1FAF0] =	vst v8;
	v8 =	vld [tilespmem:s31+$0x8420];
	_ =	sdelay $0x4  }
0xd8: {  	[tilespmem:$0x1FA70] =	vst v8;
	v8 =	vld [tilespmem:s31+$0x420];
	_ =	sdelay $0x4  }
0xd9: {  	[tilespmem:$0x1FA40] =	vst v8;
	v8 =	vld [tilespmem:s31+$0x2420];
	_ =	sdelay $0x4  }
0xda: {  	[tilespmem:$0x1FA80] =	vst v8;
	v8 =	vld [tilespmem:s31+$0x4420];
	_ =	sdelay $0x4  }
0xdb: {  	[tilespmem:$0x1FAA0] =	vst v8;
	v8 =	vld [tilespmem:s31+$0x6420];
	_ =	sdelay $0x4  }
0xdc: {  	[tilespmem:$0x1FB00] =	vst v8;
	v8 =	vld [tilespmem:s31+$0x8430];
	_ =	sdelay $0x4  }
0xdd: {  	[tilespmem:$0x1FAB0] =	vst v8;
	v8 =	vld [tilespmem:s31+$0x430];
	_ =	sdelay $0x2  }
0xde: {  	v58 =	vld [tilespmem:s31+$0x8440];
	_ =	sdelay $0x1  }
0xdf: {  	[tilespmem:$0x1FA90] =	vst v8;
	v8 =	vld [tilespmem:s31+$0x2430];
	_ =	sdelay $0x2  }
0xe0: {  	[tilespmem:$0x1FB10] =	vst v58;
	v58 =	vld [tilespmem:s31+$0x440];
	_ =	sdelay $0x1  }
0xe1: {  	[tilespmem:$0x1FAC0] =	vst v8;
	v8 =	vld [tilespmem:s31+$0x4430];
	_ =	sdelay $0x2  }
0xe2: {  	[tilespmem:$0x1FAE0] =	vst v58;
	v58 =	vld [tilespmem:s31+$0x2440];
	_ =	sdelay $0x1  }
0xe3: {  	[tilespmem:$0x1FAD0] =	vst v8;
	v8 =	vld [tilespmem:s31+$0x6430];
	_ =	sdelay $0x2  }
0xe4: {  	[tilespmem:$0x1FB20] =	vst v58;
	v58 =	vld [tilespmem:s31+$0x4440]  }
0xe5: {  	v0 =	vmul.f32 v3, v0  }
0xe6: {  	[tilespmem:$0x1FB70] =	vst v8;
	v8 =	vimm.s32 $0x1  }
0xe7: {  	v0 =	vadd.f32 v0, v6;
	v1 =	vmul.f32 v5, v1;
	v6 =	vld [tilespmem:s31+$0x6440];
	v5 =	vperm.xlane v18, v8  }
0xe8: {  	v3 =	vperm.xlane v19, v8  }
0xe9: {  	[tilespmem:$0x1FB40] =	vst v58;
	v58 =	vmul.f32 v9, v5;
	v9 =	vld [tilespmem:s31+$0x8450]  }
0xea: {  	v4 =	vmul.f32 v4, v3  }
0xeb: {  	v0 =	vadd.f32 v1, v0;
	v1 =	vmul.f32 v11, v2;
	v7 =	vmul.f32 v7, v3  }
0xec: {  	[tilespmem:$0x1FB80] =	vst v6;
	v6 =	vperm.xlane v17, v8;
	v2 =	vadd.f32 v4, v10  }
0xed: {  	v0 =	vadd.f32 v1, v0;
	v8 =	vperm.xlane v16, v8;
	v4 =	vadd.f32 v7, v13  }
0xee: {  	v1 =	vadd.f32 v58, v2;
	v2 =	vmul.f32 v15, v6;
	v58 =	vmul.f32 v12, v5;
	[tilespmem:$0x1FB50] =	vst v9;
	v9 =	vld [tilespmem:s31+$0x450];
	_ =	sdelay $0x1  }
0xef: {  	v15 =	vld [tilespmem:s31+$0x2450];
	v1 =	vadd.f32 v2, v1;
	v4 =	vadd.f32 v58, v4;
	v58 =	vmul.f32 v24, v8;
	_ =	sdelay $0x1  }
0xf0: {  	v10 =	vmul.f32 v22, v6;
	v22 =	vld [tilespmem:s31+$0x4470];
	v12 =	vimm.s32 $0x2;
	v1 =	vadd.f32 v58, v1  }
0xf1: {  	v7 =	vperm.xlane v18, v12;
	[tilespmem:$0x1FB30] =	vst v9;
	v9 =	vld [tilespmem:s31+$0x4450]  }
0xf2: {  	v58 =	vmul.f32 v27, v6;
	v27 =	vld [tilespmem:s31+$0x470];
	[tilespmem:$0x1FDB0] =	vst v1;
	v1 =	vadd.f32 v10, v4;
	v4 =	vperm.xlane v19, v12  }
0xf3: {  	v6 =	vmul.f32 v29, v6;
	v29 =	vperm.xlane v16, v12;
	[tilespmem:$0x1FB60] =	vst v15;
	v15 =	vld [tilespmem:s31+$0x6450]  }
0xf4: {  	v10 =	vmul.f32 v31, v7;
	v31 =	vmul.f32 v36, v4;
	v36 =	vld [tilespmem:s31+$0x6480]  }
0xf5: {  	v13 =	vmul.f32 v32, v4;
	v32 =	vmul.f32 v45, v29;
	v45 =	vld [tilespmem:s31+$0x6490]  }
0xf6: {  	[tilespmem:$0x1FB90] =	vst v9;
	v9 =	vmul.f32 v25, v50;
	v50 =	vmul.f32 v14, v3;
	v14 =	vld [tilespmem:s31+$0x8460]  }
0xf7: {  	v25 =	vmul.f32 v20, v5;
	v20 =	vld [tilespmem:s31+$0x460]  }
0xf8: {  	v3 =	vmul.f32 v21, v3;
	v21 =	vld [tilespmem:s31+$0x6460]  }
0xf9: {  	v5 =	vmul.f32 v28, v5;
	v28 =	vld [tilespmem:s31+$0x8470]  }
0xfa: {  	v24 =	vadd.f32 v50, v23;
	v50 =	vld [tilespmem:s31+$0x2460]  }
0xfb: {  	v0 =	vadd.f32 v9, v0;
	v3 =	vadd.f32 v3, v30;
	v30 =	vld [tilespmem:s31+$0x6470];
	[tilespmem:$0x1FC40] =	vst v36  }
0xfc: {  	v23 =	vmul.f32 v26, v4;
	[tilespmem:$0x1FC90] =	vst v45;
	v36 =	vld [tilespmem:s31+$0x44C0]  }
0xfd: {  	v45 =	vld [tilespmem:s31+$0x84D0];
	[tilespmem:$0x1FDA0] =	vst v0;
	v0 =	vadd.f32 v25, v24  }
0xfe: {  	v24 =	vld [tilespmem:s31+$0x4460];
	v2 =	vadd.f32 v23, v33  }
0xff: {  	v11 =	vperm.xlane v17, v12;
	v0 =	vadd.f32 v58, v0;
	v58 =	vld [tilespmem:s31+$0x2470]  }
0x100: {  	v9 =	vmul.f32 v34, v8;
	v2 =	vadd.f32 v10, v2;
	v10 =	vld [tilespmem:s31+$0x2480];
	[tilespmem:$0x1FBA0] =	vst v50;
	v50 =	vmul.f32 v39, v8  }
0x101: {  	v8 =	vmul.f32 v44, v8;
	v44 =	vmul.f32 v62, v29;
	v62 =	vld [tilespmem:s31+$0x4A0]  }
0x102: {  	v3 =	vadd.f32 v5, v3;
	v25 =	vmul.f32 v37, v11;
	[tilespmem:$0x1FCC0] =	vst v36;
	v36 =	vld [tilespmem:s31+$0x64D0]  }
0x103: {  	[tilespmem:$0x1FCD0] =	vst v45;
	v45 =	vld [tilespmem:$0x1F870];
	v0 =	vadd.f32 v9, v0  }
0x104: {  	v23 =	vadd.f32 v6, v3;
	v9 =	vld [tilespmem:s31+$0x8480];
	v2 =	vadd.f32 v25, v2  }
0x105: {  	v1 =	vadd.f32 v50, v1;
	[tilespmem:$0x1FDD0] =	vst v0;
	v0 =	vadd.f32 v13, v38;
	v13 =	vld [tilespmem:$0x1F6D0]  }
0x106: {  	v2 =	vadd.f32 v32, v2;
	v32 =	vld [tilespmem:$0x1F770]  }
0x107: {  	[tilespmem:$0x1FDC0] =	vst v1;
	v1 =	vadd.f32 v8, v23;
	v8 =	vld [tilespmem:s31+$0x4480]  }
0x108: {  	v26 =	vmul.f32 v35, v7;
	v35 =	vmul.f32 v42, v4;
	[tilespmem:$0x1FBF0] =	vst v10;
	v10 =	vld [tilespmem:s31+$0x4490]  }
0x109: {  	v23 =	vld [tilespmem:$0x1F6E0]  }
0x10a: {  	[tilespmem:$0x1FDF0] =	vst v2;
	v2 =	vadd.f32 v35, v59;
	v59 =	vld [tilespmem:$0x1F6C0]  }
0x10b: {  	v38 =	vimm.s32 $0x3;
	v35 =	vld [tilespmem:$0x1F780]  }
0x10c: {  	v39 =	vperm.xlane v19, v38;
	[tilespmem:$0x1FD30] =	vst v36;
	v36 =	vld [tilespmem:$0x1F910]  }
0x10d: {  	v34 =	vmul.f32 v41, v7;
	[tilespmem:$0x1FBE0] =	vst v9;
	v9 =	vld [tilespmem:s31+$0x480]  }
0x10e: {  	v41 =	vmul.f32 v46, v7;
	v33 =	vadd.f32 v31, v43;
	v43 =	vmul.f32 v48, v39;
	v48 =	vld [tilespmem:s31+$0x84A0]  }
0x10f: {  	v42 =	vmul.f32 v47, v11;
	v47 =	vmul.f32 v52, v39;
	v52 =	vld [tilespmem:$0x1F6A0]  }
0x110: {  	v37 =	vmul.f32 v61, v11;
	[tilespmem:$0x1FDE0] =	vst v1;
	v1 =	vadd.f32 v34, v33;
	v2 =	vadd.f32 v41, v2;
	v41 =	vld [tilespmem:$0x1F7B0]  }
0x111: {  	v3 =	vadd.f32 v43, v51;
	v51 =	vld [tilespmem:s31+$0x24A0]  }
0x112: {  	v1 =	vadd.f32 v37, v1;
	v37 =	vld [tilespmem:s31+$0x4C0]  }
0x113: {  	[tilespmem:$0x1FC10] =	vst v8;
	v8 =	vld [tilespmem:s31+$0x490]  }
0x114: {  	v2 =	vadd.f32 v42, v2;
	v42 =	vld [tilespmem:$0x1F7C0]  }
0x115: {  	[tilespmem:$0x1FBD0] =	vst v9;
	v9 =	vmul.f32 v40, v11;
	v40 =	vld [tilespmem:s31+$0x8490]  }
0x116: {  	v0 =	vadd.f32 v26, v0;
	[tilespmem:$0x1FC60] =	vst v48;
	v48 =	vld [tilespmem:$0x1F7E0]  }
0x117: {  	v6 =	vmul.f32 v52, v29;
	v52 =	vld [tilespmem:$0x1F800]  }
0x118: {  	v11 =	vperm.xlane v17, v38;
	v0 =	vadd.f32 v9, v0;
	v9 =	vld [tilespmem:s31+$0x2490]  }
0x119: {  	[tilespmem:$0x1FBB0] =	vst v58;
	v58 =	vadd.f32 v6, v2;
	v6 =	vld [tilespmem:s31+$0x84B0]  }
0x11a: {  	v25 =	vmul.f32 v23, v11;
	v23 =	vld [tilespmem:s31+$0x44D0]  }
0x11b: {  	[tilespmem:$0x1FC00] =	vst v8;
	v8 =	vperm.xlane v18, v38;
	v0 =	vadd.f32 v44, v0;
	v44 =	vld [tilespmem:s31+$0x4B0]  }
0x11c: {  	[tilespmem:$0x1FE20] =	vst v58;
	v58 =	vld [tilespmem:$0x1F710]  }
0x11d: {  	[tilespmem:$0x1FC50] =	vst v10;
	v10 =	vmul.f32 v49, v8;
	v49 =	vmul.f32 v56, v11;
	v56 =	vld [tilespmem:s31+$0x44A0]  }
0x11e: {  	v50 =	vmul.f32 v54, v8;
	v54 =	vld [tilespmem:$0x1F6B0]  }
0x11f: {  	[tilespmem:$0x1FC20] =	vst v40;
	v40 =	vld [tilespmem:s31+$0x64C0]  }
0x120: {  	[tilespmem:$0x1FC30] =	vst v9;
	v9 =	vmul.f32 v53, v29;
	v53 =	vmul.f32 v57, v39;
	v57 =	vld [tilespmem:s31+$0x64A0]  }
0x121: {  	[tilespmem:$0x1FBC0] =	vst v22;
	v3 =	vadd.f32 v10, v3;
	v10 =	vmul.f32 v63, v11;
	v63 =	vmul.f32 v60, v8;
	v60 =	vld [tilespmem:$0x1F720]  }
0x122: {  	v22 =	vmul.f32 v13, v39;
	[tilespmem:$0x1FE00] =	vst v0;
	v0 =	vadd.f32 v47, v55;
	v39 =	vld [tilespmem:$0x1F7A0]  }
0x123: {  	[tilespmem:$0x1FD00] =	vst v23;
	v23 =	vld [tilespmem:s31+$0x84F0]  }
0x124: {  	v0 =	vadd.f32 v50, v0;
	v50 =	vld [tilespmem:$0x1F7F0]  }
0x125: {  	v61 =	vadd.f32 v53, v59;
	v59 =	vld [tilespmem:s31+$0x24B0]  }
0x126: {  	v26 =	vimm.s32 $0x4;
	v53 =	vld [tilespmem:s31+$0x44B0]  }
0x127: {  	v29 =	vperm.xlane v19, v26;
	v7 =	vmul.f32 v58, v11;
	v11 =	vld [tilespmem:s31+$0x84C0]  }
0x128: {  	v46 =	vadd.f32 v9, v1;
	v9 =	vperm.xlane v16, v38;
	v38 =	vld [tilespmem:$0x1F790]  }
0x129: {  	v43 =	vmul.f32 v42, v29;
	v42 =	vld [tilespmem:$0x1F860]  }
0x12a: {  	v0 =	vadd.f32 v10, v0;
	v10 =	vld [tilespmem:s31+$0x64B0]  }
0x12b: {  	[tilespmem:$0x1FCF0] =	vst v40;
	v40 =	vld [tilespmem:$0x1F840]  }
0x12c: {  	v2 =	vadd.f32 v63, v61;
	v61 =	vld [tilespmem:$0x1F730]  }
0x12d: {  	v55 =	vmul.f32 v54, v9;
	v54 =	vld [tilespmem:s31+$0x24C0]  }
0x12e: {  	[tilespmem:$0x1FE10] =	vst v46;
	v46 =	vld [tilespmem:$0x1F7D0]  }
0x12f: {  	[tilespmem:$0x1FCA0] =	vst v57;
	v57 =	vld [tilespmem:$0x1F700]  }
0x130: {  	v3 =	vadd.f32 v49, v3;
	v4 =	vmul.f32 v60, v29;
	v60 =	vld [tilespmem:s31+$0x64E0]  }
0x131: {  	[tilespmem:$0x1FD20] =	vst v23;
	v23 =	vld [tilespmem:$0x1F9A0]  }
0x132: {  	v12 =	vadd.f32 v55, v3;
	v55 =	vld [tilespmem:$0x1F6F0]  }
0x133: {  	[tilespmem:$0x1FC70] =	vst v51;
	v2 =	vadd.f32 v25, v2;
	v25 =	vld [tilespmem:s31+$0x4D0]  }
0x134: {  	[tilespmem:$0x1FCB0] =	vst v11;
	v11 =	vld [tilespmem:$0x1F750]  }
0x135: {  	[tilespmem:$0x1FCE0] =	vst v10;
	v10 =	vld [tilespmem:$0x1F740]  }
0x136: {  	[tilespmem:$0x1FC80] =	vst v6;
	v51 =	vadd.f32 v43, v50;
	v50 =	vld [tilespmem:s31+$0x24E0]  }
0x137: {  	[tilespmem:$0x1FE40] =	vst v12;
	v12 =	vld [tilespmem:$0x1F8C0];
	v6 =	vmul.f32 v57, v8;
	v3 =	vadd.f32 v22, v55  }
0x138: {  	v8 =	vperm.xlane v18, v26;
	v22 =	vld [tilespmem:$0x1F810]  }
0x139: {  	v4 =	vadd.f32 v4, v11;
	v11 =	vld [tilespmem:$0x1F760];
	v3 =	vadd.f32 v6, v3;
	v6 =	vmul.f32 v61, v9  }
0x13a: {  	v10 =	vmul.f32 v10, v9;
	v9 =	vmul.f32 v41, v9;
	v41 =	vld [tilespmem:$0x1F850]  }
0x13b: {  	v61 =	vld [tilespmem:s31+$0x84E0]  }
0x13c: {  	v63 =	vperm.xlane v17, v26;
	v0 =	vadd.f32 v6, v0;
	v6 =	vmul.f32 v39, v8;
	v39 =	vld [tilespmem:s31+$0x24D0]  }
0x13d: {  	v55 =	vmul.f32 v52, v8;
	v33 =	vadd.f32 v7, v3;
	v7 =	vperm.xlane v16, v26;
	v26 =	vld [tilespmem:$0x1F820]  }
0x13e: {  	v31 =	vadd.f32 v10, v2;
	v10 =	vmul.f32 v48, v63;
	v48 =	vld [tilespmem:$0x1F8A0]  }
0x13f: {  	v2 =	vadd.f32 v55, v51;
	v51 =	vld [tilespmem:s31+$0x44E0]  }
0x140: {  	v49 =	vadd.f32 v9, v33;
	v33 =	vld [tilespmem:s31+$0x4E0]  }
0x141: {  	v47 =	vmul.f32 v46, v7;
	v46 =	vld [tilespmem:$0x1F880]  }
0x142: {  	[tilespmem:$0x1FE50] =	vst v0;
	v0 =	vmul.f32 v32, v29;
	v32 =	vld [tilespmem:s31+$0x4F0]  }
0x143: {  	v11 =	vmul.f32 v11, v8;
	v9 =	vmul.f32 v41, v63;
	v41 =	vld [tilespmem:$0x1F930]  }
0x144: {  	v5 =	vmul.f32 v22, v29;
	v0 =	vadd.f32 v0, v38;
	v38 =	vld [tilespmem:$0x1F830]  }
0x145: {  	v34 =	vadd.f32 v11, v4;
	v4 =	vmul.f32 v35, v63;
	v29 =	vmul.f32 v26, v63;
	v26 =	vld [tilespmem:$0x1F8D0]  }
0x146: {  	[tilespmem:$0x1FD10] =	vst v51;
	v51 =	vld [tilespmem:s31+$0x44F0]  }
0x147: {  	v3 =	vadd.f32 v4, v34;
	v34 =	vld [tilespmem:$0x1F900]  }
0x148: {  	v2 =	vadd.f32 v29, v2;
	v29 =	vld [tilespmem:$0x1F8E0]  }
0x149: {  	v0 =	vadd.f32 v6, v0;
	v11 =	vmul.f32 v46, v7;
	v46 =	vld [tilespmem:s31+$0x64F0]  }
0x14a: {  	[tilespmem:$0x1FE60] =	vst v31;
	v31 =	vimm.s32 $0x5;
	v57 =	vadd.f32 v47, v3;
	v47 =	vld [tilespmem:$0x1F890]  }
0x14b: {  	v58 =	vadd.f32 v10, v0;
	v10 =	vperm.xlane v18, v31;
	v5 =	vadd.f32 v5, v38;
	v38 =	vld [tilespmem:$0x1F920]  }
0x14c: {  	v8 =	vmul.f32 v40, v8;
	v55 =	vadd.f32 v11, v2;
	[tilespmem:$0x1FE80] =	vst v57;
	v57 =	vld [tilespmem:$0x1F8B0]  }
0x14d: {  	[tilespmem:$0x1FE70] =	vst v49;
	v6 =	vperm.xlane v19, v31;
	v49 =	vmul.f32 v48, v10;
	v48 =	vld [tilespmem:$0x1F950]  }
0x14e: {  	[tilespmem:$0x1FEA0] =	vst v55;
	v55 =	vld [tilespmem:s31+$0x8500]  }
0x14f: {  	v5 =	vadd.f32 v8, v5;
	v35 =	vmul.f32 v34, v6;
	v34 =	vld [tilespmem:s31+$0x500]  }
0x150: {  	v13 =	vperm.xlane v17, v31;
	v43 =	vmul.f32 v42, v6;
	[tilespmem:$0x1FD70] =	vst v46;
	v46 =	vld [tilespmem:$0x1F9F0]  }
0x151: {  	v8 =	vmul.f32 v45, v7;
	v63 =	vadd.f32 v9, v5;
	v9 =	vperm.xlane v16, v31;
	v31 =	vld [tilespmem:$0x1F8F0]  }
0x152: {  	v4 =	vadd.f32 v43, v47;
	v43 =	vld [tilespmem:$0x1F940]  }
0x153: {  	v52 =	vadd.f32 v8, v58;
	v8 =	vmul.f32 v29, v10;
	v29 =	vld [tilespmem:s31+$0x4500]  }
0x154: {  	v42 =	vadd.f32 v35, v41;
	v41 =	vld [tilespmem:$0x1F9E0]  }
0x155: {  	v11 =	vmul.f32 v38, v13;
	v38 =	vld [tilespmem:s31+$0x6500]  }
0x156: {  	v4 =	vadd.f32 v49, v4;
	v49 =	vld [tilespmem:s31+$0x24F0]  }
0x157: {  	[tilespmem:$0x1FD40] =	vst v60;
	v58 =	vmul.f32 v57, v6;
	v57 =	vld [tilespmem:$0x1F960]  }
0x158: {  	v60 =	vimm.s32 $0x6;
	v22 =	vmul.f32 v12, v13;
	[tilespmem:$0x1FE90] =	vst v52;
	v52 =	vmul.f32 v48, v6;
	v48 =	vld [tilespmem:s31+$0x2500]  }
0x159: {  	v6 =	vperm.xlane v19, v60;
	[tilespmem:$0x1FD50] =	vst v55;
	v55 =	vld [tilespmem:s31+$0x8510]  }
0x15a: {  	v4 =	vadd.f32 v22, v4;
	v22 =	vld [tilespmem:$0x1F990]  }
0x15b: {  	v2 =	vadd.f32 v58, v26;
	v26 =	vmul.f32 v23, v6;
	v23 =	vld [tilespmem:$0x1FA00]  }
0x15c: {  	v7 =	vmul.f32 v31, v7;
	v31 =	vld [tilespmem:$0x1F9B0]  }
0x15d: {  	[tilespmem:$0x1FD60] =	vst v29;
	v29 =	vld [tilespmem:s31+$0x510]  }
0x15e: {  	v2 =	vadd.f32 v8, v2;
	v8 =	vmul.f32 v36, v9;
	v36 =	vld [tilespmem:$0x1F9C0]  }
0x15f: {  	[tilespmem:$0x1FD80] =	vst v38;
	v38 =	vld [tilespmem:$0x1FA30]  }
0x160: {  	v45 =	vmul.f32 v43, v10;
	v40 =	vadd.f32 v7, v63;
	v63 =	vld [tilespmem:$0x1F970]  }
0x161: {  	v7 =	vld [tilespmem:$0x1F980]  }
0x162: {  	v3 =	vadd.f32 v45, v42;
	v58 =	vmul.f32 v57, v13;
	v57 =	vld [tilespmem:s31+$0x4510]  }
0x163: {  	[tilespmem:$0x1FEB0] =	vst v40;
	v40 =	vld [tilespmem:$0x1F9D0]  }
0x164: {  	v3 =	vadd.f32 v58, v3;
	v58 =	vld [tilespmem:$0x1FA70]  }
0x165: {  	v2 =	vadd.f32 v11, v2;
	v35 =	vmul.f32 v31, v9;
	v31 =	vld [tilespmem:$0x1FA10]  }
0x166: {  	v11 =	vmul.f32 v36, v9;
	v9 =	vmul.f32 v38, v9;
	v38 =	vld [tilespmem:$0x1FAB0]  }
0x167: {  	v43 =	vadd.f32 v35, v2;
	v35 =	vld [tilespmem:$0x1FA20]  }
0x168: {  	v47 =	vadd.f32 v8, v4;
	v4 =	vadd.f32 v52, v63;
	v63 =	vld [tilespmem:s31+$0x8520]  }
0x169: {  	v12 =	vmul.f32 v7, v10;
	v7 =	vld [tilespmem:$0x1FAF0]  }
0x16a: {  	[tilespmem:$0x1FED0] =	vst v43;
	v43 =	vld [tilespmem:s31+$0x2510]  }
0x16b: {  	v10 =	vperm.xlane v18, v60;
	v45 =	vadd.f32 v11, v3;
	v5 =	vadd.f32 v26, v40;
	v40 =	vld [tilespmem:$0x1FA40]  }
0x16c: {  	v8 =	vmul.f32 v22, v13;
	[tilespmem:$0x1FEC0] =	vst v47;
	v47 =	vmul.f32 v46, v6;
	v4 =	vadd.f32 v12, v4;
	v12 =	vld [tilespmem:$0x1FA80]  }
0x16d: {  	v13 =	vperm.xlane v17, v60;
	v42 =	vmul.f32 v41, v10;
	[tilespmem:$0x1FEE0] =	vst v45;
	v45 =	vld [tilespmem:$0x1FA50]  }
0x16e: {  	v2 =	vadd.f32 v47, v31;
	v47 =	vld [tilespmem:$0x1FA60]  }
0x16f: {  	v26 =	vmul.f32 v23, v13;
	v22 =	vadd.f32 v42, v5;
	v42 =	vld [tilespmem:s31+$0x6510]  }
0x170: {  	v36 =	vmul.f32 v35, v10;
	v35 =	vld [tilespmem:$0x1FAA0]  }
0x171: {  	v52 =	vadd.f32 v8, v4;
	v8 =	vperm.xlane v16, v60;
	v4 =	vadd.f32 v26, v22;
	v26 =	vld [tilespmem:$0x1FA90]  }
0x172: {  	v41 =	vmul.f32 v40, v6;
	v40 =	vld [tilespmem:s31+$0x520]  }
0x173: {  	v22 =	vmul.f32 v12, v10;
	v12 =	vmul.f32 v7, v8;
	v7 =	vld [tilespmem:$0x1FB40]  }
0x174: {  	v52 =	vadd.f32 v9, v52;
	v11 =	vmul.f32 v47, v13;
	v47 =	vld [tilespmem:s31+$0x2520]  }
0x175: {  	v60 =	vadd.f32 v41, v58;
	v41 =	vld [tilespmem:$0x1FAC0]  }
0x176: {  	v46 =	vmul.f32 v45, v8;
	[tilespmem:$0x1FEF0] =	vst v52;
	v52 =	vld [tilespmem:s31+$0x4520]  }
0x177: {  	v45 =	vld [tilespmem:$0x1FAD0]  }
0x178: {  	v23 =	vadd.f32 v46, v4;
	v46 =	vld [tilespmem:$0x1FAE0];
	v31 =	vmul.f32 v26, v6  }
0x179: {  	v2 =	vadd.f32 v36, v2;
	v3 =	vadd.f32 v22, v60;
	v22 =	vld [tilespmem:$0x1FB00]  }
0x17a: {  	[tilespmem:$0x1FD90] =	vst v42;
	v58 =	vld [tilespmem:s31+$0x6520];
	v4 =	vadd.f32 v31, v38;
	v42 =	vmul.f32 v41, v10  }
0x17b: {  	v0 =	vimm.s32 $0x7;
	v2 =	vadd.f32 v11, v2;
	[tilespmem:$0x1FF00] =	vst v23;
	v23 =	vld [tilespmem:$0x1FB10]  }
0x17c: {  	v36 =	vmul.f32 v35, v13;
	v6 =	vperm.xlane v19, v0;
	v4 =	vadd.f32 v42, v4;
	v42 =	vld [tilespmem:$0x1FB30]  }
0x17d: {  	v26 =	vld [tilespmem:s31+$0x530];
	v35 =	vadd.f32 v12, v2  }
0x17e: {  	v12 =	vld [tilespmem:$0x1FB50];
	v3 =	vadd.f32 v36, v3;
	v60 =	vmul.f32 v46, v6;
	v10 =	vmul.f32 v22, v8  }
0x17f: {  	v31 =	vld [tilespmem:$0x1FB20]  }
0x180: {  	v5 =	vadd.f32 v60, v23;
	v23 =	vld [tilespmem:$0x1FB60];
	v41 =	vadd.f32 v10, v3  }
0x181: {  	v9 =	vmul.f32 v45, v13;
	v36 =	vld [tilespmem:s31+$0x2530];
	v45 =	vmul.f32 v42, v6  }
0x182: {  	v13 =	vperm.xlane v18, v0;
	[tilespmem:$0x1FF20] =	vst v41;
	v41 =	vld [tilespmem:$0x1FB90]  }
0x183: {  	v2 =	vadd.f32 v45, v12;
	v45 =	vld [tilespmem:$0x1FB70]  }
0x184: {  	v38 =	vperm.xlane v17, v0;
	[tilespmem:$0x1FF10] =	vst v35;
	v35 =	vld [tilespmem:s31+$0x8540];
	v11 =	vmul.f32 v31, v13  }
0x185: {  	v46 =	vld [tilespmem:s31+$0x8530];
	v31 =	vmul.f32 v23, v13  }
0x186: {  	v22 =	vld [tilespmem:s31+$0x4530];
	v3 =	vadd.f32 v9, v4;
	v4 =	vadd.f32 v11, v5;
	v5 =	vmul.f32 v7, v38  }
0x187: {  	v7 =	vld [tilespmem:$0x1FB80];
	v2 =	vadd.f32 v31, v2;
	v23 =	vmul.f32 v41, v38  }
0x188: {  	v60 =	vld [tilespmem:s31+$0x6530];
	v4 =	vadd.f32 v5, v4;
	v5 =	vmul.f32 v20, v6;
	v11 =	vmul.f32 v45, v8  }
0x189: {  	v10 =	vadd.f32 v23, v2;
	v23 =	vmul.f32 v24, v38;
	v24 =	vld [tilespmem:$0x1FBB0]  }
0x18a: {  	v42 =	vperm.xlane v16, v0;
	v45 =	vadd.f32 v11, v3;
	v3 =	vadd.f32 v5, v14;
	v5 =	vld [tilespmem:$0x1FBA0]  }
0x18b: {  	v20 =	vld [tilespmem:s31+$0x540]  }
0x18c: {  	v12 =	vmul.f32 v7, v42;
	v31 =	vld [tilespmem:s31+$0x2540]  }
0x18d: {  	v41 =	vld [tilespmem:s31+$0x4540];
	v14 =	vmul.f32 v27, v6  }
0x18e: {  	v7 =	vmul.f32 v15, v42;
	v15 =	vld [tilespmem:$0x1FBF0];
	v12 =	vadd.f32 v12, v4  }
0x18f: {  	v6 =	vadd.f32 v14, v28;
	v28 =	vmul.f32 v24, v13;
	v5 =	vmul.f32 v5, v13;
	v13 =	vld [tilespmem:$0x1FBD0]  }
0x190: {  	[tilespmem:$0x1FF40] =	vst v12;
	v12 =	vld [tilespmem:$0x1FBC0];
	v7 =	vadd.f32 v7, v10  }
0x191: {  	v11 =	vimm.s32 $0x8;
	v27 =	vld [tilespmem:s31+$0x8550]  }
0x192: {  	v2 =	vperm.xlane v19, v11;
	[tilespmem:$0x1FF50] =	vst v7;
	v7 =	vld [tilespmem:$0x1FC20];
	v3 =	vadd.f32 v5, v3  }
0x193: {  	[tilespmem:$0x1FF30] =	vst v45;
	v45 =	vld [tilespmem:s31+$0x6540]  }
0x194: {  	v1 =	vperm.xlane v18, v11;
	v8 =	vadd.f32 v23, v3;
	v23 =	vmul.f32 v13, v2;
	v13 =	vld [tilespmem:$0x1FBE0]  }
0x195: {  	v14 =	vld [tilespmem:s31+$0x550];
	v24 =	vmul.f32 v21, v42  }
0x196: {  	v21 =	vmul.f32 v15, v1;
	v15 =	vld [tilespmem:s31+$0x560];
	v9 =	vmul.f32 v12, v38;
	v6 =	vadd.f32 v28, v6  }
0x197: {  	v38 =	vld [tilespmem:s31+$0x2550]  }
0x198: {  	v12 =	vld [tilespmem:$0x1FC30];
	v9 =	vadd.f32 v9, v6  }
0x199: {  	v3 =	vadd.f32 v24, v8;
	v24 =	vld [tilespmem:$0x1FC00];
	v5 =	vadd.f32 v23, v13;
	v13 =	vmul.f32 v30, v42  }
0x19a: {  	v6 =	vld [tilespmem:$0x1FC10]  }
0x19b: {  	v4 =	vadd.f32 v21, v5;
	v5 =	vadd.f32 v13, v9;
	v13 =	vld [tilespmem:$0x1FC70]  }
0x19c: {  	v30 =	vld [tilespmem:$0x1FC40]  }
0x19d: {  	v0 =	vperm.xlane v17, v11;
	v42 =	vld [tilespmem:$0x1FC50]  }
0x19e: {  	v10 =	vmul.f32 v12, v1;
	v12 =	vld [tilespmem:$0x1FC60];
	v8 =	vmul.f32 v24, v2  }
0x19f: {  	v28 =	vld [tilespmem:s31+$0x4550];
	v6 =	vmul.f32 v6, v0  }
0x1a0: {  	[tilespmem:$0x1FF60] =	vst v3;
	v3 =	vperm.xlane v16, v11;
	v8 =	vadd.f32 v8, v7;
	v9 =	vmul.f32 v13, v1;
	v13 =	vld [tilespmem:$0x1FC80]  }
0x1a1: {  	v62 =	vmul.f32 v62, v2;
	v23 =	vld [tilespmem:s31+$0x6550];
	v6 =	vadd.f32 v6, v4  }
0x1a2: {  	v24 =	vld [tilespmem:s31+$0x8560];
	v8 =	vadd.f32 v10, v8;
	v10 =	vmul.f32 v30, v3;
	v4 =	vmul.f32 v42, v0  }
0x1a3: {  	v11 =	vimm.s32 $0x9;
	v21 =	vld [tilespmem:s31+$0x2560];
	[tilespmem:$0x1FF70] =	vst v5;
	v5 =	vadd.f32 v62, v12;
	v30 =	vmul.f32 v44, v2  }
0x1a4: {  	v62 =	vld [tilespmem:s31+$0x8570];
	v6 =	vadd.f32 v10, v6;
	v7 =	vadd.f32 v4, v8;
	v8 =	vmul.f32 v56, v0  }
0x1a5: {  	v5 =	vadd.f32 v9, v5;
	v9 =	vperm.xlane v19, v11;
	v10 =	vadd.f32 v30, v13;
	v13 =	vld [tilespmem:$0x1FCB0]  }
0x1a6: {  	v12 =	vld [tilespmem:s31+$0x570]  }
0x1a7: {  	v4 =	vld [tilespmem:$0x1FCA0];
	[tilespmem:$0x1FF80] =	vst v6;
	v6 =	vmul.f32 v53, v0;
	v5 =	vadd.f32 v8, v5;
	v8 =	vmul.f32 v37, v9  }
0x1a8: {  	v53 =	vld [tilespmem:$0x1FC90];
	v30 =	vmul.f32 v59, v1;
	v1 =	vperm.xlane v18, v11  }
0x1a9: {  	[tilespmem:$0x1FE30] =	vst v23;
	v23 =	vld [tilespmem:s31+$0x4560]  }
0x1aa: {  	v42 =	vld [tilespmem:s31+$0x6560];
	v10 =	vadd.f32 v30, v10;
	v54 =	vmul.f32 v54, v1;
	v30 =	vadd.f32 v8, v13  }
0x1ab: {  	v44 =	vld [tilespmem:s31+$0x2570]  }
0x1ac: {  	v2 =	vmul.f32 v4, v3;
	v4 =	vadd.f32 v54, v30;
	v54 =	vld [tilespmem:$0x1FCC0]  }
0x1ad: {  	v37 =	vmul.f32 v53, v3;
	v6 =	vadd.f32 v6, v10;
	v10 =	vmul.f32 v39, v1;
	v39 =	vld [tilespmem:$0x1FCE0]  }
0x1ae: {  	v56 =	vld [tilespmem:s31+$0x6570]  }
0x1af: {  	v0 =	vperm.xlane v17, v11;
	v59 =	vld [tilespmem:s31+$0x4570];
	v7 =	vadd.f32 v37, v7  }
0x1b0: {  	v53 =	vld [tilespmem:s31+$0x8580];
	v2 =	vadd.f32 v2, v5  }
0x1b1: {  	v5 =	vld [tilespmem:$0x1FD00];
	[tilespmem:$0x1FF90] =	vst v7;
	v7 =	vmul.f32 v54, v0  }
0x1b2: {  	[tilespmem:$0x1FFA0] =	vst v2;
	v2 =	vmul.f32 v25, v9;
	v25 =	vld [tilespmem:s31+$0x2580];
	v3 =	vmul.f32 v39, v3  }
0x1b3: {  	v4 =	vadd.f32 v7, v4;
	v7 =	vmul.f32 v33, v9;
	v33 =	vld [tilespmem:$0x1FCF0]  }
0x1b4: {  	v30 =	vld [tilespmem:$0x1FCD0];
	v3 =	vadd.f32 v3, v6  }
0x1b5: {  	v37 =	vld [tilespmem:s31+$0x4580]  }
0x1b6: {  	v54 =	vperm.xlane v16, v11;
	[tilespmem:$0x1FFB0] =	vst v3;
	v3 =	vadd.f32 v7, v61;
	v7 =	vld [tilespmem:$0x1FD10]  }
0x1b7: {  	v50 =	vmul.f32 v50, v1;
	v1 =	vmul.f32 v49, v1;
	v49 =	vld [tilespmem:$0x1FD40]  }
0x1b8: {  	v13 =	vld [tilespmem:s31+$0x580];
	v33 =	vmul.f32 v33, v54  }
0x1b9: {  	v8 =	vld [tilespmem:s31+$0x590];
	v2 =	vadd.f32 v2, v30  }
0x1ba: {  	v39 =	vld [tilespmem:s31+$0x8590];
	v11 =	vimm.s32 $0xA;
	v4 =	vadd.f32 v33, v4  }
0x1bb: {  	v30 =	vld [tilespmem:s31+$0x6580];
	v10 =	vadd.f32 v10, v2;
	v2 =	vmul.f32 v5, v0;
	v6 =	vmul.f32 v7, v0  }
0x1bc: {  	v3 =	vadd.f32 v50, v3;
	v7 =	vperm.xlane v19, v11;
	[tilespmem:$0x1FFC0] =	vst v4;
	v4 =	vmul.f32 v32, v9;
	v32 =	vld [tilespmem:$0x1FD20]  }
0x1bd: {  	v61 =	vld [tilespmem:s31+$0x2590];
	v5 =	vadd.f32 v2, v10  }
0x1be: {  	v10 =	vmul.f32 v49, v54;
	v3 =	vadd.f32 v6, v3;
	v6 =	vmul.f32 v34, v7;
	v34 =	vld [tilespmem:$0x1FD30]  }
0x1bf: {  	v2 =	vmul.f32 v51, v0;
	v51 =	vld [tilespmem:s31+$0x5A0]  }
0x1c0: {  	v49 =	vld [tilespmem:s31+$0x25A0];
	v3 =	vadd.f32 v10, v3  }
0x1c1: {  	v50 =	vld [tilespmem:s31+$0x6590];
	v4 =	vadd.f32 v4, v32  }
0x1c2: {  	v10 =	vld [tilespmem:$0x1FD70];
	[tilespmem:$0x1FFE0] =	vst v3;
	v3 =	vmul.f32 v29, v7  }
0x1c3: {  	v0 =	vperm.xlane v17, v11;
	v1 =	vadd.f32 v1, v4;
	v4 =	vmul.f32 v34, v54;
	v34 =	vld [tilespmem:$0x1FD50]  }
0x1c4: {  	v9 =	vperm.xlane v18, v11;
	v3 =	vadd.f32 v3, v55;
	v55 =	vperm.xlane v16, v11;
	v11 =	vld [tilespmem:$0x1FDB0]  }
0x1c5: {  	v33 =	vld [tilespmem:s31+$0x4590]  }
0x1c6: {  	v29 =	vld [tilespmem:s31+$0x65A0]  }
0x1c7: {  	v48 =	vmul.f32 v48, v9;
	v32 =	vld [tilespmem:s31+$0x85A0]  }
0x1c8: {  	v10 =	vmul.f32 v10, v54;
	v54 =	vmul.f32 v40, v7;
	v40 =	vld [tilespmem:s31+$0x25B0];
	v6 =	vadd.f32 v6, v34  }
0x1c9: {  	[tilespmem:s31+$0xA2C0] =	vst v11;
	v11 =	vld [tilespmem:$0x1FDC0]  }
0x1ca: {  	v1 =	vadd.f32 v2, v1;
	v2 =	vadd.f32 v48, v6;
	v48 =	vld [tilespmem:$0x1FD60]  }
0x1cb: {  	v4 =	vadd.f32 v4, v5;
	v5 =	vmul.f32 v43, v9;
	v43 =	vld [tilespmem:$0x1FD80]  }
0x1cc: {  	v1 =	vadd.f32 v10, v1;
	v10 =	vmul.f32 v47, v9;
	v47 =	vld [tilespmem:s31+$0x65B0]  }
0x1cd: {  	v54 =	vadd.f32 v54, v63;
	[tilespmem:$0x1FFD0] =	vst v4;
	v34 =	vld [tilespmem:s31+$0x45A0]  }
0x1ce: {  	[tilespmem:s31+$0xA2D0] =	vst v11;
	v11 =	vld [tilespmem:$0x1FDF0]  }
0x1cf: {  	[tilespmem:$0x1FFF0] =	vst v1;
	v1 =	vadd.f32 v10, v54;
	v10 =	vld [tilespmem:s31+$0x65C0];
	v4 =	vmul.f32 v48, v0  }
0x1d0: {  	v57 =	vmul.f32 v57, v0;
	v6 =	vld [tilespmem:s31+$0x5B0]  }
0x1d1: {  	v3 =	vadd.f32 v5, v3;
	v5 =	vmul.f32 v43, v55;
	v43 =	vld [tilespmem:s31+$0x45B0];
	v2 =	vadd.f32 v4, v2  }
0x1d2: {  	v63 =	vimm.s32 $0xB;
	v48 =	vld [tilespmem:s31+$0x85B0]  }
0x1d3: {  	[tilespmem:s31+$0xA300] =	vst v11;
	v11 =	vld [tilespmem:$0x1FE00];
	v4 =	vadd.f32 v5, v2;
	v2 =	vadd.f32 v57, v3;
	v3 =	vmul.f32 v26, v7  }
0x1d4: {  	v26 =	vld [tilespmem:s31+$0x85C0];
	v5 =	vmul.f32 v52, v0;
	v52 =	vperm.xlane v19, v63  }
0x1d5: {  	v57 =	vld [tilespmem:s31+$0x5C0]  }
0x1d6: {  	v3 =	vadd.f32 v3, v46;
	v46 =	vmul.f32 v36, v9;
	v54 =	vmul.f32 v20, v52;
	v20 =	vld [tilespmem:$0x1FD90]  }
0x1d7: {  	v9 =	vmul.f32 v22, v0;
	v36 =	vld [tilespmem:s31+$0x25C0];
	v0 =	vadd.f32 v5, v1;
	v5 =	vperm.xlane v18, v63  }
0x1d8: {  	v22 =	vld [tilespmem:s31+$0x45C0];
	v3 =	vadd.f32 v46, v3;
	v46 =	vmul.f32 v58, v55  }
0x1d9: {  	[tilespmem:s31+$0xA310] =	vst v11;
	v11 =	vld [tilespmem:$0x1FE10];
	v1 =	vadd.f32 v54, v35;
	v31 =	vmul.f32 v31, v5  }
0x1da: {  	v0 =	vadd.f32 v46, v0;
	v46 =	vld [tilespmem:s31+$0x5D0]  }
0x1db: {  	v1 =	vadd.f32 v31, v1;
	v31 =	vld [tilespmem:s31+$0x25D0];
	v7 =	vmul.f32 v20, v55  }
0x1dc: {  	v14 =	vmul.f32 v14, v52;
	v58 =	vperm.xlane v17, v63;
	v3 =	vadd.f32 v9, v3;
	v9 =	vld [tilespmem:$0x1FDA0]  }
0x1dd: {  	v20 =	vld [tilespmem:s31+$0x85D0];
	v54 =	vadd.f32 v7, v2  }
0x1de: {  	v7 =	vmul.f32 v41, v58;
	v2 =	vadd.f32 v14, v27;
	v27 =	vperm.xlane v16, v63;
	v14 =	vld [tilespmem:s31+$0x45D0]  }
0x1df: {  	v41 =	vmul.f32 v60, v55;
	v55 =	vmul.f32 v15, v52;
	v15 =	vld [tilespmem:s31+$0x65D0]  }
0x1e0: {  	v52 =	vmul.f32 v12, v52;
	v12 =	vld [tilespmem:s31+$0x25E0]  }
0x1e1: {  	v63 =	vmul.f32 v45, v27;
	v45 =	vld [tilespmem:s31+$0x85E0]  }
0x1e2: {  	[tilespmem:s31+$0xA2B0] =	vst v9;
	v9 =	vmul.f32 v38, v5;
	v35 =	vadd.f32 v55, v24;
	v24 =	vld [tilespmem:s31+$0x5E0]  }
0x1e3: {  	v21 =	vmul.f32 v21, v5;
	v28 =	vmul.f32 v28, v58;
	v60 =	vimm.s32 $0xC;
	v38 =	vld [tilespmem:s31+$0x65E0]  }
0x1e4: {  	v1 =	vadd.f32 v7, v1;
	v5 =	vmul.f32 v44, v5;
	v44 =	vld [tilespmem:s31+$0x85F0];
	v2 =	vadd.f32 v9, v2  }
0x1e5: {  	v55 =	vmul.f32 v23, v58;
	v23 =	vperm.xlane v19, v60;
	v9 =	vld [tilespmem:$0x1FDD0]  }
0x1e6: {  	v7 =	vadd.f32 v63, v1;
	v1 =	vadd.f32 v28, v2;
	v28 =	vld [tilespmem:s31+$0x45E0]  }
0x1e7: {  	v6 =	vmul.f32 v6, v23;
	v2 =	vadd.f32 v52, v62;
	v52 =	vld [tilespmem:s31+$0x5F0]  }
0x1e8: {  	v62 =	vld [tilespmem:$0x1FE40]  }
0x1e9: {  	v6 =	vadd.f32 v6, v48;
	v48 =	vld [tilespmem:s31+$0x2610]  }
0x1ea: {  	[tilespmem:s31+$0xA2E0] =	vst v9;
	v9 =	vadd.f32 v41, v3;
	v41 =	vld [tilespmem:$0x1FDE0]  }
0x1eb: {  	v3 =	vadd.f32 v21, v35;
	v35 =	vmul.f32 v59, v58;
	v58 =	vld [tilespmem:$0x1FE20]  }
0x1ec: {  	[tilespmem:s31+$0xA320] =	vst v11;
	v11 =	vmul.f32 v13, v23;
	v2 =	vadd.f32 v5, v2;
	v21 =	vperm.xlane v18, v60;
	v59 =	vld [tilespmem:$0x1FE30]  }
0x1ed: {  	v3 =	vadd.f32 v55, v3;
	v55 =	vld [tilespmem:s31+$0x25F0]  }
0x1ee: {  	v11 =	vadd.f32 v11, v53;
	v63 =	vmul.f32 v25, v21;
	v2 =	vadd.f32 v35, v2;
	v35 =	vld [tilespmem:s31+$0x65F0]  }
0x1ef: {  	[tilespmem:s31+$0xA340] =	vst v62;
	v62 =	vld [tilespmem:$0x1FE70]  }
0x1f0: {  	v11 =	vadd.f32 v63, v11;
	v63 =	vmul.f32 v61, v21;
	v61 =	vld [tilespmem:$0x1FEA0]  }
0x1f1: {  	v42 =	vmul.f32 v42, v27;
	[tilespmem:s31+$0xA2F0] =	vst v41;
	v5 =	vmul.f32 v59, v27;
	v41 =	vld [tilespmem:$0x1FE50]  }
0x1f2: {  	[tilespmem:s31+$0xA330] =	vst v58;
	v58 =	vld [tilespmem:$0x1FE60];
	v27 =	vmul.f32 v56, v27;
	v56 =	vmul.f32 v51, v23  }
0x1f3: {  	v1 =	vadd.f32 v5, v1;
	v5 =	vadd.f32 v42, v3;
	v42 =	vmul.f32 v8, v23;
	v8 =	vld [tilespmem:s31+$0x45F0]  }
0x1f4: {  	v13 =	vadd.f32 v56, v32;
	v32 =	vld [tilespmem:s31+$0x4600]  }
0x1f5: {  	v53 =	vperm.xlane v17, v60;
	v23 =	vld [tilespmem:s31+$0x6600]  }
0x1f6: {  	[tilespmem:s31+$0xA370] =	vst v62;
	v62 =	vmul.f32 v49, v21;
	v49 =	vld [tilespmem:$0x1FEC0]  }
0x1f7: {  	v56 =	vmul.f32 v34, v53;
	v34 =	vld [tilespmem:s31+$0x8610]  }
0x1f8: {  	v21 =	vmul.f32 v40, v21;
	v40 =	vld [tilespmem:s31+$0x610]  }
0x1f9: {  	v3 =	vadd.f32 v42, v39;
	v42 =	vld [tilespmem:s31+$0x8600]  }
0x1fa: {  	v39 =	vperm.xlane v16, v60;
	v60 =	vmul.f32 v33, v53;
	v33 =	vld [tilespmem:s31+$0x2600]  }
0x1fb: {  	v13 =	vadd.f32 v62, v13;
	v62 =	vld [tilespmem:$0x1FEF0]  }
0x1fc: {  	v51 =	vimm.s32 $0xD;
	v6 =	vadd.f32 v21, v6;
	v21 =	vld [tilespmem:s31+$0x6620]  }
0x1fd: {  	v2 =	vadd.f32 v27, v2;
	v27 =	vperm.xlane v19, v51;
	[tilespmem:s31+$0xA350] =	vst v41;
	v41 =	vld [tilespmem:$0x1FE80]  }
0x1fe: {  	[tilespmem:s31+$0xA360] =	vst v58;
	v58 =	vld [tilespmem:$0x1FE90]  }
0x1ff: {  	v59 =	vmul.f32 v37, v53;
	[tilespmem:s31+$0xA3A0] =	vst v61;
	v61 =	vmul.f32 v57, v27;
	v37 =	vadd.f32 v63, v3;
	v63 =	vld [tilespmem:$0x1FEB0]  }
0x200: {  	v13 =	vadd.f32 v56, v13;
	v56 =	vld [tilespmem:$0x1FF10]  }
0x201: {  	v24 =	vmul.f32 v24, v27;
	v25 =	vadd.f32 v61, v26;
	v26 =	vld [tilespmem:s31+$0x620]  }
0x202: {  	v57 =	vmul.f32 v46, v27;
	v61 =	vld [tilespmem:$0x1FF40]  }
0x203: {  	v24 =	vadd.f32 v24, v45;
	v45 =	vld [tilespmem:$0x1FF70]  }
0x204: {  	v11 =	vadd.f32 v59, v11;
	v59 =	vmul.f32 v30, v39;
	v20 =	vadd.f32 v57, v20;
	v57 =	vld [tilespmem:$0x1FFC0]  }
0x205: {  	v29 =	vmul.f32 v29, v39;
	[tilespmem:s31+$0xA3C0] =	vst v49;
	v49 =	vld [tilespmem:s31+$0x4610]  }
0x206: {  	v3 =	vadd.f32 v59, v11;
	v11 =	vadd.f32 v60, v37;
	v60 =	vld [tilespmem:$0x1FEE0]  }
0x207: {  	v13 =	vadd.f32 v29, v13;
	v29 =	vld [tilespmem:s31+$0x8620]  }
0x208: {  	[tilespmem:s31+$0xA3F0] =	vst v62;
	v62 =	vld [tilespmem:$0x1FF50]  }
0x209: {  	v59 =	vmul.f32 v43, v53;
	[tilespmem:s31+$0xA380] =	vst v41;
	v41 =	vld [tilespmem:s31+$0x600]  }
0x20a: {  	v43 =	vperm.xlane v18, v51;
	[tilespmem:s31+$0xA390] =	vst v58;
	v58 =	vld [tilespmem:$0x1FED0]  }
0x20b: {  	v37 =	vperm.xlane v16, v51;
	v6 =	vadd.f32 v59, v6;
	v59 =	vld [tilespmem:$0x1FF30]  }
0x20c: {  	v53 =	vmul.f32 v36, v43;
	v36 =	vperm.xlane v17, v51;
	v51 =	vld [tilespmem:$0x1FF80]  }
0x20d: {  	[tilespmem:s31+$0xA3B0] =	vst v63;
	v63 =	vmul.f32 v50, v39;
	v50 =	vld [tilespmem:$0x1FF00]  }
0x20e: {  	[tilespmem:s31+$0xA470] =	vst v45;
	v45 =	vld [tilespmem:s31+$0x6630]  }
0x20f: {  	[tilespmem:s31+$0xA410] =	vst v56;
	v39 =	vmul.f32 v47, v39;
	v56 =	vld [tilespmem:$0x1FFB0]  }
0x210: {  	v47 =	vmul.f32 v52, v27;
	v52 =	vmul.f32 v28, v36;
	v28 =	vld [tilespmem:s31+$0x2630]  }
0x211: {  	v25 =	vadd.f32 v53, v25;
	v22 =	vmul.f32 v22, v36;
	v53 =	vld [tilespmem:$0x1FF90]  }
0x212: {  	v14 =	vmul.f32 v14, v36;
	v8 =	vmul.f32 v8, v36;
	v36 =	vld [tilespmem:s31+$0x8640]  }
0x213: {  	[tilespmem:s31+$0xA3E0] =	vst v60;
	v60 =	vmul.f32 v31, v43;
	v31 =	vld [tilespmem:s31+$0x2620]  }
0x214: {  	[tilespmem:s31+$0xA500] =	vst v4;
	v11 =	vadd.f32 v63, v11;
	v63 =	vld [tilespmem:$0x1FF60]  }
0x215: {  	[tilespmem:s31+$0xA520] =	vst v0;
	v12 =	vmul.f32 v12, v43;
	v6 =	vadd.f32 v39, v6;
	v39 =	vld [tilespmem:s31+$0x8630]  }
0x216: {  	[tilespmem:s31+$0xA510] =	vst v54;
	v43 =	vmul.f32 v55, v43;
	v55 =	vld [tilespmem:$0x1FFA0]  }
0x217: {  	[tilespmem:s31+$0xA540] =	vst v7;
	v12 =	vadd.f32 v12, v24;
	v22 =	vadd.f32 v22, v25;
	v25 =	vld [tilespmem:s31+$0x4620]  }
0x218: {  	[tilespmem:s31+$0xA450] =	vst v62;
	v62 =	vld [tilespmem:$0x1FFF0]  }
0x219: {  	[tilespmem:s31+$0xA530] =	vst v9;
	v12 =	vadd.f32 v52, v12;
	v52 =	vld [tilespmem:s31+$0x2650]  }
0x21a: {  	v46 =	vimm.s32 $0xE;
	[tilespmem:s31+$0xA3D0] =	vst v58;
	v58 =	vld [tilespmem:$0x1FF20]  }
0x21b: {  	[tilespmem:s31+$0xA550] =	vst v1;
	v10 =	vmul.f32 v10, v37;
	v27 =	vperm.xlane v19, v46;
	v20 =	vadd.f32 v60, v20;
	v60 =	vld [tilespmem:$0x1FFE0]  }
0x21c: {  	v54 =	vimm.s32 $0xF;
	v15 =	vmul.f32 v15, v37;
	v38 =	vmul.f32 v38, v37;
	[tilespmem:s31+$0xA400] =	vst v50;
	v50 =	vld [tilespmem:s31+$0x6610]  }
0x21d: {  	[tilespmem:s31+$0xA440] =	vst v61;
	v24 =	vperm.xlane v18, v46;
	v41 =	vmul.f32 v41, v27;
	v10 =	vadd.f32 v10, v22;
	v22 =	vld [tilespmem:s31+$0x630]  }
0x21e: {  	[tilespmem:s31+$0xA430] =	vst v59;
	v59 =	vmul.f32 v40, v27;
	v40 =	vperm.xlane v16, v46;
	v12 =	vadd.f32 v38, v12;
	v38 =	vld [tilespmem:s31+$0x2640]  }
0x21f: {  	v26 =	vmul.f32 v26, v27;
	[tilespmem:s31+$0xA480] =	vst v51;
	v14 =	vadd.f32 v14, v20;
	v20 =	vadd.f32 v47, v44;
	v44 =	vld [tilespmem:s31+$0x4630]  }
0x220: {  	v33 =	vmul.f32 v33, v24;
	[tilespmem:s31+$0xA590] =	vst v11;
	v41 =	vadd.f32 v41, v42;
	v42 =	vld [tilespmem:s31+$0x640];
	v23 =	vmul.f32 v23, v40  }
0x221: {  	v51 =	vadd.f32 v26, v29;
	v47 =	vld [tilespmem:s31+$0x8650];
	v11 =	vmul.f32 v21, v40;
	[tilespmem:s31+$0xA460] =	vst v63;
	v63 =	vmul.f32 v48, v24  }
0x222: {  	[tilespmem:s31+$0xA4A0] =	vst v55;
	v55 =	vld [tilespmem:s31+$0x4650];
	v20 =	vadd.f32 v43, v20;
	v43 =	vperm.xlane v17, v46;
	v14 =	vadd.f32 v15, v14  }
0x223: {  	[tilespmem:s31+$0xA490] =	vst v53;
	v61 =	vadd.f32 v33, v41;
	v33 =	vld [tilespmem:s31+$0x4640];
	v46 =	vmul.f32 v35, v37;
	v35 =	vperm.xlane v17, v54  }
0x224: {  	v15 =	vadd.f32 v59, v34;
	v37 =	vld [tilespmem:s31+$0x670];
	[tilespmem:s31+$0xA4E0] =	vst v60;
	v60 =	vmul.f32 v28, v24;
	v32 =	vmul.f32 v32, v43  }
0x225: {  	[tilespmem:s31+$0xA420] =	vst v58;
	v58 =	vld [tilespmem:$0x1FFD0];
	v8 =	vadd.f32 v8, v20;
	v48 =	vmul.f32 v49, v43;
	v53 =	vmul.f32 v22, v27  }
0x226: {  	[tilespmem:s31+$0xA4B0] =	vst v56;
	v28 =	vld [tilespmem:s31+$0x660];
	v15 =	vadd.f32 v63, v15;
	v56 =	vmul.f32 v50, v40;
	v59 =	vmul.f32 v25, v43  }
0x227: {  	[tilespmem:s31+$0xA560] =	vst v5;
	v63 =	vperm.xlane v18, v54;
	v0 =	vadd.f32 v46, v8;
	v8 =	vmul.f32 v31, v24;
	v31 =	vld [tilespmem:s31+$0x2660]  }
0x228: {  	[tilespmem:s31+$0xA570] =	vst v2;
	v40 =	vmul.f32 v45, v40;
	v30 =	vmul.f32 v44, v43;
	v20 =	vadd.f32 v32, v61;
	v46 =	vld [tilespmem:s31+$0x4670]  }
0x229: {  	[tilespmem:s31+$0xA580] =	vst v3;
	v49 =	vld [tilespmem:s31+$0x650];
	v15 =	vadd.f32 v48, v15;
	v4 =	vadd.f32 v8, v51;
	v8 =	vperm.xlane v19, v54  }
0x22a: {  	v61 =	vld [tilespmem:s31+$0x8660];
	v44 =	vmul.f32 v52, v63;
	[tilespmem:s31+$0xA4D0] =	vst v58;
	v9 =	vadd.f32 v23, v20;
	v58 =	vadd.f32 v53, v39  }
0x22b: {  	[tilespmem:s31+$0xA4F0] =	vst v62;
	v43 =	vld [tilespmem:s31+$0x2670];
	v62 =	vadd.f32 v56, v15;
	v25 =	vmul.f32 v42, v8;
	v29 =	vadd.f32 v59, v4  }
0x22c: {  	[tilespmem:s31+$0xA5A0] =	vst v13;
	v39 =	vld [tilespmem:s31+$0x8670];
	v1 =	vadd.f32 v60, v58;
	v42 =	vmul.f32 v33, v35;
	v45 =	vmul.f32 v28, v8  }
0x22d: {  	[tilespmem:s31+$0xA4C0] =	vst v57;
	v41 =	vld [tilespmem:s31+$0x6640];
	v50 =	vmul.f32 v31, v63;
	v3 =	vmul.f32 v46, v35;
	v15 =	vadd.f32 v25, v36  }
0x22e: {  	[tilespmem:s31+$0xA5B0] =	vst v6;
	v36 =	vmul.f32 v38, v63;
	v38 =	vmul.f32 v49, v8;
	v2 =	vadd.f32 v11, v29;
	v11 =	vld [tilespmem:s31+$0x4660]  }
0x22f: {  	v57 =	vld [tilespmem:s31+$0x6650];
	[tilespmem:s31+$0xA5C0] =	vst v10;
	v1 =	vadd.f32 v30, v1;
	v8 =	vmul.f32 v37, v8;
	v13 =	vadd.f32 v45, v61  }
0x230: {  	[tilespmem:s31+$0xA5E0] =	vst v12;
	v48 =	vld [tilespmem:s31+$0x6660];
	v49 =	vperm.xlane v16, v54;
	v15 =	vadd.f32 v36, v15;
	v4 =	vadd.f32 v38, v47  }
0x231: {  	[tilespmem:s31+$0xA5D0] =	vst v14;
	v51 =	vld [tilespmem:s31+$0x6670];
	v54 =	vmul.f32 v43, v63;
	v1 =	vadd.f32 v40, v1;
	v53 =	vadd.f32 v8, v39  }
0x232: {  	[tilespmem:s31+$0xA5F0] =	vst v0;
	v47 =	vmul.f32 v55, v35;
	v55 =	vadd.f32 v50, v13;
	v4 =	vadd.f32 v44, v4  }
0x233: {  	[tilespmem:s31+$0xA600] =	vst v9;
	v8 =	vmul.f32 v41, v49;
	v10 =	vadd.f32 v42, v15;
	v9 =	vmul.f32 v11, v35  }
0x234: {  	[tilespmem:s31+$0xA610] =	vst v62;
	v56 =	vmul.f32 v57, v49;
	v52 =	vadd.f32 v47, v4;
	v4 =	vadd.f32 v54, v53  }
0x235: {  	p0 =	sne.s32 s25, $0x7;
	[tilespmem:s31+$0xA620] =	vst v2;
	v59 =	vmul.f32 v48, v49;
	v57 =	vadd.f32 v8, v10;
	v58 =	vadd.f32 v9, v55  }
.Ltmp0:
0x236: {  	v61 =	vmul.f32 v51, v49;
	[tilespmem:s31+$0xA630] =	vst v1;
	v0 =	vadd.f32 v56, v52;
	v60 =	vadd.f32 v3, v4;
	(pc) =	sbr.rel @p0 .LBB2_3-.Ltmp0, $4  }
0x237: {  	[tilespmem:s31+$0xA640] =	vst v57;
	v62 =	vadd.f32 v59, v58  }
0x238: {  	[tilespmem:s31+$0xA650] =	vst v0;
	v63 =	vadd.f32 v61, v60  }
0x239: {  	[tilespmem:s31+$0xA660] =	vst v62  }
0x23a: {  	s25 =	sadd.s32 $0x1, s25;
	v9 =	vimm.s32 $0x0;
	[tilespmem:s31+$0xA670] =	vst v63  }
0x23b: {  	s23 =	sadd.s32 $0x1, s23  }
0x23c: {  	s24 =	sshll.u32 s24, $0x3;
	p0 =	sne.s32 s23, $0x32  }
.Ltmp1:
0x23d: {  	s24 =	sadd.s32 s1, s24;
	(pc) =	sbr.rel @p0 .LBB2_2-.Ltmp1, $4  }
0x23e: {  	[hbm4b:s24+s2] =	stream.linear.scatter [tilespmem:s21], [sflag:$0x2], $0x2000, $0x38;
	[tilespmem:$0xC280] =	vst v63  }
0x23f: {  	_ =	swait.ge [sflag:s10], $0x2000  }
0x240: {  	[sflag:s10] =	ssyncset.done $0x0  }
0x241: {  	[sflag:s10] =	ssyncadd.s32 $0xFFFFE000  }
0x242: {  	s22 =	sadd.s32 $0x1, s22  }
0x243: {  	p0 =	sne.s32 s22, s9  }
.Ltmp2:
0x244: {  	_ = 	snop;
	(pc) =	sbr.rel @p0 .LBB2_1-.Ltmp2, $1  }
0x245: {  	_ =	sdelay $0x3  }
0x246: {  	_ =	sfence.sel $0x180000  }
0x247: {  	[bflag:$0x0] =	sbarrier.arrive $0xFFFF  }
0x248: {  	p0 =	sne.s32 s3, $0x0;
	_ =	strace $0x90000047  }
0x249: {  	s0 =	sadd.s32 @!p0 $0x100000, s0;
	[bflag:$0x2] =	sbarrier.arrive $0xFFFF  }
0x24a: {  	[sflag:s0] =	ssyncadd.tile.s32 @!p0 $0x1;
	_ =	shalt  }
.Lfunc_end2:
_tile_overlayer_lowered:
.L_overlay_start_2:
0x24b: {  	(tag) =	ssettag $0x2  }
0x24c: {  	s0 =	rddreg [dreg:$0x0];
	s2 =	stileid.u32  }
0x24d: {  	s1 =	rddreg [dreg:$0x1];
	p0 =	sne.s32 s2, $0x0  }
0x24e: {  	s3 =	rddreg [dreg:$0x2];
	[bflag:$0x3] =	sbarrier.arrive $0xFFFF;
	s2 =	simm.s32 @!p0 $0x1C02  }
0x24f: {  	[timem:s3], [sflag:s2] =	dma.local @!p0 [hbm:s0], s1  }
0x250: {  	s0 =	simm.s32 @!p0 $0x2  }
0x251: {  	_ =	swait.ge @!p0 [sflag:s0], s1  }
0x252: {  	s1 =	ssub.s32 @!p0 $0x0, s1;
	[sflag:s0] =	ssyncset.done @!p0 $0x0  }
0x253: {  	[sflag:s0] =	ssyncadd.s32 @!p0 s1  }
0x254: {  	[bflag:$0x3] =	sbarrier.arrive $0xFFFF  }
0x255: {  	_ =	shalt  }

// kernel: sparse-core-data-format-call.cloned.1.call-start
scs
called_computation_lowered:
.L_overlay_start_0:
0x0: {  	s2 =	sld [smem:$0x3FD9]  }
0x1: {  	s3 =	sld [smem:$0x3FFE];
	_ =	sdelay $0x1  }
0x2: {  	s1 =	srdreg.scid  }
0x3: {  	s0 =	sand.u32 $0x1, s1  }
0x4: {  	s18 =	sshll.u32 s0, $0xA;
	s2 =	sadd.s32 s3, s2  }
0x5: {  	s2 =	sadd.s32 s2, s18  }
0x6: {  	[smem:$0x3FC4] =	sst s2  }
0x7: {  	_ = 	snop  }
0x8: {  	s2 =	sld [smem:$0x3FD0];
	(tm) =	ssettm $0x1  }
0x9: {  	s19 =	sld [smem:$0x3FFB];
	_ =	sdelay $0x3  }
0xa: {  	_ =	strace s19  }
0xb: {  	s3 =	sld [smem:$0x3FFC];
	_ =	sdelay $0x3  }
0xc: {  	_ =	strace s3  }
0xd: {  	s3 =	sld [smem:$0x3FFD];
	_ =	sdelay $0x3  }
0xe: {  	_ =	strace s3  }
0xf: {  	_ =	strace $0x8FFFFFFF  }
0x10: {  	s20 =	sld [smem:$0x3FDB];
	_ =	sdelay $0x1  }
0x11: {  	s4 =	simm.s32 $_scs_section_size  }
0x12: {  	s5 =	simm.s32 $_size__tile_overlayer_lowered;
	s6 =	simm.s32 $_tile_overlayer_lowered  }
0x13: {  	s23 =	simm.s32 $0x1BFF;
	s22 =	sshll.u32 s6, $0x1;
	s3 =	sadd.s32 s4, s20  }
0x14: {  	s7 =	simm.s32 $0x0;
	s21 =	sshll.u32 s5, $0x1;
	s5 =	sadd.s32 s22, s3  }
0x15: {  	[timem:s7], [sflag:s23] =	dma.local [hbm:s5], s21  }
0x16: {  	_ =	swait.ge [sflag:s23], s21  }
0x17: {  	s4 =	ssub.s32 $0x0, s21;
	[sflag:s23] =	ssyncset.done $0x0  }
0x18: {  	[sflag:s23] =	ssyncadd.s32 s4;
	_ =	sdelay $0x1  }
0x19: {  	s24 =	simm.s32 $0x1B8B  }
0x1a: {  	_ =	swait.ge [sflag:s24], $0x1  }
0x1b: {  	[sflag:s24] =	ssyncset.done $0x0  }
0x1c: {  	s26 =	simm.s32 $0x1B8E;
	s25 =	sld [smem:$0x3FFE];
	[sflag:s24] =	ssyncadd.s32 $0xFFFFFFFF  }
0x1d: {  	s27 =	simm.s32 $execute0_lowered;
	[smem:$0x3FD2] =	sst s26  }
0x1e: {  	s5 =	sshll.u32 s27, $0x1;
	_ =	strace $0x80000049;
	[dreg:$0x1] =	wrdreg $0xFFFFFFFF  }
0x1f: {  	s28 =	simm.s32 $_size_execute0_lowered;
	s3 =	sadd.s32 s3, s5;
	[dreg:$0x0] =	wrdreg $0x0  }
0x20: {  	s5 =	sshll.u32 s28, $0x1;
	[dreg:$0x2] =	wrdreg s3  }
0x21: {  	[dreg:$0x3] =	wrdreg s5  }
0x22: {  	[dreg:$0x4] =	wrdreg $0xC0  }
0x23: {  	_ =	task [dreg:s7], $0x5FFFF  }
0x24: {  	[dreg:$0x1] =	wrdreg $0xFFFFFFFF  }
0x25: {  	[dreg:$0x0] =	wrdreg $0x60  }
0x26: {  	[dreg:$0x2] =	wrdreg s25  }
0x27: {  	[dreg:$0x3] =	wrdreg s2  }
0x28: {  	[dreg:$0x4] =	wrdreg $0x9  }
0x29: {  	_ =	task.clear_ibuf [dreg:s7], $0x5FFFF;
	_ =	strace $0x90000049  }
0x2a: {  	s29 =	simm.s32 $0x9;
	_ =	strace $0x8000004B  }
0x2b: {  	_ =	swait.ge [sflag:s29], $0x1  }
0x2c: {  	[sflag:s29] =	ssyncadd.s32 $0xFFFFFFFF  }
0x2d: {  	_ =	strace $0x9000004B  }
0x2e: {  	_ =	sfence  }
0x2f: {  	s30 =	sld [smem:$0x0];
	_ =	sdelay $0x2  }
0x30: {  	s31 =	sshll.u32 s1, $0xD;
	s1 =	sshrl.u32 s1, $0x2  }
0x31: {  	s3 =	sand.u32 $0x4000, s31;
	s1 =	sadd.s32 s1, s30  }
0x32: {  	s0 =	sor.u32 s3, s0;
	s1 =	sshll.u32 s1, $0x11  }
0x33: {  	s0 =	sor.u32 s1, s0  }
0x34: {  	s0 =	sadd.s32 $0x8F2B, s0  }
0x35: {  	[sflag:s0] =	ssyncadd.remote.s32 $0x1  }
0x36: {  	_ =	sfence.sel $0xFFFF  }
0x37: {  	[dreg:$0x0] =	wrdreg $0xFFFFFFFF;
	(pc) =	sbr.abs _section_cstart, $3  }
0x38: {  	[dreg:$0x1] =	wrdreg $0xFFFFFFFF  }
0x39: {  	_ =	task.clear_ibuf [dreg:s7], $0x2FFFF;
	_ =	strace $0x9FFFFFFF  }
0x3a: {  	(tm) =	ssettm $0x7FFFFFFF  }
0x3b: {  	_ =	shalt  }
tec
execute0_lowered:
.L_overlay_start_1:
0x0: {  	(tag) =	ssettag $0x1  }
0x1: {  	s0 =	stileid.u32;
	s6 =	rddreg [dreg:$0x0]  }
0x2: {  	s2 =	rddreg [dreg:$0x1];
	s5 =	srdreg.scid  }
0x3: {  	s31 =	simm.s32 $0x2;
	s13 =	simm.s32 $0x0;
	s1 =	sshll.u32 s0, $0x7  }
0x4: {  	s14 =	simm.s32 $0x0;
	s12 =	simm.s32 $0x0;
	s3 =	sand.u32 $0x380, s1  }
0x5: {  	s5 =	sshll.u32 s5, $0x4;
	s6 =	sadd.s32 $0xE00, s6;
	s4 =	ssub.s32 $0x400, s3  }
0x6: {  	s1 =	rddreg [dreg:$0x2];
	_ =	strace $0x8000004A;
	s7 =	sand.u32 $0x380, s4  }
0x7: {  	s5 =	sand.u32 $0x10, s5;
	p0 =	sne.s32 s7, $0x0;
	s7 =	simm.s32 $0x1  }
.Ltmp0:
0x8: {  	s8 =	sshrl.u32 s4, $0xA;
	s7 =	simm.s32 @!p0 $0x0;
	(pc) =	sbr.rel .LBB1_1-.Ltmp0, $4  }
0x9: {  	s9 =	sor.u32 s0, s5;
	s4 =	simm.s32 $0x1;
	s30 =	sadd.s32 s7, s8  }
0xa: {  	s11 =	smov.u32 s3;
	[sflag:s4] =	ssyncpa.u1 $0x0;
	s5 =	smul.u32 $0x32, s30  }
0xb: {  	[sflag:s31] =	ssyncpa.u1 $0x0;
	p0 =	por $0x0, $0x0;
	s7 =	sshrl.u32 s9, $0x3  }
0xc: {  	s9 =	simm.s32 $0x2000;
	s10 =	smov.u32 s7;
	s8 =	sor.u32 $0x1, s5  }
.LBB1_4:
0xd: {  	s17 =	sand.u32 $0x1F80, s14;
	s13 =	sshll.u32 s13, $0xD  }
0xe: {  	[tilespmem:s16+$0x810 ss:$0x81] =	vst.msk $0xffff, v2;
	s18 =	sshrl.u32 s14, $0x3;
	s31 =	sand.u32 $0x7, s14;
	s17 =	sadd.s32 s2, s17  }
0xf: {  	[tilespmem:s16+$0x1020 ss:$0x81] =	vst.msk $0xffff, v0;
	s18 =	sand.u32 $0xF, s18;
	s14 =	sshll.u32 s31, $0x12;
	s13 =	sadd.s32 s13, s17  }
0x10: {  	[tilespmem:s16+$0x0 ss:$0x81] =	vst.msk $0xffff, v1;
	s14 =	sor.u32 $0x400, s14;
	s13 =	sadd.s32 s18, s13  }
0x11: {  	[hbm4b:s13+s14] =	stream.strided.scatter [tilespmem:s15], [sflag:$0x2], $0x2000, s9, s14, $0x20;
	[tilespmem:$0x8080] =	vst v63  }
.LBB1_5:
0x12: {  	s15 =	sadd.s32 $0x4, s10  }
0x13: {  	s13 =	sadd.s32 $0x400, s11;
	s17 =	smov.u32 s11;
	p2 =	sgt.s32 s15, $0xC7  }
0x14: {  	s17 =	smov.u32 @p2 s13  }
0x15: {  	s15 =	smov.u32 @p2 s7;
	p2 =	sgt.s32 s17, $0x3FF  }
0x16: {  	s17 =	smov.u32 @p2 s3;
	p2 =	sne.s32 s12, s8  }
.Ltmp1:
0x17: {  	p1 =	slt.u32 s12, $0x2;
	(pc) =	sbr.rel @!p2 .LBB1_6-.Ltmp1, $4  }
0x18: {  	s16 =	simm.s32 @!p1 $0x2  }
0x19: {  	s14 =	smov.u32 s11;
	p0 =	por !p0, !p0;
	_ =	swait.ge @!p1 [sflag:s16], $0x2000  }
0x1a: {  	s13 =	smov.u32 s10;
	[sflag:s16] =	ssyncset.done @!p1 $0x0;
	s10 =	smov.u32 s15  }
0x1b: {  	s12 =	sadd.s32 $0x1, s12;
	[sflag:s16] =	ssyncadd.s32 @!p1 $0xFFFFE000;
	s11 =	smov.u32 s17  }
.LBB1_1:
0x1c: {  	p1 =	sge.u32 s12, s5  }
0x1d: {  	s15 =	sand.u32 @!p1 $0x1FFFFFF, s10  }
0x1e: {  	s16 =	smulhi.u32 @!p1 $0x147AE15, s15;
	_ =	sdelay $0x1  }
0x1f: {  	s16 =	smul.u32 @!p1 $0xC8, s16  }
0x20: {  	s17 =	sxor.u32 @!p1 $0xFFFFFFFF, s12;
	s18 =	smul.u32 @!p1 $0xC80, s11  }
0x21: {  	s31 =	sadd.s32 $0xFFFFFFFF, s12;
	s17 =	sshll.u32 @!p1 s17, $0xD;
	s15 =	ssub.s32 @!p1 s15, s16  }
0x22: {  	s16 =	sand.u32 @!p1 $0x2000, s17;
	s17 =	sadd.s32 @!p1 s6, s18;
	s15 =	sshll.u32 @!p1 s15, $0x4  }
0x23: {  	s18 =	simm.s32 @!p1 $0x6400;
	s15 =	sadd.s32 @!p1 s15, s17;
	s17 =	simm.s32 @!p1 $0x40  }
0x24: {  	[tilespmem:s16], [sflag:$0x1] =	stream.strided.gather @!p1 [hbm4b:s15+s17], $0x2000, s18, s17, $0x38;
	[tilespmem:$0x8080] =	vst v63  }
0x25: {  	p1 =	sge.u32 s31, s5  }
.Ltmp2:
0x26: {  	_ = 	snop;
	(pc) =	sbr.rel @p1 .LBB1_5-.Ltmp2, $1  }
0x27: {  	_ =	sdelay $0x3  }
0x28: {  	s15 =	simm.s32 $0x1  }
0x29: {  	_ =	swait.ge [sflag:s4], $0x2000;
	s15 =	simm.s32 @!p0 $0x0  }
0x2a: {  	[sflag:s4] =	ssyncset.done $0x0;
	s16 =	sshll.u32 s15, $0xD  }
0x2b: {  	[sflag:s4] =	ssyncadd.s32 $0xFFFFE000;
	s19 =	sor.u32 $0x20, s16  }
0x2c: {  	s15 =	smul.u32 $0x8100, s15;
	v3 =	vld [tilespmem:s19+$0x10]  }
0x2d: {  	s30 =	sand.u32 $0x1, s12;
	v2 =	vld [tilespmem:s19+$0xFFFFFFF0]  }
0x2e: {  	s16 =	smul.u32 $0x8100, s30;
	s15 =	sshrl.u32 s15, $0x2;
	v0 =	vld [tilespmem:s19+$0x0]  }
0x2f: {  	v1 =	vld [tilespmem:s19+$0xFFFFFFE0];
	s17 =	sor.u32 $0x4000, s15  }
0x30: {  	s31 =	sshrl.u32 s16, $0x2;
	s16 =	sadd.s32 $0x0, s17  }
0x31: {  	s18 =	simm.s32 $0x4;
	s19 =	sadd.s32 $0x40, s19;
	s15 =	sor.u32 $0x4000, s31;
	[tilespmem:s16+$0x1830 ss:$0x81] =	vst.msk $0xffff, v3  }
.LBB1_3:
0x32: {  	v3 =	vld [tilespmem:s19+$0x10];
	p1 =	sne.s32 s18, $0x1FC;
	[tilespmem:s16+$0x810 ss:$0x81] =	vst.msk $0xffff, v2;
	s20 =	smov.u32 s18;
	s18 =	sadd.s32 $0x4, s18  }
.Ltmp3:
0x33: {  	v2 =	vld [tilespmem:s19+$0xFFFFFFF0];
	[tilespmem:s16+$0x1020 ss:$0x81] =	vst.msk $0xffff, v0;
	(pc) =	sbr.rel @p1 .LBB1_3-.Ltmp3, $4  }
0x34: {  	v0 =	vld [tilespmem:s19+$0x0];
	[tilespmem:s16+$0x0 ss:$0x81] =	vst.msk $0xffff, v1  }
0x35: {  	s16 =	sshra.s32 s20, $0x2;
	v1 =	vld [tilespmem:s19+$0xFFFFFFE0]  }
0x36: {  	s16 =	sadd.s32 s16, s17  }
0x37: {  	s19 =	sadd.s32 $0x40, s19;
	[tilespmem:s16+$0x1830 ss:$0x81] =	vst.msk $0xffff, v3  }
.Ltmp4:
0x38: {  	_ = 	snop;
	(pc) =	sbr.rel .LBB1_4-.Ltmp4, $1  }
0x39: {  	_ =	sdelay $0x3  }
.LBB1_6:
0x3a: {  	_ =	sfence.sel $0x180000  }
0x3b: {  	s2 =	simm.s32 $0x1;
	[bflag:$0x0] =	sbarrier.arrive $0xFFFF  }
0x3c: {  	s31 =	simm.s32 $0x2;
	[sflag:s2] =	ssyncpa.u1 $0x1  }
0x3d: {  	[sflag:s31] =	ssyncpa.u1 $0x1  }
0x3e: {  	p0 =	sne.s32 s0, $0x0;
	_ =	strace $0x9000004A  }
0x3f: {  	s0 =	sadd.s32 @!p0 $0x100000, s1;
	[bflag:$0x2] =	sbarrier.arrive $0xFFFF  }
0x40: {  	[sflag:s0] =	ssyncadd.tile.s32 @!p0 $0x1;
	_ =	shalt  }
.Lfunc_end1:
_tile_overlayer_lowered:
.L_overlay_start_2:
0x41: {  	(tag) =	ssettag $0x2  }
0x42: {  	s0 =	rddreg [dreg:$0x0];
	s2 =	stileid.u32  }
0x43: {  	s1 =	rddreg [dreg:$0x1];
	p0 =	sne.s32 s2, $0x0  }
0x44: {  	s3 =	rddreg [dreg:$0x2];
	[bflag:$0x3] =	sbarrier.arrive $0xFFFF;
	s2 =	simm.s32 @!p0 $0x1C01  }
0x45: {  	[timem:s3], [sflag:s2] =	dma.local @!p0 [hbm:s0], s1  }
0x46: {  	s0 =	simm.s32 @!p0 $0x1  }
0x47: {  	_ =	swait.ge @!p0 [sflag:s0], s1  }
0x48: {  	s1 =	ssub.s32 @!p0 $0x0, s1;
	[sflag:s0] =	ssyncset.done @!p0 $0x0  }
0x49: {  	[sflag:s0] =	ssyncadd.s32 @!p0 s1  }
0x4a: {  	[bflag:$0x3] =	sbarrier.arrive $0xFFFF  }
0x4b: {  	_ =	shalt  }

</sc_bundles>
